<compile_context>
chip_gen: v7x
topology: tpu7x:2x2x1
jax: 0.10.2.dev20260603
libtpu: 0.0.44.dev20260713+nightly
codegen_flags: <defaults>
</compile_context>

<pallas_src>
import functools

import jax
import jax.numpy as jnp
from jax import lax
from jax.experimental import pallas as pl
from jax.experimental.pallas import tpu as pltpu
from jax.experimental.pallas import tpu_sc as plsc

NUM_ENTITIES = 1000000
NUM_RELATIONS = 1000
EMBED_DIM = 64
BATCH = 16384

NC = 2
NS = 16
NW = NC * NS
N_ENT = 2 * BATCH // NW
N_REL = BATCH // NW
PASS = 256
RING = 8
SENTINEL = 0x7FFFFFF0


def _sca(ref, i):
    v = plsc.load_gather(ref, [jnp.full((16,), i, dtype=jnp.int32)])
    return v[0]


def _gather3_kernel(ss_hbm, sp_hbm, rs_hbm, rp_hbm, entT_hbm, relT_hbm,
                    h_out, r_out, t_out,
                    ss_v, sp_v, rs_v, rp_v,
                    blockbuf, staging,
                    sem_blk, sem_out):
    wid = lax.axis_index("s") * NC + lax.axis_index("c")
    lanes = lax.iota(jnp.int32, 16)

    pltpu.sync_copy(ss_hbm.at[pl.ds(wid * N_ENT, N_ENT)], ss_v.at[pl.ds(0, N_ENT)])
    pltpu.sync_copy(sp_hbm.at[pl.ds(wid * N_ENT, N_ENT)], sp_v)
    pltpu.sync_copy(rs_hbm.at[pl.ds(wid * N_REL, N_REL)], rs_v.at[pl.ds(0, N_REL)])
    pltpu.sync_copy(rp_hbm.at[pl.ds(wid * N_REL, N_REL)], rp_v)
    ss_v[pl.ds(N_ENT, 16)] = jnp.full((16,), SENTINEL, dtype=jnp.int32)
    rs_v[pl.ds(N_REL, 16)] = jnp.full((16,), SENTINEL, dtype=jnp.int32)

    def run_pass(src_hbm, sidx_v, row0, n_rows):
        b0 = _sca(sidx_v, row0) >> 7
        b1 = _sca(sidx_v, row0 + n_rows - 1) >> 7
        nblocks = b1 - b0 + 1

        def fetch(b, slot):
            bb = jnp.minimum(b, b1)
            pltpu.async_copy(
                src_hbm.at[:, pl.ds(bb * 128, 128)],
                blockbuf.at[slot], sem_blk)

        for j in range(RING):
            fetch(b0 + j, j % RING)

        def block_body(bi, i):
            pltpu.make_async_copy(src_hbm.at[:, pl.ds(0, 128)],
                                  blockbuf.at[0], sem_blk).wait()
            slot = lax.rem(bi, RING)
            cur = b0 + bi

            def row_cond(i2):
                return jnp.logical_and(
                    i2 < row0 + n_rows, (_sca(sidx_v, i2) >> 7) == cur)

            def row_body(i2):
                s16 = plsc.load_gather(
                    sidx_v, [jnp.full((16,), i2, dtype=jnp.int32)])
                lane16 = jnp.bitwise_and(s16, 127)
                slot16 = jnp.full((16,), slot, dtype=jnp.int32)
                for g in range(EMBED_DIM // 16):
                    vals = plsc.load_gather(
                        blockbuf, [slot16, lanes + g * 16, lane16])
                    staging[i2 - row0, pl.ds(g * 16, 16)] = vals
                return i2 + 1

            i = lax.while_loop(row_cond, row_body, i)
            fetch(b0 + bi + RING, slot)
            return i

        lax.fori_loop(0, nblocks, block_body, row0, unroll=False)
        pltpu.make_async_copy(src_hbm.at[:, pl.ds(0, 128 * RING)],
                              blockbuf, sem_blk).wait()

    def scatter_ent(row0):
        def body(i, _):
            p = _sca(sp_v, row0 + i)
            pos = jnp.bitwise_and(p, BATCH - 1)
            tb = p >> 14

            @pl.when(tb == 0)
            def _():
                pltpu.async_copy(staging.at[pl.ds(i, 1)],
                                 h_out.at[pl.ds(pos, 1)], sem_out)

            @pl.when(tb == 1)
            def _():
                pltpu.async_copy(staging.at[pl.ds(i, 1)],
                                 t_out.at[pl.ds(pos, 1)], sem_out)
            return 0

        lax.fori_loop(0, PASS, body, 0, unroll=False)
        pltpu.make_async_copy(h_out.at[pl.ds(0, PASS)],
                              staging, sem_out).wait()

    for row0 in range(0, N_ENT, PASS):
        run_pass(entT_hbm, ss_v, row0, PASS)
        scatter_ent(row0)

    for row0 in range(0, N_REL, PASS):
        run_pass(relT_hbm, rs_v, row0, PASS)

        def scatter_rel(i, _, row0=row0):
            pos = _sca(rp_v, row0 + i)
            pltpu.async_copy(staging.at[pl.ds(i, 1)],
                             r_out.at[pl.ds(pos, 1)], sem_out)
            return 0

        lax.fori_loop(0, PASS, scatter_rel, 0, unroll=False)
        pltpu.make_async_copy(h_out.at[pl.ds(0, PASS)],
                              staging, sem_out).wait()


@jax.jit
def _gather3(h, r, t, ent_embeddings, rel_embeddings):
    entT = ent_embeddings.T
    relT = rel_embeddings.T
    pos = jnp.arange(2 * BATCH, dtype=jnp.int32)
    ss, sp = lax.sort((jnp.concatenate([h, t]), pos), num_keys=1)
    rs, rp = lax.sort((r, jnp.arange(BATCH, dtype=jnp.int32)), num_keys=1)

    mesh = plsc.VectorSubcoreMesh(core_axis_name="c", subcore_axis_name="s")
    out = jax.ShapeDtypeStruct((BATCH, EMBED_DIM), jnp.float32)
    run = pl.kernel(
        _gather3_kernel,
        mesh=mesh,
        compiler_params=pltpu.CompilerParams(
            disable_bounds_checks=True, disable_semaphore_checks=True,
            needs_layout_passes=False),
        out_type=(out, out, out),
        scratch_types=[
            pltpu.VMEM((N_ENT + 16,), jnp.int32),
            pltpu.VMEM((N_ENT,), jnp.int32),
            pltpu.VMEM((N_REL + 16,), jnp.int32),
            pltpu.VMEM((N_REL,), jnp.int32),
            pltpu.VMEM((RING, EMBED_DIM, 128), jnp.float32),
            pltpu.VMEM((PASS, EMBED_DIM), jnp.float32),
            pltpu.SemaphoreType.DMA,
            pltpu.SemaphoreType.DMA,
        ],
    )
    return run(ss, sp, rs, rp, entT, relT)


def kernel(h, r, t, ent_embeddings, rel_embeddings):
    return _gather3(h.astype(jnp.int32), r.astype(jnp.int32),
                    t.astype(jnp.int32), ent_embeddings, rel_embeddings)

# --- scband reference (transcript-rebuilt; emitter-appended) ---
"""Pipeline reference for scband-trans-emodel-66580583023035 (READ-ONLY COPY).

The authoritative reference and input builder live on the scoring server;
editing this copy changes nothing except your own understanding.
"""

import jax, jax.numpy as jnp
import numpy as np

NUM_ENTITIES = 1000000
NUM_RELATIONS = 1000
EMBED_DIM = 64
BATCH = 16384

def setup_inputs(seed: int = 0) -> dict:
    key = jax.random.key(seed)
    k1, k2, k3, k4, k5 = jax.random.split(key, 5)
    h = jax.random.randint(k1, (BATCH,), 0, NUM_ENTITIES, dtype=jnp.int64 if jax.config.jax_enable_x64 else jnp.int32)
    r = jax.random.randint(k2, (BATCH,), 0, NUM_RELATIONS, dtype=jnp.int64 if jax.config.jax_enable_x64 else jnp.int32)
    t = jax.random.randint(k3, (BATCH,), 0, NUM_ENTITIES, dtype=jnp.int64 if jax.config.jax_enable_x64 else jnp.int32)
    ent_embeddings = jax.random.normal(k4, (NUM_ENTITIES, EMBED_DIM), dtype=jnp.float32)
    rel_embeddings = jax.random.normal(k5, (NUM_RELATIONS, EMBED_DIM), dtype=jnp.float32)
    return {"h": h, "r": r, "t": t, "ent_embeddings": ent_embeddings, "rel_embeddings": rel_embeddings}

def reference(h, r, t, ent_embeddings, rel_embeddings):
    h_embed = jnp.take(ent_embeddings, h, axis=0)
    r_embed = jnp.take(rel_embeddings, r, axis=0)
    t_embed = jnp.take(ent_embeddings, t, axis=0)
    return (h_embed, r_embed, t_embed)

if __name__ == "__main__":
    import jax
    _d = setup_inputs()
    print(jax.jit(kernel)(*tuple(_d.values())))

</pallas_src>

<mosaic_0001>
#map = affine_map<(d0, d1) -> (0)>
#map1 = affine_map<(d0, d1) -> (0, 0)>
module attributes {stable_mosaic.version = 14 : i64} {
  func.func @_gather3_kernel(%arg0: i32, %arg1: i32, %arg2: memref<32768xi32, #tpu.memory_space<hbm>>, %arg3: memref<32768xi32, #tpu.memory_space<hbm>>, %arg4: memref<16384xi32, #tpu.memory_space<hbm>>, %arg5: memref<16384xi32, #tpu.memory_space<hbm>>, %arg6: memref<64x1000000xf32, #tpu.memory_space<hbm>>, %arg7: memref<64x1000xf32, #tpu.memory_space<hbm>>, %arg8: memref<16384x64xf32, #tpu.memory_space<hbm>>, %arg9: memref<16384x64xf32, #tpu.memory_space<hbm>>, %arg10: memref<16384x64xf32, #tpu.memory_space<hbm>>, %arg11: memref<1040xi32, #tpu.memory_space<vmem>>, %arg12: memref<1024xi32, #tpu.memory_space<vmem>>, %arg13: memref<528xi32, #tpu.memory_space<vmem>>, %arg14: memref<512xi32, #tpu.memory_space<vmem>>, %arg15: memref<8x64x128xf32, #tpu.memory_space<vmem>>, %arg16: memref<256x64xf32, #tpu.memory_space<vmem>>, %arg17: memref<!tpu.dma_semaphore, #tpu.memory_space<semaphore_mem>>, %arg18: memref<!tpu.dma_semaphore, #tpu.memory_space<semaphore_mem>>) attributes {dimension_semantics = [#tpu.dimension_semantics<core_parallel>, #tpu.dimension_semantics<subcore_parallel>], iteration_bounds = array<i64: 2, 16>, scalar_prefetch = 0 : i64, scratch_operands = 8 : i64, tpu.core_type = #tpu.core_type<sc_vector_subcore>, window_params = [{transform_indices = #map}, {transform_indices = #map}, {transform_indices = #map}, {transform_indices = #map}, {transform_indices = #map1}, {transform_indices = #map1}, {transform_indices = #map1}, {transform_indices = #map1}, {transform_indices = #map1}]} {
    %mul3A = arith.constant 2 : i32
    %mul3A_0 = arith.muli %arg1, %mul3A : i32
    %add3A = arith.addi %mul3A_0, %arg0 : i32
    %iota3A = tpu.iota {dimensions = array<i32: 0>} : vector<16xi32>
    %mul3A_1 = arith.constant 1024 : i32
    %mul3A_2 = arith.muli %add3A, %mul3A_1 : i32
    "tpu.region"() ({
      %run_scoped3A = tpu.sem_alloc : memref<!tpu.dma_semaphore, #tpu.memory_space<semaphore_mem>>
      %dma_start3A_1157 = arith.constant 0 : i32
      %dma_start3A_1158 = tpu.memref_slice %arg11[%dma_start3A_1157] : memref<1040xi32, #tpu.memory_space<vmem>> -> memref<1024xi32, #tpu.memory_space<vmem>>
      %dma_start3A_1159 = tpu.memref_slice %arg2[%mul3A_2] : memref<32768xi32, #tpu.memory_space<hbm>> -> memref<1024xi32, #tpu.memory_space<hbm>>
      %dma_start3A_1160 = arith.constant 0 : i32
      %dma_start3A_1161 = tpu.memref_slice %arg11[%dma_start3A_1160] : memref<1040xi32, #tpu.memory_space<vmem>> -> memref<1024xi32, #tpu.memory_space<vmem>>
      %dma_start3A_1162 = tpu.memref_slice %arg2[%mul3A_2] : memref<32768xi32, #tpu.memory_space<hbm>> -> memref<1024xi32, #tpu.memory_space<hbm>>
      tpu.enqueue_dma source(%dma_start3A_1162 : memref<1024xi32, #tpu.memory_space<hbm>>) target(%dma_start3A_1161 : memref<1024xi32, #tpu.memory_space<vmem>>) target_semaphore(%run_scoped3A : memref<!tpu.dma_semaphore, #tpu.memory_space<semaphore_mem>>)
      %dma_wait3A_1163 = arith.constant 0 : i32
      %dma_wait3A_1164 = tpu.memref_slice %arg11[%dma_wait3A_1163] : memref<1040xi32, #tpu.memory_space<vmem>> -> memref<1024xi32, #tpu.memory_space<vmem>>
      %dma_wait3A_1165 = tpu.memref_slice %arg2[%mul3A_2] : memref<32768xi32, #tpu.memory_space<hbm>> -> memref<1024xi32, #tpu.memory_space<hbm>>
      %dma_wait3A_1166 = arith.constant 0 : i32
      %dma_wait3A_1167 = tpu.memref_slice %arg11[%dma_wait3A_1166] : memref<1040xi32, #tpu.memory_space<vmem>> -> memref<1024xi32, #tpu.memory_space<vmem>>
      %dma_wait3A_1168 = tpu.memref_slice %arg2[%mul3A_2] : memref<32768xi32, #tpu.memory_space<hbm>> -> memref<1024xi32, #tpu.memory_space<hbm>>
      tpu.wait_dma2 semaphore(%run_scoped3A : memref<!tpu.dma_semaphore, #tpu.memory_space<semaphore_mem>>) src(%dma_wait3A_1168 : memref<1024xi32, #tpu.memory_space<hbm>>) dst(%dma_wait3A_1167 : memref<1024xi32, #tpu.memory_space<vmem>>)
      tpu.yield
    }) : () -> ()
    %mul3A_3 = arith.constant 1024 : i32
    %mul3A_4 = arith.muli %add3A, %mul3A_3 : i32
    "tpu.region"() ({
      %run_scoped3A = tpu.sem_alloc : memref<!tpu.dma_semaphore, #tpu.memory_space<semaphore_mem>>
      %dma_start3A_1157 = tpu.memref_slice %arg3[%mul3A_4] : memref<32768xi32, #tpu.memory_space<hbm>> -> memref<1024xi32, #tpu.memory_space<hbm>>
      %dma_start3A_1158 = tpu.memref_slice %arg3[%mul3A_4] : memref<32768xi32, #tpu.memory_space<hbm>> -> memref<1024xi32, #tpu.memory_space<hbm>>
      tpu.enqueue_dma source(%dma_start3A_1158 : memref<1024xi32, #tpu.memory_space<hbm>>) target(%arg12 : memref<1024xi32, #tpu.memory_space<vmem>>) target_semaphore(%run_scoped3A : memref<!tpu.dma_semaphore, #tpu.memory_space<semaphore_mem>>)
      %dma_wait3A_1159 = tpu.memref_slice %arg3[%mul3A_4] : memref<32768xi32, #tpu.memory_space<hbm>> -> memref<1024xi32, #tpu.memory_space<hbm>>
      %dma_wait3A_1160 = tpu.memref_slice %arg3[%mul3A_4] : memref<32768xi32, #tpu.memory_space<hbm>> -> memref<1024xi32, #tpu.memory_space<hbm>>
      tpu.wait_dma2 semaphore(%run_scoped3A : memref<!tpu.dma_semaphore, #tpu.memory_space<semaphore_mem>>) src(%dma_wait3A_1160 : memref<1024xi32, #tpu.memory_space<hbm>>) dst(%arg12 : memref<1024xi32, #tpu.memory_space<vmem>>)
      tpu.yield
    }) : () -> ()
    %mul3A_5 = arith.constant 512 : i32
    %mul3A_6 = arith.muli %add3A, %mul3A_5 : i32
    "tpu.region"() ({
      %run_scoped3A = tpu.sem_alloc : memref<!tpu.dma_semaphore, #tpu.memory_space<semaphore_mem>>
      %dma_start3A_1157 = arith.constant 0 : i32
      %dma_start3A_1158 = tpu.memref_slice %arg13[%dma_start3A_1157] : memref<528xi32, #tpu.memory_space<vmem>> -> memref<512xi32, #tpu.memory_space<vmem>>
      %dma_start3A_1159 = tpu.memref_slice %arg4[%mul3A_6] : memref<16384xi32, #tpu.memory_space<hbm>> -> memref<512xi32, #tpu.memory_space<hbm>>
      %dma_start3A_1160 = arith.constant 0 : i32
      %dma_start3A_1161 = tpu.memref_slice %arg13[%dma_start3A_1160] : memref<528xi32, #tpu.memory_space<vmem>> -> memref<512xi32, #tpu.memory_space<vmem>>
      %dma_start3A_1162 = tpu.memref_slice %arg4[%mul3A_6] : memref<16384xi32, #tpu.memory_space<hbm>> -> memref<512xi32, #tpu.memory_space<hbm>>
      tpu.enqueue_dma source(%dma_start3A_1162 : memref<512xi32, #tpu.memory_space<hbm>>) target(%dma_start3A_1161 : memref<512xi32, #tpu.memory_space<vmem>>) target_semaphore(%run_scoped3A : memref<!tpu.dma_semaphore, #tpu.memory_space<semaphore_mem>>)
      %dma_wait3A_1163 = arith.constant 0 : i32
      %dma_wait3A_1164 = tpu.memref_slice %arg13[%dma_wait3A_1163] : memref<528xi32, #tpu.memory_space<vmem>> -> memref<512xi32, #tpu.memory_space<vmem>>
      %dma_wait3A_1165 = tpu.memref_slice %arg4[%mul3A_6] : memref<16384xi32, #tpu.memory_space<hbm>> -> memref<512xi32, #tpu.memory_space<hbm>>
      %dma_wait3A_1166 = arith.constant 0 : i32
      %dma_wait3A_1167 = tpu.memref_slice %arg13[%dma_wait3A_1166] : memref<528xi32, #tpu.memory_space<vmem>> -> memref<512xi32, #tpu.memory_space<vmem>>
      %dma_wait3A_1168 = tpu.memref_slice %arg4[%mul3A_6] : memref<16384xi32, #tpu.memory_space<hbm>> -> memref<512xi32, #tpu.memory_space<hbm>>
      tpu.wait_dma2 semaphore(%run_scoped3A : memref<!tpu.dma_semaphore, #tpu.memory_space<semaphore_mem>>) src(%dma_wait3A_1168 : memref<512xi32, #tpu.memory_space<hbm>>) dst(%dma_wait3A_1167 : memref<512xi32, #tpu.memory_space<vmem>>)
      tpu.yield
    }) : () -> ()
    %mul3A_7 = arith.constant 512 : i32
    %mul3A_8 = arith.muli %add3A, %mul3A_7 : i32
    "tpu.region"() ({
      %run_scoped3A = tpu.sem_alloc : memref<!tpu.dma_semaphore, #tpu.memory_space<semaphore_mem>>
      %dma_start3A_1157 = tpu.memref_slice %arg5[%mul3A_8] : memref<16384xi32, #tpu.memory_space<hbm>> -> memref<512xi32, #tpu.memory_space<hbm>>
      %dma_start3A_1158 = tpu.memref_slice %arg5[%mul3A_8] : memref<16384xi32, #tpu.memory_space<hbm>> -> memref<512xi32, #tpu.memory_space<hbm>>
      tpu.enqueue_dma source(%dma_start3A_1158 : memref<512xi32, #tpu.memory_space<hbm>>) target(%arg14 : memref<512xi32, #tpu.memory_space<vmem>>) target_semaphore(%run_scoped3A : memref<!tpu.dma_semaphore, #tpu.memory_space<semaphore_mem>>)
      %dma_wait3A_1159 = tpu.memref_slice %arg5[%mul3A_8] : memref<16384xi32, #tpu.memory_space<hbm>> -> memref<512xi32, #tpu.memory_space<hbm>>
      %dma_wait3A_1160 = tpu.memref_slice %arg5[%mul3A_8] : memref<16384xi32, #tpu.memory_space<hbm>> -> memref<512xi32, #tpu.memory_space<hbm>>
      tpu.wait_dma2 semaphore(%run_scoped3A : memref<!tpu.dma_semaphore, #tpu.memory_space<semaphore_mem>>) src(%dma_wait3A_1160 : memref<512xi32, #tpu.memory_space<hbm>>) dst(%arg14 : memref<512xi32, #tpu.memory_space<vmem>>)
      tpu.yield
    }) : () -> ()
    %broadcast_in_dim3A = arith.constant 2147483632 : i32
    %broadcast_in_dim3A_9 = vector.broadcast %broadcast_in_dim3A : i32 to vector<16xi32>
    %swap3A = arith.constant 1024 : index
    %swap3A_10 = tpu.vector_load %arg11[%swap3A] {strides = array<i32>} : memref<1040xi32, #tpu.memory_space<vmem>>, vector<16xi32>,
    tpu.vector_store %arg11[%swap3A], %broadcast_in_dim3A_9 {strides = array<i32>} : memref<1040xi32, #tpu.memory_space<vmem>>, vector<16xi32>,
    %broadcast_in_dim3A_11 = arith.constant 2147483632 : i32
    %broadcast_in_dim3A_12 = vector.broadcast %broadcast_in_dim3A_11 : i32 to vector<16xi32>
    %swap3A_13 = arith.constant 512 : index
    %swap3A_14 = tpu.vector_load %arg13[%swap3A_13] {strides = array<i32>} : memref<528xi32, #tpu.memory_space<vmem>>, vector<16xi32>,
    tpu.vector_store %arg13[%swap3A_13], %broadcast_in_dim3A_12 {strides = array<i32>} : memref<528xi32, #tpu.memory_space<vmem>>, vector<16xi32>,
    %broadcast_in_dim3A_15 = arith.constant 0 : i32
    %broadcast_in_dim3A_16 = vector.broadcast %broadcast_in_dim3A_15 : i32 to vector<16xi32>
    %gather3A = tpu.vector_load_idx %arg11[%broadcast_in_dim3A_16] : memref<1040xi32, #tpu.memory_space<vmem>>[vector<16xi32>], vector<16xi32>,
    %slice3A = vector.extract_strided_slice %gather3A {offsets = [0], sizes = [1], strides = [1]} : vector<16xi32> to vector<1xi32>
    %squeeze3A = vector.extract %slice3A[0] : i32 from vector<1xi32>
    %shift_right_arithmetic3A = arith.constant 7 : i32
    %shift_right_arithmetic3A_17 = arith.shrsi %squeeze3A, %shift_right_arithmetic3A : i32
    %broadcast_in_dim3A_18 = arith.constant 255 : i32
    %broadcast_in_dim3A_19 = vector.broadcast %broadcast_in_dim3A_18 : i32 to vector<16xi32>
    %gather3A_20 = tpu.vector_load_idx %arg11[%broadcast_in_dim3A_19] : memref<1040xi32, #tpu.memory_space<vmem>>[vector<16xi32>], vector<16xi32>,
    %slice3A_21 = vector.extract_strided_slice %gather3A_20 {offsets = [0], sizes = [1], strides = [1]} : vector<16xi32> to vector<1xi32>
    %squeeze3A_22 = vector.extract %slice3A_21[0] : i32 from vector<1xi32>
    %shift_right_arithmetic3A_23 = arith.constant 7 : i32
    %shift_right_arithmetic3A_24 = arith.shrsi %squeeze3A_22, %shift_right_arithmetic3A_23 : i32
    %sub3A = arith.subi %shift_right_arithmetic3A_24, %shift_right_arithmetic3A_17 : i32
    %add3A_25 = arith.constant 1 : i32
    %add3A_26 = arith.addi %sub3A, %add3A_25 : i32
    %add3A_27 = arith.constant 0 : i32
    %add3A_28 = arith.addi %shift_right_arithmetic3A_17, %add3A_27 : i32
    %min3A = arith.minsi %add3A_28, %shift_right_arithmetic3A_24 : i32
    %mul3A_29 = arith.constant 128 : i32
    %mul3A_30 = arith.muli %min3A, %mul3A_29 : i32
    %dma_start3A = arith.constant 0 : i32
    %dma_start3A_31 = arith.constant 0 : i32
    %dma_start3A_32 = arith.constant 0 : i32
    %dma_start3A_33 = tpu.memref_slice %arg15[%dma_start3A, %dma_start3A_31, %dma_start3A_32] : memref<8x64x128xf32, #tpu.memory_space<vmem>> -> memref<1x64x128xf32, #tpu.memory_space<vmem>>
    %dma_start3A_34 = tpu.memref_squeeze %dma_start3A_33 : memref<1x64x128xf32, #tpu.memory_space<vmem>> -> memref<64x128xf32, #tpu.memory_space<vmem>>
    %dma_start3A_35 = arith.constant 0 : i32
    %dma_start3A_36 = tpu.memref_slice %arg6[%dma_start3A_35, %mul3A_30] : memref<64x1000000xf32, #tpu.memory_space<hbm>> -> memref<64x128xf32, #tpu.memory_space<hbm>>
    %dma_start3A_37 = arith.constant 0 : i32
    %dma_start3A_38 = arith.constant 0 : i32
    %dma_start3A_39 = tpu.memref_slice %arg15[%dma_start3A, %dma_start3A_37, %dma_start3A_38] : memref<8x64x128xf32, #tpu.memory_space<vmem>> -> memref<1x64x128xf32, #tpu.memory_space<vmem>>
    %dma_start3A_40 = tpu.memref_squeeze %dma_start3A_39 : memref<1x64x128xf32, #tpu.memory_space<vmem>> -> memref<64x128xf32, #tpu.memory_space<vmem>>
    %dma_start3A_41 = arith.constant 0 : i32
    %dma_start3A_42 = tpu.memref_slice %arg6[%dma_start3A_41, %mul3A_30] : memref<64x1000000xf32, #tpu.memory_space<hbm>> -> memref<64x128xf32, #tpu.memory_space<hbm>>
    tpu.enqueue_dma source(%dma_start3A_42 : memref<64x128xf32, #tpu.memory_space<hbm>>) target(%dma_start3A_40 : memref<64x128xf32, #tpu.memory_space<vmem>>) target_semaphore(%arg17 : memref<!tpu.dma_semaphore, #tpu.memory_space<semaphore_mem>>)
    %add3A_43 = arith.constant 1 : i32
    %add3A_44 = arith.addi %shift_right_arithmetic3A_17, %add3A_43 : i32
    %min3A_45 = arith.minsi %add3A_44, %shift_right_arithmetic3A_24 : i32
    %mul3A_46 = arith.constant 128 : i32
    %mul3A_47 = arith.muli %min3A_45, %mul3A_46 : i32
    %dma_start3A_48 = arith.constant 1 : i32
    %dma_start3A_49 = arith.constant 0 : i32
    %dma_start3A_50 = arith.constant 0 : i32
    %dma_start3A_51 = tpu.memref_slice %arg15[%dma_start3A_48, %dma_start3A_49, %dma_start3A_50] : memref<8x64x128xf32, #tpu.memory_space<vmem>> -> memref<1x64x128xf32, #tpu.memory_space<vmem>>
    %dma_start3A_52 = tpu.memref_squeeze %dma_start3A_51 : memref<1x64x128xf32, #tpu.memory_space<vmem>> -> memref<64x128xf32, #tpu.memory_space<vmem>>
    %dma_start3A_53 = arith.constant 0 : i32
    %dma_start3A_54 = tpu.memref_slice %arg6[%dma_start3A_53, %mul3A_47] : memref<64x1000000xf32, #tpu.memory_space<hbm>> -> memref<64x128xf32, #tpu.memory_space<hbm>>
    %dma_start3A_55 = arith.constant 0 : i32
    %dma_start3A_56 = arith.constant 0 : i32
    %dma_start3A_57 = tpu.memref_slice %arg15[%dma_start3A_48, %dma_start3A_55, %dma_start3A_56] : memref<8x64x128xf32, #tpu.memory_space<vmem>> -> memref<1x64x128xf32, #tpu.memory_space<vmem>>
    %dma_start3A_58 = tpu.memref_squeeze %dma_start3A_57 : memref<1x64x128xf32, #tpu.memory_space<vmem>> -> memref<64x128xf32, #tpu.memory_space<vmem>>
    %dma_start3A_59 = arith.constant 0 : i32
    %dma_start3A_60 = tpu.memref_slice %arg6[%dma_start3A_59, %mul3A_47] : memref<64x1000000xf32, #tpu.memory_space<hbm>> -> memref<64x128xf32, #tpu.memory_space<hbm>>
    tpu.enqueue_dma source(%dma_start3A_60 : memref<64x128xf32, #tpu.memory_space<hbm>>) target(%dma_start3A_58 : memref<64x128xf32, #tpu.memory_space<vmem>>) target_semaphore(%arg17 : memref<!tpu.dma_semaphore, #tpu.memory_space<semaphore_mem>>)
    %add3A_61 = arith.constant 2 : i32
    %add3A_62 = arith.addi %shift_right_arithmetic3A_17, %add3A_61 : i32
    %min3A_63 = arith.minsi %add3A_62, %shift_right_arithmetic3A_24 : i32
    %mul3A_64 = arith.constant 128 : i32
    %mul3A_65 = arith.muli %min3A_63, %mul3A_64 : i32
    %dma_start3A_66 = arith.constant 2 : i32
    %dma_start3A_67 = arith.constant 0 : i32
    %dma_start3A_68 = arith.constant 0 : i32
    %dma_start3A_69 = tpu.memref_slice %arg15[%dma_start3A_66, %dma_start3A_67, %dma_start3A_68] : memref<8x64x128xf32, #tpu.memory_space<vmem>> -> memref<1x64x128xf32, #tpu.memory_space<vmem>>
    %dma_start3A_70 = tpu.memref_squeeze %dma_start3A_69 : memref<1x64x128xf32, #tpu.memory_space<vmem>> -> memref<64x128xf32, #tpu.memory_space<vmem>>
    %dma_start3A_71 = arith.constant 0 : i32
    %dma_start3A_72 = tpu.memref_slice %arg6[%dma_start3A_71, %mul3A_65] : memref<64x1000000xf32, #tpu.memory_space<hbm>> -> memref<64x128xf32, #tpu.memory_space<hbm>>
    %dma_start3A_73 = arith.constant 0 : i32
    %dma_start3A_74 = arith.constant 0 : i32
    %dma_start3A_75 = tpu.memref_slice %arg15[%dma_start3A_66, %dma_start3A_73, %dma_start3A_74] : memref<8x64x128xf32, #tpu.memory_space<vmem>> -> memref<1x64x128xf32, #tpu.memory_space<vmem>>
    %dma_start3A_76 = tpu.memref_squeeze %dma_start3A_75 : memref<1x64x128xf32, #tpu.memory_space<vmem>> -> memref<64x128xf32, #tpu.memory_space<vmem>>
    %dma_start3A_77 = arith.constant 0 : i32
    %dma_start3A_78 = tpu.memref_slice %arg6[%dma_start3A_77, %mul3A_65] : memref<64x1000000xf32, #tpu.memory_space<hbm>> -> memref<64x128xf32, #tpu.memory_space<hbm>>
    tpu.enqueue_dma source(%dma_start3A_78 : memref<64x128xf32, #tpu.memory_space<hbm>>) target(%dma_start3A_76 : memref<64x128xf32, #tpu.memory_space<vmem>>) target_semaphore(%arg17 : memref<!tpu.dma_semaphore, #tpu.memory_space<semaphore_mem>>)
    %add3A_79 = arith.constant 3 : i32
    %add3A_80 = arith.addi %shift_right_arithmetic3A_17, %add3A_79 : i32
    %min3A_81 = arith.minsi %add3A_80, %shift_right_arithmetic3A_24 : i32
    %mul3A_82 = arith.constant 128 : i32
    %mul3A_83 = arith.muli %min3A_81, %mul3A_82 : i32
    %dma_start3A_84 = arith.constant 3 : i32
    %dma_start3A_85 = arith.constant 0 : i32
    %dma_start3A_86 = arith.constant 0 : i32
    %dma_start3A_87 = tpu.memref_slice %arg15[%dma_start3A_84, %dma_start3A_85, %dma_start3A_86] : memref<8x64x128xf32, #tpu.memory_space<vmem>> -> memref<1x64x128xf32, #tpu.memory_space<vmem>>
    %dma_start3A_88 = tpu.memref_squeeze %dma_start3A_87 : memref<1x64x128xf32, #tpu.memory_space<vmem>> -> memref<64x128xf32, #tpu.memory_space<vmem>>
    %dma_start3A_89 = arith.constant 0 : i32
    %dma_start3A_90 = tpu.memref_slice %arg6[%dma_start3A_89, %mul3A_83] : memref<64x1000000xf32, #tpu.memory_space<hbm>> -> memref<64x128xf32, #tpu.memory_space<hbm>>
    %dma_start3A_91 = arith.constant 0 : i32
    %dma_start3A_92 = arith.constant 0 : i32
    %dma_start3A_93 = tpu.memref_slice %arg15[%dma_start3A_84, %dma_start3A_91, %dma_start3A_92] : memref<8x64x128xf32, #tpu.memory_space<vmem>> -> memref<1x64x128xf32, #tpu.memory_space<vmem>>
    %dma_start3A_94 = tpu.memref_squeeze %dma_start3A_93 : memref<1x64x128xf32, #tpu.memory_space<vmem>> -> memref<64x128xf32, #tpu.memory_space<vmem>>
    %dma_start3A_95 = arith.constant 0 : i32
    %dma_start3A_96 = tpu.memref_slice %arg6[%dma_start3A_95, %mul3A_83] : memref<64x1000000xf32, #tpu.memory_space<hbm>> -> memref<64x128xf32, #tpu.memory_space<hbm>>
    tpu.enqueue_dma source(%dma_start3A_96 : memref<64x128xf32, #tpu.memory_space<hbm>>) target(%dma_start3A_94 : memref<64x128xf32, #tpu.memory_space<vmem>>) target_semaphore(%arg17 : memref<!tpu.dma_semaphore, #tpu.memory_space<semaphore_mem>>)
    %add3A_97 = arith.constant 4 : i32
    %add3A_98 = arith.addi %shift_right_arithmetic3A_17, %add3A_97 : i32
    %min3A_99 = arith.minsi %add3A_98, %shift_right_arithmetic3A_24 : i32
    %mul3A_100 = arith.constant 128 : i32
    %mul3A_101 = arith.muli %min3A_99, %mul3A_100 : i32
    %dma_start3A_102 = arith.constant 4 : i32
    %dma_start3A_103 = arith.constant 0 : i32
    %dma_start3A_104 = arith.constant 0 : i32
    %dma_start3A_105 = tpu.memref_slice %arg15[%dma_start3A_102, %dma_start3A_103, %dma_start3A_104] : memref<8x64x128xf32, #tpu.memory_space<vmem>> -> memref<1x64x128xf32, #tpu.memory_space<vmem>>
    %dma_start3A_106 = tpu.memref_squeeze %dma_start3A_105 : memref<1x64x128xf32, #tpu.memory_space<vmem>> -> memref<64x128xf32, #tpu.memory_space<vmem>>
    %dma_start3A_107 = arith.constant 0 : i32
    %dma_start3A_108 = tpu.memref_slice %arg6[%dma_start3A_107, %mul3A_101] : memref<64x1000000xf32, #tpu.memory_space<hbm>> -> memref<64x128xf32, #tpu.memory_space<hbm>>
    %dma_start3A_109 = arith.constant 0 : i32
    %dma_start3A_110 = arith.constant 0 : i32
    %dma_start3A_111 = tpu.memref_slice %arg15[%dma_start3A_102, %dma_start3A_109, %dma_start3A_110] : memref<8x64x128xf32, #tpu.memory_space<vmem>> -> memref<1x64x128xf32, #tpu.memory_space<vmem>>
    %dma_start3A_112 = tpu.memref_squeeze %dma_start3A_111 : memref<1x64x128xf32, #tpu.memory_space<vmem>> -> memref<64x128xf32, #tpu.memory_space<vmem>>
    %dma_start3A_113 = arith.constant 0 : i32
    %dma_start3A_114 = tpu.memref_slice %arg6[%dma_start3A_113, %mul3A_101] : memref<64x1000000xf32, #tpu.memory_space<hbm>> -> memref<64x128xf32, #tpu.memory_space<hbm>>
    tpu.enqueue_dma source(%dma_start3A_114 : memref<64x128xf32, #tpu.memory_space<hbm>>) target(%dma_start3A_112 : memref<64x128xf32, #tpu.memory_space<vmem>>) target_semaphore(%arg17 : memref<!tpu.dma_semaphore, #tpu.memory_space<semaphore_mem>>)
    %add3A_115 = arith.constant 5 : i32
    %add3A_116 = arith.addi %shift_right_arithmetic3A_17, %add3A_115 : i32
    %min3A_117 = arith.minsi %add3A_116, %shift_right_arithmetic3A_24 : i32
    %mul3A_118 = arith.constant 128 : i32
    %mul3A_119 = arith.muli %min3A_117, %mul3A_118 : i32
    %dma_start3A_120 = arith.constant 5 : i32
    %dma_start3A_121 = arith.constant 0 : i32
    %dma_start3A_122 = arith.constant 0 : i32
    %dma_start3A_123 = tpu.memref_slice %arg15[%dma_start3A_120, %dma_start3A_121, %dma_start3A_122] : memref<8x64x128xf32, #tpu.memory_space<vmem>> -> memref<1x64x128xf32, #tpu.memory_space<vmem>>
    %dma_start3A_124 = tpu.memref_squeeze %dma_start3A_123 : memref<1x64x128xf32, #tpu.memory_space<vmem>> -> memref<64x128xf32, #tpu.memory_space<vmem>>
    %dma_start3A_125 = arith.constant 0 : i32
    %dma_start3A_126 = tpu.memref_slice %arg6[%dma_start3A_125, %mul3A_119] : memref<64x1000000xf32, #tpu.memory_space<hbm>> -> memref<64x128xf32, #tpu.memory_space<hbm>>
    %dma_start3A_127 = arith.constant 0 : i32
    %dma_start3A_128 = arith.constant 0 : i32
    %dma_start3A_129 = tpu.memref_slice %arg15[%dma_start3A_120, %dma_start3A_127, %dma_start3A_128] : memref<8x64x128xf32, #tpu.memory_space<vmem>> -> memref<1x64x128xf32, #tpu.memory_space<vmem>>
    %dma_start3A_130 = tpu.memref_squeeze %dma_start3A_129 : memref<1x64x128xf32, #tpu.memory_space<vmem>> -> memref<64x128xf32, #tpu.memory_space<vmem>>
    %dma_start3A_131 = arith.constant 0 : i32
    %dma_start3A_132 = tpu.memref_slice %arg6[%dma_start3A_131, %mul3A_119] : memref<64x1000000xf32, #tpu.memory_space<hbm>> -> memref<64x128xf32, #tpu.memory_space<hbm>>
    tpu.enqueue_dma source(%dma_start3A_132 : memref<64x128xf32, #tpu.memory_space<hbm>>) target(%dma_start3A_130 : memref<64x128xf32, #tpu.memory_space<vmem>>) target_semaphore(%arg17 : memref<!tpu.dma_semaphore, #tpu.memory_space<semaphore_mem>>)
    %add3A_133 = arith.constant 6 : i32
    %add3A_134 = arith.addi %shift_right_arithmetic3A_17, %add3A_133 : i32
    %min3A_135 = arith.minsi %add3A_134, %shift_right_arithmetic3A_24 : i32
    %mul3A_136 = arith.constant 128 : i32
    %mul3A_137 = arith.muli %min3A_135, %mul3A_136 : i32
    %dma_start3A_138 = arith.constant 6 : i32
    %dma_start3A_139 = arith.constant 0 : i32
    %dma_start3A_140 = arith.constant 0 : i32
    %dma_start3A_141 = tpu.memref_slice %arg15[%dma_start3A_138, %dma_start3A_139, %dma_start3A_140] : memref<8x64x128xf32, #tpu.memory_space<vmem>> -> memref<1x64x128xf32, #tpu.memory_space<vmem>>
    %dma_start3A_142 = tpu.memref_squeeze %dma_start3A_141 : memref<1x64x128xf32, #tpu.memory_space<vmem>> -> memref<64x128xf32, #tpu.memory_space<vmem>>
    %dma_start3A_143 = arith.constant 0 : i32
    %dma_start3A_144 = tpu.memref_slice %arg6[%dma_start3A_143, %mul3A_137] : memref<64x1000000xf32, #tpu.memory_space<hbm>> -> memref<64x128xf32, #tpu.memory_space<hbm>>
    %dma_start3A_145 = arith.constant 0 : i32
    %dma_start3A_146 = arith.constant 0 : i32
    %dma_start3A_147 = tpu.memref_slice %arg15[%dma_start3A_138, %dma_start3A_145, %dma_start3A_146] : memref<8x64x128xf32, #tpu.memory_space<vmem>> -> memref<1x64x128xf32, #tpu.memory_space<vmem>>
    %dma_start3A_148 = tpu.memref_squeeze %dma_start3A_147 : memref<1x64x128xf32, #tpu.memory_space<vmem>> -> memref<64x128xf32, #tpu.memory_space<vmem>>
    %dma_start3A_149 = arith.constant 0 : i32
    %dma_start3A_150 = tpu.memref_slice %arg6[%dma_start3A_149, %mul3A_137] : memref<64x1000000xf32, #tpu.memory_space<hbm>> -> memref<64x128xf32, #tpu.memory_space<hbm>>
    tpu.enqueue_dma source(%dma_start3A_150 : memref<64x128xf32, #tpu.memory_space<hbm>>) target(%dma_start3A_148 : memref<64x128xf32, #tpu.memory_space<vmem>>) target_semaphore(%arg17 : memref<!tpu.dma_semaphore, #tpu.memory_space<semaphore_mem>>)
    %add3A_151 = arith.constant 7 : i32
    %add3A_152 = arith.addi %shift_right_arithmetic3A_17, %add3A_151 : i32
    %min3A_153 = arith.minsi %add3A_152, %shift_right_arithmetic3A_24 : i32
    %mul3A_154 = arith.constant 128 : i32
    %mul3A_155 = arith.muli %min3A_153, %mul3A_154 : i32
    %dma_start3A_156 = arith.constant 7 : i32
    %dma_start3A_157 = arith.constant 0 : i32
    %dma_start3A_158 = arith.constant 0 : i32
    %dma_start3A_159 = tpu.memref_slice %arg15[%dma_start3A_156, %dma_start3A_157, %dma_start3A_158] : memref<8x64x128xf32, #tpu.memory_space<vmem>> -> memref<1x64x128xf32, #tpu.memory_space<vmem>>
    %dma_start3A_160 = tpu.memref_squeeze %dma_start3A_159 : memref<1x64x128xf32, #tpu.memory_space<vmem>> -> memref<64x128xf32, #tpu.memory_space<vmem>>
    %dma_start3A_161 = arith.constant 0 : i32
    %dma_start3A_162 = tpu.memref_slice %arg6[%dma_start3A_161, %mul3A_155] : memref<64x1000000xf32, #tpu.memory_space<hbm>> -> memref<64x128xf32, #tpu.memory_space<hbm>>
    %dma_start3A_163 = arith.constant 0 : i32
    %dma_start3A_164 = arith.constant 0 : i32
    %dma_start3A_165 = tpu.memref_slice %arg15[%dma_start3A_156, %dma_start3A_163, %dma_start3A_164] : memref<8x64x128xf32, #tpu.memory_space<vmem>> -> memref<1x64x128xf32, #tpu.memory_space<vmem>>
    %dma_start3A_166 = tpu.memref_squeeze %dma_start3A_165 : memref<1x64x128xf32, #tpu.memory_space<vmem>> -> memref<64x128xf32, #tpu.memory_space<vmem>>
    %dma_start3A_167 = arith.constant 0 : i32
    %dma_start3A_168 = tpu.memref_slice %arg6[%dma_start3A_167, %mul3A_155] : memref<64x1000000xf32, #tpu.memory_space<hbm>> -> memref<64x128xf32, #tpu.memory_space<hbm>>
    tpu.enqueue_dma source(%dma_start3A_168 : memref<64x128xf32, #tpu.memory_space<hbm>>) target(%dma_start3A_166 : memref<64x128xf32, #tpu.memory_space<vmem>>) target_semaphore(%arg17 : memref<!tpu.dma_semaphore, #tpu.memory_space<semaphore_mem>>)
    %while3A = arith.constant 0 : i32
    %while3A_169 = arith.constant 0 : i32
    %while3A_170 = arith.subi %add3A_26, %while3A : i32
    %while3A_171 = arith.addi %while3A, %while3A_170 : i32
    %while3A_172 = arith.constant 1 : i32
    %while3A_173 = arith.divsi %while3A_170, %while3A_172 : i32
    %while3A_174 = arith.muli %while3A_173, %while3A_172 : i32
    %while3A_175 = arith.addi %while3A, %while3A_174 : i32
    %while3A_176 = arith.constant 1 : i32
    %while3A_177 = scf.for %while3A_1157 = %while3A to %while3A_175 step %while3A_176 iter_args(%while3A_1158 = %while3A_169) -> (i32)  : i32 {
      %dma_wait3A_1159 = arith.constant 0 : i32
      %dma_wait3A_1160 = arith.constant 0 : i32
      %dma_wait3A_1161 = arith.constant 0 : i32
      %dma_wait3A_1162 = tpu.memref_slice %arg15[%dma_wait3A_1159, %dma_wait3A_1160, %dma_wait3A_1161] : memref<8x64x128xf32, #tpu.memory_space<vmem>> -> memref<1x64x128xf32, #tpu.memory_space<vmem>>
      %dma_wait3A_1163 = tpu.memref_squeeze %dma_wait3A_1162 : memref<1x64x128xf32, #tpu.memory_space<vmem>> -> memref<64x128xf32, #tpu.memory_space<vmem>>
      %dma_wait3A_1164 = arith.constant 0 : i32
      %dma_wait3A_1165 = arith.constant 0 : i32
      %dma_wait3A_1166 = tpu.memref_slice %arg6[%dma_wait3A_1164, %dma_wait3A_1165] : memref<64x1000000xf32, #tpu.memory_space<hbm>> -> memref<64x128xf32, #tpu.memory_space<hbm>>
      %dma_wait3A_1167 = arith.constant 0 : i32
      %dma_wait3A_1168 = arith.constant 0 : i32
      %dma_wait3A_1169 = tpu.memref_slice %arg15[%dma_wait3A_1159, %dma_wait3A_1167, %dma_wait3A_1168] : memref<8x64x128xf32, #tpu.memory_space<vmem>> -> memref<1x64x128xf32, #tpu.memory_space<vmem>>
      %dma_wait3A_1170 = tpu.memref_squeeze %dma_wait3A_1169 : memref<1x64x128xf32, #tpu.memory_space<vmem>> -> memref<64x128xf32, #tpu.memory_space<vmem>>
      %dma_wait3A_1171 = arith.constant 0 : i32
      %dma_wait3A_1172 = arith.constant 0 : i32
      %dma_wait3A_1173 = tpu.memref_slice %arg6[%dma_wait3A_1171, %dma_wait3A_1172] : memref<64x1000000xf32, #tpu.memory_space<hbm>> -> memref<64x128xf32, #tpu.memory_space<hbm>>
      tpu.wait_dma2 semaphore(%arg17 : memref<!tpu.dma_semaphore, #tpu.memory_space<semaphore_mem>>) src(%dma_wait3A_1173 : memref<64x128xf32, #tpu.memory_space<hbm>>) dst(%dma_wait3A_1170 : memref<64x128xf32, #tpu.memory_space<vmem>>)
      %rem3A = arith.constant 8 : i32
      %rem3A_1174 = arith.remsi %while3A_1157, %rem3A : i32
      %add3A_1175 = arith.addi %shift_right_arithmetic3A_17, %while3A_1157 : i32
      %while3A_1176 = scf.while (%while3A_1195 = %while3A_1158) : (i32) -> i32 {
        %lt3A = arith.constant 256 : i32
        %lt3A_1196 = arith.cmpi slt, %while3A_1195, %lt3A : i32
        %broadcast_in_dim3A_1197 = vector.broadcast %while3A_1195 : i32 to vector<16xi32>
        %gather3A_1198 = tpu.vector_load_idx %arg11[%broadcast_in_dim3A_1197] : memref<1040xi32, #tpu.memory_space<vmem>>[vector<16xi32>], vector<16xi32>,
        %slice3A_1199 = vector.extract_strided_slice %gather3A_1198 {offsets = [0], sizes = [1], strides = [1]} : vector<16xi32> to vector<1xi32>
        %squeeze3A_1200 = vector.extract %slice3A_1199[0] : i32 from vector<1xi32>
        %shift_right_arithmetic3A_1201 = arith.constant 7 : i32
        %shift_right_arithmetic3A_1202 = arith.shrsi %squeeze3A_1200, %shift_right_arithmetic3A_1201 : i32
        %eq3A = arith.cmpi eq, %shift_right_arithmetic3A_1202, %add3A_1175 : i32
        %and3A = arith.andi %lt3A_1196, %eq3A : i1
        scf.condition(%and3A) %while3A_1195 : i32
      } do {
      ^bb0(%while3A_1195: i32):
        %broadcast_in_dim3A_1196 = vector.broadcast %while3A_1195 : i32 to vector<16xi32>
        %gather3A_1197 = tpu.vector_load_idx %arg11[%broadcast_in_dim3A_1196] : memref<1040xi32, #tpu.memory_space<vmem>>[vector<16xi32>], vector<16xi32>,
        %and3A = arith.constant 127 : i32
        %and3A_1198 = vector.broadcast %and3A : i32 to vector<16xi32>
        %and3A_1199 = arith.andi %gather3A_1197, %and3A_1198 : vector<16xi32>
        %broadcast_in_dim3A_1200 = vector.broadcast %rem3A_1174 : i32 to vector<16xi32>
        %add3A_1201 = arith.constant 0 : i32
        %add3A_1202 = vector.broadcast %add3A_1201 : i32 to vector<16xi32>
        %add3A_1203 = arith.addi %iota3A, %add3A_1202 : vector<16xi32>
        %gather3A_1204 = tpu.vector_load_idx %arg15[%broadcast_in_dim3A_1200, %add3A_1203, %and3A_1199] : memref<8x64x128xf32, #tpu.memory_space<vmem>>[vector<16xi32>, vector<16xi32>, vector<16xi32>], vector<16xf32>,
        %sub3A_1205 = arith.constant 0 : i32
        %sub3A_1206 = arith.subi %while3A_1195, %sub3A_1205 : i32
        %swap3A_1207 = arith.index_cast %sub3A_1206 : i32 to index
        %swap3A_1208 = arith.constant 0 : index
        %swap3A_1209 = tpu.vector_load %arg16[%swap3A_1207, %swap3A_1208] {strides = array<i32>} : memref<256x64xf32, #tpu.memory_space<vmem>>, vector<16xf32>,
        tpu.vector_store %arg16[%swap3A_1207, %swap3A_1208], %gather3A_1204 {strides = array<i32>} : memref<256x64xf32, #tpu.memory_space<vmem>>, vector<16xf32>,
        %add3A_1210 = arith.constant 16 : i32
        %add3A_1211 = vector.broadcast %add3A_1210 : i32 to vector<16xi32>
        %add3A_1212 = arith.addi %iota3A, %add3A_1211 : vector<16xi32>
        %gather3A_1213 = tpu.vector_load_idx %arg15[%broadcast_in_dim3A_1200, %add3A_1212, %and3A_1199] : memref<8x64x128xf32, #tpu.memory_space<vmem>>[vector<16xi32>, vector<16xi32>, vector<16xi32>], vector<16xf32>,
        %sub3A_1214 = arith.constant 0 : i32
        %sub3A_1215 = arith.subi %while3A_1195, %sub3A_1214 : i32
        %swap3A_1216 = arith.index_cast %sub3A_1215 : i32 to index
        %swap3A_1217 = arith.constant 16 : index
        %swap3A_1218 = tpu.vector_load %arg16[%swap3A_1216, %swap3A_1217] {strides = array<i32>} : memref<256x64xf32, #tpu.memory_space<vmem>>, vector<16xf32>,
        tpu.vector_store %arg16[%swap3A_1216, %swap3A_1217], %gather3A_1213 {strides = array<i32>} : memref<256x64xf32, #tpu.memory_space<vmem>>, vector<16xf32>,
        %add3A_1219 = arith.constant 32 : i32
        %add3A_1220 = vector.broadcast %add3A_1219 : i32 to vector<16xi32>
        %add3A_1221 = arith.addi %iota3A, %add3A_1220 : vector<16xi32>
        %gather3A_1222 = tpu.vector_load_idx %arg15[%broadcast_in_dim3A_1200, %add3A_1221, %and3A_1199] : memref<8x64x128xf32, #tpu.memory_space<vmem>>[vector<16xi32>, vector<16xi32>, vector<16xi32>], vector<16xf32>,
        %sub3A_1223 = arith.constant 0 : i32
        %sub3A_1224 = arith.subi %while3A_1195, %sub3A_1223 : i32
        %swap3A_1225 = arith.index_cast %sub3A_1224 : i32 to index
        %swap3A_1226 = arith.constant 32 : index
        %swap3A_1227 = tpu.vector_load %arg16[%swap3A_1225, %swap3A_1226] {strides = array<i32>} : memref<256x64xf32, #tpu.memory_space<vmem>>, vector<16xf32>,
        tpu.vector_store %arg16[%swap3A_1225, %swap3A_1226], %gather3A_1222 {strides = array<i32>} : memref<256x64xf32, #tpu.memory_space<vmem>>, vector<16xf32>,
        %add3A_1228 = arith.constant 48 : i32
        %add3A_1229 = vector.broadcast %add3A_1228 : i32 to vector<16xi32>
        %add3A_1230 = arith.addi %iota3A, %add3A_1229 : vector<16xi32>
        %gather3A_1231 = tpu.vector_load_idx %arg15[%broadcast_in_dim3A_1200, %add3A_1230, %and3A_1199] : memref<8x64x128xf32, #tpu.memory_space<vmem>>[vector<16xi32>, vector<16xi32>, vector<16xi32>], vector<16xf32>,
        %sub3A_1232 = arith.constant 0 : i32
        %sub3A_1233 = arith.subi %while3A_1195, %sub3A_1232 : i32
        %swap3A_1234 = arith.index_cast %sub3A_1233 : i32 to index
        %swap3A_1235 = arith.constant 48 : index
        %swap3A_1236 = tpu.vector_load %arg16[%swap3A_1234, %swap3A_1235] {strides = array<i32>} : memref<256x64xf32, #tpu.memory_space<vmem>>, vector<16xf32>,
        tpu.vector_store %arg16[%swap3A_1234, %swap3A_1235], %gather3A_1231 {strides = array<i32>} : memref<256x64xf32, #tpu.memory_space<vmem>>, vector<16xf32>,
        %add3A_1237 = arith.constant 1 : i32
        %add3A_1238 = arith.addi %while3A_1195, %add3A_1237 : i32
        scf.yield %add3A_1238 : i32
      }
      %add3A_1177 = arith.addi %shift_right_arithmetic3A_17, %while3A_1157 : i32
      %add3A_1178 = arith.constant 8 : i32
      %add3A_1179 = arith.addi %add3A_1177, %add3A_1178 : i32
      %min3A_1180 = arith.minsi %add3A_1179, %shift_right_arithmetic3A_24 : i32
      %mul3A_1181 = arith.constant 128 : i32
      %mul3A_1182 = arith.muli %min3A_1180, %mul3A_1181 : i32
      %dma_start3A_1183 = arith.constant 0 : i32
      %dma_start3A_1184 = arith.constant 0 : i32
      %dma_start3A_1185 = tpu.memref_slice %arg15[%rem3A_1174, %dma_start3A_1183, %dma_start3A_1184] : memref<8x64x128xf32, #tpu.memory_space<vmem>> -> memref<1x64x128xf32, #tpu.memory_space<vmem>>
      %dma_start3A_1186 = tpu.memref_squeeze %dma_start3A_1185 : memref<1x64x128xf32, #tpu.memory_space<vmem>> -> memref<64x128xf32, #tpu.memory_space<vmem>>
      %dma_start3A_1187 = arith.constant 0 : i32
      %dma_start3A_1188 = tpu.memref_slice %arg6[%dma_start3A_1187, %mul3A_1182] : memref<64x1000000xf32, #tpu.memory_space<hbm>> -> memref<64x128xf32, #tpu.memory_space<hbm>>
      %dma_start3A_1189 = arith.constant 0 : i32
      %dma_start3A_1190 = arith.constant 0 : i32
      %dma_start3A_1191 = tpu.memref_slice %arg15[%rem3A_1174, %dma_start3A_1189, %dma_start3A_1190] : memref<8x64x128xf32, #tpu.memory_space<vmem>> -> memref<1x64x128xf32, #tpu.memory_space<vmem>>
      %dma_start3A_1192 = tpu.memref_squeeze %dma_start3A_1191 : memref<1x64x128xf32, #tpu.memory_space<vmem>> -> memref<64x128xf32, #tpu.memory_space<vmem>>
      %dma_start3A_1193 = arith.constant 0 : i32
      %dma_start3A_1194 = tpu.memref_slice %arg6[%dma_start3A_1193, %mul3A_1182] : memref<64x1000000xf32, #tpu.memory_space<hbm>> -> memref<64x128xf32, #tpu.memory_space<hbm>>
      tpu.enqueue_dma source(%dma_start3A_1194 : memref<64x128xf32, #tpu.memory_space<hbm>>) target(%dma_start3A_1192 : memref<64x128xf32, #tpu.memory_space<vmem>>) target_semaphore(%arg17 : memref<!tpu.dma_semaphore, #tpu.memory_space<semaphore_mem>>)
      scf.yield %while3A_1176 : i32
    }
    %while3A_178 = arith.constant 1 : i32
    %while3A_179 = scf.for %while3A_1157 = %while3A_175 to %while3A_171 step %while3A_178 iter_args(%while3A_1158 = %while3A_177) -> (i32)  : i32 {
      %dma_wait3A_1159 = arith.constant 0 : i32
      %dma_wait3A_1160 = arith.constant 0 : i32
      %dma_wait3A_1161 = arith.constant 0 : i32
      %dma_wait3A_1162 = tpu.memref_slice %arg15[%dma_wait3A_1159, %dma_wait3A_1160, %dma_wait3A_1161] : memref<8x64x128xf32, #tpu.memory_space<vmem>> -> memref<1x64x128xf32, #tpu.memory_space<vmem>>
      %dma_wait3A_1163 = tpu.memref_squeeze %dma_wait3A_1162 : memref<1x64x128xf32, #tpu.memory_space<vmem>> -> memref<64x128xf32, #tpu.memory_space<vmem>>
      %dma_wait3A_1164 = arith.constant 0 : i32
      %dma_wait3A_1165 = arith.constant 0 : i32
      %dma_wait3A_1166 = tpu.memref_slice %arg6[%dma_wait3A_1164, %dma_wait3A_1165] : memref<64x1000000xf32, #tpu.memory_space<hbm>> -> memref<64x128xf32, #tpu.memory_space<hbm>>
      %dma_wait3A_1167 = arith.constant 0 : i32
      %dma_wait3A_1168 = arith.constant 0 : i32
      %dma_wait3A_1169 = tpu.memref_slice %arg15[%dma_wait3A_1159, %dma_wait3A_1167, %dma_wait3A_1168] : memref<8x64x128xf32, #tpu.memory_space<vmem>> -> memref<1x64x128xf32, #tpu.memory_space<vmem>>
      %dma_wait3A_1170 = tpu.memref_squeeze %dma_wait3A_1169 : memref<1x64x128xf32, #tpu.memory_space<vmem>> -> memref<64x128xf32, #tpu.memory_space<vmem>>
      %dma_wait3A_1171 = arith.constant 0 : i32
      %dma_wait3A_1172 = arith.constant 0 : i32
      %dma_wait3A_1173 = tpu.memref_slice %arg6[%dma_wait3A_1171, %dma_wait3A_1172] : memref<64x1000000xf32, #tpu.memory_space<hbm>> -> memref<64x128xf32, #tpu.memory_space<hbm>>
      tpu.wait_dma2 semaphore(%arg17 : memref<!tpu.dma_semaphore, #tpu.memory_space<semaphore_mem>>) src(%dma_wait3A_1173 : memref<64x128xf32, #tpu.memory_space<hbm>>) dst(%dma_wait3A_1170 : memref<64x128xf32, #tpu.memory_space<vmem>>)
      %rem3A = arith.constant 8 : i32
      %rem3A_1174 = arith.remsi %while3A_1157, %rem3A : i32
      %add3A_1175 = arith.addi %shift_right_arithmetic3A_17, %while3A_1157 : i32
      %while3A_1176 = scf.while (%while3A_1195 = %while3A_1158) : (i32) -> i32 {
        %lt3A = arith.constant 256 : i32
        %lt3A_1196 = arith.cmpi slt, %while3A_1195, %lt3A : i32
        %broadcast_in_dim3A_1197 = vector.broadcast %while3A_1195 : i32 to vector<16xi32>
        %gather3A_1198 = tpu.vector_load_idx %arg11[%broadcast_in_dim3A_1197] : memref<1040xi32, #tpu.memory_space<vmem>>[vector<16xi32>], vector<16xi32>,
        %slice3A_1199 = vector.extract_strided_slice %gather3A_1198 {offsets = [0], sizes = [1], strides = [1]} : vector<16xi32> to vector<1xi32>
        %squeeze3A_1200 = vector.extract %slice3A_1199[0] : i32 from vector<1xi32>
        %shift_right_arithmetic3A_1201 = arith.constant 7 : i32
        %shift_right_arithmetic3A_1202 = arith.shrsi %squeeze3A_1200, %shift_right_arithmetic3A_1201 : i32
        %eq3A = arith.cmpi eq, %shift_right_arithmetic3A_1202, %add3A_1175 : i32
        %and3A = arith.andi %lt3A_1196, %eq3A : i1
        scf.condition(%and3A) %while3A_1195 : i32
      } do {
      ^bb0(%while3A_1195: i32):
        %broadcast_in_dim3A_1196 = vector.broadcast %while3A_1195 : i32 to vector<16xi32>
        %gather3A_1197 = tpu.vector_load_idx %arg11[%broadcast_in_dim3A_1196] : memref<1040xi32, #tpu.memory_space<vmem>>[vector<16xi32>], vector<16xi32>,
        %and3A = arith.constant 127 : i32
        %and3A_1198 = vector.broadcast %and3A : i32 to vector<16xi32>
        %and3A_1199 = arith.andi %gather3A_1197, %and3A_1198 : vector<16xi32>
        %broadcast_in_dim3A_1200 = vector.broadcast %rem3A_1174 : i32 to vector<16xi32>
        %add3A_1201 = arith.constant 0 : i32
        %add3A_1202 = vector.broadcast %add3A_1201 : i32 to vector<16xi32>
        %add3A_1203 = arith.addi %iota3A, %add3A_1202 : vector<16xi32>
        %gather3A_1204 = tpu.vector_load_idx %arg15[%broadcast_in_dim3A_1200, %add3A_1203, %and3A_1199] : memref<8x64x128xf32, #tpu.memory_space<vmem>>[vector<16xi32>, vector<16xi32>, vector<16xi32>], vector<16xf32>,
        %sub3A_1205 = arith.constant 0 : i32
        %sub3A_1206 = arith.subi %while3A_1195, %sub3A_1205 : i32
        %swap3A_1207 = arith.index_cast %sub3A_1206 : i32 to index
        %swap3A_1208 = arith.constant 0 : index
        %swap3A_1209 = tpu.vector_load %arg16[%swap3A_1207, %swap3A_1208] {strides = array<i32>} : memref<256x64xf32, #tpu.memory_space<vmem>>, vector<16xf32>,
        tpu.vector_store %arg16[%swap3A_1207, %swap3A_1208], %gather3A_1204 {strides = array<i32>} : memref<256x64xf32, #tpu.memory_space<vmem>>, vector<16xf32>,
        %add3A_1210 = arith.constant 16 : i32
        %add3A_1211 = vector.broadcast %add3A_1210 : i32 to vector<16xi32>
        %add3A_1212 = arith.addi %iota3A, %add3A_1211 : vector<16xi32>
        %gather3A_1213 = tpu.vector_load_idx %arg15[%broadcast_in_dim3A_1200, %add3A_1212, %and3A_1199] : memref<8x64x128xf32, #tpu.memory_space<vmem>>[vector<16xi32>, vector<16xi32>, vector<16xi32>], vector<16xf32>,
        %sub3A_1214 = arith.constant 0 : i32
        %sub3A_1215 = arith.subi %while3A_1195, %sub3A_1214 : i32
        %swap3A_1216 = arith.index_cast %sub3A_1215 : i32 to index
        %swap3A_1217 = arith.constant 16 : index
        %swap3A_1218 = tpu.vector_load %arg16[%swap3A_1216, %swap3A_1217] {strides = array<i32>} : memref<256x64xf32, #tpu.memory_space<vmem>>, vector<16xf32>,
        tpu.vector_store %arg16[%swap3A_1216, %swap3A_1217], %gather3A_1213 {strides = array<i32>} : memref<256x64xf32, #tpu.memory_space<vmem>>, vector<16xf32>,
        %add3A_1219 = arith.constant 32 : i32
        %add3A_1220 = vector.broadcast %add3A_1219 : i32 to vector<16xi32>
        %add3A_1221 = arith.addi %iota3A, %add3A_1220 : vector<16xi32>
        %gather3A_1222 = tpu.vector_load_idx %arg15[%broadcast_in_dim3A_1200, %add3A_1221, %and3A_1199] : memref<8x64x128xf32, #tpu.memory_space<vmem>>[vector<16xi32>, vector<16xi32>, vector<16xi32>], vector<16xf32>,
        %sub3A_1223 = arith.constant 0 : i32
        %sub3A_1224 = arith.subi %while3A_1195, %sub3A_1223 : i32
        %swap3A_1225 = arith.index_cast %sub3A_1224 : i32 to index
        %swap3A_1226 = arith.constant 32 : index
        %swap3A_1227 = tpu.vector_load %arg16[%swap3A_1225, %swap3A_1226] {strides = array<i32>} : memref<256x64xf32, #tpu.memory_space<vmem>>, vector<16xf32>,
        tpu.vector_store %arg16[%swap3A_1225, %swap3A_1226], %gather3A_1222 {strides = array<i32>} : memref<256x64xf32, #tpu.memory_space<vmem>>, vector<16xf32>,
        %add3A_1228 = arith.constant 48 : i32
        %add3A_1229 = vector.broadcast %add3A_1228 : i32 to vector<16xi32>
        %add3A_1230 = arith.addi %iota3A, %add3A_1229 : vector<16xi32>
        %gather3A_1231 = tpu.vector_load_idx %arg15[%broadcast_in_dim3A_1200, %add3A_1230, %and3A_1199] : memref<8x64x128xf32, #tpu.memory_space<vmem>>[vector<16xi32>, vector<16xi32>, vector<16xi32>], vector<16xf32>,
        %sub3A_1232 = arith.constant 0 : i32
        %sub3A_1233 = arith.subi %while3A_1195, %sub3A_1232 : i32
        %swap3A_1234 = arith.index_cast %sub3A_1233 : i32 to index
        %swap3A_1235 = arith.constant 48 : index
        %swap3A_1236 = tpu.vector_load %arg16[%swap3A_1234, %swap3A_1235] {strides = array<i32>} : memref<256x64xf32, #tpu.memory_space<vmem>>, vector<16xf32>,
        tpu.vector_store %arg16[%swap3A_1234, %swap3A_1235], %gather3A_1231 {strides = array<i32>} : memref<256x64xf32, #tpu.memory_space<vmem>>, vector<16xf32>,
        %add3A_1237 = arith.constant 1 : i32
        %add3A_1238 = arith.addi %while3A_1195, %add3A_1237 : i32
        scf.yield %add3A_1238 : i32
      }
      %add3A_1177 = arith.addi %shift_right_arithmetic3A_17, %while3A_1157 : i32
      %add3A_1178 = arith.constant 8 : i32
      %add3A_1179 = arith.addi %add3A_1177, %add3A_1178 : i32
      %min3A_1180 = arith.minsi %add3A_1179, %shift_right_arithmetic3A_24 : i32
      %mul3A_1181 = arith.constant 128 : i32
      %mul3A_1182 = arith.muli %min3A_1180, %mul3A_1181 : i32
      %dma_start3A_1183 = arith.constant 0 : i32
      %dma_start3A_1184 = arith.constant 0 : i32
      %dma_start3A_1185 = tpu.memref_slice %arg15[%rem3A_1174, %dma_start3A_1183, %dma_start3A_1184] : memref<8x64x128xf32, #tpu.memory_space<vmem>> -> memref<1x64x128xf32, #tpu.memory_space<vmem>>
      %dma_start3A_1186 = tpu.memref_squeeze %dma_start3A_1185 : memref<1x64x128xf32, #tpu.memory_space<vmem>> -> memref<64x128xf32, #tpu.memory_space<vmem>>
      %dma_start3A_1187 = arith.constant 0 : i32
      %dma_start3A_1188 = tpu.memref_slice %arg6[%dma_start3A_1187, %mul3A_1182] : memref<64x1000000xf32, #tpu.memory_space<hbm>> -> memref<64x128xf32, #tpu.memory_space<hbm>>
      %dma_start3A_1189 = arith.constant 0 : i32
      %dma_start3A_1190 = arith.constant 0 : i32
      %dma_start3A_1191 = tpu.memref_slice %arg15[%rem3A_1174, %dma_start3A_1189, %dma_start3A_1190] : memref<8x64x128xf32, #tpu.memory_space<vmem>> -> memref<1x64x128xf32, #tpu.memory_space<vmem>>
      %dma_start3A_1192 = tpu.memref_squeeze %dma_start3A_1191 : memref<1x64x128xf32, #tpu.memory_space<vmem>> -> memref<64x128xf32, #tpu.memory_space<vmem>>
      %dma_start3A_1193 = arith.constant 0 : i32
      %dma_start3A_1194 = tpu.memref_slice %arg6[%dma_start3A_1193, %mul3A_1182] : memref<64x1000000xf32, #tpu.memory_space<hbm>> -> memref<64x128xf32, #tpu.memory_space<hbm>>
      tpu.enqueue_dma source(%dma_start3A_1194 : memref<64x128xf32, #tpu.memory_space<hbm>>) target(%dma_start3A_1192 : memref<64x128xf32, #tpu.memory_space<vmem>>) target_semaphore(%arg17 : memref<!tpu.dma_semaphore, #tpu.memory_space<semaphore_mem>>)
      scf.yield %while3A_1176 : i32
    }
    %dma_wait3A = arith.constant 0 : i32
    %dma_wait3A_180 = arith.constant 0 : i32
    %dma_wait3A_181 = tpu.memref_slice %arg6[%dma_wait3A, %dma_wait3A_180] : memref<64x1000000xf32, #tpu.memory_space<hbm>> -> memref<64x1024xf32, #tpu.memory_space<hbm>>
    %dma_wait3A_182 = arith.constant 0 : i32
    %dma_wait3A_183 = arith.constant 0 : i32
    %dma_wait3A_184 = tpu.memref_slice %arg6[%dma_wait3A_182, %dma_wait3A_183] : memref<64x1000000xf32, #tpu.memory_space<hbm>> -> memref<64x1024xf32, #tpu.memory_space<hbm>>
    tpu.wait_dma2 semaphore(%arg17 : memref<!tpu.dma_semaphore, #tpu.memory_space<semaphore_mem>>) src(%dma_wait3A_184 : memref<64x1024xf32, #tpu.memory_space<hbm>>) dst(%arg15 : memref<8x64x128xf32, #tpu.memory_space<vmem>>)
    %scan3A = arith.constant 0 : i32
    %scan3A_185 = arith.constant 0 : i32
    %scan3A_186 = arith.constant 256 : i32
    %scan3A_187 = arith.addi %scan3A_185, %scan3A_186 : i32
    %scan3A_188 = arith.constant 1 : i32
    %scan3A_189 = scf.for %scan3A_1157 = %scan3A_185 to %scan3A_187 step %scan3A_188 iter_args(%scan3A_1158 = %scan3A) -> (i32)  : i32 {
      %add3A_1159 = arith.constant 0 : i32
      %add3A_1160 = arith.addi %add3A_1159, %scan3A_1157 : i32
      %broadcast_in_dim3A_1161 = vector.broadcast %add3A_1160 : i32 to vector<16xi32>
      %gather3A_1162 = tpu.vector_load_idx %arg12[%broadcast_in_dim3A_1161] : memref<1024xi32, #tpu.memory_space<vmem>>[vector<16xi32>], vector<16xi32>,
      %slice3A_1163 = vector.extract_strided_slice %gather3A_1162 {offsets = [0], sizes = [1], strides = [1]} : vector<16xi32> to vector<1xi32>
      %squeeze3A_1164 = vector.extract %slice3A_1163[0] : i32 from vector<1xi32>
      %and3A = arith.constant 16383 : i32
      %and3A_1165 = arith.andi %squeeze3A_1164, %and3A : i32
      %shift_right_arithmetic3A_1166 = arith.constant 14 : i32
      %shift_right_arithmetic3A_1167 = arith.shrsi %squeeze3A_1164, %shift_right_arithmetic3A_1166 : i32
      %eq3A = arith.constant 0 : i32
      %eq3A_1168 = arith.cmpi eq, %shift_right_arithmetic3A_1167, %eq3A : i32
      %convert_element_type3A = arith.extui %eq3A_1168 : i1 to i32
      %cond3A = arith.constant 0 : i32
      %cond3A_1169 = arith.cmpi ne, %convert_element_type3A, %cond3A : i32
      scf.if %cond3A_1169 {
        %dma_start3A_1176 = arith.constant 0 : i32
        %dma_start3A_1177 = tpu.memref_slice %arg16[%scan3A_1157, %dma_start3A_1176] : memref<256x64xf32, #tpu.memory_space<vmem>> -> memref<1x64xf32, #tpu.memory_space<vmem>>
        %dma_start3A_1178 = arith.constant 0 : i32
        %dma_start3A_1179 = tpu.memref_slice %arg8[%and3A_1165, %dma_start3A_1178] : memref<16384x64xf32, #tpu.memory_space<hbm>> -> memref<1x64xf32, #tpu.memory_space<hbm>>
        %dma_start3A_1180 = arith.constant 0 : i32
        %dma_start3A_1181 = tpu.memref_slice %arg8[%and3A_1165, %dma_start3A_1180] : memref<16384x64xf32, #tpu.memory_space<hbm>> -> memref<1x64xf32, #tpu.memory_space<hbm>>
        %dma_start3A_1182 = arith.constant 0 : i32
        %dma_start3A_1183 = tpu.memref_slice %arg16[%scan3A_1157, %dma_start3A_1182] : memref<256x64xf32, #tpu.memory_space<vmem>> -> memref<1x64xf32, #tpu.memory_space<vmem>>
        tpu.enqueue_dma source(%dma_start3A_1183 : memref<1x64xf32, #tpu.memory_space<vmem>>) target(%dma_start3A_1181 : memref<1x64xf32, #tpu.memory_space<hbm>>) target_semaphore(%arg18 : memref<!tpu.dma_semaphore, #tpu.memory_space<semaphore_mem>>)
      } else {
      }
      %eq3A_1170 = arith.constant 1 : i32
      %eq3A_1171 = arith.cmpi eq, %shift_right_arithmetic3A_1167, %eq3A_1170 : i32
      %convert_element_type3A_1172 = arith.extui %eq3A_1171 : i1 to i32
      %cond3A_1173 = arith.constant 0 : i32
      %cond3A_1174 = arith.cmpi ne, %convert_element_type3A_1172, %cond3A_1173 : i32
      scf.if %cond3A_1174 {
        %dma_start3A_1176 = arith.constant 0 : i32
        %dma_start3A_1177 = tpu.memref_slice %arg16[%scan3A_1157, %dma_start3A_1176] : memref<256x64xf32, #tpu.memory_space<vmem>> -> memref<1x64xf32, #tpu.memory_space<vmem>>
        %dma_start3A_1178 = arith.constant 0 : i32
        %dma_start3A_1179 = tpu.memref_slice %arg10[%and3A_1165, %dma_start3A_1178] : memref<16384x64xf32, #tpu.memory_space<hbm>> -> memref<1x64xf32, #tpu.memory_space<hbm>>
        %dma_start3A_1180 = arith.constant 0 : i32
        %dma_start3A_1181 = tpu.memref_slice %arg10[%and3A_1165, %dma_start3A_1180] : memref<16384x64xf32, #tpu.memory_space<hbm>> -> memref<1x64xf32, #tpu.memory_space<hbm>>
        %dma_start3A_1182 = arith.constant 0 : i32
        %dma_start3A_1183 = tpu.memref_slice %arg16[%scan3A_1157, %dma_start3A_1182] : memref<256x64xf32, #tpu.memory_space<vmem>> -> memref<1x64xf32, #tpu.memory_space<vmem>>
        tpu.enqueue_dma source(%dma_start3A_1183 : memref<1x64xf32, #tpu.memory_space<vmem>>) target(%dma_start3A_1181 : memref<1x64xf32, #tpu.memory_space<hbm>>) target_semaphore(%arg18 : memref<!tpu.dma_semaphore, #tpu.memory_space<semaphore_mem>>)
      } else {
      }
      %scan3A_1175 = arith.constant 0 : i32
      scf.yield %scan3A_1175 : i32
    }
    %scan3A_190 = arith.constant 256 : i32
    %dma_wait3A_191 = arith.constant 0 : i32
    %dma_wait3A_192 = arith.constant 0 : i32
    %dma_wait3A_193 = tpu.memref_slice %arg8[%dma_wait3A_191, %dma_wait3A_192] : memref<16384x64xf32, #tpu.memory_space<hbm>> -> memref<256x64xf32, #tpu.memory_space<hbm>>
    %dma_wait3A_194 = arith.constant 0 : i32
    %dma_wait3A_195 = arith.constant 0 : i32
    %dma_wait3A_196 = tpu.memref_slice %arg8[%dma_wait3A_194, %dma_wait3A_195] : memref<16384x64xf32, #tpu.memory_space<hbm>> -> memref<256x64xf32, #tpu.memory_space<hbm>>
    tpu.wait_dma2 semaphore(%arg18 : memref<!tpu.dma_semaphore, #tpu.memory_space<semaphore_mem>>) src(%dma_wait3A_196 : memref<256x64xf32, #tpu.memory_space<hbm>>) dst(%arg16 : memref<256x64xf32, #tpu.memory_space<vmem>>)
    %broadcast_in_dim3A_197 = arith.constant 256 : i32
    %broadcast_in_dim3A_198 = vector.broadcast %broadcast_in_dim3A_197 : i32 to vector<16xi32>
    %gather3A_199 = tpu.vector_load_idx %arg11[%broadcast_in_dim3A_198] : memref<1040xi32, #tpu.memory_space<vmem>>[vector<16xi32>], vector<16xi32>,
    %slice3A_200 = vector.extract_strided_slice %gather3A_199 {offsets = [0], sizes = [1], strides = [1]} : vector<16xi32> to vector<1xi32>
    %squeeze3A_201 = vector.extract %slice3A_200[0] : i32 from vector<1xi32>
    %shift_right_arithmetic3A_202 = arith.constant 7 : i32
    %shift_right_arithmetic3A_203 = arith.shrsi %squeeze3A_201, %shift_right_arithmetic3A_202 : i32
    %broadcast_in_dim3A_204 = arith.constant 511 : i32
    %broadcast_in_dim3A_205 = vector.broadcast %broadcast_in_dim3A_204 : i32 to vector<16xi32>
    %gather3A_206 = tpu.vector_load_idx %arg11[%broadcast_in_dim3A_205] : memref<1040xi32, #tpu.memory_space<vmem>>[vector<16xi32>], vector<16xi32>,
    %slice3A_207 = vector.extract_strided_slice %gather3A_206 {offsets = [0], sizes = [1], strides = [1]} : vector<16xi32> to vector<1xi32>
    %squeeze3A_208 = vector.extract %slice3A_207[0] : i32 from vector<1xi32>
    %shift_right_arithmetic3A_209 = arith.constant 7 : i32
    %shift_right_arithmetic3A_210 = arith.shrsi %squeeze3A_208, %shift_right_arithmetic3A_209 : i32
    %sub3A_211 = arith.subi %shift_right_arithmetic3A_210, %shift_right_arithmetic3A_203 : i32
    %add3A_212 = arith.constant 1 : i32
    %add3A_213 = arith.addi %sub3A_211, %add3A_212 : i32
    %add3A_214 = arith.constant 0 : i32
    %add3A_215 = arith.addi %shift_right_arithmetic3A_203, %add3A_214 : i32
    %min3A_216 = arith.minsi %add3A_215, %shift_right_arithmetic3A_210 : i32
    %mul3A_217 = arith.constant 128 : i32
    %mul3A_218 = arith.muli %min3A_216, %mul3A_217 : i32
    %dma_start3A_219 = arith.constant 0 : i32
    %dma_start3A_220 = arith.constant 0 : i32
    %dma_start3A_221 = arith.constant 0 : i32
    %dma_start3A_222 = tpu.memref_slice %arg15[%dma_start3A_219, %dma_start3A_220, %dma_start3A_221] : memref<8x64x128xf32, #tpu.memory_space<vmem>> -> memref<1x64x128xf32, #tpu.memory_space<vmem>>
    %dma_start3A_223 = tpu.memref_squeeze %dma_start3A_222 : memref<1x64x128xf32, #tpu.memory_space<vmem>> -> memref<64x128xf32, #tpu.memory_space<vmem>>
    %dma_start3A_224 = arith.constant 0 : i32
    %dma_start3A_225 = tpu.memref_slice %arg6[%dma_start3A_224, %mul3A_218] : memref<64x1000000xf32, #tpu.memory_space<hbm>> -> memref<64x128xf32, #tpu.memory_space<hbm>>
    %dma_start3A_226 = arith.constant 0 : i32
    %dma_start3A_227 = arith.constant 0 : i32
    %dma_start3A_228 = tpu.memref_slice %arg15[%dma_start3A_219, %dma_start3A_226, %dma_start3A_227] : memref<8x64x128xf32, #tpu.memory_space<vmem>> -> memref<1x64x128xf32, #tpu.memory_space<vmem>>
    %dma_start3A_229 = tpu.memref_squeeze %dma_start3A_228 : memref<1x64x128xf32, #tpu.memory_space<vmem>> -> memref<64x128xf32, #tpu.memory_space<vmem>>
    %dma_start3A_230 = arith.constant 0 : i32
    %dma_start3A_231 = tpu.memref_slice %arg6[%dma_start3A_230, %mul3A_218] : memref<64x1000000xf32, #tpu.memory_space<hbm>> -> memref<64x128xf32, #tpu.memory_space<hbm>>
    tpu.enqueue_dma source(%dma_start3A_231 : memref<64x128xf32, #tpu.memory_space<hbm>>) target(%dma_start3A_229 : memref<64x128xf32, #tpu.memory_space<vmem>>) target_semaphore(%arg17 : memref<!tpu.dma_semaphore, #tpu.memory_space<semaphore_mem>>)
    %add3A_232 = arith.constant 1 : i32
    %add3A_233 = arith.addi %shift_right_arithmetic3A_203, %add3A_232 : i32
    %min3A_234 = arith.minsi %add3A_233, %shift_right_arithmetic3A_210 : i32
    %mul3A_235 = arith.constant 128 : i32
    %mul3A_236 = arith.muli %min3A_234, %mul3A_235 : i32
    %dma_start3A_237 = arith.constant 1 : i32
    %dma_start3A_238 = arith.constant 0 : i32
    %dma_start3A_239 = arith.constant 0 : i32
    %dma_start3A_240 = tpu.memref_slice %arg15[%dma_start3A_237, %dma_start3A_238, %dma_start3A_239] : memref<8x64x128xf32, #tpu.memory_space<vmem>> -> memref<1x64x128xf32, #tpu.memory_space<vmem>>
    %dma_start3A_241 = tpu.memref_squeeze %dma_start3A_240 : memref<1x64x128xf32, #tpu.memory_space<vmem>> -> memref<64x128xf32, #tpu.memory_space<vmem>>
    %dma_start3A_242 = arith.constant 0 : i32
    %dma_start3A_243 = tpu.memref_slice %arg6[%dma_start3A_242, %mul3A_236] : memref<64x1000000xf32, #tpu.memory_space<hbm>> -> memref<64x128xf32, #tpu.memory_space<hbm>>
    %dma_start3A_244 = arith.constant 0 : i32
    %dma_start3A_245 = arith.constant 0 : i32
    %dma_start3A_246 = tpu.memref_slice %arg15[%dma_start3A_237, %dma_start3A_244, %dma_start3A_245] : memref<8x64x128xf32, #tpu.memory_space<vmem>> -> memref<1x64x128xf32, #tpu.memory_space<vmem>>
    %dma_start3A_247 = tpu.memref_squeeze %dma_start3A_246 : memref<1x64x128xf32, #tpu.memory_space<vmem>> -> memref<64x128xf32, #tpu.memory_space<vmem>>
    %dma_start3A_248 = arith.constant 0 : i32
    %dma_start3A_249 = tpu.memref_slice %arg6[%dma_start3A_248, %mul3A_236] : memref<64x1000000xf32, #tpu.memory_space<hbm>> -> memref<64x128xf32, #tpu.memory_space<hbm>>
    tpu.enqueue_dma source(%dma_start3A_249 : memref<64x128xf32, #tpu.memory_space<hbm>>) target(%dma_start3A_247 : memref<64x128xf32, #tpu.memory_space<vmem>>) target_semaphore(%arg17 : memref<!tpu.dma_semaphore, #tpu.memory_space<semaphore_mem>>)
    %add3A_250 = arith.constant 2 : i32
    %add3A_251 = arith.addi %shift_right_arithmetic3A_203, %add3A_250 : i32
    %min3A_252 = arith.minsi %add3A_251, %shift_right_arithmetic3A_210 : i32
    %mul3A_253 = arith.constant 128 : i32
    %mul3A_254 = arith.muli %min3A_252, %mul3A_253 : i32
    %dma_start3A_255 = arith.constant 2 : i32
    %dma_start3A_256 = arith.constant 0 : i32
    %dma_start3A_257 = arith.constant 0 : i32
    %dma_start3A_258 = tpu.memref_slice %arg15[%dma_start3A_255, %dma_start3A_256, %dma_start3A_257] : memref<8x64x128xf32, #tpu.memory_space<vmem>> -> memref<1x64x128xf32, #tpu.memory_space<vmem>>
    %dma_start3A_259 = tpu.memref_squeeze %dma_start3A_258 : memref<1x64x128xf32, #tpu.memory_space<vmem>> -> memref<64x128xf32, #tpu.memory_space<vmem>>
    %dma_start3A_260 = arith.constant 0 : i32
    %dma_start3A_261 = tpu.memref_slice %arg6[%dma_start3A_260, %mul3A_254] : memref<64x1000000xf32, #tpu.memory_space<hbm>> -> memref<64x128xf32, #tpu.memory_space<hbm>>
    %dma_start3A_262 = arith.constant 0 : i32
    %dma_start3A_263 = arith.constant 0 : i32
    %dma_start3A_264 = tpu.memref_slice %arg15[%dma_start3A_255, %dma_start3A_262, %dma_start3A_263] : memref<8x64x128xf32, #tpu.memory_space<vmem>> -> memref<1x64x128xf32, #tpu.memory_space<vmem>>
    %dma_start3A_265 = tpu.memref_squeeze %dma_start3A_264 : memref<1x64x128xf32, #tpu.memory_space<vmem>> -> memref<64x128xf32, #tpu.memory_space<vmem>>
    %dma_start3A_266 = arith.constant 0 : i32
    %dma_start3A_267 = tpu.memref_slice %arg6[%dma_start3A_266, %mul3A_254] : memref<64x1000000xf32, #tpu.memory_space<hbm>> -> memref<64x128xf32, #tpu.memory_space<hbm>>
    tpu.enqueue_dma source(%dma_start3A_267 : memref<64x128xf32, #tpu.memory_space<hbm>>) target(%dma_start3A_265 : memref<64x128xf32, #tpu.memory_space<vmem>>) target_semaphore(%arg17 : memref<!tpu.dma_semaphore, #tpu.memory_space<semaphore_mem>>)
    %add3A_268 = arith.constant 3 : i32
    %add3A_269 = arith.addi %shift_right_arithmetic3A_203, %add3A_268 : i32
    %min3A_270 = arith.minsi %add3A_269, %shift_right_arithmetic3A_210 : i32
    %mul3A_271 = arith.constant 128 : i32
    %mul3A_272 = arith.muli %min3A_270, %mul3A_271 : i32
    %dma_start3A_273 = arith.constant 3 : i32
    %dma_start3A_274 = arith.constant 0 : i32
    %dma_start3A_275 = arith.constant 0 : i32
    %dma_start3A_276 = tpu.memref_slice %arg15[%dma_start3A_273, %dma_start3A_274, %dma_start3A_275] : memref<8x64x128xf32, #tpu.memory_space<vmem>> -> memref<1x64x128xf32, #tpu.memory_space<vmem>>
    %dma_start3A_277 = tpu.memref_squeeze %dma_start3A_276 : memref<1x64x128xf32, #tpu.memory_space<vmem>> -> memref<64x128xf32, #tpu.memory_space<vmem>>
    %dma_start3A_278 = arith.constant 0 : i32
    %dma_start3A_279 = tpu.memref_slice %arg6[%dma_start3A_278, %mul3A_272] : memref<64x1000000xf32, #tpu.memory_space<hbm>> -> memref<64x128xf32, #tpu.memory_space<hbm>>
    %dma_start3A_280 = arith.constant 0 : i32
    %dma_start3A_281 = arith.constant 0 : i32
    %dma_start3A_282 = tpu.memref_slice %arg15[%dma_start3A_273, %dma_start3A_280, %dma_start3A_281] : memref<8x64x128xf32, #tpu.memory_space<vmem>> -> memref<1x64x128xf32, #tpu.memory_space<vmem>>
    %dma_start3A_283 = tpu.memref_squeeze %dma_start3A_282 : memref<1x64x128xf32, #tpu.memory_space<vmem>> -> memref<64x128xf32, #tpu.memory_space<vmem>>
    %dma_start3A_284 = arith.constant 0 : i32
    %dma_start3A_285 = tpu.memref_slice %arg6[%dma_start3A_284, %mul3A_272] : memref<64x1000000xf32, #tpu.memory_space<hbm>> -> memref<64x128xf32, #tpu.memory_space<hbm>>
    tpu.enqueue_dma source(%dma_start3A_285 : memref<64x128xf32, #tpu.memory_space<hbm>>) target(%dma_start3A_283 : memref<64x128xf32, #tpu.memory_space<vmem>>) target_semaphore(%arg17 : memref<!tpu.dma_semaphore, #tpu.memory_space<semaphore_mem>>)
    %add3A_286 = arith.constant 4 : i32
    %add3A_287 = arith.addi %shift_right_arithmetic3A_203, %add3A_286 : i32
    %min3A_288 = arith.minsi %add3A_287, %shift_right_arithmetic3A_210 : i32
    %mul3A_289 = arith.constant 128 : i32
    %mul3A_290 = arith.muli %min3A_288, %mul3A_289 : i32
    %dma_start3A_291 = arith.constant 4 : i32
    %dma_start3A_292 = arith.constant 0 : i32
    %dma_start3A_293 = arith.constant 0 : i32
    %dma_start3A_294 = tpu.memref_slice %arg15[%dma_start3A_291, %dma_start3A_292, %dma_start3A_293] : memref<8x64x128xf32, #tpu.memory_space<vmem>> -> memref<1x64x128xf32, #tpu.memory_space<vmem>>
    %dma_start3A_295 = tpu.memref_squeeze %dma_start3A_294 : memref<1x64x128xf32, #tpu.memory_space<vmem>> -> memref<64x128xf32, #tpu.memory_space<vmem>>
    %dma_start3A_296 = arith.constant 0 : i32
    %dma_start3A_297 = tpu.memref_slice %arg6[%dma_start3A_296, %mul3A_290] : memref<64x1000000xf32, #tpu.memory_space<hbm>> -> memref<64x128xf32, #tpu.memory_space<hbm>>
    %dma_start3A_298 = arith.constant 0 : i32
    %dma_start3A_299 = arith.constant 0 : i32
    %dma_start3A_300 = tpu.memref_slice %arg15[%dma_start3A_291, %dma_start3A_298, %dma_start3A_299] : memref<8x64x128xf32, #tpu.memory_space<vmem>> -> memref<1x64x128xf32, #tpu.memory_space<vmem>>
    %dma_start3A_301 = tpu.memref_squeeze %dma_start3A_300 : memref<1x64x128xf32, #tpu.memory_space<vmem>> -> memref<64x128xf32, #tpu.memory_space<vmem>>
    %dma_start3A_302 = arith.constant 0 : i32
    %dma_start3A_303 = tpu.memref_slice %arg6[%dma_start3A_302, %mul3A_290] : memref<64x1000000xf32, #tpu.memory_space<hbm>> -> memref<64x128xf32, #tpu.memory_space<hbm>>
    tpu.enqueue_dma source(%dma_start3A_303 : memref<64x128xf32, #tpu.memory_space<hbm>>) target(%dma_start3A_301 : memref<64x128xf32, #tpu.memory_space<vmem>>) target_semaphore(%arg17 : memref<!tpu.dma_semaphore, #tpu.memory_space<semaphore_mem>>)
    %add3A_304 = arith.constant 5 : i32
    %add3A_305 = arith.addi %shift_right_arithmetic3A_203, %add3A_304 : i32
    %min3A_306 = arith.minsi %add3A_305, %shift_right_arithmetic3A_210 : i32
    %mul3A_307 = arith.constant 128 : i32
    %mul3A_308 = arith.muli %min3A_306, %mul3A_307 : i32
    %dma_start3A_309 = arith.constant 5 : i32
    %dma_start3A_310 = arith.constant 0 : i32
    %dma_start3A_311 = arith.constant 0 : i32
    %dma_start3A_312 = tpu.memref_slice %arg15[%dma_start3A_309, %dma_start3A_310, %dma_start3A_311] : memref<8x64x128xf32, #tpu.memory_space<vmem>> -> memref<1x64x128xf32, #tpu.memory_space<vmem>>
    %dma_start3A_313 = tpu.memref_squeeze %dma_start3A_312 : memref<1x64x128xf32, #tpu.memory_space<vmem>> -> memref<64x128xf32, #tpu.memory_space<vmem>>
    %dma_start3A_314 = arith.constant 0 : i32
    %dma_start3A_315 = tpu.memref_slice %arg6[%dma_start3A_314, %mul3A_308] : memref<64x1000000xf32, #tpu.memory_space<hbm>> -> memref<64x128xf32, #tpu.memory_space<hbm>>
    %dma_start3A_316 = arith.constant 0 : i32
    %dma_start3A_317 = arith.constant 0 : i32
    %dma_start3A_318 = tpu.memref_slice %arg15[%dma_start3A_309, %dma_start3A_316, %dma_start3A_317] : memref<8x64x128xf32, #tpu.memory_space<vmem>> -> memref<1x64x128xf32, #tpu.memory_space<vmem>>
    %dma_start3A_319 = tpu.memref_squeeze %dma_start3A_318 : memref<1x64x128xf32, #tpu.memory_space<vmem>> -> memref<64x128xf32, #tpu.memory_space<vmem>>
    %dma_start3A_320 = arith.constant 0 : i32
    %dma_start3A_321 = tpu.memref_slice %arg6[%dma_start3A_320, %mul3A_308] : memref<64x1000000xf32, #tpu.memory_space<hbm>> -> memref<64x128xf32, #tpu.memory_space<hbm>>
    tpu.enqueue_dma source(%dma_start3A_321 : memref<64x128xf32, #tpu.memory_space<hbm>>) target(%dma_start3A_319 : memref<64x128xf32, #tpu.memory_space<vmem>>) target_semaphore(%arg17 : memref<!tpu.dma_semaphore, #tpu.memory_space<semaphore_mem>>)
    %add3A_322 = arith.constant 6 : i32
    %add3A_323 = arith.addi %shift_right_arithmetic3A_203, %add3A_322 : i32
    %min3A_324 = arith.minsi %add3A_323, %shift_right_arithmetic3A_210 : i32
    %mul3A_325 = arith.constant 128 : i32
    %mul3A_326 = arith.muli %min3A_324, %mul3A_325 : i32
    %dma_start3A_327 = arith.constant 6 : i32
    %dma_start3A_328 = arith.constant 0 : i32
    %dma_start3A_329 = arith.constant 0 : i32
    %dma_start3A_330 = tpu.memref_slice %arg15[%dma_start3A_327, %dma_start3A_328, %dma_start3A_329] : memref<8x64x128xf32, #tpu.memory_space<vmem>> -> memref<1x64x128xf32, #tpu.memory_space<vmem>>
    %dma_start3A_331 = tpu.memref_squeeze %dma_start3A_330 : memref<1x64x128xf32, #tpu.memory_space<vmem>> -> memref<64x128xf32, #tpu.memory_space<vmem>>
    %dma_start3A_332 = arith.constant 0 : i32
    %dma_start3A_333 = tpu.memref_slice %arg6[%dma_start3A_332, %mul3A_326] : memref<64x1000000xf32, #tpu.memory_space<hbm>> -> memref<64x128xf32, #tpu.memory_space<hbm>>
    %dma_start3A_334 = arith.constant 0 : i32
    %dma_start3A_335 = arith.constant 0 : i32
    %dma_start3A_336 = tpu.memref_slice %arg15[%dma_start3A_327, %dma_start3A_334, %dma_start3A_335] : memref<8x64x128xf32, #tpu.memory_space<vmem>> -> memref<1x64x128xf32, #tpu.memory_space<vmem>>
    %dma_start3A_337 = tpu.memref_squeeze %dma_start3A_336 : memref<1x64x128xf32, #tpu.memory_space<vmem>> -> memref<64x128xf32, #tpu.memory_space<vmem>>
    %dma_start3A_338 = arith.constant 0 : i32
    %dma_start3A_339 = tpu.memref_slice %arg6[%dma_start3A_338, %mul3A_326] : memref<64x1000000xf32, #tpu.memory_space<hbm>> -> memref<64x128xf32, #tpu.memory_space<hbm>>
    tpu.enqueue_dma source(%dma_start3A_339 : memref<64x128xf32, #tpu.memory_space<hbm>>) target(%dma_start3A_337 : memref<64x128xf32, #tpu.memory_space<vmem>>) target_semaphore(%arg17 : memref<!tpu.dma_semaphore, #tpu.memory_space<semaphore_mem>>)
    %add3A_340 = arith.constant 7 : i32
    %add3A_341 = arith.addi %shift_right_arithmetic3A_203, %add3A_340 : i32
    %min3A_342 = arith.minsi %add3A_341, %shift_right_arithmetic3A_210 : i32
    %mul3A_343 = arith.constant 128 : i32
    %mul3A_344 = arith.muli %min3A_342, %mul3A_343 : i32
    %dma_start3A_345 = arith.constant 7 : i32
    %dma_start3A_346 = arith.constant 0 : i32
    %dma_start3A_347 = arith.constant 0 : i32
    %dma_start3A_348 = tpu.memref_slice %arg15[%dma_start3A_345, %dma_start3A_346, %dma_start3A_347] : memref<8x64x128xf32, #tpu.memory_space<vmem>> -> memref<1x64x128xf32, #tpu.memory_space<vmem>>
    %dma_start3A_349 = tpu.memref_squeeze %dma_start3A_348 : memref<1x64x128xf32, #tpu.memory_space<vmem>> -> memref<64x128xf32, #tpu.memory_space<vmem>>
    %dma_start3A_350 = arith.constant 0 : i32
    %dma_start3A_351 = tpu.memref_slice %arg6[%dma_start3A_350, %mul3A_344] : memref<64x1000000xf32, #tpu.memory_space<hbm>> -> memref<64x128xf32, #tpu.memory_space<hbm>>
    %dma_start3A_352 = arith.constant 0 : i32
    %dma_start3A_353 = arith.constant 0 : i32
    %dma_start3A_354 = tpu.memref_slice %arg15[%dma_start3A_345, %dma_start3A_352, %dma_start3A_353] : memref<8x64x128xf32, #tpu.memory_space<vmem>> -> memref<1x64x128xf32, #tpu.memory_space<vmem>>
    %dma_start3A_355 = tpu.memref_squeeze %dma_start3A_354 : memref<1x64x128xf32, #tpu.memory_space<vmem>> -> memref<64x128xf32, #tpu.memory_space<vmem>>
    %dma_start3A_356 = arith.constant 0 : i32
    %dma_start3A_357 = tpu.memref_slice %arg6[%dma_start3A_356, %mul3A_344] : memref<64x1000000xf32, #tpu.memory_space<hbm>> -> memref<64x128xf32, #tpu.memory_space<hbm>>
    tpu.enqueue_dma source(%dma_start3A_357 : memref<64x128xf32, #tpu.memory_space<hbm>>) target(%dma_start3A_355 : memref<64x128xf32, #tpu.memory_space<vmem>>) target_semaphore(%arg17 : memref<!tpu.dma_semaphore, #tpu.memory_space<semaphore_mem>>)
    %while3A_358 = arith.constant 0 : i32
    %while3A_359 = arith.constant 256 : i32
    %while3A_360 = arith.subi %add3A_213, %while3A_358 : i32
    %while3A_361 = arith.addi %while3A_358, %while3A_360 : i32
    %while3A_362 = arith.constant 1 : i32
    %while3A_363 = arith.divsi %while3A_360, %while3A_362 : i32
    %while3A_364 = arith.muli %while3A_363, %while3A_362 : i32
    %while3A_365 = arith.addi %while3A_358, %while3A_364 : i32
    %while3A_366 = arith.constant 1 : i32
    %while3A_367 = scf.for %while3A_1157 = %while3A_358 to %while3A_365 step %while3A_366 iter_args(%while3A_1158 = %while3A_359) -> (i32)  : i32 {
      %dma_wait3A_1159 = arith.constant 0 : i32
      %dma_wait3A_1160 = arith.constant 0 : i32
      %dma_wait3A_1161 = arith.constant 0 : i32
      %dma_wait3A_1162 = tpu.memref_slice %arg15[%dma_wait3A_1159, %dma_wait3A_1160, %dma_wait3A_1161] : memref<8x64x128xf32, #tpu.memory_space<vmem>> -> memref<1x64x128xf32, #tpu.memory_space<vmem>>
      %dma_wait3A_1163 = tpu.memref_squeeze %dma_wait3A_1162 : memref<1x64x128xf32, #tpu.memory_space<vmem>> -> memref<64x128xf32, #tpu.memory_space<vmem>>
      %dma_wait3A_1164 = arith.constant 0 : i32
      %dma_wait3A_1165 = arith.constant 0 : i32
      %dma_wait3A_1166 = tpu.memref_slice %arg6[%dma_wait3A_1164, %dma_wait3A_1165] : memref<64x1000000xf32, #tpu.memory_space<hbm>> -> memref<64x128xf32, #tpu.memory_space<hbm>>
      %dma_wait3A_1167 = arith.constant 0 : i32
      %dma_wait3A_1168 = arith.constant 0 : i32
      %dma_wait3A_1169 = tpu.memref_slice %arg15[%dma_wait3A_1159, %dma_wait3A_1167, %dma_wait3A_1168] : memref<8x64x128xf32, #tpu.memory_space<vmem>> -> memref<1x64x128xf32, #tpu.memory_space<vmem>>
      %dma_wait3A_1170 = tpu.memref_squeeze %dma_wait3A_1169 : memref<1x64x128xf32, #tpu.memory_space<vmem>> -> memref<64x128xf32, #tpu.memory_space<vmem>>
      %dma_wait3A_1171 = arith.constant 0 : i32
      %dma_wait3A_1172 = arith.constant 0 : i32
      %dma_wait3A_1173 = tpu.memref_slice %arg6[%dma_wait3A_1171, %dma_wait3A_1172] : memref<64x1000000xf32, #tpu.memory_space<hbm>> -> memref<64x128xf32, #tpu.memory_space<hbm>>
      tpu.wait_dma2 semaphore(%arg17 : memref<!tpu.dma_semaphore, #tpu.memory_space<semaphore_mem>>) src(%dma_wait3A_1173 : memref<64x128xf32, #tpu.memory_space<hbm>>) dst(%dma_wait3A_1170 : memref<64x128xf32, #tpu.memory_space<vmem>>)
      %rem3A = arith.constant 8 : i32
      %rem3A_1174 = arith.remsi %while3A_1157, %rem3A : i32
      %add3A_1175 = arith.addi %shift_right_arithmetic3A_203, %while3A_1157 : i32
      %while3A_1176 = scf.while (%while3A_1195 = %while3A_1158) : (i32) -> i32 {
        %lt3A = arith.constant 512 : i32
        %lt3A_1196 = arith.cmpi slt, %while3A_1195, %lt3A : i32
        %broadcast_in_dim3A_1197 = vector.broadcast %while3A_1195 : i32 to vector<16xi32>
        %gather3A_1198 = tpu.vector_load_idx %arg11[%broadcast_in_dim3A_1197] : memref<1040xi32, #tpu.memory_space<vmem>>[vector<16xi32>], vector<16xi32>,
        %slice3A_1199 = vector.extract_strided_slice %gather3A_1198 {offsets = [0], sizes = [1], strides = [1]} : vector<16xi32> to vector<1xi32>
        %squeeze3A_1200 = vector.extract %slice3A_1199[0] : i32 from vector<1xi32>
        %shift_right_arithmetic3A_1201 = arith.constant 7 : i32
        %shift_right_arithmetic3A_1202 = arith.shrsi %squeeze3A_1200, %shift_right_arithmetic3A_1201 : i32
        %eq3A = arith.cmpi eq, %shift_right_arithmetic3A_1202, %add3A_1175 : i32
        %and3A = arith.andi %lt3A_1196, %eq3A : i1
        scf.condition(%and3A) %while3A_1195 : i32
      } do {
      ^bb0(%while3A_1195: i32):
        %broadcast_in_dim3A_1196 = vector.broadcast %while3A_1195 : i32 to vector<16xi32>
        %gather3A_1197 = tpu.vector_load_idx %arg11[%broadcast_in_dim3A_1196] : memref<1040xi32, #tpu.memory_space<vmem>>[vector<16xi32>], vector<16xi32>,
        %and3A = arith.constant 127 : i32
        %and3A_1198 = vector.broadcast %and3A : i32 to vector<16xi32>
        %and3A_1199 = arith.andi %gather3A_1197, %and3A_1198 : vector<16xi32>
        %broadcast_in_dim3A_1200 = vector.broadcast %rem3A_1174 : i32 to vector<16xi32>
        %add3A_1201 = arith.constant 0 : i32
        %add3A_1202 = vector.broadcast %add3A_1201 : i32 to vector<16xi32>
        %add3A_1203 = arith.addi %iota3A, %add3A_1202 : vector<16xi32>
        %gather3A_1204 = tpu.vector_load_idx %arg15[%broadcast_in_dim3A_1200, %add3A_1203, %and3A_1199] : memref<8x64x128xf32, #tpu.memory_space<vmem>>[vector<16xi32>, vector<16xi32>, vector<16xi32>], vector<16xf32>,
        %sub3A_1205 = arith.constant 256 : i32
        %sub3A_1206 = arith.subi %while3A_1195, %sub3A_1205 : i32
        %swap3A_1207 = arith.index_cast %sub3A_1206 : i32 to index
        %swap3A_1208 = arith.constant 0 : index
        %swap3A_1209 = tpu.vector_load %arg16[%swap3A_1207, %swap3A_1208] {strides = array<i32>} : memref<256x64xf32, #tpu.memory_space<vmem>>, vector<16xf32>,
        tpu.vector_store %arg16[%swap3A_1207, %swap3A_1208], %gather3A_1204 {strides = array<i32>} : memref<256x64xf32, #tpu.memory_space<vmem>>, vector<16xf32>,
        %add3A_1210 = arith.constant 16 : i32
        %add3A_1211 = vector.broadcast %add3A_1210 : i32 to vector<16xi32>
        %add3A_1212 = arith.addi %iota3A, %add3A_1211 : vector<16xi32>
        %gather3A_1213 = tpu.vector_load_idx %arg15[%broadcast_in_dim3A_1200, %add3A_1212, %and3A_1199] : memref<8x64x128xf32, #tpu.memory_space<vmem>>[vector<16xi32>, vector<16xi32>, vector<16xi32>], vector<16xf32>,
        %sub3A_1214 = arith.constant 256 : i32
        %sub3A_1215 = arith.subi %while3A_1195, %sub3A_1214 : i32
        %swap3A_1216 = arith.index_cast %sub3A_1215 : i32 to index
        %swap3A_1217 = arith.constant 16 : index
        %swap3A_1218 = tpu.vector_load %arg16[%swap3A_1216, %swap3A_1217] {strides = array<i32>} : memref<256x64xf32, #tpu.memory_space<vmem>>, vector<16xf32>,
        tpu.vector_store %arg16[%swap3A_1216, %swap3A_1217], %gather3A_1213 {strides = array<i32>} : memref<256x64xf32, #tpu.memory_space<vmem>>, vector<16xf32>,
        %add3A_1219 = arith.constant 32 : i32
        %add3A_1220 = vector.broadcast %add3A_1219 : i32 to vector<16xi32>
        %add3A_1221 = arith.addi %iota3A, %add3A_1220 : vector<16xi32>
        %gather3A_1222 = tpu.vector_load_idx %arg15[%broadcast_in_dim3A_1200, %add3A_1221, %and3A_1199] : memref<8x64x128xf32, #tpu.memory_space<vmem>>[vector<16xi32>, vector<16xi32>, vector<16xi32>], vector<16xf32>,
        %sub3A_1223 = arith.constant 256 : i32
        %sub3A_1224 = arith.subi %while3A_1195, %sub3A_1223 : i32
        %swap3A_1225 = arith.index_cast %sub3A_1224 : i32 to index
        %swap3A_1226 = arith.constant 32 : index
        %swap3A_1227 = tpu.vector_load %arg16[%swap3A_1225, %swap3A_1226] {strides = array<i32>} : memref<256x64xf32, #tpu.memory_space<vmem>>, vector<16xf32>,
        tpu.vector_store %arg16[%swap3A_1225, %swap3A_1226], %gather3A_1222 {strides = array<i32>} : memref<256x64xf32, #tpu.memory_space<vmem>>, vector<16xf32>,
        %add3A_1228 = arith.constant 48 : i32
        %add3A_1229 = vector.broadcast %add3A_1228 : i32 to vector<16xi32>
        %add3A_1230 = arith.addi %iota3A, %add3A_1229 : vector<16xi32>
        %gather3A_1231 = tpu.vector_load_idx %arg15[%broadcast_in_dim3A_1200, %add3A_1230, %and3A_1199] : memref<8x64x128xf32, #tpu.memory_space<vmem>>[vector<16xi32>, vector<16xi32>, vector<16xi32>], vector<16xf32>,
        %sub3A_1232 = arith.constant 256 : i32
        %sub3A_1233 = arith.subi %while3A_1195, %sub3A_1232 : i32
        %swap3A_1234 = arith.index_cast %sub3A_1233 : i32 to index
        %swap3A_1235 = arith.constant 48 : index
        %swap3A_1236 = tpu.vector_load %arg16[%swap3A_1234, %swap3A_1235] {strides = array<i32>} : memref<256x64xf32, #tpu.memory_space<vmem>>, vector<16xf32>,
        tpu.vector_store %arg16[%swap3A_1234, %swap3A_1235], %gather3A_1231 {strides = array<i32>} : memref<256x64xf32, #tpu.memory_space<vmem>>, vector<16xf32>,
        %add3A_1237 = arith.constant 1 : i32
        %add3A_1238 = arith.addi %while3A_1195, %add3A_1237 : i32
        scf.yield %add3A_1238 : i32
      }
      %add3A_1177 = arith.addi %shift_right_arithmetic3A_203, %while3A_1157 : i32
      %add3A_1178 = arith.constant 8 : i32
      %add3A_1179 = arith.addi %add3A_1177, %add3A_1178 : i32
      %min3A_1180 = arith.minsi %add3A_1179, %shift_right_arithmetic3A_210 : i32
      %mul3A_1181 = arith.constant 128 : i32
      %mul3A_1182 = arith.muli %min3A_1180, %mul3A_1181 : i32
      %dma_start3A_1183 = arith.constant 0 : i32
      %dma_start3A_1184 = arith.constant 0 : i32
      %dma_start3A_1185 = tpu.memref_slice %arg15[%rem3A_1174, %dma_start3A_1183, %dma_start3A_1184] : memref<8x64x128xf32, #tpu.memory_space<vmem>> -> memref<1x64x128xf32, #tpu.memory_space<vmem>>
      %dma_start3A_1186 = tpu.memref_squeeze %dma_start3A_1185 : memref<1x64x128xf32, #tpu.memory_space<vmem>> -> memref<64x128xf32, #tpu.memory_space<vmem>>
      %dma_start3A_1187 = arith.constant 0 : i32
      %dma_start3A_1188 = tpu.memref_slice %arg6[%dma_start3A_1187, %mul3A_1182] : memref<64x1000000xf32, #tpu.memory_space<hbm>> -> memref<64x128xf32, #tpu.memory_space<hbm>>
      %dma_start3A_1189 = arith.constant 0 : i32
      %dma_start3A_1190 = arith.constant 0 : i32
      %dma_start3A_1191 = tpu.memref_slice %arg15[%rem3A_1174, %dma_start3A_1189, %dma_start3A_1190] : memref<8x64x128xf32, #tpu.memory_space<vmem>> -> memref<1x64x128xf32, #tpu.memory_space<vmem>>
      %dma_start3A_1192 = tpu.memref_squeeze %dma_start3A_1191 : memref<1x64x128xf32, #tpu.memory_space<vmem>> -> memref<64x128xf32, #tpu.memory_space<vmem>>
      %dma_start3A_1193 = arith.constant 0 : i32
      %dma_start3A_1194 = tpu.memref_slice %arg6[%dma_start3A_1193, %mul3A_1182] : memref<64x1000000xf32, #tpu.memory_space<hbm>> -> memref<64x128xf32, #tpu.memory_space<hbm>>
      tpu.enqueue_dma source(%dma_start3A_1194 : memref<64x128xf32, #tpu.memory_space<hbm>>) target(%dma_start3A_1192 : memref<64x128xf32, #tpu.memory_space<vmem>>) target_semaphore(%arg17 : memref<!tpu.dma_semaphore, #tpu.memory_space<semaphore_mem>>)
      scf.yield %while3A_1176 : i32
    }
    %while3A_368 = arith.constant 1 : i32
    %while3A_369 = scf.for %while3A_1157 = %while3A_365 to %while3A_361 step %while3A_368 iter_args(%while3A_1158 = %while3A_367) -> (i32)  : i32 {
      %dma_wait3A_1159 = arith.constant 0 : i32
      %dma_wait3A_1160 = arith.constant 0 : i32
      %dma_wait3A_1161 = arith.constant 0 : i32
      %dma_wait3A_1162 = tpu.memref_slice %arg15[%dma_wait3A_1159, %dma_wait3A_1160, %dma_wait3A_1161] : memref<8x64x128xf32, #tpu.memory_space<vmem>> -> memref<1x64x128xf32, #tpu.memory_space<vmem>>
      %dma_wait3A_1163 = tpu.memref_squeeze %dma_wait3A_1162 : memref<1x64x128xf32, #tpu.memory_space<vmem>> -> memref<64x128xf32, #tpu.memory_space<vmem>>
      %dma_wait3A_1164 = arith.constant 0 : i32
      %dma_wait3A_1165 = arith.constant 0 : i32
      %dma_wait3A_1166 = tpu.memref_slice %arg6[%dma_wait3A_1164, %dma_wait3A_1165] : memref<64x1000000xf32, #tpu.memory_space<hbm>> -> memref<64x128xf32, #tpu.memory_space<hbm>>
      %dma_wait3A_1167 = arith.constant 0 : i32
      %dma_wait3A_1168 = arith.constant 0 : i32
      %dma_wait3A_1169 = tpu.memref_slice %arg15[%dma_wait3A_1159, %dma_wait3A_1167, %dma_wait3A_1168] : memref<8x64x128xf32, #tpu.memory_space<vmem>> -> memref<1x64x128xf32, #tpu.memory_space<vmem>>
      %dma_wait3A_1170 = tpu.memref_squeeze %dma_wait3A_1169 : memref<1x64x128xf32, #tpu.memory_space<vmem>> -> memref<64x128xf32, #tpu.memory_space<vmem>>
      %dma_wait3A_1171 = arith.constant 0 : i32
      %dma_wait3A_1172 = arith.constant 0 : i32
      %dma_wait3A_1173 = tpu.memref_slice %arg6[%dma_wait3A_1171, %dma_wait3A_1172] : memref<64x1000000xf32, #tpu.memory_space<hbm>> -> memref<64x128xf32, #tpu.memory_space<hbm>>
      tpu.wait_dma2 semaphore(%arg17 : memref<!tpu.dma_semaphore, #tpu.memory_space<semaphore_mem>>) src(%dma_wait3A_1173 : memref<64x128xf32, #tpu.memory_space<hbm>>) dst(%dma_wait3A_1170 : memref<64x128xf32, #tpu.memory_space<vmem>>)
      %rem3A = arith.constant 8 : i32
      %rem3A_1174 = arith.remsi %while3A_1157, %rem3A : i32
      %add3A_1175 = arith.addi %shift_right_arithmetic3A_203, %while3A_1157 : i32
      %while3A_1176 = scf.while (%while3A_1195 = %while3A_1158) : (i32) -> i32 {
        %lt3A = arith.constant 512 : i32
        %lt3A_1196 = arith.cmpi slt, %while3A_1195, %lt3A : i32
        %broadcast_in_dim3A_1197 = vector.broadcast %while3A_1195 : i32 to vector<16xi32>
        %gather3A_1198 = tpu.vector_load_idx %arg11[%broadcast_in_dim3A_1197] : memref<1040xi32, #tpu.memory_space<vmem>>[vector<16xi32>], vector<16xi32>,
        %slice3A_1199 = vector.extract_strided_slice %gather3A_1198 {offsets = [0], sizes = [1], strides = [1]} : vector<16xi32> to vector<1xi32>
        %squeeze3A_1200 = vector.extract %slice3A_1199[0] : i32 from vector<1xi32>
        %shift_right_arithmetic3A_1201 = arith.constant 7 : i32
        %shift_right_arithmetic3A_1202 = arith.shrsi %squeeze3A_1200, %shift_right_arithmetic3A_1201 : i32
        %eq3A = arith.cmpi eq, %shift_right_arithmetic3A_1202, %add3A_1175 : i32
        %and3A = arith.andi %lt3A_1196, %eq3A : i1
        scf.condition(%and3A) %while3A_1195 : i32
      } do {
      ^bb0(%while3A_1195: i32):
        %broadcast_in_dim3A_1196 = vector.broadcast %while3A_1195 : i32 to vector<16xi32>
        %gather3A_1197 = tpu.vector_load_idx %arg11[%broadcast_in_dim3A_1196] : memref<1040xi32, #tpu.memory_space<vmem>>[vector<16xi32>], vector<16xi32>,
        %and3A = arith.constant 127 : i32
        %and3A_1198 = vector.broadcast %and3A : i32 to vector<16xi32>
        %and3A_1199 = arith.andi %gather3A_1197, %and3A_1198 : vector<16xi32>
        %broadcast_in_dim3A_1200 = vector.broadcast %rem3A_1174 : i32 to vector<16xi32>
        %add3A_1201 = arith.constant 0 : i32
        %add3A_1202 = vector.broadcast %add3A_1201 : i32 to vector<16xi32>
        %add3A_1203 = arith.addi %iota3A, %add3A_1202 : vector<16xi32>
        %gather3A_1204 = tpu.vector_load_idx %arg15[%broadcast_in_dim3A_1200, %add3A_1203, %and3A_1199] : memref<8x64x128xf32, #tpu.memory_space<vmem>>[vector<16xi32>, vector<16xi32>, vector<16xi32>], vector<16xf32>,
        %sub3A_1205 = arith.constant 256 : i32
        %sub3A_1206 = arith.subi %while3A_1195, %sub3A_1205 : i32
        %swap3A_1207 = arith.index_cast %sub3A_1206 : i32 to index
        %swap3A_1208 = arith.constant 0 : index
        %swap3A_1209 = tpu.vector_load %arg16[%swap3A_1207, %swap3A_1208] {strides = array<i32>} : memref<256x64xf32, #tpu.memory_space<vmem>>, vector<16xf32>,
        tpu.vector_store %arg16[%swap3A_1207, %swap3A_1208], %gather3A_1204 {strides = array<i32>} : memref<256x64xf32, #tpu.memory_space<vmem>>, vector<16xf32>,
        %add3A_1210 = arith.constant 16 : i32
        %add3A_1211 = vector.broadcast %add3A_1210 : i32 to vector<16xi32>
        %add3A_1212 = arith.addi %iota3A, %add3A_1211 : vector<16xi32>
        %gather3A_1213 = tpu.vector_load_idx %arg15[%broadcast_in_dim3A_1200, %add3A_1212, %and3A_1199] : memref<8x64x128xf32, #tpu.memory_space<vmem>>[vector<16xi32>, vector<16xi32>, vector<16xi32>], vector<16xf32>,
        %sub3A_1214 = arith.constant 256 : i32
        %sub3A_1215 = arith.subi %while3A_1195, %sub3A_1214 : i32
        %swap3A_1216 = arith.index_cast %sub3A_1215 : i32 to index
        %swap3A_1217 = arith.constant 16 : index
        %swap3A_1218 = tpu.vector_load %arg16[%swap3A_1216, %swap3A_1217] {strides = array<i32>} : memref<256x64xf32, #tpu.memory_space<vmem>>, vector<16xf32>,
        tpu.vector_store %arg16[%swap3A_1216, %swap3A_1217], %gather3A_1213 {strides = array<i32>} : memref<256x64xf32, #tpu.memory_space<vmem>>, vector<16xf32>,
        %add3A_1219 = arith.constant 32 : i32
        %add3A_1220 = vector.broadcast %add3A_1219 : i32 to vector<16xi32>
        %add3A_1221 = arith.addi %iota3A, %add3A_1220 : vector<16xi32>
        %gather3A_1222 = tpu.vector_load_idx %arg15[%broadcast_in_dim3A_1200, %add3A_1221, %and3A_1199] : memref<8x64x128xf32, #tpu.memory_space<vmem>>[vector<16xi32>, vector<16xi32>, vector<16xi32>], vector<16xf32>,
        %sub3A_1223 = arith.constant 256 : i32
        %sub3A_1224 = arith.subi %while3A_1195, %sub3A_1223 : i32
        %swap3A_1225 = arith.index_cast %sub3A_1224 : i32 to index
        %swap3A_1226 = arith.constant 32 : index
        %swap3A_1227 = tpu.vector_load %arg16[%swap3A_1225, %swap3A_1226] {strides = array<i32>} : memref<256x64xf32, #tpu.memory_space<vmem>>, vector<16xf32>,
        tpu.vector_store %arg16[%swap3A_1225, %swap3A_1226], %gather3A_1222 {strides = array<i32>} : memref<256x64xf32, #tpu.memory_space<vmem>>, vector<16xf32>,
        %add3A_1228 = arith.constant 48 : i32
        %add3A_1229 = vector.broadcast %add3A_1228 : i32 to vector<16xi32>
        %add3A_1230 = arith.addi %iota3A, %add3A_1229 : vector<16xi32>
        %gather3A_1231 = tpu.vector_load_idx %arg15[%broadcast_in_dim3A_1200, %add3A_1230, %and3A_1199] : memref<8x64x128xf32, #tpu.memory_space<vmem>>[vector<16xi32>, vector<16xi32>, vector<16xi32>], vector<16xf32>,
        %sub3A_1232 = arith.constant 256 : i32
        %sub3A_1233 = arith.subi %while3A_1195, %sub3A_1232 : i32
        %swap3A_1234 = arith.index_cast %sub3A_1233 : i32 to index
        %swap3A_1235 = arith.constant 48 : index
        %swap3A_1236 = tpu.vector_load %arg16[%swap3A_1234, %swap3A_1235] {strides = array<i32>} : memref<256x64xf32, #tpu.memory_space<vmem>>, vector<16xf32>,
        tpu.vector_store %arg16[%swap3A_1234, %swap3A_1235], %gather3A_1231 {strides = array<i32>} : memref<256x64xf32, #tpu.memory_space<vmem>>, vector<16xf32>,
        %add3A_1237 = arith.constant 1 : i32
        %add3A_1238 = arith.addi %while3A_1195, %add3A_1237 : i32
        scf.yield %add3A_1238 : i32
      }
      %add3A_1177 = arith.addi %shift_right_arithmetic3A_203, %while3A_1157 : i32
      %add3A_1178 = arith.constant 8 : i32
      %add3A_1179 = arith.addi %add3A_1177, %add3A_1178 : i32
      %min3A_1180 = arith.minsi %add3A_1179, %shift_right_arithmetic3A_210 : i32
      %mul3A_1181 = arith.constant 128 : i32
      %mul3A_1182 = arith.muli %min3A_1180, %mul3A_1181 : i32
      %dma_start3A_1183 = arith.constant 0 : i32
      %dma_start3A_1184 = arith.constant 0 : i32
      %dma_start3A_1185 = tpu.memref_slice %arg15[%rem3A_1174, %dma_start3A_1183, %dma_start3A_1184] : memref<8x64x128xf32, #tpu.memory_space<vmem>> -> memref<1x64x128xf32, #tpu.memory_space<vmem>>
      %dma_start3A_1186 = tpu.memref_squeeze %dma_start3A_1185 : memref<1x64x128xf32, #tpu.memory_space<vmem>> -> memref<64x128xf32, #tpu.memory_space<vmem>>
      %dma_start3A_1187 = arith.constant 0 : i32
      %dma_start3A_1188 = tpu.memref_slice %arg6[%dma_start3A_1187, %mul3A_1182] : memref<64x1000000xf32, #tpu.memory_space<hbm>> -> memref<64x128xf32, #tpu.memory_space<hbm>>
      %dma_start3A_1189 = arith.constant 0 : i32
      %dma_start3A_1190 = arith.constant 0 : i32
      %dma_start3A_1191 = tpu.memref_slice %arg15[%rem3A_1174, %dma_start3A_1189, %dma_start3A_1190] : memref<8x64x128xf32, #tpu.memory_space<vmem>> -> memref<1x64x128xf32, #tpu.memory_space<vmem>>
      %dma_start3A_1192 = tpu.memref_squeeze %dma_start3A_1191 : memref<1x64x128xf32, #tpu.memory_space<vmem>> -> memref<64x128xf32, #tpu.memory_space<vmem>>
      %dma_start3A_1193 = arith.constant 0 : i32
      %dma_start3A_1194 = tpu.memref_slice %arg6[%dma_start3A_1193, %mul3A_1182] : memref<64x1000000xf32, #tpu.memory_space<hbm>> -> memref<64x128xf32, #tpu.memory_space<hbm>>
      tpu.enqueue_dma source(%dma_start3A_1194 : memref<64x128xf32, #tpu.memory_space<hbm>>) target(%dma_start3A_1192 : memref<64x128xf32, #tpu.memory_space<vmem>>) target_semaphore(%arg17 : memref<!tpu.dma_semaphore, #tpu.memory_space<semaphore_mem>>)
      scf.yield %while3A_1176 : i32
    }
    %dma_wait3A_370 = arith.constant 0 : i32
    %dma_wait3A_371 = arith.constant 0 : i32
    %dma_wait3A_372 = tpu.memref_slice %arg6[%dma_wait3A_370, %dma_wait3A_371] : memref<64x1000000xf32, #tpu.memory_space<hbm>> -> memref<64x1024xf32, #tpu.memory_space<hbm>>
    %dma_wait3A_373 = arith.constant 0 : i32
    %dma_wait3A_374 = arith.constant 0 : i32
    %dma_wait3A_375 = tpu.memref_slice %arg6[%dma_wait3A_373, %dma_wait3A_374] : memref<64x1000000xf32, #tpu.memory_space<hbm>> -> memref<64x1024xf32, #tpu.memory_space<hbm>>
    tpu.wait_dma2 semaphore(%arg17 : memref<!tpu.dma_semaphore, #tpu.memory_space<semaphore_mem>>) src(%dma_wait3A_375 : memref<64x1024xf32, #tpu.memory_space<hbm>>) dst(%arg15 : memref<8x64x128xf32, #tpu.memory_space<vmem>>)
    %scan3A_376 = arith.constant 0 : i32
    %scan3A_377 = arith.constant 0 : i32
    %scan3A_378 = arith.constant 256 : i32
    %scan3A_379 = arith.addi %scan3A_377, %scan3A_378 : i32
    %scan3A_380 = arith.constant 1 : i32
    %scan3A_381 = scf.for %scan3A_1157 = %scan3A_377 to %scan3A_379 step %scan3A_380 iter_args(%scan3A_1158 = %scan3A_376) -> (i32)  : i32 {
      %add3A_1159 = arith.constant 256 : i32
      %add3A_1160 = arith.addi %add3A_1159, %scan3A_1157 : i32
      %broadcast_in_dim3A_1161 = vector.broadcast %add3A_1160 : i32 to vector<16xi32>
      %gather3A_1162 = tpu.vector_load_idx %arg12[%broadcast_in_dim3A_1161] : memref<1024xi32, #tpu.memory_space<vmem>>[vector<16xi32>], vector<16xi32>,
      %slice3A_1163 = vector.extract_strided_slice %gather3A_1162 {offsets = [0], sizes = [1], strides = [1]} : vector<16xi32> to vector<1xi32>
      %squeeze3A_1164 = vector.extract %slice3A_1163[0] : i32 from vector<1xi32>
      %and3A = arith.constant 16383 : i32
      %and3A_1165 = arith.andi %squeeze3A_1164, %and3A : i32
      %shift_right_arithmetic3A_1166 = arith.constant 14 : i32
      %shift_right_arithmetic3A_1167 = arith.shrsi %squeeze3A_1164, %shift_right_arithmetic3A_1166 : i32
      %eq3A = arith.constant 0 : i32
      %eq3A_1168 = arith.cmpi eq, %shift_right_arithmetic3A_1167, %eq3A : i32
      %convert_element_type3A = arith.extui %eq3A_1168 : i1 to i32
      %cond3A = arith.constant 0 : i32
      %cond3A_1169 = arith.cmpi ne, %convert_element_type3A, %cond3A : i32
      scf.if %cond3A_1169 {
        %dma_start3A_1176 = arith.constant 0 : i32
        %dma_start3A_1177 = tpu.memref_slice %arg16[%scan3A_1157, %dma_start3A_1176] : memref<256x64xf32, #tpu.memory_space<vmem>> -> memref<1x64xf32, #tpu.memory_space<vmem>>
        %dma_start3A_1178 = arith.constant 0 : i32
        %dma_start3A_1179 = tpu.memref_slice %arg8[%and3A_1165, %dma_start3A_1178] : memref<16384x64xf32, #tpu.memory_space<hbm>> -> memref<1x64xf32, #tpu.memory_space<hbm>>
        %dma_start3A_1180 = arith.constant 0 : i32
        %dma_start3A_1181 = tpu.memref_slice %arg8[%and3A_1165, %dma_start3A_1180] : memref<16384x64xf32, #tpu.memory_space<hbm>> -> memref<1x64xf32, #tpu.memory_space<hbm>>
        %dma_start3A_1182 = arith.constant 0 : i32
        %dma_start3A_1183 = tpu.memref_slice %arg16[%scan3A_1157, %dma_start3A_1182] : memref<256x64xf32, #tpu.memory_space<vmem>> -> memref<1x64xf32, #tpu.memory_space<vmem>>
        tpu.enqueue_dma source(%dma_start3A_1183 : memref<1x64xf32, #tpu.memory_space<vmem>>) target(%dma_start3A_1181 : memref<1x64xf32, #tpu.memory_space<hbm>>) target_semaphore(%arg18 : memref<!tpu.dma_semaphore, #tpu.memory_space<semaphore_mem>>)
      } else {
      }
      %eq3A_1170 = arith.constant 1 : i32
      %eq3A_1171 = arith.cmpi eq, %shift_right_arithmetic3A_1167, %eq3A_1170 : i32
      %convert_element_type3A_1172 = arith.extui %eq3A_1171 : i1 to i32
      %cond3A_1173 = arith.constant 0 : i32
      %cond3A_1174 = arith.cmpi ne, %convert_element_type3A_1172, %cond3A_1173 : i32
      scf.if %cond3A_1174 {
        %dma_start3A_1176 = arith.constant 0 : i32
        %dma_start3A_1177 = tpu.memref_slice %arg16[%scan3A_1157, %dma_start3A_1176] : memref<256x64xf32, #tpu.memory_space<vmem>> -> memref<1x64xf32, #tpu.memory_space<vmem>>
        %dma_start3A_1178 = arith.constant 0 : i32
        %dma_start3A_1179 = tpu.memref_slice %arg10[%and3A_1165, %dma_start3A_1178] : memref<16384x64xf32, #tpu.memory_space<hbm>> -> memref<1x64xf32, #tpu.memory_space<hbm>>
        %dma_start3A_1180 = arith.constant 0 : i32
        %dma_start3A_1181 = tpu.memref_slice %arg10[%and3A_1165, %dma_start3A_1180] : memref<16384x64xf32, #tpu.memory_space<hbm>> -> memref<1x64xf32, #tpu.memory_space<hbm>>
        %dma_start3A_1182 = arith.constant 0 : i32
        %dma_start3A_1183 = tpu.memref_slice %arg16[%scan3A_1157, %dma_start3A_1182] : memref<256x64xf32, #tpu.memory_space<vmem>> -> memref<1x64xf32, #tpu.memory_space<vmem>>
        tpu.enqueue_dma source(%dma_start3A_1183 : memref<1x64xf32, #tpu.memory_space<vmem>>) target(%dma_start3A_1181 : memref<1x64xf32, #tpu.memory_space<hbm>>) target_semaphore(%arg18 : memref<!tpu.dma_semaphore, #tpu.memory_space<semaphore_mem>>)
      } else {
      }
      %scan3A_1175 = arith.constant 0 : i32
      scf.yield %scan3A_1175 : i32
    }
    %scan3A_382 = arith.constant 256 : i32
    %dma_wait3A_383 = arith.constant 0 : i32
    %dma_wait3A_384 = arith.constant 0 : i32
    %dma_wait3A_385 = tpu.memref_slice %arg8[%dma_wait3A_383, %dma_wait3A_384] : memref<16384x64xf32, #tpu.memory_space<hbm>> -> memref<256x64xf32, #tpu.memory_space<hbm>>
    %dma_wait3A_386 = arith.constant 0 : i32
    %dma_wait3A_387 = arith.constant 0 : i32
    %dma_wait3A_388 = tpu.memref_slice %arg8[%dma_wait3A_386, %dma_wait3A_387] : memref<16384x64xf32, #tpu.memory_space<hbm>> -> memref<256x64xf32, #tpu.memory_space<hbm>>
    tpu.wait_dma2 semaphore(%arg18 : memref<!tpu.dma_semaphore, #tpu.memory_space<semaphore_mem>>) src(%dma_wait3A_388 : memref<256x64xf32, #tpu.memory_space<hbm>>) dst(%arg16 : memref<256x64xf32, #tpu.memory_space<vmem>>)
    %broadcast_in_dim3A_389 = arith.constant 512 : i32
    %broadcast_in_dim3A_390 = vector.broadcast %broadcast_in_dim3A_389 : i32 to vector<16xi32>
    %gather3A_391 = tpu.vector_load_idx %arg11[%broadcast_in_dim3A_390] : memref<1040xi32, #tpu.memory_space<vmem>>[vector<16xi32>], vector<16xi32>,
    %slice3A_392 = vector.extract_strided_slice %gather3A_391 {offsets = [0], sizes = [1], strides = [1]} : vector<16xi32> to vector<1xi32>
    %squeeze3A_393 = vector.extract %slice3A_392[0] : i32 from vector<1xi32>
    %shift_right_arithmetic3A_394 = arith.constant 7 : i32
    %shift_right_arithmetic3A_395 = arith.shrsi %squeeze3A_393, %shift_right_arithmetic3A_394 : i32
    %broadcast_in_dim3A_396 = arith.constant 767 : i32
    %broadcast_in_dim3A_397 = vector.broadcast %broadcast_in_dim3A_396 : i32 to vector<16xi32>
    %gather3A_398 = tpu.vector_load_idx %arg11[%broadcast_in_dim3A_397] : memref<1040xi32, #tpu.memory_space<vmem>>[vector<16xi32>], vector<16xi32>,
    %slice3A_399 = vector.extract_strided_slice %gather3A_398 {offsets = [0], sizes = [1], strides = [1]} : vector<16xi32> to vector<1xi32>
    %squeeze3A_400 = vector.extract %slice3A_399[0] : i32 from vector<1xi32>
    %shift_right_arithmetic3A_401 = arith.constant 7 : i32
    %shift_right_arithmetic3A_402 = arith.shrsi %squeeze3A_400, %shift_right_arithmetic3A_401 : i32
    %sub3A_403 = arith.subi %shift_right_arithmetic3A_402, %shift_right_arithmetic3A_395 : i32
    %add3A_404 = arith.constant 1 : i32
    %add3A_405 = arith.addi %sub3A_403, %add3A_404 : i32
    %add3A_406 = arith.constant 0 : i32
    %add3A_407 = arith.addi %shift_right_arithmetic3A_395, %add3A_406 : i32
    %min3A_408 = arith.minsi %add3A_407, %shift_right_arithmetic3A_402 : i32
    %mul3A_409 = arith.constant 128 : i32
    %mul3A_410 = arith.muli %min3A_408, %mul3A_409 : i32
    %dma_start3A_411 = arith.constant 0 : i32
    %dma_start3A_412 = arith.constant 0 : i32
    %dma_start3A_413 = arith.constant 0 : i32
    %dma_start3A_414 = tpu.memref_slice %arg15[%dma_start3A_411, %dma_start3A_412, %dma_start3A_413] : memref<8x64x128xf32, #tpu.memory_space<vmem>> -> memref<1x64x128xf32, #tpu.memory_space<vmem>>
    %dma_start3A_415 = tpu.memref_squeeze %dma_start3A_414 : memref<1x64x128xf32, #tpu.memory_space<vmem>> -> memref<64x128xf32, #tpu.memory_space<vmem>>
    %dma_start3A_416 = arith.constant 0 : i32
    %dma_start3A_417 = tpu.memref_slice %arg6[%dma_start3A_416, %mul3A_410] : memref<64x1000000xf32, #tpu.memory_space<hbm>> -> memref<64x128xf32, #tpu.memory_space<hbm>>
    %dma_start3A_418 = arith.constant 0 : i32
    %dma_start3A_419 = arith.constant 0 : i32
    %dma_start3A_420 = tpu.memref_slice %arg15[%dma_start3A_411, %dma_start3A_418, %dma_start3A_419] : memref<8x64x128xf32, #tpu.memory_space<vmem>> -> memref<1x64x128xf32, #tpu.memory_space<vmem>>
    %dma_start3A_421 = tpu.memref_squeeze %dma_start3A_420 : memref<1x64x128xf32, #tpu.memory_space<vmem>> -> memref<64x128xf32, #tpu.memory_space<vmem>>
    %dma_start3A_422 = arith.constant 0 : i32
    %dma_start3A_423 = tpu.memref_slice %arg6[%dma_start3A_422, %mul3A_410] : memref<64x1000000xf32, #tpu.memory_space<hbm>> -> memref<64x128xf32, #tpu.memory_space<hbm>>
    tpu.enqueue_dma source(%dma_start3A_423 : memref<64x128xf32, #tpu.memory_space<hbm>>) target(%dma_start3A_421 : memref<64x128xf32, #tpu.memory_space<vmem>>) target_semaphore(%arg17 : memref<!tpu.dma_semaphore, #tpu.memory_space<semaphore_mem>>)
    %add3A_424 = arith.constant 1 : i32
    %add3A_425 = arith.addi %shift_right_arithmetic3A_395, %add3A_424 : i32
    %min3A_426 = arith.minsi %add3A_425, %shift_right_arithmetic3A_402 : i32
    %mul3A_427 = arith.constant 128 : i32
    %mul3A_428 = arith.muli %min3A_426, %mul3A_427 : i32
    %dma_start3A_429 = arith.constant 1 : i32
    %dma_start3A_430 = arith.constant 0 : i32
    %dma_start3A_431 = arith.constant 0 : i32
    %dma_start3A_432 = tpu.memref_slice %arg15[%dma_start3A_429, %dma_start3A_430, %dma_start3A_431] : memref<8x64x128xf32, #tpu.memory_space<vmem>> -> memref<1x64x128xf32, #tpu.memory_space<vmem>>
    %dma_start3A_433 = tpu.memref_squeeze %dma_start3A_432 : memref<1x64x128xf32, #tpu.memory_space<vmem>> -> memref<64x128xf32, #tpu.memory_space<vmem>>
    %dma_start3A_434 = arith.constant 0 : i32
    %dma_start3A_435 = tpu.memref_slice %arg6[%dma_start3A_434, %mul3A_428] : memref<64x1000000xf32, #tpu.memory_space<hbm>> -> memref<64x128xf32, #tpu.memory_space<hbm>>
    %dma_start3A_436 = arith.constant 0 : i32
    %dma_start3A_437 = arith.constant 0 : i32
    %dma_start3A_438 = tpu.memref_slice %arg15[%dma_start3A_429, %dma_start3A_436, %dma_start3A_437] : memref<8x64x128xf32, #tpu.memory_space<vmem>> -> memref<1x64x128xf32, #tpu.memory_space<vmem>>
    %dma_start3A_439 = tpu.memref_squeeze %dma_start3A_438 : memref<1x64x128xf32, #tpu.memory_space<vmem>> -> memref<64x128xf32, #tpu.memory_space<vmem>>
    %dma_start3A_440 = arith.constant 0 : i32
    %dma_start3A_441 = tpu.memref_slice %arg6[%dma_start3A_440, %mul3A_428] : memref<64x1000000xf32, #tpu.memory_space<hbm>> -> memref<64x128xf32, #tpu.memory_space<hbm>>
    tpu.enqueue_dma source(%dma_start3A_441 : memref<64x128xf32, #tpu.memory_space<hbm>>) target(%dma_start3A_439 : memref<64x128xf32, #tpu.memory_space<vmem>>) target_semaphore(%arg17 : memref<!tpu.dma_semaphore, #tpu.memory_space<semaphore_mem>>)
    %add3A_442 = arith.constant 2 : i32
    %add3A_443 = arith.addi %shift_right_arithmetic3A_395, %add3A_442 : i32
    %min3A_444 = arith.minsi %add3A_443, %shift_right_arithmetic3A_402 : i32
    %mul3A_445 = arith.constant 128 : i32
    %mul3A_446 = arith.muli %min3A_444, %mul3A_445 : i32
    %dma_start3A_447 = arith.constant 2 : i32
    %dma_start3A_448 = arith.constant 0 : i32
    %dma_start3A_449 = arith.constant 0 : i32
    %dma_start3A_450 = tpu.memref_slice %arg15[%dma_start3A_447, %dma_start3A_448, %dma_start3A_449] : memref<8x64x128xf32, #tpu.memory_space<vmem>> -> memref<1x64x128xf32, #tpu.memory_space<vmem>>
    %dma_start3A_451 = tpu.memref_squeeze %dma_start3A_450 : memref<1x64x128xf32, #tpu.memory_space<vmem>> -> memref<64x128xf32, #tpu.memory_space<vmem>>
    %dma_start3A_452 = arith.constant 0 : i32
    %dma_start3A_453 = tpu.memref_slice %arg6[%dma_start3A_452, %mul3A_446] : memref<64x1000000xf32, #tpu.memory_space<hbm>> -> memref<64x128xf32, #tpu.memory_space<hbm>>
    %dma_start3A_454 = arith.constant 0 : i32
    %dma_start3A_455 = arith.constant 0 : i32
    %dma_start3A_456 = tpu.memref_slice %arg15[%dma_start3A_447, %dma_start3A_454, %dma_start3A_455] : memref<8x64x128xf32, #tpu.memory_space<vmem>> -> memref<1x64x128xf32, #tpu.memory_space<vmem>>
    %dma_start3A_457 = tpu.memref_squeeze %dma_start3A_456 : memref<1x64x128xf32, #tpu.memory_space<vmem>> -> memref<64x128xf32, #tpu.memory_space<vmem>>
    %dma_start3A_458 = arith.constant 0 : i32
    %dma_start3A_459 = tpu.memref_slice %arg6[%dma_start3A_458, %mul3A_446] : memref<64x1000000xf32, #tpu.memory_space<hbm>> -> memref<64x128xf32, #tpu.memory_space<hbm>>
    tpu.enqueue_dma source(%dma_start3A_459 : memref<64x128xf32, #tpu.memory_space<hbm>>) target(%dma_start3A_457 : memref<64x128xf32, #tpu.memory_space<vmem>>) target_semaphore(%arg17 : memref<!tpu.dma_semaphore, #tpu.memory_space<semaphore_mem>>)
    %add3A_460 = arith.constant 3 : i32
    %add3A_461 = arith.addi %shift_right_arithmetic3A_395, %add3A_460 : i32
    %min3A_462 = arith.minsi %add3A_461, %shift_right_arithmetic3A_402 : i32
    %mul3A_463 = arith.constant 128 : i32
    %mul3A_464 = arith.muli %min3A_462, %mul3A_463 : i32
    %dma_start3A_465 = arith.constant 3 : i32
    %dma_start3A_466 = arith.constant 0 : i32
    %dma_start3A_467 = arith.constant 0 : i32
    %dma_start3A_468 = tpu.memref_slice %arg15[%dma_start3A_465, %dma_start3A_466, %dma_start3A_467] : memref<8x64x128xf32, #tpu.memory_space<vmem>> -> memref<1x64x128xf32, #tpu.memory_space<vmem>>
    %dma_start3A_469 = tpu.memref_squeeze %dma_start3A_468 : memref<1x64x128xf32, #tpu.memory_space<vmem>> -> memref<64x128xf32, #tpu.memory_space<vmem>>
    %dma_start3A_470 = arith.constant 0 : i32
    %dma_start3A_471 = tpu.memref_slice %arg6[%dma_start3A_470, %mul3A_464] : memref<64x1000000xf32, #tpu.memory_space<hbm>> -> memref<64x128xf32, #tpu.memory_space<hbm>>
    %dma_start3A_472 = arith.constant 0 : i32
    %dma_start3A_473 = arith.constant 0 : i32
    %dma_start3A_474 = tpu.memref_slice %arg15[%dma_start3A_465, %dma_start3A_472, %dma_start3A_473] : memref<8x64x128xf32, #tpu.memory_space<vmem>> -> memref<1x64x128xf32, #tpu.memory_space<vmem>>
    %dma_start3A_475 = tpu.memref_squeeze %dma_start3A_474 : memref<1x64x128xf32, #tpu.memory_space<vmem>> -> memref<64x128xf32, #tpu.memory_space<vmem>>
    %dma_start3A_476 = arith.constant 0 : i32
    %dma_start3A_477 = tpu.memref_slice %arg6[%dma_start3A_476, %mul3A_464] : memref<64x1000000xf32, #tpu.memory_space<hbm>> -> memref<64x128xf32, #tpu.memory_space<hbm>>
    tpu.enqueue_dma source(%dma_start3A_477 : memref<64x128xf32, #tpu.memory_space<hbm>>) target(%dma_start3A_475 : memref<64x128xf32, #tpu.memory_space<vmem>>) target_semaphore(%arg17 : memref<!tpu.dma_semaphore, #tpu.memory_space<semaphore_mem>>)
    %add3A_478 = arith.constant 4 : i32
    %add3A_479 = arith.addi %shift_right_arithmetic3A_395, %add3A_478 : i32
    %min3A_480 = arith.minsi %add3A_479, %shift_right_arithmetic3A_402 : i32
    %mul3A_481 = arith.constant 128 : i32
    %mul3A_482 = arith.muli %min3A_480, %mul3A_481 : i32
    %dma_start3A_483 = arith.constant 4 : i32
    %dma_start3A_484 = arith.constant 0 : i32
    %dma_start3A_485 = arith.constant 0 : i32
    %dma_start3A_486 = tpu.memref_slice %arg15[%dma_start3A_483, %dma_start3A_484, %dma_start3A_485] : memref<8x64x128xf32, #tpu.memory_space<vmem>> -> memref<1x64x128xf32, #tpu.memory_space<vmem>>
    %dma_start3A_487 = tpu.memref_squeeze %dma_start3A_486 : memref<1x64x128xf32, #tpu.memory_space<vmem>> -> memref<64x128xf32, #tpu.memory_space<vmem>>
    %dma_start3A_488 = arith.constant 0 : i32
    %dma_start3A_489 = tpu.memref_slice %arg6[%dma_start3A_488, %mul3A_482] : memref<64x1000000xf32, #tpu.memory_space<hbm>> -> memref<64x128xf32, #tpu.memory_space<hbm>>
    %dma_start3A_490 = arith.constant 0 : i32
    %dma_start3A_491 = arith.constant 0 : i32
    %dma_start3A_492 = tpu.memref_slice %arg15[%dma_start3A_483, %dma_start3A_490, %dma_start3A_491] : memref<8x64x128xf32, #tpu.memory_space<vmem>> -> memref<1x64x128xf32, #tpu.memory_space<vmem>>
    %dma_start3A_493 = tpu.memref_squeeze %dma_start3A_492 : memref<1x64x128xf32, #tpu.memory_space<vmem>> -> memref<64x128xf32, #tpu.memory_space<vmem>>
    %dma_start3A_494 = arith.constant 0 : i32
    %dma_start3A_495 = tpu.memref_slice %arg6[%dma_start3A_494, %mul3A_482] : memref<64x1000000xf32, #tpu.memory_space<hbm>> -> memref<64x128xf32, #tpu.memory_space<hbm>>
    tpu.enqueue_dma source(%dma_start3A_495 : memref<64x128xf32, #tpu.memory_space<hbm>>) target(%dma_start3A_493 : memref<64x128xf32, #tpu.memory_space<vmem>>) target_semaphore(%arg17 : memref<!tpu.dma_semaphore, #tpu.memory_space<semaphore_mem>>)
    %add3A_496 = arith.constant 5 : i32
    %add3A_497 = arith.addi %shift_right_arithmetic3A_395, %add3A_496 : i32
    %min3A_498 = arith.minsi %add3A_497, %shift_right_arithmetic3A_402 : i32
    %mul3A_499 = arith.constant 128 : i32
    %mul3A_500 = arith.muli %min3A_498, %mul3A_499 : i32
    %dma_start3A_501 = arith.constant 5 : i32
    %dma_start3A_502 = arith.constant 0 : i32
    %dma_start3A_503 = arith.constant 0 : i32
    %dma_start3A_504 = tpu.memref_slice %arg15[%dma_start3A_501, %dma_start3A_502, %dma_start3A_503] : memref<8x64x128xf32, #tpu.memory_space<vmem>> -> memref<1x64x128xf32, #tpu.memory_space<vmem>>
    %dma_start3A_505 = tpu.memref_squeeze %dma_start3A_504 : memref<1x64x128xf32, #tpu.memory_space<vmem>> -> memref<64x128xf32, #tpu.memory_space<vmem>>
    %dma_start3A_506 = arith.constant 0 : i32
    %dma_start3A_507 = tpu.memref_slice %arg6[%dma_start3A_506, %mul3A_500] : memref<64x1000000xf32, #tpu.memory_space<hbm>> -> memref<64x128xf32, #tpu.memory_space<hbm>>
    %dma_start3A_508 = arith.constant 0 : i32
    %dma_start3A_509 = arith.constant 0 : i32
    %dma_start3A_510 = tpu.memref_slice %arg15[%dma_start3A_501, %dma_start3A_508, %dma_start3A_509] : memref<8x64x128xf32, #tpu.memory_space<vmem>> -> memref<1x64x128xf32, #tpu.memory_space<vmem>>
    %dma_start3A_511 = tpu.memref_squeeze %dma_start3A_510 : memref<1x64x128xf32, #tpu.memory_space<vmem>> -> memref<64x128xf32, #tpu.memory_space<vmem>>
    %dma_start3A_512 = arith.constant 0 : i32
    %dma_start3A_513 = tpu.memref_slice %arg6[%dma_start3A_512, %mul3A_500] : memref<64x1000000xf32, #tpu.memory_space<hbm>> -> memref<64x128xf32, #tpu.memory_space<hbm>>
    tpu.enqueue_dma source(%dma_start3A_513 : memref<64x128xf32, #tpu.memory_space<hbm>>) target(%dma_start3A_511 : memref<64x128xf32, #tpu.memory_space<vmem>>) target_semaphore(%arg17 : memref<!tpu.dma_semaphore, #tpu.memory_space<semaphore_mem>>)
    %add3A_514 = arith.constant 6 : i32
    %add3A_515 = arith.addi %shift_right_arithmetic3A_395, %add3A_514 : i32
    %min3A_516 = arith.minsi %add3A_515, %shift_right_arithmetic3A_402 : i32
    %mul3A_517 = arith.constant 128 : i32
    %mul3A_518 = arith.muli %min3A_516, %mul3A_517 : i32
    %dma_start3A_519 = arith.constant 6 : i32
    %dma_start3A_520 = arith.constant 0 : i32
    %dma_start3A_521 = arith.constant 0 : i32
    %dma_start3A_522 = tpu.memref_slice %arg15[%dma_start3A_519, %dma_start3A_520, %dma_start3A_521] : memref<8x64x128xf32, #tpu.memory_space<vmem>> -> memref<1x64x128xf32, #tpu.memory_space<vmem>>
    %dma_start3A_523 = tpu.memref_squeeze %dma_start3A_522 : memref<1x64x128xf32, #tpu.memory_space<vmem>> -> memref<64x128xf32, #tpu.memory_space<vmem>>
    %dma_start3A_524 = arith.constant 0 : i32
    %dma_start3A_525 = tpu.memref_slice %arg6[%dma_start3A_524, %mul3A_518] : memref<64x1000000xf32, #tpu.memory_space<hbm>> -> memref<64x128xf32, #tpu.memory_space<hbm>>
    %dma_start3A_526 = arith.constant 0 : i32
    %dma_start3A_527 = arith.constant 0 : i32
    %dma_start3A_528 = tpu.memref_slice %arg15[%dma_start3A_519, %dma_start3A_526, %dma_start3A_527] : memref<8x64x128xf32, #tpu.memory_space<vmem>> -> memref<1x64x128xf32, #tpu.memory_space<vmem>>
    %dma_start3A_529 = tpu.memref_squeeze %dma_start3A_528 : memref<1x64x128xf32, #tpu.memory_space<vmem>> -> memref<64x128xf32, #tpu.memory_space<vmem>>
    %dma_start3A_530 = arith.constant 0 : i32
    %dma_start3A_531 = tpu.memref_slice %arg6[%dma_start3A_530, %mul3A_518] : memref<64x1000000xf32, #tpu.memory_space<hbm>> -> memref<64x128xf32, #tpu.memory_space<hbm>>
    tpu.enqueue_dma source(%dma_start3A_531 : memref<64x128xf32, #tpu.memory_space<hbm>>) target(%dma_start3A_529 : memref<64x128xf32, #tpu.memory_space<vmem>>) target_semaphore(%arg17 : memref<!tpu.dma_semaphore, #tpu.memory_space<semaphore_mem>>)
    %add3A_532 = arith.constant 7 : i32
    %add3A_533 = arith.addi %shift_right_arithmetic3A_395, %add3A_532 : i32
    %min3A_534 = arith.minsi %add3A_533, %shift_right_arithmetic3A_402 : i32
    %mul3A_535 = arith.constant 128 : i32
    %mul3A_536 = arith.muli %min3A_534, %mul3A_535 : i32
    %dma_start3A_537 = arith.constant 7 : i32
    %dma_start3A_538 = arith.constant 0 : i32
    %dma_start3A_539 = arith.constant 0 : i32
    %dma_start3A_540 = tpu.memref_slice %arg15[%dma_start3A_537, %dma_start3A_538, %dma_start3A_539] : memref<8x64x128xf32, #tpu.memory_space<vmem>> -> memref<1x64x128xf32, #tpu.memory_space<vmem>>
    %dma_start3A_541 = tpu.memref_squeeze %dma_start3A_540 : memref<1x64x128xf32, #tpu.memory_space<vmem>> -> memref<64x128xf32, #tpu.memory_space<vmem>>
    %dma_start3A_542 = arith.constant 0 : i32
    %dma_start3A_543 = tpu.memref_slice %arg6[%dma_start3A_542, %mul3A_536] : memref<64x1000000xf32, #tpu.memory_space<hbm>> -> memref<64x128xf32, #tpu.memory_space<hbm>>
    %dma_start3A_544 = arith.constant 0 : i32
    %dma_start3A_545 = arith.constant 0 : i32
    %dma_start3A_546 = tpu.memref_slice %arg15[%dma_start3A_537, %dma_start3A_544, %dma_start3A_545] : memref<8x64x128xf32, #tpu.memory_space<vmem>> -> memref<1x64x128xf32, #tpu.memory_space<vmem>>
    %dma_start3A_547 = tpu.memref_squeeze %dma_start3A_546 : memref<1x64x128xf32, #tpu.memory_space<vmem>> -> memref<64x128xf32, #tpu.memory_space<vmem>>
    %dma_start3A_548 = arith.constant 0 : i32
    %dma_start3A_549 = tpu.memref_slice %arg6[%dma_start3A_548, %mul3A_536] : memref<64x1000000xf32, #tpu.memory_space<hbm>> -> memref<64x128xf32, #tpu.memory_space<hbm>>
    tpu.enqueue_dma source(%dma_start3A_549 : memref<64x128xf32, #tpu.memory_space<hbm>>) target(%dma_start3A_547 : memref<64x128xf32, #tpu.memory_space<vmem>>) target_semaphore(%arg17 : memref<!tpu.dma_semaphore, #tpu.memory_space<semaphore_mem>>)
    %while3A_550 = arith.constant 0 : i32
    %while3A_551 = arith.constant 512 : i32
    %while3A_552 = arith.subi %add3A_405, %while3A_550 : i32
    %while3A_553 = arith.addi %while3A_550, %while3A_552 : i32
    %while3A_554 = arith.constant 1 : i32
    %while3A_555 = arith.divsi %while3A_552, %while3A_554 : i32
    %while3A_556 = arith.muli %while3A_555, %while3A_554 : i32
    %while3A_557 = arith.addi %while3A_550, %while3A_556 : i32
    %while3A_558 = arith.constant 1 : i32
    %while3A_559 = scf.for %while3A_1157 = %while3A_550 to %while3A_557 step %while3A_558 iter_args(%while3A_1158 = %while3A_551) -> (i32)  : i32 {
      %dma_wait3A_1159 = arith.constant 0 : i32
      %dma_wait3A_1160 = arith.constant 0 : i32
      %dma_wait3A_1161 = arith.constant 0 : i32
      %dma_wait3A_1162 = tpu.memref_slice %arg15[%dma_wait3A_1159, %dma_wait3A_1160, %dma_wait3A_1161] : memref<8x64x128xf32, #tpu.memory_space<vmem>> -> memref<1x64x128xf32, #tpu.memory_space<vmem>>
      %dma_wait3A_1163 = tpu.memref_squeeze %dma_wait3A_1162 : memref<1x64x128xf32, #tpu.memory_space<vmem>> -> memref<64x128xf32, #tpu.memory_space<vmem>>
      %dma_wait3A_1164 = arith.constant 0 : i32
      %dma_wait3A_1165 = arith.constant 0 : i32
      %dma_wait3A_1166 = tpu.memref_slice %arg6[%dma_wait3A_1164, %dma_wait3A_1165] : memref<64x1000000xf32, #tpu.memory_space<hbm>> -> memref<64x128xf32, #tpu.memory_space<hbm>>
      %dma_wait3A_1167 = arith.constant 0 : i32
      %dma_wait3A_1168 = arith.constant 0 : i32
      %dma_wait3A_1169 = tpu.memref_slice %arg15[%dma_wait3A_1159, %dma_wait3A_1167, %dma_wait3A_1168] : memref<8x64x128xf32, #tpu.memory_space<vmem>> -> memref<1x64x128xf32, #tpu.memory_space<vmem>>
      %dma_wait3A_1170 = tpu.memref_squeeze %dma_wait3A_1169 : memref<1x64x128xf32, #tpu.memory_space<vmem>> -> memref<64x128xf32, #tpu.memory_space<vmem>>
      %dma_wait3A_1171 = arith.constant 0 : i32
      %dma_wait3A_1172 = arith.constant 0 : i32
      %dma_wait3A_1173 = tpu.memref_slice %arg6[%dma_wait3A_1171, %dma_wait3A_1172] : memref<64x1000000xf32, #tpu.memory_space<hbm>> -> memref<64x128xf32, #tpu.memory_space<hbm>>
      tpu.wait_dma2 semaphore(%arg17 : memref<!tpu.dma_semaphore, #tpu.memory_space<semaphore_mem>>) src(%dma_wait3A_1173 : memref<64x128xf32, #tpu.memory_space<hbm>>) dst(%dma_wait3A_1170 : memref<64x128xf32, #tpu.memory_space<vmem>>)
      %rem3A = arith.constant 8 : i32
      %rem3A_1174 = arith.remsi %while3A_1157, %rem3A : i32
      %add3A_1175 = arith.addi %shift_right_arithmetic3A_395, %while3A_1157 : i32
      %while3A_1176 = scf.while (%while3A_1195 = %while3A_1158) : (i32) -> i32 {
        %lt3A = arith.constant 768 : i32
        %lt3A_1196 = arith.cmpi slt, %while3A_1195, %lt3A : i32
        %broadcast_in_dim3A_1197 = vector.broadcast %while3A_1195 : i32 to vector<16xi32>
        %gather3A_1198 = tpu.vector_load_idx %arg11[%broadcast_in_dim3A_1197] : memref<1040xi32, #tpu.memory_space<vmem>>[vector<16xi32>], vector<16xi32>,
        %slice3A_1199 = vector.extract_strided_slice %gather3A_1198 {offsets = [0], sizes = [1], strides = [1]} : vector<16xi32> to vector<1xi32>
        %squeeze3A_1200 = vector.extract %slice3A_1199[0] : i32 from vector<1xi32>
        %shift_right_arithmetic3A_1201 = arith.constant 7 : i32
        %shift_right_arithmetic3A_1202 = arith.shrsi %squeeze3A_1200, %shift_right_arithmetic3A_1201 : i32
        %eq3A = arith.cmpi eq, %shift_right_arithmetic3A_1202, %add3A_1175 : i32
        %and3A = arith.andi %lt3A_1196, %eq3A : i1
        scf.condition(%and3A) %while3A_1195 : i32
      } do {
      ^bb0(%while3A_1195: i32):
        %broadcast_in_dim3A_1196 = vector.broadcast %while3A_1195 : i32 to vector<16xi32>
        %gather3A_1197 = tpu.vector_load_idx %arg11[%broadcast_in_dim3A_1196] : memref<1040xi32, #tpu.memory_space<vmem>>[vector<16xi32>], vector<16xi32>,
        %and3A = arith.constant 127 : i32
        %and3A_1198 = vector.broadcast %and3A : i32 to vector<16xi32>
        %and3A_1199 = arith.andi %gather3A_1197, %and3A_1198 : vector<16xi32>
        %broadcast_in_dim3A_1200 = vector.broadcast %rem3A_1174 : i32 to vector<16xi32>
        %add3A_1201 = arith.constant 0 : i32
        %add3A_1202 = vector.broadcast %add3A_1201 : i32 to vector<16xi32>
        %add3A_1203 = arith.addi %iota3A, %add3A_1202 : vector<16xi32>
        %gather3A_1204 = tpu.vector_load_idx %arg15[%broadcast_in_dim3A_1200, %add3A_1203, %and3A_1199] : memref<8x64x128xf32, #tpu.memory_space<vmem>>[vector<16xi32>, vector<16xi32>, vector<16xi32>], vector<16xf32>,
        %sub3A_1205 = arith.constant 512 : i32
        %sub3A_1206 = arith.subi %while3A_1195, %sub3A_1205 : i32
        %swap3A_1207 = arith.index_cast %sub3A_1206 : i32 to index
        %swap3A_1208 = arith.constant 0 : index
        %swap3A_1209 = tpu.vector_load %arg16[%swap3A_1207, %swap3A_1208] {strides = array<i32>} : memref<256x64xf32, #tpu.memory_space<vmem>>, vector<16xf32>,
        tpu.vector_store %arg16[%swap3A_1207, %swap3A_1208], %gather3A_1204 {strides = array<i32>} : memref<256x64xf32, #tpu.memory_space<vmem>>, vector<16xf32>,
        %add3A_1210 = arith.constant 16 : i32
        %add3A_1211 = vector.broadcast %add3A_1210 : i32 to vector<16xi32>
        %add3A_1212 = arith.addi %iota3A, %add3A_1211 : vector<16xi32>
        %gather3A_1213 = tpu.vector_load_idx %arg15[%broadcast_in_dim3A_1200, %add3A_1212, %and3A_1199] : memref<8x64x128xf32, #tpu.memory_space<vmem>>[vector<16xi32>, vector<16xi32>, vector<16xi32>], vector<16xf32>,
        %sub3A_1214 = arith.constant 512 : i32
        %sub3A_1215 = arith.subi %while3A_1195, %sub3A_1214 : i32
        %swap3A_1216 = arith.index_cast %sub3A_1215 : i32 to index
        %swap3A_1217 = arith.constant 16 : index
        %swap3A_1218 = tpu.vector_load %arg16[%swap3A_1216, %swap3A_1217] {strides = array<i32>} : memref<256x64xf32, #tpu.memory_space<vmem>>, vector<16xf32>,
        tpu.vector_store %arg16[%swap3A_1216, %swap3A_1217], %gather3A_1213 {strides = array<i32>} : memref<256x64xf32, #tpu.memory_space<vmem>>, vector<16xf32>,
        %add3A_1219 = arith.constant 32 : i32
        %add3A_1220 = vector.broadcast %add3A_1219 : i32 to vector<16xi32>
        %add3A_1221 = arith.addi %iota3A, %add3A_1220 : vector<16xi32>
        %gather3A_1222 = tpu.vector_load_idx %arg15[%broadcast_in_dim3A_1200, %add3A_1221, %and3A_1199] : memref<8x64x128xf32, #tpu.memory_space<vmem>>[vector<16xi32>, vector<16xi32>, vector<16xi32>], vector<16xf32>,
        %sub3A_1223 = arith.constant 512 : i32
        %sub3A_1224 = arith.subi %while3A_1195, %sub3A_1223 : i32
        %swap3A_1225 = arith.index_cast %sub3A_1224 : i32 to index
        %swap3A_1226 = arith.constant 32 : index
        %swap3A_1227 = tpu.vector_load %arg16[%swap3A_1225, %swap3A_1226] {strides = array<i32>} : memref<256x64xf32, #tpu.memory_space<vmem>>, vector<16xf32>,
        tpu.vector_store %arg16[%swap3A_1225, %swap3A_1226], %gather3A_1222 {strides = array<i32>} : memref<256x64xf32, #tpu.memory_space<vmem>>, vector<16xf32>,
        %add3A_1228 = arith.constant 48 : i32
        %add3A_1229 = vector.broadcast %add3A_1228 : i32 to vector<16xi32>
        %add3A_1230 = arith.addi %iota3A, %add3A_1229 : vector<16xi32>
        %gather3A_1231 = tpu.vector_load_idx %arg15[%broadcast_in_dim3A_1200, %add3A_1230, %and3A_1199] : memref<8x64x128xf32, #tpu.memory_space<vmem>>[vector<16xi32>, vector<16xi32>, vector<16xi32>], vector<16xf32>,
        %sub3A_1232 = arith.constant 512 : i32
        %sub3A_1233 = arith.subi %while3A_1195, %sub3A_1232 : i32
        %swap3A_1234 = arith.index_cast %sub3A_1233 : i32 to index
        %swap3A_1235 = arith.constant 48 : index
        %swap3A_1236 = tpu.vector_load %arg16[%swap3A_1234, %swap3A_1235] {strides = array<i32>} : memref<256x64xf32, #tpu.memory_space<vmem>>, vector<16xf32>,
        tpu.vector_store %arg16[%swap3A_1234, %swap3A_1235], %gather3A_1231 {strides = array<i32>} : memref<256x64xf32, #tpu.memory_space<vmem>>, vector<16xf32>,
        %add3A_1237 = arith.constant 1 : i32
        %add3A_1238 = arith.addi %while3A_1195, %add3A_1237 : i32
        scf.yield %add3A_1238 : i32
      }
      %add3A_1177 = arith.addi %shift_right_arithmetic3A_395, %while3A_1157 : i32
      %add3A_1178 = arith.constant 8 : i32
      %add3A_1179 = arith.addi %add3A_1177, %add3A_1178 : i32
      %min3A_1180 = arith.minsi %add3A_1179, %shift_right_arithmetic3A_402 : i32
      %mul3A_1181 = arith.constant 128 : i32
      %mul3A_1182 = arith.muli %min3A_1180, %mul3A_1181 : i32
      %dma_start3A_1183 = arith.constant 0 : i32
      %dma_start3A_1184 = arith.constant 0 : i32
      %dma_start3A_1185 = tpu.memref_slice %arg15[%rem3A_1174, %dma_start3A_1183, %dma_start3A_1184] : memref<8x64x128xf32, #tpu.memory_space<vmem>> -> memref<1x64x128xf32, #tpu.memory_space<vmem>>
      %dma_start3A_1186 = tpu.memref_squeeze %dma_start3A_1185 : memref<1x64x128xf32, #tpu.memory_space<vmem>> -> memref<64x128xf32, #tpu.memory_space<vmem>>
      %dma_start3A_1187 = arith.constant 0 : i32
      %dma_start3A_1188 = tpu.memref_slice %arg6[%dma_start3A_1187, %mul3A_1182] : memref<64x1000000xf32, #tpu.memory_space<hbm>> -> memref<64x128xf32, #tpu.memory_space<hbm>>
      %dma_start3A_1189 = arith.constant 0 : i32
      %dma_start3A_1190 = arith.constant 0 : i32
      %dma_start3A_1191 = tpu.memref_slice %arg15[%rem3A_1174, %dma_start3A_1189, %dma_start3A_1190] : memref<8x64x128xf32, #tpu.memory_space<vmem>> -> memref<1x64x128xf32, #tpu.memory_space<vmem>>
      %dma_start3A_1192 = tpu.memref_squeeze %dma_start3A_1191 : memref<1x64x128xf32, #tpu.memory_space<vmem>> -> memref<64x128xf32, #tpu.memory_space<vmem>>
      %dma_start3A_1193 = arith.constant 0 : i32
      %dma_start3A_1194 = tpu.memref_slice %arg6[%dma_start3A_1193, %mul3A_1182] : memref<64x1000000xf32, #tpu.memory_space<hbm>> -> memref<64x128xf32, #tpu.memory_space<hbm>>
      tpu.enqueue_dma source(%dma_start3A_1194 : memref<64x128xf32, #tpu.memory_space<hbm>>) target(%dma_start3A_1192 : memref<64x128xf32, #tpu.memory_space<vmem>>) target_semaphore(%arg17 : memref<!tpu.dma_semaphore, #tpu.memory_space<semaphore_mem>>)
      scf.yield %while3A_1176 : i32
    }
    %while3A_560 = arith.constant 1 : i32
    %while3A_561 = scf.for %while3A_1157 = %while3A_557 to %while3A_553 step %while3A_560 iter_args(%while3A_1158 = %while3A_559) -> (i32)  : i32 {
      %dma_wait3A_1159 = arith.constant 0 : i32
      %dma_wait3A_1160 = arith.constant 0 : i32
      %dma_wait3A_1161 = arith.constant 0 : i32
      %dma_wait3A_1162 = tpu.memref_slice %arg15[%dma_wait3A_1159, %dma_wait3A_1160, %dma_wait3A_1161] : memref<8x64x128xf32, #tpu.memory_space<vmem>> -> memref<1x64x128xf32, #tpu.memory_space<vmem>>
      %dma_wait3A_1163 = tpu.memref_squeeze %dma_wait3A_1162 : memref<1x64x128xf32, #tpu.memory_space<vmem>> -> memref<64x128xf32, #tpu.memory_space<vmem>>
      %dma_wait3A_1164 = arith.constant 0 : i32
      %dma_wait3A_1165 = arith.constant 0 : i32
      %dma_wait3A_1166 = tpu.memref_slice %arg6[%dma_wait3A_1164, %dma_wait3A_1165] : memref<64x1000000xf32, #tpu.memory_space<hbm>> -> memref<64x128xf32, #tpu.memory_space<hbm>>
      %dma_wait3A_1167 = arith.constant 0 : i32
      %dma_wait3A_1168 = arith.constant 0 : i32
      %dma_wait3A_1169 = tpu.memref_slice %arg15[%dma_wait3A_1159, %dma_wait3A_1167, %dma_wait3A_1168] : memref<8x64x128xf32, #tpu.memory_space<vmem>> -> memref<1x64x128xf32, #tpu.memory_space<vmem>>
      %dma_wait3A_1170 = tpu.memref_squeeze %dma_wait3A_1169 : memref<1x64x128xf32, #tpu.memory_space<vmem>> -> memref<64x128xf32, #tpu.memory_space<vmem>>
      %dma_wait3A_1171 = arith.constant 0 : i32
      %dma_wait3A_1172 = arith.constant 0 : i32
      %dma_wait3A_1173 = tpu.memref_slice %arg6[%dma_wait3A_1171, %dma_wait3A_1172] : memref<64x1000000xf32, #tpu.memory_space<hbm>> -> memref<64x128xf32, #tpu.memory_space<hbm>>
      tpu.wait_dma2 semaphore(%arg17 : memref<!tpu.dma_semaphore, #tpu.memory_space<semaphore_mem>>) src(%dma_wait3A_1173 : memref<64x128xf32, #tpu.memory_space<hbm>>) dst(%dma_wait3A_1170 : memref<64x128xf32, #tpu.memory_space<vmem>>)
      %rem3A = arith.constant 8 : i32
      %rem3A_1174 = arith.remsi %while3A_1157, %rem3A : i32
      %add3A_1175 = arith.addi %shift_right_arithmetic3A_395, %while3A_1157 : i32
      %while3A_1176 = scf.while (%while3A_1195 = %while3A_1158) : (i32) -> i32 {
        %lt3A = arith.constant 768 : i32
        %lt3A_1196 = arith.cmpi slt, %while3A_1195, %lt3A : i32
        %broadcast_in_dim3A_1197 = vector.broadcast %while3A_1195 : i32 to vector<16xi32>
        %gather3A_1198 = tpu.vector_load_idx %arg11[%broadcast_in_dim3A_1197] : memref<1040xi32, #tpu.memory_space<vmem>>[vector<16xi32>], vector<16xi32>,
        %slice3A_1199 = vector.extract_strided_slice %gather3A_1198 {offsets = [0], sizes = [1], strides = [1]} : vector<16xi32> to vector<1xi32>
        %squeeze3A_1200 = vector.extract %slice3A_1199[0] : i32 from vector<1xi32>
        %shift_right_arithmetic3A_1201 = arith.constant 7 : i32
        %shift_right_arithmetic3A_1202 = arith.shrsi %squeeze3A_1200, %shift_right_arithmetic3A_1201 : i32
        %eq3A = arith.cmpi eq, %shift_right_arithmetic3A_1202, %add3A_1175 : i32
        %and3A = arith.andi %lt3A_1196, %eq3A : i1
        scf.condition(%and3A) %while3A_1195 : i32
      } do {
      ^bb0(%while3A_1195: i32):
        %broadcast_in_dim3A_1196 = vector.broadcast %while3A_1195 : i32 to vector<16xi32>
        %gather3A_1197 = tpu.vector_load_idx %arg11[%broadcast_in_dim3A_1196] : memref<1040xi32, #tpu.memory_space<vmem>>[vector<16xi32>], vector<16xi32>,
        %and3A = arith.constant 127 : i32
        %and3A_1198 = vector.broadcast %and3A : i32 to vector<16xi32>
        %and3A_1199 = arith.andi %gather3A_1197, %and3A_1198 : vector<16xi32>
        %broadcast_in_dim3A_1200 = vector.broadcast %rem3A_1174 : i32 to vector<16xi32>
        %add3A_1201 = arith.constant 0 : i32
        %add3A_1202 = vector.broadcast %add3A_1201 : i32 to vector<16xi32>
        %add3A_1203 = arith.addi %iota3A, %add3A_1202 : vector<16xi32>
        %gather3A_1204 = tpu.vector_load_idx %arg15[%broadcast_in_dim3A_1200, %add3A_1203, %and3A_1199] : memref<8x64x128xf32, #tpu.memory_space<vmem>>[vector<16xi32>, vector<16xi32>, vector<16xi32>], vector<16xf32>,
        %sub3A_1205 = arith.constant 512 : i32
        %sub3A_1206 = arith.subi %while3A_1195, %sub3A_1205 : i32
        %swap3A_1207 = arith.index_cast %sub3A_1206 : i32 to index
        %swap3A_1208 = arith.constant 0 : index
        %swap3A_1209 = tpu.vector_load %arg16[%swap3A_1207, %swap3A_1208] {strides = array<i32>} : memref<256x64xf32, #tpu.memory_space<vmem>>, vector<16xf32>,
        tpu.vector_store %arg16[%swap3A_1207, %swap3A_1208], %gather3A_1204 {strides = array<i32>} : memref<256x64xf32, #tpu.memory_space<vmem>>, vector<16xf32>,
        %add3A_1210 = arith.constant 16 : i32
        %add3A_1211 = vector.broadcast %add3A_1210 : i32 to vector<16xi32>
        %add3A_1212 = arith.addi %iota3A, %add3A_1211 : vector<16xi32>
        %gather3A_1213 = tpu.vector_load_idx %arg15[%broadcast_in_dim3A_1200, %add3A_1212, %and3A_1199] : memref<8x64x128xf32, #tpu.memory_space<vmem>>[vector<16xi32>, vector<16xi32>, vector<16xi32>], vector<16xf32>,
        %sub3A_1214 = arith.constant 512 : i32
        %sub3A_1215 = arith.subi %while3A_1195, %sub3A_1214 : i32
        %swap3A_1216 = arith.index_cast %sub3A_1215 : i32 to index
        %swap3A_1217 = arith.constant 16 : index
        %swap3A_1218 = tpu.vector_load %arg16[%swap3A_1216, %swap3A_1217] {strides = array<i32>} : memref<256x64xf32, #tpu.memory_space<vmem>>, vector<16xf32>,
        tpu.vector_store %arg16[%swap3A_1216, %swap3A_1217], %gather3A_1213 {strides = array<i32>} : memref<256x64xf32, #tpu.memory_space<vmem>>, vector<16xf32>,
        %add3A_1219 = arith.constant 32 : i32
        %add3A_1220 = vector.broadcast %add3A_1219 : i32 to vector<16xi32>
        %add3A_1221 = arith.addi %iota3A, %add3A_1220 : vector<16xi32>
        %gather3A_1222 = tpu.vector_load_idx %arg15[%broadcast_in_dim3A_1200, %add3A_1221, %and3A_1199] : memref<8x64x128xf32, #tpu.memory_space<vmem>>[vector<16xi32>, vector<16xi32>, vector<16xi32>], vector<16xf32>,
        %sub3A_1223 = arith.constant 512 : i32
        %sub3A_1224 = arith.subi %while3A_1195, %sub3A_1223 : i32
        %swap3A_1225 = arith.index_cast %sub3A_1224 : i32 to index
        %swap3A_1226 = arith.constant 32 : index
        %swap3A_1227 = tpu.vector_load %arg16[%swap3A_1225, %swap3A_1226] {strides = array<i32>} : memref<256x64xf32, #tpu.memory_space<vmem>>, vector<16xf32>,
        tpu.vector_store %arg16[%swap3A_1225, %swap3A_1226], %gather3A_1222 {strides = array<i32>} : memref<256x64xf32, #tpu.memory_space<vmem>>, vector<16xf32>,
        %add3A_1228 = arith.constant 48 : i32
        %add3A_1229 = vector.broadcast %add3A_1228 : i32 to vector<16xi32>
        %add3A_1230 = arith.addi %iota3A, %add3A_1229 : vector<16xi32>
        %gather3A_1231 = tpu.vector_load_idx %arg15[%broadcast_in_dim3A_1200, %add3A_1230, %and3A_1199] : memref<8x64x128xf32, #tpu.memory_space<vmem>>[vector<16xi32>, vector<16xi32>, vector<16xi32>], vector<16xf32>,
        %sub3A_1232 = arith.constant 512 : i32
        %sub3A_1233 = arith.subi %while3A_1195, %sub3A_1232 : i32
        %swap3A_1234 = arith.index_cast %sub3A_1233 : i32 to index
        %swap3A_1235 = arith.constant 48 : index
        %swap3A_1236 = tpu.vector_load %arg16[%swap3A_1234, %swap3A_1235] {strides = array<i32>} : memref<256x64xf32, #tpu.memory_space<vmem>>, vector<16xf32>,
        tpu.vector_store %arg16[%swap3A_1234, %swap3A_1235], %gather3A_1231 {strides = array<i32>} : memref<256x64xf32, #tpu.memory_space<vmem>>, vector<16xf32>,
        %add3A_1237 = arith.constant 1 : i32
        %add3A_1238 = arith.addi %while3A_1195, %add3A_1237 : i32
        scf.yield %add3A_1238 : i32
      }
      %add3A_1177 = arith.addi %shift_right_arithmetic3A_395, %while3A_1157 : i32
      %add3A_1178 = arith.constant 8 : i32
      %add3A_1179 = arith.addi %add3A_1177, %add3A_1178 : i32
      %min3A_1180 = arith.minsi %add3A_1179, %shift_right_arithmetic3A_402 : i32
      %mul3A_1181 = arith.constant 128 : i32
      %mul3A_1182 = arith.muli %min3A_1180, %mul3A_1181 : i32
      %dma_start3A_1183 = arith.constant 0 : i32
      %dma_start3A_1184 = arith.constant 0 : i32
      %dma_start3A_1185 = tpu.memref_slice %arg15[%rem3A_1174, %dma_start3A_1183, %dma_start3A_1184] : memref<8x64x128xf32, #tpu.memory_space<vmem>> -> memref<1x64x128xf32, #tpu.memory_space<vmem>>
      %dma_start3A_1186 = tpu.memref_squeeze %dma_start3A_1185 : memref<1x64x128xf32, #tpu.memory_space<vmem>> -> memref<64x128xf32, #tpu.memory_space<vmem>>
      %dma_start3A_1187 = arith.constant 0 : i32
      %dma_start3A_1188 = tpu.memref_slice %arg6[%dma_start3A_1187, %mul3A_1182] : memref<64x1000000xf32, #tpu.memory_space<hbm>> -> memref<64x128xf32, #tpu.memory_space<hbm>>
      %dma_start3A_1189 = arith.constant 0 : i32
      %dma_start3A_1190 = arith.constant 0 : i32
      %dma_start3A_1191 = tpu.memref_slice %arg15[%rem3A_1174, %dma_start3A_1189, %dma_start3A_1190] : memref<8x64x128xf32, #tpu.memory_space<vmem>> -> memref<1x64x128xf32, #tpu.memory_space<vmem>>
      %dma_start3A_1192 = tpu.memref_squeeze %dma_start3A_1191 : memref<1x64x128xf32, #tpu.memory_space<vmem>> -> memref<64x128xf32, #tpu.memory_space<vmem>>
      %dma_start3A_1193 = arith.constant 0 : i32
      %dma_start3A_1194 = tpu.memref_slice %arg6[%dma_start3A_1193, %mul3A_1182] : memref<64x1000000xf32, #tpu.memory_space<hbm>> -> memref<64x128xf32, #tpu.memory_space<hbm>>
      tpu.enqueue_dma source(%dma_start3A_1194 : memref<64x128xf32, #tpu.memory_space<hbm>>) target(%dma_start3A_1192 : memref<64x128xf32, #tpu.memory_space<vmem>>) target_semaphore(%arg17 : memref<!tpu.dma_semaphore, #tpu.memory_space<semaphore_mem>>)
      scf.yield %while3A_1176 : i32
    }
    %dma_wait3A_562 = arith.constant 0 : i32
    %dma_wait3A_563 = arith.constant 0 : i32
    %dma_wait3A_564 = tpu.memref_slice %arg6[%dma_wait3A_562, %dma_wait3A_563] : memref<64x1000000xf32, #tpu.memory_space<hbm>> -> memref<64x1024xf32, #tpu.memory_space<hbm>>
    %dma_wait3A_565 = arith.constant 0 : i32
    %dma_wait3A_566 = arith.constant 0 : i32
    %dma_wait3A_567 = tpu.memref_slice %arg6[%dma_wait3A_565, %dma_wait3A_566] : memref<64x1000000xf32, #tpu.memory_space<hbm>> -> memref<64x1024xf32, #tpu.memory_space<hbm>>
    tpu.wait_dma2 semaphore(%arg17 : memref<!tpu.dma_semaphore, #tpu.memory_space<semaphore_mem>>) src(%dma_wait3A_567 : memref<64x1024xf32, #tpu.memory_space<hbm>>) dst(%arg15 : memref<8x64x128xf32, #tpu.memory_space<vmem>>)
    %scan3A_568 = arith.constant 0 : i32
    %scan3A_569 = arith.constant 0 : i32
    %scan3A_570 = arith.constant 256 : i32
    %scan3A_571 = arith.addi %scan3A_569, %scan3A_570 : i32
    %scan3A_572 = arith.constant 1 : i32
    %scan3A_573 = scf.for %scan3A_1157 = %scan3A_569 to %scan3A_571 step %scan3A_572 iter_args(%scan3A_1158 = %scan3A_568) -> (i32)  : i32 {
      %add3A_1159 = arith.constant 512 : i32
      %add3A_1160 = arith.addi %add3A_1159, %scan3A_1157 : i32
      %broadcast_in_dim3A_1161 = vector.broadcast %add3A_1160 : i32 to vector<16xi32>
      %gather3A_1162 = tpu.vector_load_idx %arg12[%broadcast_in_dim3A_1161] : memref<1024xi32, #tpu.memory_space<vmem>>[vector<16xi32>], vector<16xi32>,
      %slice3A_1163 = vector.extract_strided_slice %gather3A_1162 {offsets = [0], sizes = [1], strides = [1]} : vector<16xi32> to vector<1xi32>
      %squeeze3A_1164 = vector.extract %slice3A_1163[0] : i32 from vector<1xi32>
      %and3A = arith.constant 16383 : i32
      %and3A_1165 = arith.andi %squeeze3A_1164, %and3A : i32
      %shift_right_arithmetic3A_1166 = arith.constant 14 : i32
      %shift_right_arithmetic3A_1167 = arith.shrsi %squeeze3A_1164, %shift_right_arithmetic3A_1166 : i32
      %eq3A = arith.constant 0 : i32
      %eq3A_1168 = arith.cmpi eq, %shift_right_arithmetic3A_1167, %eq3A : i32
      %convert_element_type3A = arith.extui %eq3A_1168 : i1 to i32
      %cond3A = arith.constant 0 : i32
      %cond3A_1169 = arith.cmpi ne, %convert_element_type3A, %cond3A : i32
      scf.if %cond3A_1169 {
        %dma_start3A_1176 = arith.constant 0 : i32
        %dma_start3A_1177 = tpu.memref_slice %arg16[%scan3A_1157, %dma_start3A_1176] : memref<256x64xf32, #tpu.memory_space<vmem>> -> memref<1x64xf32, #tpu.memory_space<vmem>>
        %dma_start3A_1178 = arith.constant 0 : i32
        %dma_start3A_1179 = tpu.memref_slice %arg8[%and3A_1165, %dma_start3A_1178] : memref<16384x64xf32, #tpu.memory_space<hbm>> -> memref<1x64xf32, #tpu.memory_space<hbm>>
        %dma_start3A_1180 = arith.constant 0 : i32
        %dma_start3A_1181 = tpu.memref_slice %arg8[%and3A_1165, %dma_start3A_1180] : memref<16384x64xf32, #tpu.memory_space<hbm>> -> memref<1x64xf32, #tpu.memory_space<hbm>>
        %dma_start3A_1182 = arith.constant 0 : i32
        %dma_start3A_1183 = tpu.memref_slice %arg16[%scan3A_1157, %dma_start3A_1182] : memref<256x64xf32, #tpu.memory_space<vmem>> -> memref<1x64xf32, #tpu.memory_space<vmem>>
        tpu.enqueue_dma source(%dma_start3A_1183 : memref<1x64xf32, #tpu.memory_space<vmem>>) target(%dma_start3A_1181 : memref<1x64xf32, #tpu.memory_space<hbm>>) target_semaphore(%arg18 : memref<!tpu.dma_semaphore, #tpu.memory_space<semaphore_mem>>)
      } else {
      }
      %eq3A_1170 = arith.constant 1 : i32
      %eq3A_1171 = arith.cmpi eq, %shift_right_arithmetic3A_1167, %eq3A_1170 : i32
      %convert_element_type3A_1172 = arith.extui %eq3A_1171 : i1 to i32
      %cond3A_1173 = arith.constant 0 : i32
      %cond3A_1174 = arith.cmpi ne, %convert_element_type3A_1172, %cond3A_1173 : i32
      scf.if %cond3A_1174 {
        %dma_start3A_1176 = arith.constant 0 : i32
        %dma_start3A_1177 = tpu.memref_slice %arg16[%scan3A_1157, %dma_start3A_1176] : memref<256x64xf32, #tpu.memory_space<vmem>> -> memref<1x64xf32, #tpu.memory_space<vmem>>
        %dma_start3A_1178 = arith.constant 0 : i32
        %dma_start3A_1179 = tpu.memref_slice %arg10[%and3A_1165, %dma_start3A_1178] : memref<16384x64xf32, #tpu.memory_space<hbm>> -> memref<1x64xf32, #tpu.memory_space<hbm>>
        %dma_start3A_1180 = arith.constant 0 : i32
        %dma_start3A_1181 = tpu.memref_slice %arg10[%and3A_1165, %dma_start3A_1180] : memref<16384x64xf32, #tpu.memory_space<hbm>> -> memref<1x64xf32, #tpu.memory_space<hbm>>
        %dma_start3A_1182 = arith.constant 0 : i32
        %dma_start3A_1183 = tpu.memref_slice %arg16[%scan3A_1157, %dma_start3A_1182] : memref<256x64xf32, #tpu.memory_space<vmem>> -> memref<1x64xf32, #tpu.memory_space<vmem>>
        tpu.enqueue_dma source(%dma_start3A_1183 : memref<1x64xf32, #tpu.memory_space<vmem>>) target(%dma_start3A_1181 : memref<1x64xf32, #tpu.memory_space<hbm>>) target_semaphore(%arg18 : memref<!tpu.dma_semaphore, #tpu.memory_space<semaphore_mem>>)
      } else {
      }
      %scan3A_1175 = arith.constant 0 : i32
      scf.yield %scan3A_1175 : i32
    }
    %scan3A_574 = arith.constant 256 : i32
    %dma_wait3A_575 = arith.constant 0 : i32
    %dma_wait3A_576 = arith.constant 0 : i32
    %dma_wait3A_577 = tpu.memref_slice %arg8[%dma_wait3A_575, %dma_wait3A_576] : memref<16384x64xf32, #tpu.memory_space<hbm>> -> memref<256x64xf32, #tpu.memory_space<hbm>>
    %dma_wait3A_578 = arith.constant 0 : i32
    %dma_wait3A_579 = arith.constant 0 : i32
    %dma_wait3A_580 = tpu.memref_slice %arg8[%dma_wait3A_578, %dma_wait3A_579] : memref<16384x64xf32, #tpu.memory_space<hbm>> -> memref<256x64xf32, #tpu.memory_space<hbm>>
    tpu.wait_dma2 semaphore(%arg18 : memref<!tpu.dma_semaphore, #tpu.memory_space<semaphore_mem>>) src(%dma_wait3A_580 : memref<256x64xf32, #tpu.memory_space<hbm>>) dst(%arg16 : memref<256x64xf32, #tpu.memory_space<vmem>>)
    %broadcast_in_dim3A_581 = arith.constant 768 : i32
    %broadcast_in_dim3A_582 = vector.broadcast %broadcast_in_dim3A_581 : i32 to vector<16xi32>
    %gather3A_583 = tpu.vector_load_idx %arg11[%broadcast_in_dim3A_582] : memref<1040xi32, #tpu.memory_space<vmem>>[vector<16xi32>], vector<16xi32>,
    %slice3A_584 = vector.extract_strided_slice %gather3A_583 {offsets = [0], sizes = [1], strides = [1]} : vector<16xi32> to vector<1xi32>
    %squeeze3A_585 = vector.extract %slice3A_584[0] : i32 from vector<1xi32>
    %shift_right_arithmetic3A_586 = arith.constant 7 : i32
    %shift_right_arithmetic3A_587 = arith.shrsi %squeeze3A_585, %shift_right_arithmetic3A_586 : i32
    %broadcast_in_dim3A_588 = arith.constant 1023 : i32
    %broadcast_in_dim3A_589 = vector.broadcast %broadcast_in_dim3A_588 : i32 to vector<16xi32>
    %gather3A_590 = tpu.vector_load_idx %arg11[%broadcast_in_dim3A_589] : memref<1040xi32, #tpu.memory_space<vmem>>[vector<16xi32>], vector<16xi32>,
    %slice3A_591 = vector.extract_strided_slice %gather3A_590 {offsets = [0], sizes = [1], strides = [1]} : vector<16xi32> to vector<1xi32>
    %squeeze3A_592 = vector.extract %slice3A_591[0] : i32 from vector<1xi32>
    %shift_right_arithmetic3A_593 = arith.constant 7 : i32
    %shift_right_arithmetic3A_594 = arith.shrsi %squeeze3A_592, %shift_right_arithmetic3A_593 : i32
    %sub3A_595 = arith.subi %shift_right_arithmetic3A_594, %shift_right_arithmetic3A_587 : i32
    %add3A_596 = arith.constant 1 : i32
    %add3A_597 = arith.addi %sub3A_595, %add3A_596 : i32
    %add3A_598 = arith.constant 0 : i32
    %add3A_599 = arith.addi %shift_right_arithmetic3A_587, %add3A_598 : i32
    %min3A_600 = arith.minsi %add3A_599, %shift_right_arithmetic3A_594 : i32
    %mul3A_601 = arith.constant 128 : i32
    %mul3A_602 = arith.muli %min3A_600, %mul3A_601 : i32
    %dma_start3A_603 = arith.constant 0 : i32
    %dma_start3A_604 = arith.constant 0 : i32
    %dma_start3A_605 = arith.constant 0 : i32
    %dma_start3A_606 = tpu.memref_slice %arg15[%dma_start3A_603, %dma_start3A_604, %dma_start3A_605] : memref<8x64x128xf32, #tpu.memory_space<vmem>> -> memref<1x64x128xf32, #tpu.memory_space<vmem>>
    %dma_start3A_607 = tpu.memref_squeeze %dma_start3A_606 : memref<1x64x128xf32, #tpu.memory_space<vmem>> -> memref<64x128xf32, #tpu.memory_space<vmem>>
    %dma_start3A_608 = arith.constant 0 : i32
    %dma_start3A_609 = tpu.memref_slice %arg6[%dma_start3A_608, %mul3A_602] : memref<64x1000000xf32, #tpu.memory_space<hbm>> -> memref<64x128xf32, #tpu.memory_space<hbm>>
    %dma_start3A_610 = arith.constant 0 : i32
    %dma_start3A_611 = arith.constant 0 : i32
    %dma_start3A_612 = tpu.memref_slice %arg15[%dma_start3A_603, %dma_start3A_610, %dma_start3A_611] : memref<8x64x128xf32, #tpu.memory_space<vmem>> -> memref<1x64x128xf32, #tpu.memory_space<vmem>>
    %dma_start3A_613 = tpu.memref_squeeze %dma_start3A_612 : memref<1x64x128xf32, #tpu.memory_space<vmem>> -> memref<64x128xf32, #tpu.memory_space<vmem>>
    %dma_start3A_614 = arith.constant 0 : i32
    %dma_start3A_615 = tpu.memref_slice %arg6[%dma_start3A_614, %mul3A_602] : memref<64x1000000xf32, #tpu.memory_space<hbm>> -> memref<64x128xf32, #tpu.memory_space<hbm>>
    tpu.enqueue_dma source(%dma_start3A_615 : memref<64x128xf32, #tpu.memory_space<hbm>>) target(%dma_start3A_613 : memref<64x128xf32, #tpu.memory_space<vmem>>) target_semaphore(%arg17 : memref<!tpu.dma_semaphore, #tpu.memory_space<semaphore_mem>>)
    %add3A_616 = arith.constant 1 : i32
    %add3A_617 = arith.addi %shift_right_arithmetic3A_587, %add3A_616 : i32
    %min3A_618 = arith.minsi %add3A_617, %shift_right_arithmetic3A_594 : i32
    %mul3A_619 = arith.constant 128 : i32
    %mul3A_620 = arith.muli %min3A_618, %mul3A_619 : i32
    %dma_start3A_621 = arith.constant 1 : i32
    %dma_start3A_622 = arith.constant 0 : i32
    %dma_start3A_623 = arith.constant 0 : i32
    %dma_start3A_624 = tpu.memref_slice %arg15[%dma_start3A_621, %dma_start3A_622, %dma_start3A_623] : memref<8x64x128xf32, #tpu.memory_space<vmem>> -> memref<1x64x128xf32, #tpu.memory_space<vmem>>
    %dma_start3A_625 = tpu.memref_squeeze %dma_start3A_624 : memref<1x64x128xf32, #tpu.memory_space<vmem>> -> memref<64x128xf32, #tpu.memory_space<vmem>>
    %dma_start3A_626 = arith.constant 0 : i32
    %dma_start3A_627 = tpu.memref_slice %arg6[%dma_start3A_626, %mul3A_620] : memref<64x1000000xf32, #tpu.memory_space<hbm>> -> memref<64x128xf32, #tpu.memory_space<hbm>>
    %dma_start3A_628 = arith.constant 0 : i32
    %dma_start3A_629 = arith.constant 0 : i32
    %dma_start3A_630 = tpu.memref_slice %arg15[%dma_start3A_621, %dma_start3A_628, %dma_start3A_629] : memref<8x64x128xf32, #tpu.memory_space<vmem>> -> memref<1x64x128xf32, #tpu.memory_space<vmem>>
    %dma_start3A_631 = tpu.memref_squeeze %dma_start3A_630 : memref<1x64x128xf32, #tpu.memory_space<vmem>> -> memref<64x128xf32, #tpu.memory_space<vmem>>
    %dma_start3A_632 = arith.constant 0 : i32
    %dma_start3A_633 = tpu.memref_slice %arg6[%dma_start3A_632, %mul3A_620] : memref<64x1000000xf32, #tpu.memory_space<hbm>> -> memref<64x128xf32, #tpu.memory_space<hbm>>
    tpu.enqueue_dma source(%dma_start3A_633 : memref<64x128xf32, #tpu.memory_space<hbm>>) target(%dma_start3A_631 : memref<64x128xf32, #tpu.memory_space<vmem>>) target_semaphore(%arg17 : memref<!tpu.dma_semaphore, #tpu.memory_space<semaphore_mem>>)
    %add3A_634 = arith.constant 2 : i32
    %add3A_635 = arith.addi %shift_right_arithmetic3A_587, %add3A_634 : i32
    %min3A_636 = arith.minsi %add3A_635, %shift_right_arithmetic3A_594 : i32
    %mul3A_637 = arith.constant 128 : i32
    %mul3A_638 = arith.muli %min3A_636, %mul3A_637 : i32
    %dma_start3A_639 = arith.constant 2 : i32
    %dma_start3A_640 = arith.constant 0 : i32
    %dma_start3A_641 = arith.constant 0 : i32
    %dma_start3A_642 = tpu.memref_slice %arg15[%dma_start3A_639, %dma_start3A_640, %dma_start3A_641] : memref<8x64x128xf32, #tpu.memory_space<vmem>> -> memref<1x64x128xf32, #tpu.memory_space<vmem>>
    %dma_start3A_643 = tpu.memref_squeeze %dma_start3A_642 : memref<1x64x128xf32, #tpu.memory_space<vmem>> -> memref<64x128xf32, #tpu.memory_space<vmem>>
    %dma_start3A_644 = arith.constant 0 : i32
    %dma_start3A_645 = tpu.memref_slice %arg6[%dma_start3A_644, %mul3A_638] : memref<64x1000000xf32, #tpu.memory_space<hbm>> -> memref<64x128xf32, #tpu.memory_space<hbm>>
    %dma_start3A_646 = arith.constant 0 : i32
    %dma_start3A_647 = arith.constant 0 : i32
    %dma_start3A_648 = tpu.memref_slice %arg15[%dma_start3A_639, %dma_start3A_646, %dma_start3A_647] : memref<8x64x128xf32, #tpu.memory_space<vmem>> -> memref<1x64x128xf32, #tpu.memory_space<vmem>>
    %dma_start3A_649 = tpu.memref_squeeze %dma_start3A_648 : memref<1x64x128xf32, #tpu.memory_space<vmem>> -> memref<64x128xf32, #tpu.memory_space<vmem>>
    %dma_start3A_650 = arith.constant 0 : i32
    %dma_start3A_651 = tpu.memref_slice %arg6[%dma_start3A_650, %mul3A_638] : memref<64x1000000xf32, #tpu.memory_space<hbm>> -> memref<64x128xf32, #tpu.memory_space<hbm>>
    tpu.enqueue_dma source(%dma_start3A_651 : memref<64x128xf32, #tpu.memory_space<hbm>>) target(%dma_start3A_649 : memref<64x128xf32, #tpu.memory_space<vmem>>) target_semaphore(%arg17 : memref<!tpu.dma_semaphore, #tpu.memory_space<semaphore_mem>>)
    %add3A_652 = arith.constant 3 : i32
    %add3A_653 = arith.addi %shift_right_arithmetic3A_587, %add3A_652 : i32
    %min3A_654 = arith.minsi %add3A_653, %shift_right_arithmetic3A_594 : i32
    %mul3A_655 = arith.constant 128 : i32
    %mul3A_656 = arith.muli %min3A_654, %mul3A_655 : i32
    %dma_start3A_657 = arith.constant 3 : i32
    %dma_start3A_658 = arith.constant 0 : i32
    %dma_start3A_659 = arith.constant 0 : i32
    %dma_start3A_660 = tpu.memref_slice %arg15[%dma_start3A_657, %dma_start3A_658, %dma_start3A_659] : memref<8x64x128xf32, #tpu.memory_space<vmem>> -> memref<1x64x128xf32, #tpu.memory_space<vmem>>
    %dma_start3A_661 = tpu.memref_squeeze %dma_start3A_660 : memref<1x64x128xf32, #tpu.memory_space<vmem>> -> memref<64x128xf32, #tpu.memory_space<vmem>>
    %dma_start3A_662 = arith.constant 0 : i32
    %dma_start3A_663 = tpu.memref_slice %arg6[%dma_start3A_662, %mul3A_656] : memref<64x1000000xf32, #tpu.memory_space<hbm>> -> memref<64x128xf32, #tpu.memory_space<hbm>>
    %dma_start3A_664 = arith.constant 0 : i32
    %dma_start3A_665 = arith.constant 0 : i32
    %dma_start3A_666 = tpu.memref_slice %arg15[%dma_start3A_657, %dma_start3A_664, %dma_start3A_665] : memref<8x64x128xf32, #tpu.memory_space<vmem>> -> memref<1x64x128xf32, #tpu.memory_space<vmem>>
    %dma_start3A_667 = tpu.memref_squeeze %dma_start3A_666 : memref<1x64x128xf32, #tpu.memory_space<vmem>> -> memref<64x128xf32, #tpu.memory_space<vmem>>
    %dma_start3A_668 = arith.constant 0 : i32
    %dma_start3A_669 = tpu.memref_slice %arg6[%dma_start3A_668, %mul3A_656] : memref<64x1000000xf32, #tpu.memory_space<hbm>> -> memref<64x128xf32, #tpu.memory_space<hbm>>
    tpu.enqueue_dma source(%dma_start3A_669 : memref<64x128xf32, #tpu.memory_space<hbm>>) target(%dma_start3A_667 : memref<64x128xf32, #tpu.memory_space<vmem>>) target_semaphore(%arg17 : memref<!tpu.dma_semaphore, #tpu.memory_space<semaphore_mem>>)
    %add3A_670 = arith.constant 4 : i32
    %add3A_671 = arith.addi %shift_right_arithmetic3A_587, %add3A_670 : i32
    %min3A_672 = arith.minsi %add3A_671, %shift_right_arithmetic3A_594 : i32
    %mul3A_673 = arith.constant 128 : i32
    %mul3A_674 = arith.muli %min3A_672, %mul3A_673 : i32
    %dma_start3A_675 = arith.constant 4 : i32
    %dma_start3A_676 = arith.constant 0 : i32
    %dma_start3A_677 = arith.constant 0 : i32
    %dma_start3A_678 = tpu.memref_slice %arg15[%dma_start3A_675, %dma_start3A_676, %dma_start3A_677] : memref<8x64x128xf32, #tpu.memory_space<vmem>> -> memref<1x64x128xf32, #tpu.memory_space<vmem>>
    %dma_start3A_679 = tpu.memref_squeeze %dma_start3A_678 : memref<1x64x128xf32, #tpu.memory_space<vmem>> -> memref<64x128xf32, #tpu.memory_space<vmem>>
    %dma_start3A_680 = arith.constant 0 : i32
    %dma_start3A_681 = tpu.memref_slice %arg6[%dma_start3A_680, %mul3A_674] : memref<64x1000000xf32, #tpu.memory_space<hbm>> -> memref<64x128xf32, #tpu.memory_space<hbm>>
    %dma_start3A_682 = arith.constant 0 : i32
    %dma_start3A_683 = arith.constant 0 : i32
    %dma_start3A_684 = tpu.memref_slice %arg15[%dma_start3A_675, %dma_start3A_682, %dma_start3A_683] : memref<8x64x128xf32, #tpu.memory_space<vmem>> -> memref<1x64x128xf32, #tpu.memory_space<vmem>>
    %dma_start3A_685 = tpu.memref_squeeze %dma_start3A_684 : memref<1x64x128xf32, #tpu.memory_space<vmem>> -> memref<64x128xf32, #tpu.memory_space<vmem>>
    %dma_start3A_686 = arith.constant 0 : i32
    %dma_start3A_687 = tpu.memref_slice %arg6[%dma_start3A_686, %mul3A_674] : memref<64x1000000xf32, #tpu.memory_space<hbm>> -> memref<64x128xf32, #tpu.memory_space<hbm>>
    tpu.enqueue_dma source(%dma_start3A_687 : memref<64x128xf32, #tpu.memory_space<hbm>>) target(%dma_start3A_685 : memref<64x128xf32, #tpu.memory_space<vmem>>) target_semaphore(%arg17 : memref<!tpu.dma_semaphore, #tpu.memory_space<semaphore_mem>>)
    %add3A_688 = arith.constant 5 : i32
    %add3A_689 = arith.addi %shift_right_arithmetic3A_587, %add3A_688 : i32
    %min3A_690 = arith.minsi %add3A_689, %shift_right_arithmetic3A_594 : i32
    %mul3A_691 = arith.constant 128 : i32
    %mul3A_692 = arith.muli %min3A_690, %mul3A_691 : i32
    %dma_start3A_693 = arith.constant 5 : i32
    %dma_start3A_694 = arith.constant 0 : i32
    %dma_start3A_695 = arith.constant 0 : i32
    %dma_start3A_696 = tpu.memref_slice %arg15[%dma_start3A_693, %dma_start3A_694, %dma_start3A_695] : memref<8x64x128xf32, #tpu.memory_space<vmem>> -> memref<1x64x128xf32, #tpu.memory_space<vmem>>
    %dma_start3A_697 = tpu.memref_squeeze %dma_start3A_696 : memref<1x64x128xf32, #tpu.memory_space<vmem>> -> memref<64x128xf32, #tpu.memory_space<vmem>>
    %dma_start3A_698 = arith.constant 0 : i32
    %dma_start3A_699 = tpu.memref_slice %arg6[%dma_start3A_698, %mul3A_692] : memref<64x1000000xf32, #tpu.memory_space<hbm>> -> memref<64x128xf32, #tpu.memory_space<hbm>>
    %dma_start3A_700 = arith.constant 0 : i32
    %dma_start3A_701 = arith.constant 0 : i32
    %dma_start3A_702 = tpu.memref_slice %arg15[%dma_start3A_693, %dma_start3A_700, %dma_start3A_701] : memref<8x64x128xf32, #tpu.memory_space<vmem>> -> memref<1x64x128xf32, #tpu.memory_space<vmem>>
    %dma_start3A_703 = tpu.memref_squeeze %dma_start3A_702 : memref<1x64x128xf32, #tpu.memory_space<vmem>> -> memref<64x128xf32, #tpu.memory_space<vmem>>
    %dma_start3A_704 = arith.constant 0 : i32
    %dma_start3A_705 = tpu.memref_slice %arg6[%dma_start3A_704, %mul3A_692] : memref<64x1000000xf32, #tpu.memory_space<hbm>> -> memref<64x128xf32, #tpu.memory_space<hbm>>
    tpu.enqueue_dma source(%dma_start3A_705 : memref<64x128xf32, #tpu.memory_space<hbm>>) target(%dma_start3A_703 : memref<64x128xf32, #tpu.memory_space<vmem>>) target_semaphore(%arg17 : memref<!tpu.dma_semaphore, #tpu.memory_space<semaphore_mem>>)
    %add3A_706 = arith.constant 6 : i32
    %add3A_707 = arith.addi %shift_right_arithmetic3A_587, %add3A_706 : i32
    %min3A_708 = arith.minsi %add3A_707, %shift_right_arithmetic3A_594 : i32
    %mul3A_709 = arith.constant 128 : i32
    %mul3A_710 = arith.muli %min3A_708, %mul3A_709 : i32
    %dma_start3A_711 = arith.constant 6 : i32
    %dma_start3A_712 = arith.constant 0 : i32
    %dma_start3A_713 = arith.constant 0 : i32
    %dma_start3A_714 = tpu.memref_slice %arg15[%dma_start3A_711, %dma_start3A_712, %dma_start3A_713] : memref<8x64x128xf32, #tpu.memory_space<vmem>> -> memref<1x64x128xf32, #tpu.memory_space<vmem>>
    %dma_start3A_715 = tpu.memref_squeeze %dma_start3A_714 : memref<1x64x128xf32, #tpu.memory_space<vmem>> -> memref<64x128xf32, #tpu.memory_space<vmem>>
    %dma_start3A_716 = arith.constant 0 : i32
    %dma_start3A_717 = tpu.memref_slice %arg6[%dma_start3A_716, %mul3A_710] : memref<64x1000000xf32, #tpu.memory_space<hbm>> -> memref<64x128xf32, #tpu.memory_space<hbm>>
    %dma_start3A_718 = arith.constant 0 : i32
    %dma_start3A_719 = arith.constant 0 : i32
    %dma_start3A_720 = tpu.memref_slice %arg15[%dma_start3A_711, %dma_start3A_718, %dma_start3A_719] : memref<8x64x128xf32, #tpu.memory_space<vmem>> -> memref<1x64x128xf32, #tpu.memory_space<vmem>>
    %dma_start3A_721 = tpu.memref_squeeze %dma_start3A_720 : memref<1x64x128xf32, #tpu.memory_space<vmem>> -> memref<64x128xf32, #tpu.memory_space<vmem>>
    %dma_start3A_722 = arith.constant 0 : i32
    %dma_start3A_723 = tpu.memref_slice %arg6[%dma_start3A_722, %mul3A_710] : memref<64x1000000xf32, #tpu.memory_space<hbm>> -> memref<64x128xf32, #tpu.memory_space<hbm>>
    tpu.enqueue_dma source(%dma_start3A_723 : memref<64x128xf32, #tpu.memory_space<hbm>>) target(%dma_start3A_721 : memref<64x128xf32, #tpu.memory_space<vmem>>) target_semaphore(%arg17 : memref<!tpu.dma_semaphore, #tpu.memory_space<semaphore_mem>>)
    %add3A_724 = arith.constant 7 : i32
    %add3A_725 = arith.addi %shift_right_arithmetic3A_587, %add3A_724 : i32
    %min3A_726 = arith.minsi %add3A_725, %shift_right_arithmetic3A_594 : i32
    %mul3A_727 = arith.constant 128 : i32
    %mul3A_728 = arith.muli %min3A_726, %mul3A_727 : i32
    %dma_start3A_729 = arith.constant 7 : i32
    %dma_start3A_730 = arith.constant 0 : i32
    %dma_start3A_731 = arith.constant 0 : i32
    %dma_start3A_732 = tpu.memref_slice %arg15[%dma_start3A_729, %dma_start3A_730, %dma_start3A_731] : memref<8x64x128xf32, #tpu.memory_space<vmem>> -> memref<1x64x128xf32, #tpu.memory_space<vmem>>
    %dma_start3A_733 = tpu.memref_squeeze %dma_start3A_732 : memref<1x64x128xf32, #tpu.memory_space<vmem>> -> memref<64x128xf32, #tpu.memory_space<vmem>>
    %dma_start3A_734 = arith.constant 0 : i32
    %dma_start3A_735 = tpu.memref_slice %arg6[%dma_start3A_734, %mul3A_728] : memref<64x1000000xf32, #tpu.memory_space<hbm>> -> memref<64x128xf32, #tpu.memory_space<hbm>>
    %dma_start3A_736 = arith.constant 0 : i32
    %dma_start3A_737 = arith.constant 0 : i32
    %dma_start3A_738 = tpu.memref_slice %arg15[%dma_start3A_729, %dma_start3A_736, %dma_start3A_737] : memref<8x64x128xf32, #tpu.memory_space<vmem>> -> memref<1x64x128xf32, #tpu.memory_space<vmem>>
    %dma_start3A_739 = tpu.memref_squeeze %dma_start3A_738 : memref<1x64x128xf32, #tpu.memory_space<vmem>> -> memref<64x128xf32, #tpu.memory_space<vmem>>
    %dma_start3A_740 = arith.constant 0 : i32
    %dma_start3A_741 = tpu.memref_slice %arg6[%dma_start3A_740, %mul3A_728] : memref<64x1000000xf32, #tpu.memory_space<hbm>> -> memref<64x128xf32, #tpu.memory_space<hbm>>
    tpu.enqueue_dma source(%dma_start3A_741 : memref<64x128xf32, #tpu.memory_space<hbm>>) target(%dma_start3A_739 : memref<64x128xf32, #tpu.memory_space<vmem>>) target_semaphore(%arg17 : memref<!tpu.dma_semaphore, #tpu.memory_space<semaphore_mem>>)
    %while3A_742 = arith.constant 0 : i32
    %while3A_743 = arith.constant 768 : i32
    %while3A_744 = arith.subi %add3A_597, %while3A_742 : i32
    %while3A_745 = arith.addi %while3A_742, %while3A_744 : i32
    %while3A_746 = arith.constant 1 : i32
    %while3A_747 = arith.divsi %while3A_744, %while3A_746 : i32
    %while3A_748 = arith.muli %while3A_747, %while3A_746 : i32
    %while3A_749 = arith.addi %while3A_742, %while3A_748 : i32
    %while3A_750 = arith.constant 1 : i32
    %while3A_751 = scf.for %while3A_1157 = %while3A_742 to %while3A_749 step %while3A_750 iter_args(%while3A_1158 = %while3A_743) -> (i32)  : i32 {
      %dma_wait3A_1159 = arith.constant 0 : i32
      %dma_wait3A_1160 = arith.constant 0 : i32
      %dma_wait3A_1161 = arith.constant 0 : i32
      %dma_wait3A_1162 = tpu.memref_slice %arg15[%dma_wait3A_1159, %dma_wait3A_1160, %dma_wait3A_1161] : memref<8x64x128xf32, #tpu.memory_space<vmem>> -> memref<1x64x128xf32, #tpu.memory_space<vmem>>
      %dma_wait3A_1163 = tpu.memref_squeeze %dma_wait3A_1162 : memref<1x64x128xf32, #tpu.memory_space<vmem>> -> memref<64x128xf32, #tpu.memory_space<vmem>>
      %dma_wait3A_1164 = arith.constant 0 : i32
      %dma_wait3A_1165 = arith.constant 0 : i32
      %dma_wait3A_1166 = tpu.memref_slice %arg6[%dma_wait3A_1164, %dma_wait3A_1165] : memref<64x1000000xf32, #tpu.memory_space<hbm>> -> memref<64x128xf32, #tpu.memory_space<hbm>>
      %dma_wait3A_1167 = arith.constant 0 : i32
      %dma_wait3A_1168 = arith.constant 0 : i32
      %dma_wait3A_1169 = tpu.memref_slice %arg15[%dma_wait3A_1159, %dma_wait3A_1167, %dma_wait3A_1168] : memref<8x64x128xf32, #tpu.memory_space<vmem>> -> memref<1x64x128xf32, #tpu.memory_space<vmem>>
      %dma_wait3A_1170 = tpu.memref_squeeze %dma_wait3A_1169 : memref<1x64x128xf32, #tpu.memory_space<vmem>> -> memref<64x128xf32, #tpu.memory_space<vmem>>
      %dma_wait3A_1171 = arith.constant 0 : i32
      %dma_wait3A_1172 = arith.constant 0 : i32
      %dma_wait3A_1173 = tpu.memref_slice %arg6[%dma_wait3A_1171, %dma_wait3A_1172] : memref<64x1000000xf32, #tpu.memory_space<hbm>> -> memref<64x128xf32, #tpu.memory_space<hbm>>
      tpu.wait_dma2 semaphore(%arg17 : memref<!tpu.dma_semaphore, #tpu.memory_space<semaphore_mem>>) src(%dma_wait3A_1173 : memref<64x128xf32, #tpu.memory_space<hbm>>) dst(%dma_wait3A_1170 : memref<64x128xf32, #tpu.memory_space<vmem>>)
      %rem3A = arith.constant 8 : i32
      %rem3A_1174 = arith.remsi %while3A_1157, %rem3A : i32
      %add3A_1175 = arith.addi %shift_right_arithmetic3A_587, %while3A_1157 : i32
      %while3A_1176 = scf.while (%while3A_1195 = %while3A_1158) : (i32) -> i32 {
        %lt3A = arith.constant 1024 : i32
        %lt3A_1196 = arith.cmpi slt, %while3A_1195, %lt3A : i32
        %broadcast_in_dim3A_1197 = vector.broadcast %while3A_1195 : i32 to vector<16xi32>
        %gather3A_1198 = tpu.vector_load_idx %arg11[%broadcast_in_dim3A_1197] : memref<1040xi32, #tpu.memory_space<vmem>>[vector<16xi32>], vector<16xi32>,
        %slice3A_1199 = vector.extract_strided_slice %gather3A_1198 {offsets = [0], sizes = [1], strides = [1]} : vector<16xi32> to vector<1xi32>
        %squeeze3A_1200 = vector.extract %slice3A_1199[0] : i32 from vector<1xi32>
        %shift_right_arithmetic3A_1201 = arith.constant 7 : i32
        %shift_right_arithmetic3A_1202 = arith.shrsi %squeeze3A_1200, %shift_right_arithmetic3A_1201 : i32
        %eq3A = arith.cmpi eq, %shift_right_arithmetic3A_1202, %add3A_1175 : i32
        %and3A = arith.andi %lt3A_1196, %eq3A : i1
        scf.condition(%and3A) %while3A_1195 : i32
      } do {
      ^bb0(%while3A_1195: i32):
        %broadcast_in_dim3A_1196 = vector.broadcast %while3A_1195 : i32 to vector<16xi32>
        %gather3A_1197 = tpu.vector_load_idx %arg11[%broadcast_in_dim3A_1196] : memref<1040xi32, #tpu.memory_space<vmem>>[vector<16xi32>], vector<16xi32>,
        %and3A = arith.constant 127 : i32
        %and3A_1198 = vector.broadcast %and3A : i32 to vector<16xi32>
        %and3A_1199 = arith.andi %gather3A_1197, %and3A_1198 : vector<16xi32>
        %broadcast_in_dim3A_1200 = vector.broadcast %rem3A_1174 : i32 to vector<16xi32>
        %add3A_1201 = arith.constant 0 : i32
        %add3A_1202 = vector.broadcast %add3A_1201 : i32 to vector<16xi32>
        %add3A_1203 = arith.addi %iota3A, %add3A_1202 : vector<16xi32>
        %gather3A_1204 = tpu.vector_load_idx %arg15[%broadcast_in_dim3A_1200, %add3A_1203, %and3A_1199] : memref<8x64x128xf32, #tpu.memory_space<vmem>>[vector<16xi32>, vector<16xi32>, vector<16xi32>], vector<16xf32>,
        %sub3A_1205 = arith.constant 768 : i32
        %sub3A_1206 = arith.subi %while3A_1195, %sub3A_1205 : i32
        %swap3A_1207 = arith.index_cast %sub3A_1206 : i32 to index
        %swap3A_1208 = arith.constant 0 : index
        %swap3A_1209 = tpu.vector_load %arg16[%swap3A_1207, %swap3A_1208] {strides = array<i32>} : memref<256x64xf32, #tpu.memory_space<vmem>>, vector<16xf32>,
        tpu.vector_store %arg16[%swap3A_1207, %swap3A_1208], %gather3A_1204 {strides = array<i32>} : memref<256x64xf32, #tpu.memory_space<vmem>>, vector<16xf32>,
        %add3A_1210 = arith.constant 16 : i32
        %add3A_1211 = vector.broadcast %add3A_1210 : i32 to vector<16xi32>
        %add3A_1212 = arith.addi %iota3A, %add3A_1211 : vector<16xi32>
        %gather3A_1213 = tpu.vector_load_idx %arg15[%broadcast_in_dim3A_1200, %add3A_1212, %and3A_1199] : memref<8x64x128xf32, #tpu.memory_space<vmem>>[vector<16xi32>, vector<16xi32>, vector<16xi32>], vector<16xf32>,
        %sub3A_1214 = arith.constant 768 : i32
        %sub3A_1215 = arith.subi %while3A_1195, %sub3A_1214 : i32
        %swap3A_1216 = arith.index_cast %sub3A_1215 : i32 to index
        %swap3A_1217 = arith.constant 16 : index
        %swap3A_1218 = tpu.vector_load %arg16[%swap3A_1216, %swap3A_1217] {strides = array<i32>} : memref<256x64xf32, #tpu.memory_space<vmem>>, vector<16xf32>,
        tpu.vector_store %arg16[%swap3A_1216, %swap3A_1217], %gather3A_1213 {strides = array<i32>} : memref<256x64xf32, #tpu.memory_space<vmem>>, vector<16xf32>,
        %add3A_1219 = arith.constant 32 : i32
        %add3A_1220 = vector.broadcast %add3A_1219 : i32 to vector<16xi32>
        %add3A_1221 = arith.addi %iota3A, %add3A_1220 : vector<16xi32>
        %gather3A_1222 = tpu.vector_load_idx %arg15[%broadcast_in_dim3A_1200, %add3A_1221, %and3A_1199] : memref<8x64x128xf32, #tpu.memory_space<vmem>>[vector<16xi32>, vector<16xi32>, vector<16xi32>], vector<16xf32>,
        %sub3A_1223 = arith.constant 768 : i32
        %sub3A_1224 = arith.subi %while3A_1195, %sub3A_1223 : i32
        %swap3A_1225 = arith.index_cast %sub3A_1224 : i32 to index
        %swap3A_1226 = arith.constant 32 : index
        %swap3A_1227 = tpu.vector_load %arg16[%swap3A_1225, %swap3A_1226] {strides = array<i32>} : memref<256x64xf32, #tpu.memory_space<vmem>>, vector<16xf32>,
        tpu.vector_store %arg16[%swap3A_1225, %swap3A_1226], %gather3A_1222 {strides = array<i32>} : memref<256x64xf32, #tpu.memory_space<vmem>>, vector<16xf32>,
        %add3A_1228 = arith.constant 48 : i32
        %add3A_1229 = vector.broadcast %add3A_1228 : i32 to vector<16xi32>
        %add3A_1230 = arith.addi %iota3A, %add3A_1229 : vector<16xi32>
        %gather3A_1231 = tpu.vector_load_idx %arg15[%broadcast_in_dim3A_1200, %add3A_1230, %and3A_1199] : memref<8x64x128xf32, #tpu.memory_space<vmem>>[vector<16xi32>, vector<16xi32>, vector<16xi32>], vector<16xf32>,
        %sub3A_1232 = arith.constant 768 : i32
        %sub3A_1233 = arith.subi %while3A_1195, %sub3A_1232 : i32
        %swap3A_1234 = arith.index_cast %sub3A_1233 : i32 to index
        %swap3A_1235 = arith.constant 48 : index
        %swap3A_1236 = tpu.vector_load %arg16[%swap3A_1234, %swap3A_1235] {strides = array<i32>} : memref<256x64xf32, #tpu.memory_space<vmem>>, vector<16xf32>,
        tpu.vector_store %arg16[%swap3A_1234, %swap3A_1235], %gather3A_1231 {strides = array<i32>} : memref<256x64xf32, #tpu.memory_space<vmem>>, vector<16xf32>,
        %add3A_1237 = arith.constant 1 : i32
        %add3A_1238 = arith.addi %while3A_1195, %add3A_1237 : i32
        scf.yield %add3A_1238 : i32
      }
      %add3A_1177 = arith.addi %shift_right_arithmetic3A_587, %while3A_1157 : i32
      %add3A_1178 = arith.constant 8 : i32
      %add3A_1179 = arith.addi %add3A_1177, %add3A_1178 : i32
      %min3A_1180 = arith.minsi %add3A_1179, %shift_right_arithmetic3A_594 : i32
      %mul3A_1181 = arith.constant 128 : i32
      %mul3A_1182 = arith.muli %min3A_1180, %mul3A_1181 : i32
      %dma_start3A_1183 = arith.constant 0 : i32
      %dma_start3A_1184 = arith.constant 0 : i32
      %dma_start3A_1185 = tpu.memref_slice %arg15[%rem3A_1174, %dma_start3A_1183, %dma_start3A_1184] : memref<8x64x128xf32, #tpu.memory_space<vmem>> -> memref<1x64x128xf32, #tpu.memory_space<vmem>>
      %dma_start3A_1186 = tpu.memref_squeeze %dma_start3A_1185 : memref<1x64x128xf32, #tpu.memory_space<vmem>> -> memref<64x128xf32, #tpu.memory_space<vmem>>
      %dma_start3A_1187 = arith.constant 0 : i32
      %dma_start3A_1188 = tpu.memref_slice %arg6[%dma_start3A_1187, %mul3A_1182] : memref<64x1000000xf32, #tpu.memory_space<hbm>> -> memref<64x128xf32, #tpu.memory_space<hbm>>
      %dma_start3A_1189 = arith.constant 0 : i32
      %dma_start3A_1190 = arith.constant 0 : i32
      %dma_start3A_1191 = tpu.memref_slice %arg15[%rem3A_1174, %dma_start3A_1189, %dma_start3A_1190] : memref<8x64x128xf32, #tpu.memory_space<vmem>> -> memref<1x64x128xf32, #tpu.memory_space<vmem>>
      %dma_start3A_1192 = tpu.memref_squeeze %dma_start3A_1191 : memref<1x64x128xf32, #tpu.memory_space<vmem>> -> memref<64x128xf32, #tpu.memory_space<vmem>>
      %dma_start3A_1193 = arith.constant 0 : i32
      %dma_start3A_1194 = tpu.memref_slice %arg6[%dma_start3A_1193, %mul3A_1182] : memref<64x1000000xf32, #tpu.memory_space<hbm>> -> memref<64x128xf32, #tpu.memory_space<hbm>>
      tpu.enqueue_dma source(%dma_start3A_1194 : memref<64x128xf32, #tpu.memory_space<hbm>>) target(%dma_start3A_1192 : memref<64x128xf32, #tpu.memory_space<vmem>>) target_semaphore(%arg17 : memref<!tpu.dma_semaphore, #tpu.memory_space<semaphore_mem>>)
      scf.yield %while3A_1176 : i32
    }
    %while3A_752 = arith.constant 1 : i32
    %while3A_753 = scf.for %while3A_1157 = %while3A_749 to %while3A_745 step %while3A_752 iter_args(%while3A_1158 = %while3A_751) -> (i32)  : i32 {
      %dma_wait3A_1159 = arith.constant 0 : i32
      %dma_wait3A_1160 = arith.constant 0 : i32
      %dma_wait3A_1161 = arith.constant 0 : i32
      %dma_wait3A_1162 = tpu.memref_slice %arg15[%dma_wait3A_1159, %dma_wait3A_1160, %dma_wait3A_1161] : memref<8x64x128xf32, #tpu.memory_space<vmem>> -> memref<1x64x128xf32, #tpu.memory_space<vmem>>
      %dma_wait3A_1163 = tpu.memref_squeeze %dma_wait3A_1162 : memref<1x64x128xf32, #tpu.memory_space<vmem>> -> memref<64x128xf32, #tpu.memory_space<vmem>>
      %dma_wait3A_1164 = arith.constant 0 : i32
      %dma_wait3A_1165 = arith.constant 0 : i32
      %dma_wait3A_1166 = tpu.memref_slice %arg6[%dma_wait3A_1164, %dma_wait3A_1165] : memref<64x1000000xf32, #tpu.memory_space<hbm>> -> memref<64x128xf32, #tpu.memory_space<hbm>>
      %dma_wait3A_1167 = arith.constant 0 : i32
      %dma_wait3A_1168 = arith.constant 0 : i32
      %dma_wait3A_1169 = tpu.memref_slice %arg15[%dma_wait3A_1159, %dma_wait3A_1167, %dma_wait3A_1168] : memref<8x64x128xf32, #tpu.memory_space<vmem>> -> memref<1x64x128xf32, #tpu.memory_space<vmem>>
      %dma_wait3A_1170 = tpu.memref_squeeze %dma_wait3A_1169 : memref<1x64x128xf32, #tpu.memory_space<vmem>> -> memref<64x128xf32, #tpu.memory_space<vmem>>
      %dma_wait3A_1171 = arith.constant 0 : i32
      %dma_wait3A_1172 = arith.constant 0 : i32
      %dma_wait3A_1173 = tpu.memref_slice %arg6[%dma_wait3A_1171, %dma_wait3A_1172] : memref<64x1000000xf32, #tpu.memory_space<hbm>> -> memref<64x128xf32, #tpu.memory_space<hbm>>
      tpu.wait_dma2 semaphore(%arg17 : memref<!tpu.dma_semaphore, #tpu.memory_space<semaphore_mem>>) src(%dma_wait3A_1173 : memref<64x128xf32, #tpu.memory_space<hbm>>) dst(%dma_wait3A_1170 : memref<64x128xf32, #tpu.memory_space<vmem>>)
      %rem3A = arith.constant 8 : i32
      %rem3A_1174 = arith.remsi %while3A_1157, %rem3A : i32
      %add3A_1175 = arith.addi %shift_right_arithmetic3A_587, %while3A_1157 : i32
      %while3A_1176 = scf.while (%while3A_1195 = %while3A_1158) : (i32) -> i32 {
        %lt3A = arith.constant 1024 : i32
        %lt3A_1196 = arith.cmpi slt, %while3A_1195, %lt3A : i32
        %broadcast_in_dim3A_1197 = vector.broadcast %while3A_1195 : i32 to vector<16xi32>
        %gather3A_1198 = tpu.vector_load_idx %arg11[%broadcast_in_dim3A_1197] : memref<1040xi32, #tpu.memory_space<vmem>>[vector<16xi32>], vector<16xi32>,
        %slice3A_1199 = vector.extract_strided_slice %gather3A_1198 {offsets = [0], sizes = [1], strides = [1]} : vector<16xi32> to vector<1xi32>
        %squeeze3A_1200 = vector.extract %slice3A_1199[0] : i32 from vector<1xi32>
        %shift_right_arithmetic3A_1201 = arith.constant 7 : i32
        %shift_right_arithmetic3A_1202 = arith.shrsi %squeeze3A_1200, %shift_right_arithmetic3A_1201 : i32
        %eq3A = arith.cmpi eq, %shift_right_arithmetic3A_1202, %add3A_1175 : i32
        %and3A = arith.andi %lt3A_1196, %eq3A : i1
        scf.condition(%and3A) %while3A_1195 : i32
      } do {
      ^bb0(%while3A_1195: i32):
        %broadcast_in_dim3A_1196 = vector.broadcast %while3A_1195 : i32 to vector<16xi32>
        %gather3A_1197 = tpu.vector_load_idx %arg11[%broadcast_in_dim3A_1196] : memref<1040xi32, #tpu.memory_space<vmem>>[vector<16xi32>], vector<16xi32>,
        %and3A = arith.constant 127 : i32
        %and3A_1198 = vector.broadcast %and3A : i32 to vector<16xi32>
        %and3A_1199 = arith.andi %gather3A_1197, %and3A_1198 : vector<16xi32>
        %broadcast_in_dim3A_1200 = vector.broadcast %rem3A_1174 : i32 to vector<16xi32>
        %add3A_1201 = arith.constant 0 : i32
        %add3A_1202 = vector.broadcast %add3A_1201 : i32 to vector<16xi32>
        %add3A_1203 = arith.addi %iota3A, %add3A_1202 : vector<16xi32>
        %gather3A_1204 = tpu.vector_load_idx %arg15[%broadcast_in_dim3A_1200, %add3A_1203, %and3A_1199] : memref<8x64x128xf32, #tpu.memory_space<vmem>>[vector<16xi32>, vector<16xi32>, vector<16xi32>], vector<16xf32>,
        %sub3A_1205 = arith.constant 768 : i32
        %sub3A_1206 = arith.subi %while3A_1195, %sub3A_1205 : i32
        %swap3A_1207 = arith.index_cast %sub3A_1206 : i32 to index
        %swap3A_1208 = arith.constant 0 : index
        %swap3A_1209 = tpu.vector_load %arg16[%swap3A_1207, %swap3A_1208] {strides = array<i32>} : memref<256x64xf32, #tpu.memory_space<vmem>>, vector<16xf32>,
        tpu.vector_store %arg16[%swap3A_1207, %swap3A_1208], %gather3A_1204 {strides = array<i32>} : memref<256x64xf32, #tpu.memory_space<vmem>>, vector<16xf32>,
        %add3A_1210 = arith.constant 16 : i32
        %add3A_1211 = vector.broadcast %add3A_1210 : i32 to vector<16xi32>
        %add3A_1212 = arith.addi %iota3A, %add3A_1211 : vector<16xi32>
        %gather3A_1213 = tpu.vector_load_idx %arg15[%broadcast_in_dim3A_1200, %add3A_1212, %and3A_1199] : memref<8x64x128xf32, #tpu.memory_space<vmem>>[vector<16xi32>, vector<16xi32>, vector<16xi32>], vector<16xf32>,
        %sub3A_1214 = arith.constant 768 : i32
        %sub3A_1215 = arith.subi %while3A_1195, %sub3A_1214 : i32
        %swap3A_1216 = arith.index_cast %sub3A_1215 : i32 to index
        %swap3A_1217 = arith.constant 16 : index
        %swap3A_1218 = tpu.vector_load %arg16[%swap3A_1216, %swap3A_1217] {strides = array<i32>} : memref<256x64xf32, #tpu.memory_space<vmem>>, vector<16xf32>,
        tpu.vector_store %arg16[%swap3A_1216, %swap3A_1217], %gather3A_1213 {strides = array<i32>} : memref<256x64xf32, #tpu.memory_space<vmem>>, vector<16xf32>,
        %add3A_1219 = arith.constant 32 : i32
        %add3A_1220 = vector.broadcast %add3A_1219 : i32 to vector<16xi32>
        %add3A_1221 = arith.addi %iota3A, %add3A_1220 : vector<16xi32>
        %gather3A_1222 = tpu.vector_load_idx %arg15[%broadcast_in_dim3A_1200, %add3A_1221, %and3A_1199] : memref<8x64x128xf32, #tpu.memory_space<vmem>>[vector<16xi32>, vector<16xi32>, vector<16xi32>], vector<16xf32>,
        %sub3A_1223 = arith.constant 768 : i32
        %sub3A_1224 = arith.subi %while3A_1195, %sub3A_1223 : i32
        %swap3A_1225 = arith.index_cast %sub3A_1224 : i32 to index
        %swap3A_1226 = arith.constant 32 : index
        %swap3A_1227 = tpu.vector_load %arg16[%swap3A_1225, %swap3A_1226] {strides = array<i32>} : memref<256x64xf32, #tpu.memory_space<vmem>>, vector<16xf32>,
        tpu.vector_store %arg16[%swap3A_1225, %swap3A_1226], %gather3A_1222 {strides = array<i32>} : memref<256x64xf32, #tpu.memory_space<vmem>>, vector<16xf32>,
        %add3A_1228 = arith.constant 48 : i32
        %add3A_1229 = vector.broadcast %add3A_1228 : i32 to vector<16xi32>
        %add3A_1230 = arith.addi %iota3A, %add3A_1229 : vector<16xi32>
        %gather3A_1231 = tpu.vector_load_idx %arg15[%broadcast_in_dim3A_1200, %add3A_1230, %and3A_1199] : memref<8x64x128xf32, #tpu.memory_space<vmem>>[vector<16xi32>, vector<16xi32>, vector<16xi32>], vector<16xf32>,
        %sub3A_1232 = arith.constant 768 : i32
        %sub3A_1233 = arith.subi %while3A_1195, %sub3A_1232 : i32
        %swap3A_1234 = arith.index_cast %sub3A_1233 : i32 to index
        %swap3A_1235 = arith.constant 48 : index
        %swap3A_1236 = tpu.vector_load %arg16[%swap3A_1234, %swap3A_1235] {strides = array<i32>} : memref<256x64xf32, #tpu.memory_space<vmem>>, vector<16xf32>,
        tpu.vector_store %arg16[%swap3A_1234, %swap3A_1235], %gather3A_1231 {strides = array<i32>} : memref<256x64xf32, #tpu.memory_space<vmem>>, vector<16xf32>,
        %add3A_1237 = arith.constant 1 : i32
        %add3A_1238 = arith.addi %while3A_1195, %add3A_1237 : i32
        scf.yield %add3A_1238 : i32
      }
      %add3A_1177 = arith.addi %shift_right_arithmetic3A_587, %while3A_1157 : i32
      %add3A_1178 = arith.constant 8 : i32
      %add3A_1179 = arith.addi %add3A_1177, %add3A_1178 : i32
      %min3A_1180 = arith.minsi %add3A_1179, %shift_right_arithmetic3A_594 : i32
      %mul3A_1181 = arith.constant 128 : i32
      %mul3A_1182 = arith.muli %min3A_1180, %mul3A_1181 : i32
      %dma_start3A_1183 = arith.constant 0 : i32
      %dma_start3A_1184 = arith.constant 0 : i32
      %dma_start3A_1185 = tpu.memref_slice %arg15[%rem3A_1174, %dma_start3A_1183, %dma_start3A_1184] : memref<8x64x128xf32, #tpu.memory_space<vmem>> -> memref<1x64x128xf32, #tpu.memory_space<vmem>>
      %dma_start3A_1186 = tpu.memref_squeeze %dma_start3A_1185 : memref<1x64x128xf32, #tpu.memory_space<vmem>> -> memref<64x128xf32, #tpu.memory_space<vmem>>
      %dma_start3A_1187 = arith.constant 0 : i32
      %dma_start3A_1188 = tpu.memref_slice %arg6[%dma_start3A_1187, %mul3A_1182] : memref<64x1000000xf32, #tpu.memory_space<hbm>> -> memref<64x128xf32, #tpu.memory_space<hbm>>
      %dma_start3A_1189 = arith.constant 0 : i32
      %dma_start3A_1190 = arith.constant 0 : i32
      %dma_start3A_1191 = tpu.memref_slice %arg15[%rem3A_1174, %dma_start3A_1189, %dma_start3A_1190] : memref<8x64x128xf32, #tpu.memory_space<vmem>> -> memref<1x64x128xf32, #tpu.memory_space<vmem>>
      %dma_start3A_1192 = tpu.memref_squeeze %dma_start3A_1191 : memref<1x64x128xf32, #tpu.memory_space<vmem>> -> memref<64x128xf32, #tpu.memory_space<vmem>>
      %dma_start3A_1193 = arith.constant 0 : i32
      %dma_start3A_1194 = tpu.memref_slice %arg6[%dma_start3A_1193, %mul3A_1182] : memref<64x1000000xf32, #tpu.memory_space<hbm>> -> memref<64x128xf32, #tpu.memory_space<hbm>>
      tpu.enqueue_dma source(%dma_start3A_1194 : memref<64x128xf32, #tpu.memory_space<hbm>>) target(%dma_start3A_1192 : memref<64x128xf32, #tpu.memory_space<vmem>>) target_semaphore(%arg17 : memref<!tpu.dma_semaphore, #tpu.memory_space<semaphore_mem>>)
      scf.yield %while3A_1176 : i32
    }
    %dma_wait3A_754 = arith.constant 0 : i32
    %dma_wait3A_755 = arith.constant 0 : i32
    %dma_wait3A_756 = tpu.memref_slice %arg6[%dma_wait3A_754, %dma_wait3A_755] : memref<64x1000000xf32, #tpu.memory_space<hbm>> -> memref<64x1024xf32, #tpu.memory_space<hbm>>
    %dma_wait3A_757 = arith.constant 0 : i32
    %dma_wait3A_758 = arith.constant 0 : i32
    %dma_wait3A_759 = tpu.memref_slice %arg6[%dma_wait3A_757, %dma_wait3A_758] : memref<64x1000000xf32, #tpu.memory_space<hbm>> -> memref<64x1024xf32, #tpu.memory_space<hbm>>
    tpu.wait_dma2 semaphore(%arg17 : memref<!tpu.dma_semaphore, #tpu.memory_space<semaphore_mem>>) src(%dma_wait3A_759 : memref<64x1024xf32, #tpu.memory_space<hbm>>) dst(%arg15 : memref<8x64x128xf32, #tpu.memory_space<vmem>>)
    %scan3A_760 = arith.constant 0 : i32
    %scan3A_761 = arith.constant 0 : i32
    %scan3A_762 = arith.constant 256 : i32
    %scan3A_763 = arith.addi %scan3A_761, %scan3A_762 : i32
    %scan3A_764 = arith.constant 1 : i32
    %scan3A_765 = scf.for %scan3A_1157 = %scan3A_761 to %scan3A_763 step %scan3A_764 iter_args(%scan3A_1158 = %scan3A_760) -> (i32)  : i32 {
      %add3A_1159 = arith.constant 768 : i32
      %add3A_1160 = arith.addi %add3A_1159, %scan3A_1157 : i32
      %broadcast_in_dim3A_1161 = vector.broadcast %add3A_1160 : i32 to vector<16xi32>
      %gather3A_1162 = tpu.vector_load_idx %arg12[%broadcast_in_dim3A_1161] : memref<1024xi32, #tpu.memory_space<vmem>>[vector<16xi32>], vector<16xi32>,
      %slice3A_1163 = vector.extract_strided_slice %gather3A_1162 {offsets = [0], sizes = [1], strides = [1]} : vector<16xi32> to vector<1xi32>
      %squeeze3A_1164 = vector.extract %slice3A_1163[0] : i32 from vector<1xi32>
      %and3A = arith.constant 16383 : i32
      %and3A_1165 = arith.andi %squeeze3A_1164, %and3A : i32
      %shift_right_arithmetic3A_1166 = arith.constant 14 : i32
      %shift_right_arithmetic3A_1167 = arith.shrsi %squeeze3A_1164, %shift_right_arithmetic3A_1166 : i32
      %eq3A = arith.constant 0 : i32
      %eq3A_1168 = arith.cmpi eq, %shift_right_arithmetic3A_1167, %eq3A : i32
      %convert_element_type3A = arith.extui %eq3A_1168 : i1 to i32
      %cond3A = arith.constant 0 : i32
      %cond3A_1169 = arith.cmpi ne, %convert_element_type3A, %cond3A : i32
      scf.if %cond3A_1169 {
        %dma_start3A_1176 = arith.constant 0 : i32
        %dma_start3A_1177 = tpu.memref_slice %arg16[%scan3A_1157, %dma_start3A_1176] : memref<256x64xf32, #tpu.memory_space<vmem>> -> memref<1x64xf32, #tpu.memory_space<vmem>>
        %dma_start3A_1178 = arith.constant 0 : i32
        %dma_start3A_1179 = tpu.memref_slice %arg8[%and3A_1165, %dma_start3A_1178] : memref<16384x64xf32, #tpu.memory_space<hbm>> -> memref<1x64xf32, #tpu.memory_space<hbm>>
        %dma_start3A_1180 = arith.constant 0 : i32
        %dma_start3A_1181 = tpu.memref_slice %arg8[%and3A_1165, %dma_start3A_1180] : memref<16384x64xf32, #tpu.memory_space<hbm>> -> memref<1x64xf32, #tpu.memory_space<hbm>>
        %dma_start3A_1182 = arith.constant 0 : i32
        %dma_start3A_1183 = tpu.memref_slice %arg16[%scan3A_1157, %dma_start3A_1182] : memref<256x64xf32, #tpu.memory_space<vmem>> -> memref<1x64xf32, #tpu.memory_space<vmem>>
        tpu.enqueue_dma source(%dma_start3A_1183 : memref<1x64xf32, #tpu.memory_space<vmem>>) target(%dma_start3A_1181 : memref<1x64xf32, #tpu.memory_space<hbm>>) target_semaphore(%arg18 : memref<!tpu.dma_semaphore, #tpu.memory_space<semaphore_mem>>)
      } else {
      }
      %eq3A_1170 = arith.constant 1 : i32
      %eq3A_1171 = arith.cmpi eq, %shift_right_arithmetic3A_1167, %eq3A_1170 : i32
      %convert_element_type3A_1172 = arith.extui %eq3A_1171 : i1 to i32
      %cond3A_1173 = arith.constant 0 : i32
      %cond3A_1174 = arith.cmpi ne, %convert_element_type3A_1172, %cond3A_1173 : i32
      scf.if %cond3A_1174 {
        %dma_start3A_1176 = arith.constant 0 : i32
        %dma_start3A_1177 = tpu.memref_slice %arg16[%scan3A_1157, %dma_start3A_1176] : memref<256x64xf32, #tpu.memory_space<vmem>> -> memref<1x64xf32, #tpu.memory_space<vmem>>
        %dma_start3A_1178 = arith.constant 0 : i32
        %dma_start3A_1179 = tpu.memref_slice %arg10[%and3A_1165, %dma_start3A_1178] : memref<16384x64xf32, #tpu.memory_space<hbm>> -> memref<1x64xf32, #tpu.memory_space<hbm>>
        %dma_start3A_1180 = arith.constant 0 : i32
        %dma_start3A_1181 = tpu.memref_slice %arg10[%and3A_1165, %dma_start3A_1180] : memref<16384x64xf32, #tpu.memory_space<hbm>> -> memref<1x64xf32, #tpu.memory_space<hbm>>
        %dma_start3A_1182 = arith.constant 0 : i32
        %dma_start3A_1183 = tpu.memref_slice %arg16[%scan3A_1157, %dma_start3A_1182] : memref<256x64xf32, #tpu.memory_space<vmem>> -> memref<1x64xf32, #tpu.memory_space<vmem>>
        tpu.enqueue_dma source(%dma_start3A_1183 : memref<1x64xf32, #tpu.memory_space<vmem>>) target(%dma_start3A_1181 : memref<1x64xf32, #tpu.memory_space<hbm>>) target_semaphore(%arg18 : memref<!tpu.dma_semaphore, #tpu.memory_space<semaphore_mem>>)
      } else {
      }
      %scan3A_1175 = arith.constant 0 : i32
      scf.yield %scan3A_1175 : i32
    }
    %scan3A_766 = arith.constant 256 : i32
    %dma_wait3A_767 = arith.constant 0 : i32
    %dma_wait3A_768 = arith.constant 0 : i32
    %dma_wait3A_769 = tpu.memref_slice %arg8[%dma_wait3A_767, %dma_wait3A_768] : memref<16384x64xf32, #tpu.memory_space<hbm>> -> memref<256x64xf32, #tpu.memory_space<hbm>>
    %dma_wait3A_770 = arith.constant 0 : i32
    %dma_wait3A_771 = arith.constant 0 : i32
    %dma_wait3A_772 = tpu.memref_slice %arg8[%dma_wait3A_770, %dma_wait3A_771] : memref<16384x64xf32, #tpu.memory_space<hbm>> -> memref<256x64xf32, #tpu.memory_space<hbm>>
    tpu.wait_dma2 semaphore(%arg18 : memref<!tpu.dma_semaphore, #tpu.memory_space<semaphore_mem>>) src(%dma_wait3A_772 : memref<256x64xf32, #tpu.memory_space<hbm>>) dst(%arg16 : memref<256x64xf32, #tpu.memory_space<vmem>>)
    %broadcast_in_dim3A_773 = arith.constant 0 : i32
    %broadcast_in_dim3A_774 = vector.broadcast %broadcast_in_dim3A_773 : i32 to vector<16xi32>
    %gather3A_775 = tpu.vector_load_idx %arg13[%broadcast_in_dim3A_774] : memref<528xi32, #tpu.memory_space<vmem>>[vector<16xi32>], vector<16xi32>,
    %slice3A_776 = vector.extract_strided_slice %gather3A_775 {offsets = [0], sizes = [1], strides = [1]} : vector<16xi32> to vector<1xi32>
    %squeeze3A_777 = vector.extract %slice3A_776[0] : i32 from vector<1xi32>
    %shift_right_arithmetic3A_778 = arith.constant 7 : i32
    %shift_right_arithmetic3A_779 = arith.shrsi %squeeze3A_777, %shift_right_arithmetic3A_778 : i32
    %broadcast_in_dim3A_780 = arith.constant 255 : i32
    %broadcast_in_dim3A_781 = vector.broadcast %broadcast_in_dim3A_780 : i32 to vector<16xi32>
    %gather3A_782 = tpu.vector_load_idx %arg13[%broadcast_in_dim3A_781] : memref<528xi32, #tpu.memory_space<vmem>>[vector<16xi32>], vector<16xi32>,
    %slice3A_783 = vector.extract_strided_slice %gather3A_782 {offsets = [0], sizes = [1], strides = [1]} : vector<16xi32> to vector<1xi32>
    %squeeze3A_784 = vector.extract %slice3A_783[0] : i32 from vector<1xi32>
    %shift_right_arithmetic3A_785 = arith.constant 7 : i32
    %shift_right_arithmetic3A_786 = arith.shrsi %squeeze3A_784, %shift_right_arithmetic3A_785 : i32
    %sub3A_787 = arith.subi %shift_right_arithmetic3A_786, %shift_right_arithmetic3A_779 : i32
    %add3A_788 = arith.constant 1 : i32
    %add3A_789 = arith.addi %sub3A_787, %add3A_788 : i32
    %add3A_790 = arith.constant 0 : i32
    %add3A_791 = arith.addi %shift_right_arithmetic3A_779, %add3A_790 : i32
    %min3A_792 = arith.minsi %add3A_791, %shift_right_arithmetic3A_786 : i32
    %mul3A_793 = arith.constant 128 : i32
    %mul3A_794 = arith.muli %min3A_792, %mul3A_793 : i32
    %dma_start3A_795 = arith.constant 0 : i32
    %dma_start3A_796 = arith.constant 0 : i32
    %dma_start3A_797 = arith.constant 0 : i32
    %dma_start3A_798 = tpu.memref_slice %arg15[%dma_start3A_795, %dma_start3A_796, %dma_start3A_797] : memref<8x64x128xf32, #tpu.memory_space<vmem>> -> memref<1x64x128xf32, #tpu.memory_space<vmem>>
    %dma_start3A_799 = tpu.memref_squeeze %dma_start3A_798 : memref<1x64x128xf32, #tpu.memory_space<vmem>> -> memref<64x128xf32, #tpu.memory_space<vmem>>
    %dma_start3A_800 = arith.constant 0 : i32
    %dma_start3A_801 = tpu.memref_slice %arg7[%dma_start3A_800, %mul3A_794] : memref<64x1000xf32, #tpu.memory_space<hbm>> -> memref<64x128xf32, #tpu.memory_space<hbm>>
    %dma_start3A_802 = arith.constant 0 : i32
    %dma_start3A_803 = arith.constant 0 : i32
    %dma_start3A_804 = tpu.memref_slice %arg15[%dma_start3A_795, %dma_start3A_802, %dma_start3A_803] : memref<8x64x128xf32, #tpu.memory_space<vmem>> -> memref<1x64x128xf32, #tpu.memory_space<vmem>>
    %dma_start3A_805 = tpu.memref_squeeze %dma_start3A_804 : memref<1x64x128xf32, #tpu.memory_space<vmem>> -> memref<64x128xf32, #tpu.memory_space<vmem>>
    %dma_start3A_806 = arith.constant 0 : i32
    %dma_start3A_807 = tpu.memref_slice %arg7[%dma_start3A_806, %mul3A_794] : memref<64x1000xf32, #tpu.memory_space<hbm>> -> memref<64x128xf32, #tpu.memory_space<hbm>>
    tpu.enqueue_dma source(%dma_start3A_807 : memref<64x128xf32, #tpu.memory_space<hbm>>) target(%dma_start3A_805 : memref<64x128xf32, #tpu.memory_space<vmem>>) target_semaphore(%arg17 : memref<!tpu.dma_semaphore, #tpu.memory_space<semaphore_mem>>)
    %add3A_808 = arith.constant 1 : i32
    %add3A_809 = arith.addi %shift_right_arithmetic3A_779, %add3A_808 : i32
    %min3A_810 = arith.minsi %add3A_809, %shift_right_arithmetic3A_786 : i32
    %mul3A_811 = arith.constant 128 : i32
    %mul3A_812 = arith.muli %min3A_810, %mul3A_811 : i32
    %dma_start3A_813 = arith.constant 1 : i32
    %dma_start3A_814 = arith.constant 0 : i32
    %dma_start3A_815 = arith.constant 0 : i32
    %dma_start3A_816 = tpu.memref_slice %arg15[%dma_start3A_813, %dma_start3A_814, %dma_start3A_815] : memref<8x64x128xf32, #tpu.memory_space<vmem>> -> memref<1x64x128xf32, #tpu.memory_space<vmem>>
    %dma_start3A_817 = tpu.memref_squeeze %dma_start3A_816 : memref<1x64x128xf32, #tpu.memory_space<vmem>> -> memref<64x128xf32, #tpu.memory_space<vmem>>
    %dma_start3A_818 = arith.constant 0 : i32
    %dma_start3A_819 = tpu.memref_slice %arg7[%dma_start3A_818, %mul3A_812] : memref<64x1000xf32, #tpu.memory_space<hbm>> -> memref<64x128xf32, #tpu.memory_space<hbm>>
    %dma_start3A_820 = arith.constant 0 : i32
    %dma_start3A_821 = arith.constant 0 : i32
    %dma_start3A_822 = tpu.memref_slice %arg15[%dma_start3A_813, %dma_start3A_820, %dma_start3A_821] : memref<8x64x128xf32, #tpu.memory_space<vmem>> -> memref<1x64x128xf32, #tpu.memory_space<vmem>>
    %dma_start3A_823 = tpu.memref_squeeze %dma_start3A_822 : memref<1x64x128xf32, #tpu.memory_space<vmem>> -> memref<64x128xf32, #tpu.memory_space<vmem>>
    %dma_start3A_824 = arith.constant 0 : i32
    %dma_start3A_825 = tpu.memref_slice %arg7[%dma_start3A_824, %mul3A_812] : memref<64x1000xf32, #tpu.memory_space<hbm>> -> memref<64x128xf32, #tpu.memory_space<hbm>>
    tpu.enqueue_dma source(%dma_start3A_825 : memref<64x128xf32, #tpu.memory_space<hbm>>) target(%dma_start3A_823 : memref<64x128xf32, #tpu.memory_space<vmem>>) target_semaphore(%arg17 : memref<!tpu.dma_semaphore, #tpu.memory_space<semaphore_mem>>)
    %add3A_826 = arith.constant 2 : i32
    %add3A_827 = arith.addi %shift_right_arithmetic3A_779, %add3A_826 : i32
    %min3A_828 = arith.minsi %add3A_827, %shift_right_arithmetic3A_786 : i32
    %mul3A_829 = arith.constant 128 : i32
    %mul3A_830 = arith.muli %min3A_828, %mul3A_829 : i32
    %dma_start3A_831 = arith.constant 2 : i32
    %dma_start3A_832 = arith.constant 0 : i32
    %dma_start3A_833 = arith.constant 0 : i32
    %dma_start3A_834 = tpu.memref_slice %arg15[%dma_start3A_831, %dma_start3A_832, %dma_start3A_833] : memref<8x64x128xf32, #tpu.memory_space<vmem>> -> memref<1x64x128xf32, #tpu.memory_space<vmem>>
    %dma_start3A_835 = tpu.memref_squeeze %dma_start3A_834 : memref<1x64x128xf32, #tpu.memory_space<vmem>> -> memref<64x128xf32, #tpu.memory_space<vmem>>
    %dma_start3A_836 = arith.constant 0 : i32
    %dma_start3A_837 = tpu.memref_slice %arg7[%dma_start3A_836, %mul3A_830] : memref<64x1000xf32, #tpu.memory_space<hbm>> -> memref<64x128xf32, #tpu.memory_space<hbm>>
    %dma_start3A_838 = arith.constant 0 : i32
    %dma_start3A_839 = arith.constant 0 : i32
    %dma_start3A_840 = tpu.memref_slice %arg15[%dma_start3A_831, %dma_start3A_838, %dma_start3A_839] : memref<8x64x128xf32, #tpu.memory_space<vmem>> -> memref<1x64x128xf32, #tpu.memory_space<vmem>>
    %dma_start3A_841 = tpu.memref_squeeze %dma_start3A_840 : memref<1x64x128xf32, #tpu.memory_space<vmem>> -> memref<64x128xf32, #tpu.memory_space<vmem>>
    %dma_start3A_842 = arith.constant 0 : i32
    %dma_start3A_843 = tpu.memref_slice %arg7[%dma_start3A_842, %mul3A_830] : memref<64x1000xf32, #tpu.memory_space<hbm>> -> memref<64x128xf32, #tpu.memory_space<hbm>>
    tpu.enqueue_dma source(%dma_start3A_843 : memref<64x128xf32, #tpu.memory_space<hbm>>) target(%dma_start3A_841 : memref<64x128xf32, #tpu.memory_space<vmem>>) target_semaphore(%arg17 : memref<!tpu.dma_semaphore, #tpu.memory_space<semaphore_mem>>)
    %add3A_844 = arith.constant 3 : i32
    %add3A_845 = arith.addi %shift_right_arithmetic3A_779, %add3A_844 : i32
    %min3A_846 = arith.minsi %add3A_845, %shift_right_arithmetic3A_786 : i32
    %mul3A_847 = arith.constant 128 : i32
    %mul3A_848 = arith.muli %min3A_846, %mul3A_847 : i32
    %dma_start3A_849 = arith.constant 3 : i32
    %dma_start3A_850 = arith.constant 0 : i32
    %dma_start3A_851 = arith.constant 0 : i32
    %dma_start3A_852 = tpu.memref_slice %arg15[%dma_start3A_849, %dma_start3A_850, %dma_start3A_851] : memref<8x64x128xf32, #tpu.memory_space<vmem>> -> memref<1x64x128xf32, #tpu.memory_space<vmem>>
    %dma_start3A_853 = tpu.memref_squeeze %dma_start3A_852 : memref<1x64x128xf32, #tpu.memory_space<vmem>> -> memref<64x128xf32, #tpu.memory_space<vmem>>
    %dma_start3A_854 = arith.constant 0 : i32
    %dma_start3A_855 = tpu.memref_slice %arg7[%dma_start3A_854, %mul3A_848] : memref<64x1000xf32, #tpu.memory_space<hbm>> -> memref<64x128xf32, #tpu.memory_space<hbm>>
    %dma_start3A_856 = arith.constant 0 : i32
    %dma_start3A_857 = arith.constant 0 : i32
    %dma_start3A_858 = tpu.memref_slice %arg15[%dma_start3A_849, %dma_start3A_856, %dma_start3A_857] : memref<8x64x128xf32, #tpu.memory_space<vmem>> -> memref<1x64x128xf32, #tpu.memory_space<vmem>>
    %dma_start3A_859 = tpu.memref_squeeze %dma_start3A_858 : memref<1x64x128xf32, #tpu.memory_space<vmem>> -> memref<64x128xf32, #tpu.memory_space<vmem>>
    %dma_start3A_860 = arith.constant 0 : i32
    %dma_start3A_861 = tpu.memref_slice %arg7[%dma_start3A_860, %mul3A_848] : memref<64x1000xf32, #tpu.memory_space<hbm>> -> memref<64x128xf32, #tpu.memory_space<hbm>>
    tpu.enqueue_dma source(%dma_start3A_861 : memref<64x128xf32, #tpu.memory_space<hbm>>) target(%dma_start3A_859 : memref<64x128xf32, #tpu.memory_space<vmem>>) target_semaphore(%arg17 : memref<!tpu.dma_semaphore, #tpu.memory_space<semaphore_mem>>)
    %add3A_862 = arith.constant 4 : i32
    %add3A_863 = arith.addi %shift_right_arithmetic3A_779, %add3A_862 : i32
    %min3A_864 = arith.minsi %add3A_863, %shift_right_arithmetic3A_786 : i32
    %mul3A_865 = arith.constant 128 : i32
    %mul3A_866 = arith.muli %min3A_864, %mul3A_865 : i32
    %dma_start3A_867 = arith.constant 4 : i32
    %dma_start3A_868 = arith.constant 0 : i32
    %dma_start3A_869 = arith.constant 0 : i32
    %dma_start3A_870 = tpu.memref_slice %arg15[%dma_start3A_867, %dma_start3A_868, %dma_start3A_869] : memref<8x64x128xf32, #tpu.memory_space<vmem>> -> memref<1x64x128xf32, #tpu.memory_space<vmem>>
    %dma_start3A_871 = tpu.memref_squeeze %dma_start3A_870 : memref<1x64x128xf32, #tpu.memory_space<vmem>> -> memref<64x128xf32, #tpu.memory_space<vmem>>
    %dma_start3A_872 = arith.constant 0 : i32
    %dma_start3A_873 = tpu.memref_slice %arg7[%dma_start3A_872, %mul3A_866] : memref<64x1000xf32, #tpu.memory_space<hbm>> -> memref<64x128xf32, #tpu.memory_space<hbm>>
    %dma_start3A_874 = arith.constant 0 : i32
    %dma_start3A_875 = arith.constant 0 : i32
    %dma_start3A_876 = tpu.memref_slice %arg15[%dma_start3A_867, %dma_start3A_874, %dma_start3A_875] : memref<8x64x128xf32, #tpu.memory_space<vmem>> -> memref<1x64x128xf32, #tpu.memory_space<vmem>>
    %dma_start3A_877 = tpu.memref_squeeze %dma_start3A_876 : memref<1x64x128xf32, #tpu.memory_space<vmem>> -> memref<64x128xf32, #tpu.memory_space<vmem>>
    %dma_start3A_878 = arith.constant 0 : i32
    %dma_start3A_879 = tpu.memref_slice %arg7[%dma_start3A_878, %mul3A_866] : memref<64x1000xf32, #tpu.memory_space<hbm>> -> memref<64x128xf32, #tpu.memory_space<hbm>>
    tpu.enqueue_dma source(%dma_start3A_879 : memref<64x128xf32, #tpu.memory_space<hbm>>) target(%dma_start3A_877 : memref<64x128xf32, #tpu.memory_space<vmem>>) target_semaphore(%arg17 : memref<!tpu.dma_semaphore, #tpu.memory_space<semaphore_mem>>)
    %add3A_880 = arith.constant 5 : i32
    %add3A_881 = arith.addi %shift_right_arithmetic3A_779, %add3A_880 : i32
    %min3A_882 = arith.minsi %add3A_881, %shift_right_arithmetic3A_786 : i32
    %mul3A_883 = arith.constant 128 : i32
    %mul3A_884 = arith.muli %min3A_882, %mul3A_883 : i32
    %dma_start3A_885 = arith.constant 5 : i32
    %dma_start3A_886 = arith.constant 0 : i32
    %dma_start3A_887 = arith.constant 0 : i32
    %dma_start3A_888 = tpu.memref_slice %arg15[%dma_start3A_885, %dma_start3A_886, %dma_start3A_887] : memref<8x64x128xf32, #tpu.memory_space<vmem>> -> memref<1x64x128xf32, #tpu.memory_space<vmem>>
    %dma_start3A_889 = tpu.memref_squeeze %dma_start3A_888 : memref<1x64x128xf32, #tpu.memory_space<vmem>> -> memref<64x128xf32, #tpu.memory_space<vmem>>
    %dma_start3A_890 = arith.constant 0 : i32
    %dma_start3A_891 = tpu.memref_slice %arg7[%dma_start3A_890, %mul3A_884] : memref<64x1000xf32, #tpu.memory_space<hbm>> -> memref<64x128xf32, #tpu.memory_space<hbm>>
    %dma_start3A_892 = arith.constant 0 : i32
    %dma_start3A_893 = arith.constant 0 : i32
    %dma_start3A_894 = tpu.memref_slice %arg15[%dma_start3A_885, %dma_start3A_892, %dma_start3A_893] : memref<8x64x128xf32, #tpu.memory_space<vmem>> -> memref<1x64x128xf32, #tpu.memory_space<vmem>>
    %dma_start3A_895 = tpu.memref_squeeze %dma_start3A_894 : memref<1x64x128xf32, #tpu.memory_space<vmem>> -> memref<64x128xf32, #tpu.memory_space<vmem>>
    %dma_start3A_896 = arith.constant 0 : i32
    %dma_start3A_897 = tpu.memref_slice %arg7[%dma_start3A_896, %mul3A_884] : memref<64x1000xf32, #tpu.memory_space<hbm>> -> memref<64x128xf32, #tpu.memory_space<hbm>>
    tpu.enqueue_dma source(%dma_start3A_897 : memref<64x128xf32, #tpu.memory_space<hbm>>) target(%dma_start3A_895 : memref<64x128xf32, #tpu.memory_space<vmem>>) target_semaphore(%arg17 : memref<!tpu.dma_semaphore, #tpu.memory_space<semaphore_mem>>)
    %add3A_898 = arith.constant 6 : i32
    %add3A_899 = arith.addi %shift_right_arithmetic3A_779, %add3A_898 : i32
    %min3A_900 = arith.minsi %add3A_899, %shift_right_arithmetic3A_786 : i32
    %mul3A_901 = arith.constant 128 : i32
    %mul3A_902 = arith.muli %min3A_900, %mul3A_901 : i32
    %dma_start3A_903 = arith.constant 6 : i32
    %dma_start3A_904 = arith.constant 0 : i32
    %dma_start3A_905 = arith.constant 0 : i32
    %dma_start3A_906 = tpu.memref_slice %arg15[%dma_start3A_903, %dma_start3A_904, %dma_start3A_905] : memref<8x64x128xf32, #tpu.memory_space<vmem>> -> memref<1x64x128xf32, #tpu.memory_space<vmem>>
    %dma_start3A_907 = tpu.memref_squeeze %dma_start3A_906 : memref<1x64x128xf32, #tpu.memory_space<vmem>> -> memref<64x128xf32, #tpu.memory_space<vmem>>
    %dma_start3A_908 = arith.constant 0 : i32
    %dma_start3A_909 = tpu.memref_slice %arg7[%dma_start3A_908, %mul3A_902] : memref<64x1000xf32, #tpu.memory_space<hbm>> -> memref<64x128xf32, #tpu.memory_space<hbm>>
    %dma_start3A_910 = arith.constant 0 : i32
    %dma_start3A_911 = arith.constant 0 : i32
    %dma_start3A_912 = tpu.memref_slice %arg15[%dma_start3A_903, %dma_start3A_910, %dma_start3A_911] : memref<8x64x128xf32, #tpu.memory_space<vmem>> -> memref<1x64x128xf32, #tpu.memory_space<vmem>>
    %dma_start3A_913 = tpu.memref_squeeze %dma_start3A_912 : memref<1x64x128xf32, #tpu.memory_space<vmem>> -> memref<64x128xf32, #tpu.memory_space<vmem>>
    %dma_start3A_914 = arith.constant 0 : i32
    %dma_start3A_915 = tpu.memref_slice %arg7[%dma_start3A_914, %mul3A_902] : memref<64x1000xf32, #tpu.memory_space<hbm>> -> memref<64x128xf32, #tpu.memory_space<hbm>>
    tpu.enqueue_dma source(%dma_start3A_915 : memref<64x128xf32, #tpu.memory_space<hbm>>) target(%dma_start3A_913 : memref<64x128xf32, #tpu.memory_space<vmem>>) target_semaphore(%arg17 : memref<!tpu.dma_semaphore, #tpu.memory_space<semaphore_mem>>)
    %add3A_916 = arith.constant 7 : i32
    %add3A_917 = arith.addi %shift_right_arithmetic3A_779, %add3A_916 : i32
    %min3A_918 = arith.minsi %add3A_917, %shift_right_arithmetic3A_786 : i32
    %mul3A_919 = arith.constant 128 : i32
    %mul3A_920 = arith.muli %min3A_918, %mul3A_919 : i32
    %dma_start3A_921 = arith.constant 7 : i32
    %dma_start3A_922 = arith.constant 0 : i32
    %dma_start3A_923 = arith.constant 0 : i32
    %dma_start3A_924 = tpu.memref_slice %arg15[%dma_start3A_921, %dma_start3A_922, %dma_start3A_923] : memref<8x64x128xf32, #tpu.memory_space<vmem>> -> memref<1x64x128xf32, #tpu.memory_space<vmem>>
    %dma_start3A_925 = tpu.memref_squeeze %dma_start3A_924 : memref<1x64x128xf32, #tpu.memory_space<vmem>> -> memref<64x128xf32, #tpu.memory_space<vmem>>
    %dma_start3A_926 = arith.constant 0 : i32
    %dma_start3A_927 = tpu.memref_slice %arg7[%dma_start3A_926, %mul3A_920] : memref<64x1000xf32, #tpu.memory_space<hbm>> -> memref<64x128xf32, #tpu.memory_space<hbm>>
    %dma_start3A_928 = arith.constant 0 : i32
    %dma_start3A_929 = arith.constant 0 : i32
    %dma_start3A_930 = tpu.memref_slice %arg15[%dma_start3A_921, %dma_start3A_928, %dma_start3A_929] : memref<8x64x128xf32, #tpu.memory_space<vmem>> -> memref<1x64x128xf32, #tpu.memory_space<vmem>>
    %dma_start3A_931 = tpu.memref_squeeze %dma_start3A_930 : memref<1x64x128xf32, #tpu.memory_space<vmem>> -> memref<64x128xf32, #tpu.memory_space<vmem>>
    %dma_start3A_932 = arith.constant 0 : i32
    %dma_start3A_933 = tpu.memref_slice %arg7[%dma_start3A_932, %mul3A_920] : memref<64x1000xf32, #tpu.memory_space<hbm>> -> memref<64x128xf32, #tpu.memory_space<hbm>>
    tpu.enqueue_dma source(%dma_start3A_933 : memref<64x128xf32, #tpu.memory_space<hbm>>) target(%dma_start3A_931 : memref<64x128xf32, #tpu.memory_space<vmem>>) target_semaphore(%arg17 : memref<!tpu.dma_semaphore, #tpu.memory_space<semaphore_mem>>)
    %while3A_934 = arith.constant 0 : i32
    %while3A_935 = arith.constant 0 : i32
    %while3A_936 = arith.subi %add3A_789, %while3A_934 : i32
    %while3A_937 = arith.addi %while3A_934, %while3A_936 : i32
    %while3A_938 = arith.constant 1 : i32
    %while3A_939 = arith.divsi %while3A_936, %while3A_938 : i32
    %while3A_940 = arith.muli %while3A_939, %while3A_938 : i32
    %while3A_941 = arith.addi %while3A_934, %while3A_940 : i32
    %while3A_942 = arith.constant 1 : i32
    %while3A_943 = scf.for %while3A_1157 = %while3A_934 to %while3A_941 step %while3A_942 iter_args(%while3A_1158 = %while3A_935) -> (i32)  : i32 {
      %dma_wait3A_1159 = arith.constant 0 : i32
      %dma_wait3A_1160 = arith.constant 0 : i32
      %dma_wait3A_1161 = arith.constant 0 : i32
      %dma_wait3A_1162 = tpu.memref_slice %arg15[%dma_wait3A_1159, %dma_wait3A_1160, %dma_wait3A_1161] : memref<8x64x128xf32, #tpu.memory_space<vmem>> -> memref<1x64x128xf32, #tpu.memory_space<vmem>>
      %dma_wait3A_1163 = tpu.memref_squeeze %dma_wait3A_1162 : memref<1x64x128xf32, #tpu.memory_space<vmem>> -> memref<64x128xf32, #tpu.memory_space<vmem>>
      %dma_wait3A_1164 = arith.constant 0 : i32
      %dma_wait3A_1165 = arith.constant 0 : i32
      %dma_wait3A_1166 = tpu.memref_slice %arg7[%dma_wait3A_1164, %dma_wait3A_1165] : memref<64x1000xf32, #tpu.memory_space<hbm>> -> memref<64x128xf32, #tpu.memory_space<hbm>>
      %dma_wait3A_1167 = arith.constant 0 : i32
      %dma_wait3A_1168 = arith.constant 0 : i32
      %dma_wait3A_1169 = tpu.memref_slice %arg15[%dma_wait3A_1159, %dma_wait3A_1167, %dma_wait3A_1168] : memref<8x64x128xf32, #tpu.memory_space<vmem>> -> memref<1x64x128xf32, #tpu.memory_space<vmem>>
      %dma_wait3A_1170 = tpu.memref_squeeze %dma_wait3A_1169 : memref<1x64x128xf32, #tpu.memory_space<vmem>> -> memref<64x128xf32, #tpu.memory_space<vmem>>
      %dma_wait3A_1171 = arith.constant 0 : i32
      %dma_wait3A_1172 = arith.constant 0 : i32
      %dma_wait3A_1173 = tpu.memref_slice %arg7[%dma_wait3A_1171, %dma_wait3A_1172] : memref<64x1000xf32, #tpu.memory_space<hbm>> -> memref<64x128xf32, #tpu.memory_space<hbm>>
      tpu.wait_dma2 semaphore(%arg17 : memref<!tpu.dma_semaphore, #tpu.memory_space<semaphore_mem>>) src(%dma_wait3A_1173 : memref<64x128xf32, #tpu.memory_space<hbm>>) dst(%dma_wait3A_1170 : memref<64x128xf32, #tpu.memory_space<vmem>>)
      %rem3A = arith.constant 8 : i32
      %rem3A_1174 = arith.remsi %while3A_1157, %rem3A : i32
      %add3A_1175 = arith.addi %shift_right_arithmetic3A_779, %while3A_1157 : i32
      %while3A_1176 = scf.while (%while3A_1195 = %while3A_1158) : (i32) -> i32 {
        %lt3A = arith.constant 256 : i32
        %lt3A_1196 = arith.cmpi slt, %while3A_1195, %lt3A : i32
        %broadcast_in_dim3A_1197 = vector.broadcast %while3A_1195 : i32 to vector<16xi32>
        %gather3A_1198 = tpu.vector_load_idx %arg13[%broadcast_in_dim3A_1197] : memref<528xi32, #tpu.memory_space<vmem>>[vector<16xi32>], vector<16xi32>,
        %slice3A_1199 = vector.extract_strided_slice %gather3A_1198 {offsets = [0], sizes = [1], strides = [1]} : vector<16xi32> to vector<1xi32>
        %squeeze3A_1200 = vector.extract %slice3A_1199[0] : i32 from vector<1xi32>
        %shift_right_arithmetic3A_1201 = arith.constant 7 : i32
        %shift_right_arithmetic3A_1202 = arith.shrsi %squeeze3A_1200, %shift_right_arithmetic3A_1201 : i32
        %eq3A = arith.cmpi eq, %shift_right_arithmetic3A_1202, %add3A_1175 : i32
        %and3A = arith.andi %lt3A_1196, %eq3A : i1
        scf.condition(%and3A) %while3A_1195 : i32
      } do {
      ^bb0(%while3A_1195: i32):
        %broadcast_in_dim3A_1196 = vector.broadcast %while3A_1195 : i32 to vector<16xi32>
        %gather3A_1197 = tpu.vector_load_idx %arg13[%broadcast_in_dim3A_1196] : memref<528xi32, #tpu.memory_space<vmem>>[vector<16xi32>], vector<16xi32>,
        %and3A = arith.constant 127 : i32
        %and3A_1198 = vector.broadcast %and3A : i32 to vector<16xi32>
        %and3A_1199 = arith.andi %gather3A_1197, %and3A_1198 : vector<16xi32>
        %broadcast_in_dim3A_1200 = vector.broadcast %rem3A_1174 : i32 to vector<16xi32>
        %add3A_1201 = arith.constant 0 : i32
        %add3A_1202 = vector.broadcast %add3A_1201 : i32 to vector<16xi32>
        %add3A_1203 = arith.addi %iota3A, %add3A_1202 : vector<16xi32>
        %gather3A_1204 = tpu.vector_load_idx %arg15[%broadcast_in_dim3A_1200, %add3A_1203, %and3A_1199] : memref<8x64x128xf32, #tpu.memory_space<vmem>>[vector<16xi32>, vector<16xi32>, vector<16xi32>], vector<16xf32>,
        %sub3A_1205 = arith.constant 0 : i32
        %sub3A_1206 = arith.subi %while3A_1195, %sub3A_1205 : i32
        %swap3A_1207 = arith.index_cast %sub3A_1206 : i32 to index
        %swap3A_1208 = arith.constant 0 : index
        %swap3A_1209 = tpu.vector_load %arg16[%swap3A_1207, %swap3A_1208] {strides = array<i32>} : memref<256x64xf32, #tpu.memory_space<vmem>>, vector<16xf32>,
        tpu.vector_store %arg16[%swap3A_1207, %swap3A_1208], %gather3A_1204 {strides = array<i32>} : memref<256x64xf32, #tpu.memory_space<vmem>>, vector<16xf32>,
        %add3A_1210 = arith.constant 16 : i32
        %add3A_1211 = vector.broadcast %add3A_1210 : i32 to vector<16xi32>
        %add3A_1212 = arith.addi %iota3A, %add3A_1211 : vector<16xi32>
        %gather3A_1213 = tpu.vector_load_idx %arg15[%broadcast_in_dim3A_1200, %add3A_1212, %and3A_1199] : memref<8x64x128xf32, #tpu.memory_space<vmem>>[vector<16xi32>, vector<16xi32>, vector<16xi32>], vector<16xf32>,
        %sub3A_1214 = arith.constant 0 : i32
        %sub3A_1215 = arith.subi %while3A_1195, %sub3A_1214 : i32
        %swap3A_1216 = arith.index_cast %sub3A_1215 : i32 to index
        %swap3A_1217 = arith.constant 16 : index
        %swap3A_1218 = tpu.vector_load %arg16[%swap3A_1216, %swap3A_1217] {strides = array<i32>} : memref<256x64xf32, #tpu.memory_space<vmem>>, vector<16xf32>,
        tpu.vector_store %arg16[%swap3A_1216, %swap3A_1217], %gather3A_1213 {strides = array<i32>} : memref<256x64xf32, #tpu.memory_space<vmem>>, vector<16xf32>,
        %add3A_1219 = arith.constant 32 : i32
        %add3A_1220 = vector.broadcast %add3A_1219 : i32 to vector<16xi32>
        %add3A_1221 = arith.addi %iota3A, %add3A_1220 : vector<16xi32>
        %gather3A_1222 = tpu.vector_load_idx %arg15[%broadcast_in_dim3A_1200, %add3A_1221, %and3A_1199] : memref<8x64x128xf32, #tpu.memory_space<vmem>>[vector<16xi32>, vector<16xi32>, vector<16xi32>], vector<16xf32>,
        %sub3A_1223 = arith.constant 0 : i32
        %sub3A_1224 = arith.subi %while3A_1195, %sub3A_1223 : i32
        %swap3A_1225 = arith.index_cast %sub3A_1224 : i32 to index
        %swap3A_1226 = arith.constant 32 : index
        %swap3A_1227 = tpu.vector_load %arg16[%swap3A_1225, %swap3A_1226] {strides = array<i32>} : memref<256x64xf32, #tpu.memory_space<vmem>>, vector<16xf32>,
        tpu.vector_store %arg16[%swap3A_1225, %swap3A_1226], %gather3A_1222 {strides = array<i32>} : memref<256x64xf32, #tpu.memory_space<vmem>>, vector<16xf32>,
        %add3A_1228 = arith.constant 48 : i32
        %add3A_1229 = vector.broadcast %add3A_1228 : i32 to vector<16xi32>
        %add3A_1230 = arith.addi %iota3A, %add3A_1229 : vector<16xi32>
        %gather3A_1231 = tpu.vector_load_idx %arg15[%broadcast_in_dim3A_1200, %add3A_1230, %and3A_1199] : memref<8x64x128xf32, #tpu.memory_space<vmem>>[vector<16xi32>, vector<16xi32>, vector<16xi32>], vector<16xf32>,
        %sub3A_1232 = arith.constant 0 : i32
        %sub3A_1233 = arith.subi %while3A_1195, %sub3A_1232 : i32
        %swap3A_1234 = arith.index_cast %sub3A_1233 : i32 to index
        %swap3A_1235 = arith.constant 48 : index
        %swap3A_1236 = tpu.vector_load %arg16[%swap3A_1234, %swap3A_1235] {strides = array<i32>} : memref<256x64xf32, #tpu.memory_space<vmem>>, vector<16xf32>,
        tpu.vector_store %arg16[%swap3A_1234, %swap3A_1235], %gather3A_1231 {strides = array<i32>} : memref<256x64xf32, #tpu.memory_space<vmem>>, vector<16xf32>,
        %add3A_1237 = arith.constant 1 : i32
        %add3A_1238 = arith.addi %while3A_1195, %add3A_1237 : i32
        scf.yield %add3A_1238 : i32
      }
      %add3A_1177 = arith.addi %shift_right_arithmetic3A_779, %while3A_1157 : i32
      %add3A_1178 = arith.constant 8 : i32
      %add3A_1179 = arith.addi %add3A_1177, %add3A_1178 : i32
      %min3A_1180 = arith.minsi %add3A_1179, %shift_right_arithmetic3A_786 : i32
      %mul3A_1181 = arith.constant 128 : i32
      %mul3A_1182 = arith.muli %min3A_1180, %mul3A_1181 : i32
      %dma_start3A_1183 = arith.constant 0 : i32
      %dma_start3A_1184 = arith.constant 0 : i32
      %dma_start3A_1185 = tpu.memref_slice %arg15[%rem3A_1174, %dma_start3A_1183, %dma_start3A_1184] : memref<8x64x128xf32, #tpu.memory_space<vmem>> -> memref<1x64x128xf32, #tpu.memory_space<vmem>>
      %dma_start3A_1186 = tpu.memref_squeeze %dma_start3A_1185 : memref<1x64x128xf32, #tpu.memory_space<vmem>> -> memref<64x128xf32, #tpu.memory_space<vmem>>
      %dma_start3A_1187 = arith.constant 0 : i32
      %dma_start3A_1188 = tpu.memref_slice %arg7[%dma_start3A_1187, %mul3A_1182] : memref<64x1000xf32, #tpu.memory_space<hbm>> -> memref<64x128xf32, #tpu.memory_space<hbm>>
      %dma_start3A_1189 = arith.constant 0 : i32
      %dma_start3A_1190 = arith.constant 0 : i32
      %dma_start3A_1191 = tpu.memref_slice %arg15[%rem3A_1174, %dma_start3A_1189, %dma_start3A_1190] : memref<8x64x128xf32, #tpu.memory_space<vmem>> -> memref<1x64x128xf32, #tpu.memory_space<vmem>>
      %dma_start3A_1192 = tpu.memref_squeeze %dma_start3A_1191 : memref<1x64x128xf32, #tpu.memory_space<vmem>> -> memref<64x128xf32, #tpu.memory_space<vmem>>
      %dma_start3A_1193 = arith.constant 0 : i32
      %dma_start3A_1194 = tpu.memref_slice %arg7[%dma_start3A_1193, %mul3A_1182] : memref<64x1000xf32, #tpu.memory_space<hbm>> -> memref<64x128xf32, #tpu.memory_space<hbm>>
      tpu.enqueue_dma source(%dma_start3A_1194 : memref<64x128xf32, #tpu.memory_space<hbm>>) target(%dma_start3A_1192 : memref<64x128xf32, #tpu.memory_space<vmem>>) target_semaphore(%arg17 : memref<!tpu.dma_semaphore, #tpu.memory_space<semaphore_mem>>)
      scf.yield %while3A_1176 : i32
    }
    %while3A_944 = arith.constant 1 : i32
    %while3A_945 = scf.for %while3A_1157 = %while3A_941 to %while3A_937 step %while3A_944 iter_args(%while3A_1158 = %while3A_943) -> (i32)  : i32 {
      %dma_wait3A_1159 = arith.constant 0 : i32
      %dma_wait3A_1160 = arith.constant 0 : i32
      %dma_wait3A_1161 = arith.constant 0 : i32
      %dma_wait3A_1162 = tpu.memref_slice %arg15[%dma_wait3A_1159, %dma_wait3A_1160, %dma_wait3A_1161] : memref<8x64x128xf32, #tpu.memory_space<vmem>> -> memref<1x64x128xf32, #tpu.memory_space<vmem>>
      %dma_wait3A_1163 = tpu.memref_squeeze %dma_wait3A_1162 : memref<1x64x128xf32, #tpu.memory_space<vmem>> -> memref<64x128xf32, #tpu.memory_space<vmem>>
      %dma_wait3A_1164 = arith.constant 0 : i32
      %dma_wait3A_1165 = arith.constant 0 : i32
      %dma_wait3A_1166 = tpu.memref_slice %arg7[%dma_wait3A_1164, %dma_wait3A_1165] : memref<64x1000xf32, #tpu.memory_space<hbm>> -> memref<64x128xf32, #tpu.memory_space<hbm>>
      %dma_wait3A_1167 = arith.constant 0 : i32
      %dma_wait3A_1168 = arith.constant 0 : i32
      %dma_wait3A_1169 = tpu.memref_slice %arg15[%dma_wait3A_1159, %dma_wait3A_1167, %dma_wait3A_1168] : memref<8x64x128xf32, #tpu.memory_space<vmem>> -> memref<1x64x128xf32, #tpu.memory_space<vmem>>
      %dma_wait3A_1170 = tpu.memref_squeeze %dma_wait3A_1169 : memref<1x64x128xf32, #tpu.memory_space<vmem>> -> memref<64x128xf32, #tpu.memory_space<vmem>>
      %dma_wait3A_1171 = arith.constant 0 : i32
      %dma_wait3A_1172 = arith.constant 0 : i32
      %dma_wait3A_1173 = tpu.memref_slice %arg7[%dma_wait3A_1171, %dma_wait3A_1172] : memref<64x1000xf32, #tpu.memory_space<hbm>> -> memref<64x128xf32, #tpu.memory_space<hbm>>
      tpu.wait_dma2 semaphore(%arg17 : memref<!tpu.dma_semaphore, #tpu.memory_space<semaphore_mem>>) src(%dma_wait3A_1173 : memref<64x128xf32, #tpu.memory_space<hbm>>) dst(%dma_wait3A_1170 : memref<64x128xf32, #tpu.memory_space<vmem>>)
      %rem3A = arith.constant 8 : i32
      %rem3A_1174 = arith.remsi %while3A_1157, %rem3A : i32
      %add3A_1175 = arith.addi %shift_right_arithmetic3A_779, %while3A_1157 : i32
      %while3A_1176 = scf.while (%while3A_1195 = %while3A_1158) : (i32) -> i32 {
        %lt3A = arith.constant 256 : i32
        %lt3A_1196 = arith.cmpi slt, %while3A_1195, %lt3A : i32
        %broadcast_in_dim3A_1197 = vector.broadcast %while3A_1195 : i32 to vector<16xi32>
        %gather3A_1198 = tpu.vector_load_idx %arg13[%broadcast_in_dim3A_1197] : memref<528xi32, #tpu.memory_space<vmem>>[vector<16xi32>], vector<16xi32>,
        %slice3A_1199 = vector.extract_strided_slice %gather3A_1198 {offsets = [0], sizes = [1], strides = [1]} : vector<16xi32> to vector<1xi32>
        %squeeze3A_1200 = vector.extract %slice3A_1199[0] : i32 from vector<1xi32>
        %shift_right_arithmetic3A_1201 = arith.constant 7 : i32
        %shift_right_arithmetic3A_1202 = arith.shrsi %squeeze3A_1200, %shift_right_arithmetic3A_1201 : i32
        %eq3A = arith.cmpi eq, %shift_right_arithmetic3A_1202, %add3A_1175 : i32
        %and3A = arith.andi %lt3A_1196, %eq3A : i1
        scf.condition(%and3A) %while3A_1195 : i32
      } do {
      ^bb0(%while3A_1195: i32):
        %broadcast_in_dim3A_1196 = vector.broadcast %while3A_1195 : i32 to vector<16xi32>
        %gather3A_1197 = tpu.vector_load_idx %arg13[%broadcast_in_dim3A_1196] : memref<528xi32, #tpu.memory_space<vmem>>[vector<16xi32>], vector<16xi32>,
        %and3A = arith.constant 127 : i32
        %and3A_1198 = vector.broadcast %and3A : i32 to vector<16xi32>
        %and3A_1199 = arith.andi %gather3A_1197, %and3A_1198 : vector<16xi32>
        %broadcast_in_dim3A_1200 = vector.broadcast %rem3A_1174 : i32 to vector<16xi32>
        %add3A_1201 = arith.constant 0 : i32
        %add3A_1202 = vector.broadcast %add3A_1201 : i32 to vector<16xi32>
        %add3A_1203 = arith.addi %iota3A, %add3A_1202 : vector<16xi32>
        %gather3A_1204 = tpu.vector_load_idx %arg15[%broadcast_in_dim3A_1200, %add3A_1203, %and3A_1199] : memref<8x64x128xf32, #tpu.memory_space<vmem>>[vector<16xi32>, vector<16xi32>, vector<16xi32>], vector<16xf32>,
        %sub3A_1205 = arith.constant 0 : i32
        %sub3A_1206 = arith.subi %while3A_1195, %sub3A_1205 : i32
        %swap3A_1207 = arith.index_cast %sub3A_1206 : i32 to index
        %swap3A_1208 = arith.constant 0 : index
        %swap3A_1209 = tpu.vector_load %arg16[%swap3A_1207, %swap3A_1208] {strides = array<i32>} : memref<256x64xf32, #tpu.memory_space<vmem>>, vector<16xf32>,
        tpu.vector_store %arg16[%swap3A_1207, %swap3A_1208], %gather3A_1204 {strides = array<i32>} : memref<256x64xf32, #tpu.memory_space<vmem>>, vector<16xf32>,
        %add3A_1210 = arith.constant 16 : i32
        %add3A_1211 = vector.broadcast %add3A_1210 : i32 to vector<16xi32>
        %add3A_1212 = arith.addi %iota3A, %add3A_1211 : vector<16xi32>
        %gather3A_1213 = tpu.vector_load_idx %arg15[%broadcast_in_dim3A_1200, %add3A_1212, %and3A_1199] : memref<8x64x128xf32, #tpu.memory_space<vmem>>[vector<16xi32>, vector<16xi32>, vector<16xi32>], vector<16xf32>,
        %sub3A_1214 = arith.constant 0 : i32
        %sub3A_1215 = arith.subi %while3A_1195, %sub3A_1214 : i32
        %swap3A_1216 = arith.index_cast %sub3A_1215 : i32 to index
        %swap3A_1217 = arith.constant 16 : index
        %swap3A_1218 = tpu.vector_load %arg16[%swap3A_1216, %swap3A_1217] {strides = array<i32>} : memref<256x64xf32, #tpu.memory_space<vmem>>, vector<16xf32>,
        tpu.vector_store %arg16[%swap3A_1216, %swap3A_1217], %gather3A_1213 {strides = array<i32>} : memref<256x64xf32, #tpu.memory_space<vmem>>, vector<16xf32>,
        %add3A_1219 = arith.constant 32 : i32
        %add3A_1220 = vector.broadcast %add3A_1219 : i32 to vector<16xi32>
        %add3A_1221 = arith.addi %iota3A, %add3A_1220 : vector<16xi32>
        %gather3A_1222 = tpu.vector_load_idx %arg15[%broadcast_in_dim3A_1200, %add3A_1221, %and3A_1199] : memref<8x64x128xf32, #tpu.memory_space<vmem>>[vector<16xi32>, vector<16xi32>, vector<16xi32>], vector<16xf32>,
        %sub3A_1223 = arith.constant 0 : i32
        %sub3A_1224 = arith.subi %while3A_1195, %sub3A_1223 : i32
        %swap3A_1225 = arith.index_cast %sub3A_1224 : i32 to index
        %swap3A_1226 = arith.constant 32 : index
        %swap3A_1227 = tpu.vector_load %arg16[%swap3A_1225, %swap3A_1226] {strides = array<i32>} : memref<256x64xf32, #tpu.memory_space<vmem>>, vector<16xf32>,
        tpu.vector_store %arg16[%swap3A_1225, %swap3A_1226], %gather3A_1222 {strides = array<i32>} : memref<256x64xf32, #tpu.memory_space<vmem>>, vector<16xf32>,
        %add3A_1228 = arith.constant 48 : i32
        %add3A_1229 = vector.broadcast %add3A_1228 : i32 to vector<16xi32>
        %add3A_1230 = arith.addi %iota3A, %add3A_1229 : vector<16xi32>
        %gather3A_1231 = tpu.vector_load_idx %arg15[%broadcast_in_dim3A_1200, %add3A_1230, %and3A_1199] : memref<8x64x128xf32, #tpu.memory_space<vmem>>[vector<16xi32>, vector<16xi32>, vector<16xi32>], vector<16xf32>,
        %sub3A_1232 = arith.constant 0 : i32
        %sub3A_1233 = arith.subi %while3A_1195, %sub3A_1232 : i32
        %swap3A_1234 = arith.index_cast %sub3A_1233 : i32 to index
        %swap3A_1235 = arith.constant 48 : index
        %swap3A_1236 = tpu.vector_load %arg16[%swap3A_1234, %swap3A_1235] {strides = array<i32>} : memref<256x64xf32, #tpu.memory_space<vmem>>, vector<16xf32>,
        tpu.vector_store %arg16[%swap3A_1234, %swap3A_1235], %gather3A_1231 {strides = array<i32>} : memref<256x64xf32, #tpu.memory_space<vmem>>, vector<16xf32>,
        %add3A_1237 = arith.constant 1 : i32
        %add3A_1238 = arith.addi %while3A_1195, %add3A_1237 : i32
        scf.yield %add3A_1238 : i32
      }
      %add3A_1177 = arith.addi %shift_right_arithmetic3A_779, %while3A_1157 : i32
      %add3A_1178 = arith.constant 8 : i32
      %add3A_1179 = arith.addi %add3A_1177, %add3A_1178 : i32
      %min3A_1180 = arith.minsi %add3A_1179, %shift_right_arithmetic3A_786 : i32
      %mul3A_1181 = arith.constant 128 : i32
      %mul3A_1182 = arith.muli %min3A_1180, %mul3A_1181 : i32
      %dma_start3A_1183 = arith.constant 0 : i32
      %dma_start3A_1184 = arith.constant 0 : i32
      %dma_start3A_1185 = tpu.memref_slice %arg15[%rem3A_1174, %dma_start3A_1183, %dma_start3A_1184] : memref<8x64x128xf32, #tpu.memory_space<vmem>> -> memref<1x64x128xf32, #tpu.memory_space<vmem>>
      %dma_start3A_1186 = tpu.memref_squeeze %dma_start3A_1185 : memref<1x64x128xf32, #tpu.memory_space<vmem>> -> memref<64x128xf32, #tpu.memory_space<vmem>>
      %dma_start3A_1187 = arith.constant 0 : i32
      %dma_start3A_1188 = tpu.memref_slice %arg7[%dma_start3A_1187, %mul3A_1182] : memref<64x1000xf32, #tpu.memory_space<hbm>> -> memref<64x128xf32, #tpu.memory_space<hbm>>
      %dma_start3A_1189 = arith.constant 0 : i32
      %dma_start3A_1190 = arith.constant 0 : i32
      %dma_start3A_1191 = tpu.memref_slice %arg15[%rem3A_1174, %dma_start3A_1189, %dma_start3A_1190] : memref<8x64x128xf32, #tpu.memory_space<vmem>> -> memref<1x64x128xf32, #tpu.memory_space<vmem>>
      %dma_start3A_1192 = tpu.memref_squeeze %dma_start3A_1191 : memref<1x64x128xf32, #tpu.memory_space<vmem>> -> memref<64x128xf32, #tpu.memory_space<vmem>>
      %dma_start3A_1193 = arith.constant 0 : i32
      %dma_start3A_1194 = tpu.memref_slice %arg7[%dma_start3A_1193, %mul3A_1182] : memref<64x1000xf32, #tpu.memory_space<hbm>> -> memref<64x128xf32, #tpu.memory_space<hbm>>
      tpu.enqueue_dma source(%dma_start3A_1194 : memref<64x128xf32, #tpu.memory_space<hbm>>) target(%dma_start3A_1192 : memref<64x128xf32, #tpu.memory_space<vmem>>) target_semaphore(%arg17 : memref<!tpu.dma_semaphore, #tpu.memory_space<semaphore_mem>>)
      scf.yield %while3A_1176 : i32
    }
    %dma_wait3A_946 = arith.constant 0 : i32
    %dma_wait3A_947 = arith.constant 0 : i32
    %dma_wait3A_948 = tpu.memref_slice %arg7[%dma_wait3A_946, %dma_wait3A_947] : memref<64x1000xf32, #tpu.memory_space<hbm>> -> memref<64x1024xf32, #tpu.memory_space<hbm>>
    %dma_wait3A_949 = arith.constant 0 : i32
    %dma_wait3A_950 = arith.constant 0 : i32
    %dma_wait3A_951 = tpu.memref_slice %arg7[%dma_wait3A_949, %dma_wait3A_950] : memref<64x1000xf32, #tpu.memory_space<hbm>> -> memref<64x1024xf32, #tpu.memory_space<hbm>>
    tpu.wait_dma2 semaphore(%arg17 : memref<!tpu.dma_semaphore, #tpu.memory_space<semaphore_mem>>) src(%dma_wait3A_951 : memref<64x1024xf32, #tpu.memory_space<hbm>>) dst(%arg15 : memref<8x64x128xf32, #tpu.memory_space<vmem>>)
    %scan3A_952 = arith.constant 0 : i32
    %scan3A_953 = arith.constant 0 : i32
    %scan3A_954 = arith.constant 256 : i32
    %scan3A_955 = arith.addi %scan3A_953, %scan3A_954 : i32
    %scan3A_956 = arith.constant 1 : i32
    %scan3A_957 = scf.for %scan3A_1157 = %scan3A_953 to %scan3A_955 step %scan3A_956 iter_args(%scan3A_1158 = %scan3A_952) -> (i32)  : i32 {
      %add3A_1159 = arith.constant 0 : i32
      %add3A_1160 = arith.addi %add3A_1159, %scan3A_1157 : i32
      %broadcast_in_dim3A_1161 = vector.broadcast %add3A_1160 : i32 to vector<16xi32>
      %gather3A_1162 = tpu.vector_load_idx %arg14[%broadcast_in_dim3A_1161] : memref<512xi32, #tpu.memory_space<vmem>>[vector<16xi32>], vector<16xi32>,
      %slice3A_1163 = vector.extract_strided_slice %gather3A_1162 {offsets = [0], sizes = [1], strides = [1]} : vector<16xi32> to vector<1xi32>
      %squeeze3A_1164 = vector.extract %slice3A_1163[0] : i32 from vector<1xi32>
      %dma_start3A_1165 = arith.constant 0 : i32
      %dma_start3A_1166 = tpu.memref_slice %arg16[%scan3A_1157, %dma_start3A_1165] : memref<256x64xf32, #tpu.memory_space<vmem>> -> memref<1x64xf32, #tpu.memory_space<vmem>>
      %dma_start3A_1167 = arith.constant 0 : i32
      %dma_start3A_1168 = tpu.memref_slice %arg9[%squeeze3A_1164, %dma_start3A_1167] : memref<16384x64xf32, #tpu.memory_space<hbm>> -> memref<1x64xf32, #tpu.memory_space<hbm>>
      %dma_start3A_1169 = arith.constant 0 : i32
      %dma_start3A_1170 = tpu.memref_slice %arg9[%squeeze3A_1164, %dma_start3A_1169] : memref<16384x64xf32, #tpu.memory_space<hbm>> -> memref<1x64xf32, #tpu.memory_space<hbm>>
      %dma_start3A_1171 = arith.constant 0 : i32
      %dma_start3A_1172 = tpu.memref_slice %arg16[%scan3A_1157, %dma_start3A_1171] : memref<256x64xf32, #tpu.memory_space<vmem>> -> memref<1x64xf32, #tpu.memory_space<vmem>>
      tpu.enqueue_dma source(%dma_start3A_1172 : memref<1x64xf32, #tpu.memory_space<vmem>>) target(%dma_start3A_1170 : memref<1x64xf32, #tpu.memory_space<hbm>>) target_semaphore(%arg18 : memref<!tpu.dma_semaphore, #tpu.memory_space<semaphore_mem>>)
      %scan3A_1173 = arith.constant 0 : i32
      scf.yield %scan3A_1173 : i32
    }
    %scan3A_958 = arith.constant 256 : i32
    %dma_wait3A_959 = arith.constant 0 : i32
    %dma_wait3A_960 = arith.constant 0 : i32
    %dma_wait3A_961 = tpu.memref_slice %arg8[%dma_wait3A_959, %dma_wait3A_960] : memref<16384x64xf32, #tpu.memory_space<hbm>> -> memref<256x64xf32, #tpu.memory_space<hbm>>
    %dma_wait3A_962 = arith.constant 0 : i32
    %dma_wait3A_963 = arith.constant 0 : i32
    %dma_wait3A_964 = tpu.memref_slice %arg8[%dma_wait3A_962, %dma_wait3A_963] : memref<16384x64xf32, #tpu.memory_space<hbm>> -> memref<256x64xf32, #tpu.memory_space<hbm>>
    tpu.wait_dma2 semaphore(%arg18 : memref<!tpu.dma_semaphore, #tpu.memory_space<semaphore_mem>>) src(%dma_wait3A_964 : memref<256x64xf32, #tpu.memory_space<hbm>>) dst(%arg16 : memref<256x64xf32, #tpu.memory_space<vmem>>)
    %broadcast_in_dim3A_965 = arith.constant 256 : i32
    %broadcast_in_dim3A_966 = vector.broadcast %broadcast_in_dim3A_965 : i32 to vector<16xi32>
    %gather3A_967 = tpu.vector_load_idx %arg13[%broadcast_in_dim3A_966] : memref<528xi32, #tpu.memory_space<vmem>>[vector<16xi32>], vector<16xi32>,
    %slice3A_968 = vector.extract_strided_slice %gather3A_967 {offsets = [0], sizes = [1], strides = [1]} : vector<16xi32> to vector<1xi32>
    %squeeze3A_969 = vector.extract %slice3A_968[0] : i32 from vector<1xi32>
    %shift_right_arithmetic3A_970 = arith.constant 7 : i32
    %shift_right_arithmetic3A_971 = arith.shrsi %squeeze3A_969, %shift_right_arithmetic3A_970 : i32
    %broadcast_in_dim3A_972 = arith.constant 511 : i32
    %broadcast_in_dim3A_973 = vector.broadcast %broadcast_in_dim3A_972 : i32 to vector<16xi32>
    %gather3A_974 = tpu.vector_load_idx %arg13[%broadcast_in_dim3A_973] : memref<528xi32, #tpu.memory_space<vmem>>[vector<16xi32>], vector<16xi32>,
    %slice3A_975 = vector.extract_strided_slice %gather3A_974 {offsets = [0], sizes = [1], strides = [1]} : vector<16xi32> to vector<1xi32>
    %squeeze3A_976 = vector.extract %slice3A_975[0] : i32 from vector<1xi32>
    %shift_right_arithmetic3A_977 = arith.constant 7 : i32
    %shift_right_arithmetic3A_978 = arith.shrsi %squeeze3A_976, %shift_right_arithmetic3A_977 : i32
    %sub3A_979 = arith.subi %shift_right_arithmetic3A_978, %shift_right_arithmetic3A_971 : i32
    %add3A_980 = arith.constant 1 : i32
    %add3A_981 = arith.addi %sub3A_979, %add3A_980 : i32
    %add3A_982 = arith.constant 0 : i32
    %add3A_983 = arith.addi %shift_right_arithmetic3A_971, %add3A_982 : i32
    %min3A_984 = arith.minsi %add3A_983, %shift_right_arithmetic3A_978 : i32
    %mul3A_985 = arith.constant 128 : i32
    %mul3A_986 = arith.muli %min3A_984, %mul3A_985 : i32
    %dma_start3A_987 = arith.constant 0 : i32
    %dma_start3A_988 = arith.constant 0 : i32
    %dma_start3A_989 = arith.constant 0 : i32
    %dma_start3A_990 = tpu.memref_slice %arg15[%dma_start3A_987, %dma_start3A_988, %dma_start3A_989] : memref<8x64x128xf32, #tpu.memory_space<vmem>> -> memref<1x64x128xf32, #tpu.memory_space<vmem>>
    %dma_start3A_991 = tpu.memref_squeeze %dma_start3A_990 : memref<1x64x128xf32, #tpu.memory_space<vmem>> -> memref<64x128xf32, #tpu.memory_space<vmem>>
    %dma_start3A_992 = arith.constant 0 : i32
    %dma_start3A_993 = tpu.memref_slice %arg7[%dma_start3A_992, %mul3A_986] : memref<64x1000xf32, #tpu.memory_space<hbm>> -> memref<64x128xf32, #tpu.memory_space<hbm>>
    %dma_start3A_994 = arith.constant 0 : i32
    %dma_start3A_995 = arith.constant 0 : i32
    %dma_start3A_996 = tpu.memref_slice %arg15[%dma_start3A_987, %dma_start3A_994, %dma_start3A_995] : memref<8x64x128xf32, #tpu.memory_space<vmem>> -> memref<1x64x128xf32, #tpu.memory_space<vmem>>
    %dma_start3A_997 = tpu.memref_squeeze %dma_start3A_996 : memref<1x64x128xf32, #tpu.memory_space<vmem>> -> memref<64x128xf32, #tpu.memory_space<vmem>>
    %dma_start3A_998 = arith.constant 0 : i32
    %dma_start3A_999 = tpu.memref_slice %arg7[%dma_start3A_998, %mul3A_986] : memref<64x1000xf32, #tpu.memory_space<hbm>> -> memref<64x128xf32, #tpu.memory_space<hbm>>
    tpu.enqueue_dma source(%dma_start3A_999 : memref<64x128xf32, #tpu.memory_space<hbm>>) target(%dma_start3A_997 : memref<64x128xf32, #tpu.memory_space<vmem>>) target_semaphore(%arg17 : memref<!tpu.dma_semaphore, #tpu.memory_space<semaphore_mem>>)
    %add3A_1000 = arith.constant 1 : i32
    %add3A_1001 = arith.addi %shift_right_arithmetic3A_971, %add3A_1000 : i32
    %min3A_1002 = arith.minsi %add3A_1001, %shift_right_arithmetic3A_978 : i32
    %mul3A_1003 = arith.constant 128 : i32
    %mul3A_1004 = arith.muli %min3A_1002, %mul3A_1003 : i32
    %dma_start3A_1005 = arith.constant 1 : i32
    %dma_start3A_1006 = arith.constant 0 : i32
    %dma_start3A_1007 = arith.constant 0 : i32
    %dma_start3A_1008 = tpu.memref_slice %arg15[%dma_start3A_1005, %dma_start3A_1006, %dma_start3A_1007] : memref<8x64x128xf32, #tpu.memory_space<vmem>> -> memref<1x64x128xf32, #tpu.memory_space<vmem>>
    %dma_start3A_1009 = tpu.memref_squeeze %dma_start3A_1008 : memref<1x64x128xf32, #tpu.memory_space<vmem>> -> memref<64x128xf32, #tpu.memory_space<vmem>>
    %dma_start3A_1010 = arith.constant 0 : i32
    %dma_start3A_1011 = tpu.memref_slice %arg7[%dma_start3A_1010, %mul3A_1004] : memref<64x1000xf32, #tpu.memory_space<hbm>> -> memref<64x128xf32, #tpu.memory_space<hbm>>
    %dma_start3A_1012 = arith.constant 0 : i32
    %dma_start3A_1013 = arith.constant 0 : i32
    %dma_start3A_1014 = tpu.memref_slice %arg15[%dma_start3A_1005, %dma_start3A_1012, %dma_start3A_1013] : memref<8x64x128xf32, #tpu.memory_space<vmem>> -> memref<1x64x128xf32, #tpu.memory_space<vmem>>
    %dma_start3A_1015 = tpu.memref_squeeze %dma_start3A_1014 : memref<1x64x128xf32, #tpu.memory_space<vmem>> -> memref<64x128xf32, #tpu.memory_space<vmem>>
    %dma_start3A_1016 = arith.constant 0 : i32
    %dma_start3A_1017 = tpu.memref_slice %arg7[%dma_start3A_1016, %mul3A_1004] : memref<64x1000xf32, #tpu.memory_space<hbm>> -> memref<64x128xf32, #tpu.memory_space<hbm>>
    tpu.enqueue_dma source(%dma_start3A_1017 : memref<64x128xf32, #tpu.memory_space<hbm>>) target(%dma_start3A_1015 : memref<64x128xf32, #tpu.memory_space<vmem>>) target_semaphore(%arg17 : memref<!tpu.dma_semaphore, #tpu.memory_space<semaphore_mem>>)
    %add3A_1018 = arith.constant 2 : i32
    %add3A_1019 = arith.addi %shift_right_arithmetic3A_971, %add3A_1018 : i32
    %min3A_1020 = arith.minsi %add3A_1019, %shift_right_arithmetic3A_978 : i32
    %mul3A_1021 = arith.constant 128 : i32
    %mul3A_1022 = arith.muli %min3A_1020, %mul3A_1021 : i32
    %dma_start3A_1023 = arith.constant 2 : i32
    %dma_start3A_1024 = arith.constant 0 : i32
    %dma_start3A_1025 = arith.constant 0 : i32
    %dma_start3A_1026 = tpu.memref_slice %arg15[%dma_start3A_1023, %dma_start3A_1024, %dma_start3A_1025] : memref<8x64x128xf32, #tpu.memory_space<vmem>> -> memref<1x64x128xf32, #tpu.memory_space<vmem>>
    %dma_start3A_1027 = tpu.memref_squeeze %dma_start3A_1026 : memref<1x64x128xf32, #tpu.memory_space<vmem>> -> memref<64x128xf32, #tpu.memory_space<vmem>>
    %dma_start3A_1028 = arith.constant 0 : i32
    %dma_start3A_1029 = tpu.memref_slice %arg7[%dma_start3A_1028, %mul3A_1022] : memref<64x1000xf32, #tpu.memory_space<hbm>> -> memref<64x128xf32, #tpu.memory_space<hbm>>
    %dma_start3A_1030 = arith.constant 0 : i32
    %dma_start3A_1031 = arith.constant 0 : i32
    %dma_start3A_1032 = tpu.memref_slice %arg15[%dma_start3A_1023, %dma_start3A_1030, %dma_start3A_1031] : memref<8x64x128xf32, #tpu.memory_space<vmem>> -> memref<1x64x128xf32, #tpu.memory_space<vmem>>
    %dma_start3A_1033 = tpu.memref_squeeze %dma_start3A_1032 : memref<1x64x128xf32, #tpu.memory_space<vmem>> -> memref<64x128xf32, #tpu.memory_space<vmem>>
    %dma_start3A_1034 = arith.constant 0 : i32
    %dma_start3A_1035 = tpu.memref_slice %arg7[%dma_start3A_1034, %mul3A_1022] : memref<64x1000xf32, #tpu.memory_space<hbm>> -> memref<64x128xf32, #tpu.memory_space<hbm>>
    tpu.enqueue_dma source(%dma_start3A_1035 : memref<64x128xf32, #tpu.memory_space<hbm>>) target(%dma_start3A_1033 : memref<64x128xf32, #tpu.memory_space<vmem>>) target_semaphore(%arg17 : memref<!tpu.dma_semaphore, #tpu.memory_space<semaphore_mem>>)
    %add3A_1036 = arith.constant 3 : i32
    %add3A_1037 = arith.addi %shift_right_arithmetic3A_971, %add3A_1036 : i32
    %min3A_1038 = arith.minsi %add3A_1037, %shift_right_arithmetic3A_978 : i32
    %mul3A_1039 = arith.constant 128 : i32
    %mul3A_1040 = arith.muli %min3A_1038, %mul3A_1039 : i32
    %dma_start3A_1041 = arith.constant 3 : i32
    %dma_start3A_1042 = arith.constant 0 : i32
    %dma_start3A_1043 = arith.constant 0 : i32
    %dma_start3A_1044 = tpu.memref_slice %arg15[%dma_start3A_1041, %dma_start3A_1042, %dma_start3A_1043] : memref<8x64x128xf32, #tpu.memory_space<vmem>> -> memref<1x64x128xf32, #tpu.memory_space<vmem>>
    %dma_start3A_1045 = tpu.memref_squeeze %dma_start3A_1044 : memref<1x64x128xf32, #tpu.memory_space<vmem>> -> memref<64x128xf32, #tpu.memory_space<vmem>>
    %dma_start3A_1046 = arith.constant 0 : i32
    %dma_start3A_1047 = tpu.memref_slice %arg7[%dma_start3A_1046, %mul3A_1040] : memref<64x1000xf32, #tpu.memory_space<hbm>> -> memref<64x128xf32, #tpu.memory_space<hbm>>
    %dma_start3A_1048 = arith.constant 0 : i32
    %dma_start3A_1049 = arith.constant 0 : i32
    %dma_start3A_1050 = tpu.memref_slice %arg15[%dma_start3A_1041, %dma_start3A_1048, %dma_start3A_1049] : memref<8x64x128xf32, #tpu.memory_space<vmem>> -> memref<1x64x128xf32, #tpu.memory_space<vmem>>
    %dma_start3A_1051 = tpu.memref_squeeze %dma_start3A_1050 : memref<1x64x128xf32, #tpu.memory_space<vmem>> -> memref<64x128xf32, #tpu.memory_space<vmem>>
    %dma_start3A_1052 = arith.constant 0 : i32
    %dma_start3A_1053 = tpu.memref_slice %arg7[%dma_start3A_1052, %mul3A_1040] : memref<64x1000xf32, #tpu.memory_space<hbm>> -> memref<64x128xf32, #tpu.memory_space<hbm>>
    tpu.enqueue_dma source(%dma_start3A_1053 : memref<64x128xf32, #tpu.memory_space<hbm>>) target(%dma_start3A_1051 : memref<64x128xf32, #tpu.memory_space<vmem>>) target_semaphore(%arg17 : memref<!tpu.dma_semaphore, #tpu.memory_space<semaphore_mem>>)
    %add3A_1054 = arith.constant 4 : i32
    %add3A_1055 = arith.addi %shift_right_arithmetic3A_971, %add3A_1054 : i32
    %min3A_1056 = arith.minsi %add3A_1055, %shift_right_arithmetic3A_978 : i32
    %mul3A_1057 = arith.constant 128 : i32
    %mul3A_1058 = arith.muli %min3A_1056, %mul3A_1057 : i32
    %dma_start3A_1059 = arith.constant 4 : i32
    %dma_start3A_1060 = arith.constant 0 : i32
    %dma_start3A_1061 = arith.constant 0 : i32
    %dma_start3A_1062 = tpu.memref_slice %arg15[%dma_start3A_1059, %dma_start3A_1060, %dma_start3A_1061] : memref<8x64x128xf32, #tpu.memory_space<vmem>> -> memref<1x64x128xf32, #tpu.memory_space<vmem>>
    %dma_start3A_1063 = tpu.memref_squeeze %dma_start3A_1062 : memref<1x64x128xf32, #tpu.memory_space<vmem>> -> memref<64x128xf32, #tpu.memory_space<vmem>>
    %dma_start3A_1064 = arith.constant 0 : i32
    %dma_start3A_1065 = tpu.memref_slice %arg7[%dma_start3A_1064, %mul3A_1058] : memref<64x1000xf32, #tpu.memory_space<hbm>> -> memref<64x128xf32, #tpu.memory_space<hbm>>
    %dma_start3A_1066 = arith.constant 0 : i32
    %dma_start3A_1067 = arith.constant 0 : i32
    %dma_start3A_1068 = tpu.memref_slice %arg15[%dma_start3A_1059, %dma_start3A_1066, %dma_start3A_1067] : memref<8x64x128xf32, #tpu.memory_space<vmem>> -> memref<1x64x128xf32, #tpu.memory_space<vmem>>
    %dma_start3A_1069 = tpu.memref_squeeze %dma_start3A_1068 : memref<1x64x128xf32, #tpu.memory_space<vmem>> -> memref<64x128xf32, #tpu.memory_space<vmem>>
    %dma_start3A_1070 = arith.constant 0 : i32
    %dma_start3A_1071 = tpu.memref_slice %arg7[%dma_start3A_1070, %mul3A_1058] : memref<64x1000xf32, #tpu.memory_space<hbm>> -> memref<64x128xf32, #tpu.memory_space<hbm>>
    tpu.enqueue_dma source(%dma_start3A_1071 : memref<64x128xf32, #tpu.memory_space<hbm>>) target(%dma_start3A_1069 : memref<64x128xf32, #tpu.memory_space<vmem>>) target_semaphore(%arg17 : memref<!tpu.dma_semaphore, #tpu.memory_space<semaphore_mem>>)
    %add3A_1072 = arith.constant 5 : i32
    %add3A_1073 = arith.addi %shift_right_arithmetic3A_971, %add3A_1072 : i32
    %min3A_1074 = arith.minsi %add3A_1073, %shift_right_arithmetic3A_978 : i32
    %mul3A_1075 = arith.constant 128 : i32
    %mul3A_1076 = arith.muli %min3A_1074, %mul3A_1075 : i32
    %dma_start3A_1077 = arith.constant 5 : i32
    %dma_start3A_1078 = arith.constant 0 : i32
    %dma_start3A_1079 = arith.constant 0 : i32
    %dma_start3A_1080 = tpu.memref_slice %arg15[%dma_start3A_1077, %dma_start3A_1078, %dma_start3A_1079] : memref<8x64x128xf32, #tpu.memory_space<vmem>> -> memref<1x64x128xf32, #tpu.memory_space<vmem>>
    %dma_start3A_1081 = tpu.memref_squeeze %dma_start3A_1080 : memref<1x64x128xf32, #tpu.memory_space<vmem>> -> memref<64x128xf32, #tpu.memory_space<vmem>>
    %dma_start3A_1082 = arith.constant 0 : i32
    %dma_start3A_1083 = tpu.memref_slice %arg7[%dma_start3A_1082, %mul3A_1076] : memref<64x1000xf32, #tpu.memory_space<hbm>> -> memref<64x128xf32, #tpu.memory_space<hbm>>
    %dma_start3A_1084 = arith.constant 0 : i32
    %dma_start3A_1085 = arith.constant 0 : i32
    %dma_start3A_1086 = tpu.memref_slice %arg15[%dma_start3A_1077, %dma_start3A_1084, %dma_start3A_1085] : memref<8x64x128xf32, #tpu.memory_space<vmem>> -> memref<1x64x128xf32, #tpu.memory_space<vmem>>
    %dma_start3A_1087 = tpu.memref_squeeze %dma_start3A_1086 : memref<1x64x128xf32, #tpu.memory_space<vmem>> -> memref<64x128xf32, #tpu.memory_space<vmem>>
    %dma_start3A_1088 = arith.constant 0 : i32
    %dma_start3A_1089 = tpu.memref_slice %arg7[%dma_start3A_1088, %mul3A_1076] : memref<64x1000xf32, #tpu.memory_space<hbm>> -> memref<64x128xf32, #tpu.memory_space<hbm>>
    tpu.enqueue_dma source(%dma_start3A_1089 : memref<64x128xf32, #tpu.memory_space<hbm>>) target(%dma_start3A_1087 : memref<64x128xf32, #tpu.memory_space<vmem>>) target_semaphore(%arg17 : memref<!tpu.dma_semaphore, #tpu.memory_space<semaphore_mem>>)
    %add3A_1090 = arith.constant 6 : i32
    %add3A_1091 = arith.addi %shift_right_arithmetic3A_971, %add3A_1090 : i32
    %min3A_1092 = arith.minsi %add3A_1091, %shift_right_arithmetic3A_978 : i32
    %mul3A_1093 = arith.constant 128 : i32
    %mul3A_1094 = arith.muli %min3A_1092, %mul3A_1093 : i32
    %dma_start3A_1095 = arith.constant 6 : i32
    %dma_start3A_1096 = arith.constant 0 : i32
    %dma_start3A_1097 = arith.constant 0 : i32
    %dma_start3A_1098 = tpu.memref_slice %arg15[%dma_start3A_1095, %dma_start3A_1096, %dma_start3A_1097] : memref<8x64x128xf32, #tpu.memory_space<vmem>> -> memref<1x64x128xf32, #tpu.memory_space<vmem>>
    %dma_start3A_1099 = tpu.memref_squeeze %dma_start3A_1098 : memref<1x64x128xf32, #tpu.memory_space<vmem>> -> memref<64x128xf32, #tpu.memory_space<vmem>>
    %dma_start3A_1100 = arith.constant 0 : i32
    %dma_start3A_1101 = tpu.memref_slice %arg7[%dma_start3A_1100, %mul3A_1094] : memref<64x1000xf32, #tpu.memory_space<hbm>> -> memref<64x128xf32, #tpu.memory_space<hbm>>
    %dma_start3A_1102 = arith.constant 0 : i32
    %dma_start3A_1103 = arith.constant 0 : i32
    %dma_start3A_1104 = tpu.memref_slice %arg15[%dma_start3A_1095, %dma_start3A_1102, %dma_start3A_1103] : memref<8x64x128xf32, #tpu.memory_space<vmem>> -> memref<1x64x128xf32, #tpu.memory_space<vmem>>
    %dma_start3A_1105 = tpu.memref_squeeze %dma_start3A_1104 : memref<1x64x128xf32, #tpu.memory_space<vmem>> -> memref<64x128xf32, #tpu.memory_space<vmem>>
    %dma_start3A_1106 = arith.constant 0 : i32
    %dma_start3A_1107 = tpu.memref_slice %arg7[%dma_start3A_1106, %mul3A_1094] : memref<64x1000xf32, #tpu.memory_space<hbm>> -> memref<64x128xf32, #tpu.memory_space<hbm>>
    tpu.enqueue_dma source(%dma_start3A_1107 : memref<64x128xf32, #tpu.memory_space<hbm>>) target(%dma_start3A_1105 : memref<64x128xf32, #tpu.memory_space<vmem>>) target_semaphore(%arg17 : memref<!tpu.dma_semaphore, #tpu.memory_space<semaphore_mem>>)
    %add3A_1108 = arith.constant 7 : i32
    %add3A_1109 = arith.addi %shift_right_arithmetic3A_971, %add3A_1108 : i32
    %min3A_1110 = arith.minsi %add3A_1109, %shift_right_arithmetic3A_978 : i32
    %mul3A_1111 = arith.constant 128 : i32
    %mul3A_1112 = arith.muli %min3A_1110, %mul3A_1111 : i32
    %dma_start3A_1113 = arith.constant 7 : i32
    %dma_start3A_1114 = arith.constant 0 : i32
    %dma_start3A_1115 = arith.constant 0 : i32
    %dma_start3A_1116 = tpu.memref_slice %arg15[%dma_start3A_1113, %dma_start3A_1114, %dma_start3A_1115] : memref<8x64x128xf32, #tpu.memory_space<vmem>> -> memref<1x64x128xf32, #tpu.memory_space<vmem>>
    %dma_start3A_1117 = tpu.memref_squeeze %dma_start3A_1116 : memref<1x64x128xf32, #tpu.memory_space<vmem>> -> memref<64x128xf32, #tpu.memory_space<vmem>>
    %dma_start3A_1118 = arith.constant 0 : i32
    %dma_start3A_1119 = tpu.memref_slice %arg7[%dma_start3A_1118, %mul3A_1112] : memref<64x1000xf32, #tpu.memory_space<hbm>> -> memref<64x128xf32, #tpu.memory_space<hbm>>
    %dma_start3A_1120 = arith.constant 0 : i32
    %dma_start3A_1121 = arith.constant 0 : i32
    %dma_start3A_1122 = tpu.memref_slice %arg15[%dma_start3A_1113, %dma_start3A_1120, %dma_start3A_1121] : memref<8x64x128xf32, #tpu.memory_space<vmem>> -> memref<1x64x128xf32, #tpu.memory_space<vmem>>
    %dma_start3A_1123 = tpu.memref_squeeze %dma_start3A_1122 : memref<1x64x128xf32, #tpu.memory_space<vmem>> -> memref<64x128xf32, #tpu.memory_space<vmem>>
    %dma_start3A_1124 = arith.constant 0 : i32
    %dma_start3A_1125 = tpu.memref_slice %arg7[%dma_start3A_1124, %mul3A_1112] : memref<64x1000xf32, #tpu.memory_space<hbm>> -> memref<64x128xf32, #tpu.memory_space<hbm>>
    tpu.enqueue_dma source(%dma_start3A_1125 : memref<64x128xf32, #tpu.memory_space<hbm>>) target(%dma_start3A_1123 : memref<64x128xf32, #tpu.memory_space<vmem>>) target_semaphore(%arg17 : memref<!tpu.dma_semaphore, #tpu.memory_space<semaphore_mem>>)
    %while3A_1126 = arith.constant 0 : i32
    %while3A_1127 = arith.constant 256 : i32
    %while3A_1128 = arith.subi %add3A_981, %while3A_1126 : i32
    %while3A_1129 = arith.addi %while3A_1126, %while3A_1128 : i32
    %while3A_1130 = arith.constant 1 : i32
    %while3A_1131 = arith.divsi %while3A_1128, %while3A_1130 : i32
    %while3A_1132 = arith.muli %while3A_1131, %while3A_1130 : i32
    %while3A_1133 = arith.addi %while3A_1126, %while3A_1132 : i32
    %while3A_1134 = arith.constant 1 : i32
    %while3A_1135 = scf.for %while3A_1157 = %while3A_1126 to %while3A_1133 step %while3A_1134 iter_args(%while3A_1158 = %while3A_1127) -> (i32)  : i32 {
      %dma_wait3A_1159 = arith.constant 0 : i32
      %dma_wait3A_1160 = arith.constant 0 : i32
      %dma_wait3A_1161 = arith.constant 0 : i32
      %dma_wait3A_1162 = tpu.memref_slice %arg15[%dma_wait3A_1159, %dma_wait3A_1160, %dma_wait3A_1161] : memref<8x64x128xf32, #tpu.memory_space<vmem>> -> memref<1x64x128xf32, #tpu.memory_space<vmem>>
      %dma_wait3A_1163 = tpu.memref_squeeze %dma_wait3A_1162 : memref<1x64x128xf32, #tpu.memory_space<vmem>> -> memref<64x128xf32, #tpu.memory_space<vmem>>
      %dma_wait3A_1164 = arith.constant 0 : i32
      %dma_wait3A_1165 = arith.constant 0 : i32
      %dma_wait3A_1166 = tpu.memref_slice %arg7[%dma_wait3A_1164, %dma_wait3A_1165] : memref<64x1000xf32, #tpu.memory_space<hbm>> -> memref<64x128xf32, #tpu.memory_space<hbm>>
      %dma_wait3A_1167 = arith.constant 0 : i32
      %dma_wait3A_1168 = arith.constant 0 : i32
      %dma_wait3A_1169 = tpu.memref_slice %arg15[%dma_wait3A_1159, %dma_wait3A_1167, %dma_wait3A_1168] : memref<8x64x128xf32, #tpu.memory_space<vmem>> -> memref<1x64x128xf32, #tpu.memory_space<vmem>>
      %dma_wait3A_1170 = tpu.memref_squeeze %dma_wait3A_1169 : memref<1x64x128xf32, #tpu.memory_space<vmem>> -> memref<64x128xf32, #tpu.memory_space<vmem>>
      %dma_wait3A_1171 = arith.constant 0 : i32
      %dma_wait3A_1172 = arith.constant 0 : i32
      %dma_wait3A_1173 = tpu.memref_slice %arg7[%dma_wait3A_1171, %dma_wait3A_1172] : memref<64x1000xf32, #tpu.memory_space<hbm>> -> memref<64x128xf32, #tpu.memory_space<hbm>>
      tpu.wait_dma2 semaphore(%arg17 : memref<!tpu.dma_semaphore, #tpu.memory_space<semaphore_mem>>) src(%dma_wait3A_1173 : memref<64x128xf32, #tpu.memory_space<hbm>>) dst(%dma_wait3A_1170 : memref<64x128xf32, #tpu.memory_space<vmem>>)
      %rem3A = arith.constant 8 : i32
      %rem3A_1174 = arith.remsi %while3A_1157, %rem3A : i32
      %add3A_1175 = arith.addi %shift_right_arithmetic3A_971, %while3A_1157 : i32
      %while3A_1176 = scf.while (%while3A_1195 = %while3A_1158) : (i32) -> i32 {
        %lt3A = arith.constant 512 : i32
        %lt3A_1196 = arith.cmpi slt, %while3A_1195, %lt3A : i32
        %broadcast_in_dim3A_1197 = vector.broadcast %while3A_1195 : i32 to vector<16xi32>
        %gather3A_1198 = tpu.vector_load_idx %arg13[%broadcast_in_dim3A_1197] : memref<528xi32, #tpu.memory_space<vmem>>[vector<16xi32>], vector<16xi32>,
        %slice3A_1199 = vector.extract_strided_slice %gather3A_1198 {offsets = [0], sizes = [1], strides = [1]} : vector<16xi32> to vector<1xi32>
        %squeeze3A_1200 = vector.extract %slice3A_1199[0] : i32 from vector<1xi32>
        %shift_right_arithmetic3A_1201 = arith.constant 7 : i32
        %shift_right_arithmetic3A_1202 = arith.shrsi %squeeze3A_1200, %shift_right_arithmetic3A_1201 : i32
        %eq3A = arith.cmpi eq, %shift_right_arithmetic3A_1202, %add3A_1175 : i32
        %and3A = arith.andi %lt3A_1196, %eq3A : i1
        scf.condition(%and3A) %while3A_1195 : i32
      } do {
      ^bb0(%while3A_1195: i32):
        %broadcast_in_dim3A_1196 = vector.broadcast %while3A_1195 : i32 to vector<16xi32>
        %gather3A_1197 = tpu.vector_load_idx %arg13[%broadcast_in_dim3A_1196] : memref<528xi32, #tpu.memory_space<vmem>>[vector<16xi32>], vector<16xi32>,
        %and3A = arith.constant 127 : i32
        %and3A_1198 = vector.broadcast %and3A : i32 to vector<16xi32>
        %and3A_1199 = arith.andi %gather3A_1197, %and3A_1198 : vector<16xi32>
        %broadcast_in_dim3A_1200 = vector.broadcast %rem3A_1174 : i32 to vector<16xi32>
        %add3A_1201 = arith.constant 0 : i32
        %add3A_1202 = vector.broadcast %add3A_1201 : i32 to vector<16xi32>
        %add3A_1203 = arith.addi %iota3A, %add3A_1202 : vector<16xi32>
        %gather3A_1204 = tpu.vector_load_idx %arg15[%broadcast_in_dim3A_1200, %add3A_1203, %and3A_1199] : memref<8x64x128xf32, #tpu.memory_space<vmem>>[vector<16xi32>, vector<16xi32>, vector<16xi32>], vector<16xf32>,
        %sub3A_1205 = arith.constant 256 : i32
        %sub3A_1206 = arith.subi %while3A_1195, %sub3A_1205 : i32
        %swap3A_1207 = arith.index_cast %sub3A_1206 : i32 to index
        %swap3A_1208 = arith.constant 0 : index
        %swap3A_1209 = tpu.vector_load %arg16[%swap3A_1207, %swap3A_1208] {strides = array<i32>} : memref<256x64xf32, #tpu.memory_space<vmem>>, vector<16xf32>,
        tpu.vector_store %arg16[%swap3A_1207, %swap3A_1208], %gather3A_1204 {strides = array<i32>} : memref<256x64xf32, #tpu.memory_space<vmem>>, vector<16xf32>,
        %add3A_1210 = arith.constant 16 : i32
        %add3A_1211 = vector.broadcast %add3A_1210 : i32 to vector<16xi32>
        %add3A_1212 = arith.addi %iota3A, %add3A_1211 : vector<16xi32>
        %gather3A_1213 = tpu.vector_load_idx %arg15[%broadcast_in_dim3A_1200, %add3A_1212, %and3A_1199] : memref<8x64x128xf32, #tpu.memory_space<vmem>>[vector<16xi32>, vector<16xi32>, vector<16xi32>], vector<16xf32>,
        %sub3A_1214 = arith.constant 256 : i32
        %sub3A_1215 = arith.subi %while3A_1195, %sub3A_1214 : i32
        %swap3A_1216 = arith.index_cast %sub3A_1215 : i32 to index
        %swap3A_1217 = arith.constant 16 : index
        %swap3A_1218 = tpu.vector_load %arg16[%swap3A_1216, %swap3A_1217] {strides = array<i32>} : memref<256x64xf32, #tpu.memory_space<vmem>>, vector<16xf32>,
        tpu.vector_store %arg16[%swap3A_1216, %swap3A_1217], %gather3A_1213 {strides = array<i32>} : memref<256x64xf32, #tpu.memory_space<vmem>>, vector<16xf32>,
        %add3A_1219 = arith.constant 32 : i32
        %add3A_1220 = vector.broadcast %add3A_1219 : i32 to vector<16xi32>
        %add3A_1221 = arith.addi %iota3A, %add3A_1220 : vector<16xi32>
        %gather3A_1222 = tpu.vector_load_idx %arg15[%broadcast_in_dim3A_1200, %add3A_1221, %and3A_1199] : memref<8x64x128xf32, #tpu.memory_space<vmem>>[vector<16xi32>, vector<16xi32>, vector<16xi32>], vector<16xf32>,
        %sub3A_1223 = arith.constant 256 : i32
        %sub3A_1224 = arith.subi %while3A_1195, %sub3A_1223 : i32
        %swap3A_1225 = arith.index_cast %sub3A_1224 : i32 to index
        %swap3A_1226 = arith.constant 32 : index
        %swap3A_1227 = tpu.vector_load %arg16[%swap3A_1225, %swap3A_1226] {strides = array<i32>} : memref<256x64xf32, #tpu.memory_space<vmem>>, vector<16xf32>,
        tpu.vector_store %arg16[%swap3A_1225, %swap3A_1226], %gather3A_1222 {strides = array<i32>} : memref<256x64xf32, #tpu.memory_space<vmem>>, vector<16xf32>,
        %add3A_1228 = arith.constant 48 : i32
        %add3A_1229 = vector.broadcast %add3A_1228 : i32 to vector<16xi32>
        %add3A_1230 = arith.addi %iota3A, %add3A_1229 : vector<16xi32>
        %gather3A_1231 = tpu.vector_load_idx %arg15[%broadcast_in_dim3A_1200, %add3A_1230, %and3A_1199] : memref<8x64x128xf32, #tpu.memory_space<vmem>>[vector<16xi32>, vector<16xi32>, vector<16xi32>], vector<16xf32>,
        %sub3A_1232 = arith.constant 256 : i32
        %sub3A_1233 = arith.subi %while3A_1195, %sub3A_1232 : i32
        %swap3A_1234 = arith.index_cast %sub3A_1233 : i32 to index
        %swap3A_1235 = arith.constant 48 : index
        %swap3A_1236 = tpu.vector_load %arg16[%swap3A_1234, %swap3A_1235] {strides = array<i32>} : memref<256x64xf32, #tpu.memory_space<vmem>>, vector<16xf32>,
        tpu.vector_store %arg16[%swap3A_1234, %swap3A_1235], %gather3A_1231 {strides = array<i32>} : memref<256x64xf32, #tpu.memory_space<vmem>>, vector<16xf32>,
        %add3A_1237 = arith.constant 1 : i32
        %add3A_1238 = arith.addi %while3A_1195, %add3A_1237 : i32
        scf.yield %add3A_1238 : i32
      }
      %add3A_1177 = arith.addi %shift_right_arithmetic3A_971, %while3A_1157 : i32
      %add3A_1178 = arith.constant 8 : i32
      %add3A_1179 = arith.addi %add3A_1177, %add3A_1178 : i32
      %min3A_1180 = arith.minsi %add3A_1179, %shift_right_arithmetic3A_978 : i32
      %mul3A_1181 = arith.constant 128 : i32
      %mul3A_1182 = arith.muli %min3A_1180, %mul3A_1181 : i32
      %dma_start3A_1183 = arith.constant 0 : i32
      %dma_start3A_1184 = arith.constant 0 : i32
      %dma_start3A_1185 = tpu.memref_slice %arg15[%rem3A_1174, %dma_start3A_1183, %dma_start3A_1184] : memref<8x64x128xf32, #tpu.memory_space<vmem>> -> memref<1x64x128xf32, #tpu.memory_space<vmem>>
      %dma_start3A_1186 = tpu.memref_squeeze %dma_start3A_1185 : memref<1x64x128xf32, #tpu.memory_space<vmem>> -> memref<64x128xf32, #tpu.memory_space<vmem>>
      %dma_start3A_1187 = arith.constant 0 : i32
      %dma_start3A_1188 = tpu.memref_slice %arg7[%dma_start3A_1187, %mul3A_1182] : memref<64x1000xf32, #tpu.memory_space<hbm>> -> memref<64x128xf32, #tpu.memory_space<hbm>>
      %dma_start3A_1189 = arith.constant 0 : i32
      %dma_start3A_1190 = arith.constant 0 : i32
      %dma_start3A_1191 = tpu.memref_slice %arg15[%rem3A_1174, %dma_start3A_1189, %dma_start3A_1190] : memref<8x64x128xf32, #tpu.memory_space<vmem>> -> memref<1x64x128xf32, #tpu.memory_space<vmem>>
      %dma_start3A_1192 = tpu.memref_squeeze %dma_start3A_1191 : memref<1x64x128xf32, #tpu.memory_space<vmem>> -> memref<64x128xf32, #tpu.memory_space<vmem>>
      %dma_start3A_1193 = arith.constant 0 : i32
      %dma_start3A_1194 = tpu.memref_slice %arg7[%dma_start3A_1193, %mul3A_1182] : memref<64x1000xf32, #tpu.memory_space<hbm>> -> memref<64x128xf32, #tpu.memory_space<hbm>>
      tpu.enqueue_dma source(%dma_start3A_1194 : memref<64x128xf32, #tpu.memory_space<hbm>>) target(%dma_start3A_1192 : memref<64x128xf32, #tpu.memory_space<vmem>>) target_semaphore(%arg17 : memref<!tpu.dma_semaphore, #tpu.memory_space<semaphore_mem>>)
      scf.yield %while3A_1176 : i32
    }
    %while3A_1136 = arith.constant 1 : i32
    %while3A_1137 = scf.for %while3A_1157 = %while3A_1133 to %while3A_1129 step %while3A_1136 iter_args(%while3A_1158 = %while3A_1135) -> (i32)  : i32 {
      %dma_wait3A_1159 = arith.constant 0 : i32
      %dma_wait3A_1160 = arith.constant 0 : i32
      %dma_wait3A_1161 = arith.constant 0 : i32
      %dma_wait3A_1162 = tpu.memref_slice %arg15[%dma_wait3A_1159, %dma_wait3A_1160, %dma_wait3A_1161] : memref<8x64x128xf32, #tpu.memory_space<vmem>> -> memref<1x64x128xf32, #tpu.memory_space<vmem>>
      %dma_wait3A_1163 = tpu.memref_squeeze %dma_wait3A_1162 : memref<1x64x128xf32, #tpu.memory_space<vmem>> -> memref<64x128xf32, #tpu.memory_space<vmem>>
      %dma_wait3A_1164 = arith.constant 0 : i32
      %dma_wait3A_1165 = arith.constant 0 : i32
      %dma_wait3A_1166 = tpu.memref_slice %arg7[%dma_wait3A_1164, %dma_wait3A_1165] : memref<64x1000xf32, #tpu.memory_space<hbm>> -> memref<64x128xf32, #tpu.memory_space<hbm>>
      %dma_wait3A_1167 = arith.constant 0 : i32
      %dma_wait3A_1168 = arith.constant 0 : i32
      %dma_wait3A_1169 = tpu.memref_slice %arg15[%dma_wait3A_1159, %dma_wait3A_1167, %dma_wait3A_1168] : memref<8x64x128xf32, #tpu.memory_space<vmem>> -> memref<1x64x128xf32, #tpu.memory_space<vmem>>
      %dma_wait3A_1170 = tpu.memref_squeeze %dma_wait3A_1169 : memref<1x64x128xf32, #tpu.memory_space<vmem>> -> memref<64x128xf32, #tpu.memory_space<vmem>>
      %dma_wait3A_1171 = arith.constant 0 : i32
      %dma_wait3A_1172 = arith.constant 0 : i32
      %dma_wait3A_1173 = tpu.memref_slice %arg7[%dma_wait3A_1171, %dma_wait3A_1172] : memref<64x1000xf32, #tpu.memory_space<hbm>> -> memref<64x128xf32, #tpu.memory_space<hbm>>
      tpu.wait_dma2 semaphore(%arg17 : memref<!tpu.dma_semaphore, #tpu.memory_space<semaphore_mem>>) src(%dma_wait3A_1173 : memref<64x128xf32, #tpu.memory_space<hbm>>) dst(%dma_wait3A_1170 : memref<64x128xf32, #tpu.memory_space<vmem>>)
      %rem3A = arith.constant 8 : i32
      %rem3A_1174 = arith.remsi %while3A_1157, %rem3A : i32
      %add3A_1175 = arith.addi %shift_right_arithmetic3A_971, %while3A_1157 : i32
      %while3A_1176 = scf.while (%while3A_1195 = %while3A_1158) : (i32) -> i32 {
        %lt3A = arith.constant 512 : i32
        %lt3A_1196 = arith.cmpi slt, %while3A_1195, %lt3A : i32
        %broadcast_in_dim3A_1197 = vector.broadcast %while3A_1195 : i32 to vector<16xi32>
        %gather3A_1198 = tpu.vector_load_idx %arg13[%broadcast_in_dim3A_1197] : memref<528xi32, #tpu.memory_space<vmem>>[vector<16xi32>], vector<16xi32>,
        %slice3A_1199 = vector.extract_strided_slice %gather3A_1198 {offsets = [0], sizes = [1], strides = [1]} : vector<16xi32> to vector<1xi32>
        %squeeze3A_1200 = vector.extract %slice3A_1199[0] : i32 from vector<1xi32>
        %shift_right_arithmetic3A_1201 = arith.constant 7 : i32
        %shift_right_arithmetic3A_1202 = arith.shrsi %squeeze3A_1200, %shift_right_arithmetic3A_1201 : i32
        %eq3A = arith.cmpi eq, %shift_right_arithmetic3A_1202, %add3A_1175 : i32
        %and3A = arith.andi %lt3A_1196, %eq3A : i1
        scf.condition(%and3A) %while3A_1195 : i32
      } do {
      ^bb0(%while3A_1195: i32):
        %broadcast_in_dim3A_1196 = vector.broadcast %while3A_1195 : i32 to vector<16xi32>
        %gather3A_1197 = tpu.vector_load_idx %arg13[%broadcast_in_dim3A_1196] : memref<528xi32, #tpu.memory_space<vmem>>[vector<16xi32>], vector<16xi32>,
        %and3A = arith.constant 127 : i32
        %and3A_1198 = vector.broadcast %and3A : i32 to vector<16xi32>
        %and3A_1199 = arith.andi %gather3A_1197, %and3A_1198 : vector<16xi32>
        %broadcast_in_dim3A_1200 = vector.broadcast %rem3A_1174 : i32 to vector<16xi32>
        %add3A_1201 = arith.constant 0 : i32
        %add3A_1202 = vector.broadcast %add3A_1201 : i32 to vector<16xi32>
        %add3A_1203 = arith.addi %iota3A, %add3A_1202 : vector<16xi32>
        %gather3A_1204 = tpu.vector_load_idx %arg15[%broadcast_in_dim3A_1200, %add3A_1203, %and3A_1199] : memref<8x64x128xf32, #tpu.memory_space<vmem>>[vector<16xi32>, vector<16xi32>, vector<16xi32>], vector<16xf32>,
        %sub3A_1205 = arith.constant 256 : i32
        %sub3A_1206 = arith.subi %while3A_1195, %sub3A_1205 : i32
        %swap3A_1207 = arith.index_cast %sub3A_1206 : i32 to index
        %swap3A_1208 = arith.constant 0 : index
        %swap3A_1209 = tpu.vector_load %arg16[%swap3A_1207, %swap3A_1208] {strides = array<i32>} : memref<256x64xf32, #tpu.memory_space<vmem>>, vector<16xf32>,
        tpu.vector_store %arg16[%swap3A_1207, %swap3A_1208], %gather3A_1204 {strides = array<i32>} : memref<256x64xf32, #tpu.memory_space<vmem>>, vector<16xf32>,
        %add3A_1210 = arith.constant 16 : i32
        %add3A_1211 = vector.broadcast %add3A_1210 : i32 to vector<16xi32>
        %add3A_1212 = arith.addi %iota3A, %add3A_1211 : vector<16xi32>
        %gather3A_1213 = tpu.vector_load_idx %arg15[%broadcast_in_dim3A_1200, %add3A_1212, %and3A_1199] : memref<8x64x128xf32, #tpu.memory_space<vmem>>[vector<16xi32>, vector<16xi32>, vector<16xi32>], vector<16xf32>,
        %sub3A_1214 = arith.constant 256 : i32
        %sub3A_1215 = arith.subi %while3A_1195, %sub3A_1214 : i32
        %swap3A_1216 = arith.index_cast %sub3A_1215 : i32 to index
        %swap3A_1217 = arith.constant 16 : index
        %swap3A_1218 = tpu.vector_load %arg16[%swap3A_1216, %swap3A_1217] {strides = array<i32>} : memref<256x64xf32, #tpu.memory_space<vmem>>, vector<16xf32>,
        tpu.vector_store %arg16[%swap3A_1216, %swap3A_1217], %gather3A_1213 {strides = array<i32>} : memref<256x64xf32, #tpu.memory_space<vmem>>, vector<16xf32>,
        %add3A_1219 = arith.constant 32 : i32
        %add3A_1220 = vector.broadcast %add3A_1219 : i32 to vector<16xi32>
        %add3A_1221 = arith.addi %iota3A, %add3A_1220 : vector<16xi32>
        %gather3A_1222 = tpu.vector_load_idx %arg15[%broadcast_in_dim3A_1200, %add3A_1221, %and3A_1199] : memref<8x64x128xf32, #tpu.memory_space<vmem>>[vector<16xi32>, vector<16xi32>, vector<16xi32>], vector<16xf32>,
        %sub3A_1223 = arith.constant 256 : i32
        %sub3A_1224 = arith.subi %while3A_1195, %sub3A_1223 : i32
        %swap3A_1225 = arith.index_cast %sub3A_1224 : i32 to index
        %swap3A_1226 = arith.constant 32 : index
        %swap3A_1227 = tpu.vector_load %arg16[%swap3A_1225, %swap3A_1226] {strides = array<i32>} : memref<256x64xf32, #tpu.memory_space<vmem>>, vector<16xf32>,
        tpu.vector_store %arg16[%swap3A_1225, %swap3A_1226], %gather3A_1222 {strides = array<i32>} : memref<256x64xf32, #tpu.memory_space<vmem>>, vector<16xf32>,
        %add3A_1228 = arith.constant 48 : i32
        %add3A_1229 = vector.broadcast %add3A_1228 : i32 to vector<16xi32>
        %add3A_1230 = arith.addi %iota3A, %add3A_1229 : vector<16xi32>
        %gather3A_1231 = tpu.vector_load_idx %arg15[%broadcast_in_dim3A_1200, %add3A_1230, %and3A_1199] : memref<8x64x128xf32, #tpu.memory_space<vmem>>[vector<16xi32>, vector<16xi32>, vector<16xi32>], vector<16xf32>,
        %sub3A_1232 = arith.constant 256 : i32
        %sub3A_1233 = arith.subi %while3A_1195, %sub3A_1232 : i32
        %swap3A_1234 = arith.index_cast %sub3A_1233 : i32 to index
        %swap3A_1235 = arith.constant 48 : index
        %swap3A_1236 = tpu.vector_load %arg16[%swap3A_1234, %swap3A_1235] {strides = array<i32>} : memref<256x64xf32, #tpu.memory_space<vmem>>, vector<16xf32>,
        tpu.vector_store %arg16[%swap3A_1234, %swap3A_1235], %gather3A_1231 {strides = array<i32>} : memref<256x64xf32, #tpu.memory_space<vmem>>, vector<16xf32>,
        %add3A_1237 = arith.constant 1 : i32
        %add3A_1238 = arith.addi %while3A_1195, %add3A_1237 : i32
        scf.yield %add3A_1238 : i32
      }
      %add3A_1177 = arith.addi %shift_right_arithmetic3A_971, %while3A_1157 : i32
      %add3A_1178 = arith.constant 8 : i32
      %add3A_1179 = arith.addi %add3A_1177, %add3A_1178 : i32
      %min3A_1180 = arith.minsi %add3A_1179, %shift_right_arithmetic3A_978 : i32
      %mul3A_1181 = arith.constant 128 : i32
      %mul3A_1182 = arith.muli %min3A_1180, %mul3A_1181 : i32
      %dma_start3A_1183 = arith.constant 0 : i32
      %dma_start3A_1184 = arith.constant 0 : i32
      %dma_start3A_1185 = tpu.memref_slice %arg15[%rem3A_1174, %dma_start3A_1183, %dma_start3A_1184] : memref<8x64x128xf32, #tpu.memory_space<vmem>> -> memref<1x64x128xf32, #tpu.memory_space<vmem>>
      %dma_start3A_1186 = tpu.memref_squeeze %dma_start3A_1185 : memref<1x64x128xf32, #tpu.memory_space<vmem>> -> memref<64x128xf32, #tpu.memory_space<vmem>>
      %dma_start3A_1187 = arith.constant 0 : i32
      %dma_start3A_1188 = tpu.memref_slice %arg7[%dma_start3A_1187, %mul3A_1182] : memref<64x1000xf32, #tpu.memory_space<hbm>> -> memref<64x128xf32, #tpu.memory_space<hbm>>
      %dma_start3A_1189 = arith.constant 0 : i32
      %dma_start3A_1190 = arith.constant 0 : i32
      %dma_start3A_1191 = tpu.memref_slice %arg15[%rem3A_1174, %dma_start3A_1189, %dma_start3A_1190] : memref<8x64x128xf32, #tpu.memory_space<vmem>> -> memref<1x64x128xf32, #tpu.memory_space<vmem>>
      %dma_start3A_1192 = tpu.memref_squeeze %dma_start3A_1191 : memref<1x64x128xf32, #tpu.memory_space<vmem>> -> memref<64x128xf32, #tpu.memory_space<vmem>>
      %dma_start3A_1193 = arith.constant 0 : i32
      %dma_start3A_1194 = tpu.memref_slice %arg7[%dma_start3A_1193, %mul3A_1182] : memref<64x1000xf32, #tpu.memory_space<hbm>> -> memref<64x128xf32, #tpu.memory_space<hbm>>
      tpu.enqueue_dma source(%dma_start3A_1194 : memref<64x128xf32, #tpu.memory_space<hbm>>) target(%dma_start3A_1192 : memref<64x128xf32, #tpu.memory_space<vmem>>) target_semaphore(%arg17 : memref<!tpu.dma_semaphore, #tpu.memory_space<semaphore_mem>>)
      scf.yield %while3A_1176 : i32
    }
    %dma_wait3A_1138 = arith.constant 0 : i32
    %dma_wait3A_1139 = arith.constant 0 : i32
    %dma_wait3A_1140 = tpu.memref_slice %arg7[%dma_wait3A_1138, %dma_wait3A_1139] : memref<64x1000xf32, #tpu.memory_space<hbm>> -> memref<64x1024xf32, #tpu.memory_space<hbm>>
    %dma_wait3A_1141 = arith.constant 0 : i32
    %dma_wait3A_1142 = arith.constant 0 : i32
    %dma_wait3A_1143 = tpu.memref_slice %arg7[%dma_wait3A_1141, %dma_wait3A_1142] : memref<64x1000xf32, #tpu.memory_space<hbm>> -> memref<64x1024xf32, #tpu.memory_space<hbm>>
    tpu.wait_dma2 semaphore(%arg17 : memref<!tpu.dma_semaphore, #tpu.memory_space<semaphore_mem>>) src(%dma_wait3A_1143 : memref<64x1024xf32, #tpu.memory_space<hbm>>) dst(%arg15 : memref<8x64x128xf32, #tpu.memory_space<vmem>>)
    %scan3A_1144 = arith.constant 0 : i32
    %scan3A_1145 = arith.constant 0 : i32
    %scan3A_1146 = arith.constant 256 : i32
    %scan3A_1147 = arith.addi %scan3A_1145, %scan3A_1146 : i32
    %scan3A_1148 = arith.constant 1 : i32
    %scan3A_1149 = scf.for %scan3A_1157 = %scan3A_1145 to %scan3A_1147 step %scan3A_1148 iter_args(%scan3A_1158 = %scan3A_1144) -> (i32)  : i32 {
      %add3A_1159 = arith.constant 256 : i32
      %add3A_1160 = arith.addi %add3A_1159, %scan3A_1157 : i32
      %broadcast_in_dim3A_1161 = vector.broadcast %add3A_1160 : i32 to vector<16xi32>
      %gather3A_1162 = tpu.vector_load_idx %arg14[%broadcast_in_dim3A_1161] : memref<512xi32, #tpu.memory_space<vmem>>[vector<16xi32>], vector<16xi32>,
      %slice3A_1163 = vector.extract_strided_slice %gather3A_1162 {offsets = [0], sizes = [1], strides = [1]} : vector<16xi32> to vector<1xi32>
      %squeeze3A_1164 = vector.extract %slice3A_1163[0] : i32 from vector<1xi32>
      %dma_start3A_1165 = arith.constant 0 : i32
      %dma_start3A_1166 = tpu.memref_slice %arg16[%scan3A_1157, %dma_start3A_1165] : memref<256x64xf32, #tpu.memory_space<vmem>> -> memref<1x64xf32, #tpu.memory_space<vmem>>
      %dma_start3A_1167 = arith.constant 0 : i32
      %dma_start3A_1168 = tpu.memref_slice %arg9[%squeeze3A_1164, %dma_start3A_1167] : memref<16384x64xf32, #tpu.memory_space<hbm>> -> memref<1x64xf32, #tpu.memory_space<hbm>>
      %dma_start3A_1169 = arith.constant 0 : i32
      %dma_start3A_1170 = tpu.memref_slice %arg9[%squeeze3A_1164, %dma_start3A_1169] : memref<16384x64xf32, #tpu.memory_space<hbm>> -> memref<1x64xf32, #tpu.memory_space<hbm>>
      %dma_start3A_1171 = arith.constant 0 : i32
      %dma_start3A_1172 = tpu.memref_slice %arg16[%scan3A_1157, %dma_start3A_1171] : memref<256x64xf32, #tpu.memory_space<vmem>> -> memref<1x64xf32, #tpu.memory_space<vmem>>
      tpu.enqueue_dma source(%dma_start3A_1172 : memref<1x64xf32, #tpu.memory_space<vmem>>) target(%dma_start3A_1170 : memref<1x64xf32, #tpu.memory_space<hbm>>) target_semaphore(%arg18 : memref<!tpu.dma_semaphore, #tpu.memory_space<semaphore_mem>>)
      %scan3A_1173 = arith.constant 0 : i32
      scf.yield %scan3A_1173 : i32
    }
    %scan3A_1150 = arith.constant 256 : i32
    %dma_wait3A_1151 = arith.constant 0 : i32
    %dma_wait3A_1152 = arith.constant 0 : i32
    %dma_wait3A_1153 = tpu.memref_slice %arg8[%dma_wait3A_1151, %dma_wait3A_1152] : memref<16384x64xf32, #tpu.memory_space<hbm>> -> memref<256x64xf32, #tpu.memory_space<hbm>>
    %dma_wait3A_1154 = arith.constant 0 : i32
    %dma_wait3A_1155 = arith.constant 0 : i32
    %dma_wait3A_1156 = tpu.memref_slice %arg8[%dma_wait3A_1154, %dma_wait3A_1155] : memref<16384x64xf32, #tpu.memory_space<hbm>> -> memref<256x64xf32, #tpu.memory_space<hbm>>
    tpu.wait_dma2 semaphore(%arg18 : memref<!tpu.dma_semaphore, #tpu.memory_space<semaphore_mem>>) src(%dma_wait3A_1156 : memref<256x64xf32, #tpu.memory_space<hbm>>) dst(%arg16 : memref<256x64xf32, #tpu.memory_space<vmem>>)
    return
  }
}

</mosaic_0001>

<sc_bundles>
// kernel: _gather3.3.cloned.1.call-start
scs
__scs_entry_jumppad:
0x0: {  	(pc) =	sbr.rel $0x88, $3  }
0x1: {  	(tag) =	ssettag $0x0;
	lr =	simm.s32 $0x1  }
0x2: {  	[smem:$0x3F9C] =	sst lr;
	_ =	strace $0xD0000000  }
0x3: {  	_ = 	snop  }
0x4: {  	_ = 	snop  }
0x5: {  	_ = 	snop  }
0x6: {  	_ = 	snop  }
0x7: {  	_ = 	snop  }
__scs_overlays_trampoline_lowered:
0x8: {  	[smem:$0x3FAB] =	sst s0  }
0x9: {  	[smem:$0x3FAC] =	sst s1  }
0xa: {  	[smem:$0x3FAD] =	sst s2  }
0xb: {  	[smem:$0x3FAE] =	sst s3  }
0xc: {  	[smem:$0x3FAF] =	sst s4  }
0xd: {  	[smem:$0x3FB0] =	sst s5  }
0xe: {  	[smem:$0x3FB1] =	sst s6  }
0xf: {  	[smem:$0x3FB2] =	sst s7  }
0x10: {  	[smem:$0x3FB3] =	sst s8  }
0x11: {  	[smem:$0x3FB4] =	sst s9;
	s0 =	simm.s32 @!p0 $0x0  }
0x12: {  	s1 =	sld [smem:$0x3F9A];
	s0 =	simm.s32 @p0 $0x1  }
0x13: {  	[smem:$0x3FB5] =	sst s0;
	s0 =	simm.s32 @!p1 $0x0  }
0x14: {  	s2 =	sld [smem:$0x3F99];
	s0 =	simm.s32 @p1 $0x1  }
0x15: {  	[smem:$0x3FB6] =	sst s0;
	s0 =	simm.s32 @!p2 $0x0  }
0x16: {  	s3 =	sld [smem:$0x3FDB];
	s0 =	simm.s32 @p2 $0x1  }
0x17: {  	s4 =	simm.s32 $0x1BF5;
	[smem:$0x3FB8] =	sst s0  }
0x18: {  	s0 =	sld [smem:$0x3F9B];
	_ =	swait.ge [sflag:s4], $0x0  }
0x19: {  	s7 =	sld [smem:$0x3F9C]  }
0x1a: {  	s8 =	sadd.s32 $0xFFFFE003, lr  }
0x1b: {  	s9 =	sadd.s32 $0xFFFFFEF7, lr;
	s5 =	simm.s32 $0xFFFFFFFF;
	p2 =	slt.u32 s8, $0xFFFFF086  }
0x1c: {  	p1 =	slt.u32 s9, $0xF7A;
	s5 =	simm.s32 @!p2 $0x0  }
0x1d: {  	s5 =	simm.s32 @p1 $0x1;
	p0 =	seq.s32 s7, s2  }
0x1e: {  	s7 =	smul.u32 @!p0 $0xF7A, s2;
	p2 =	seq.s32 @!p0 s5, $0x0  }
0x1f: {  	s9 =	smul.u32 $0xF7A, s1;
	s8 =	simm.s32 @!p0 $0x1BF5;
	p2 =	por !p2, p0  }
0x20: {  	[sflag:s8] =	ssyncset.s32 @!p0 $0xFFFFF086;
	s6 =	sadd.s32 @!p0 s3, s7;
	s7 =	simm.s32 @!p0 $0x108  }
0x21: {  	s3 =	sadd.s32 s3, s9;
	s6 =	sadd.s32 @!p0 $0x88, s6;
	s7 =	simm.s32 @p2 $0x1082  }
0x22: {  	[simem:s7], [sflag:s8] =	dma.local @!p0 [hbm:s6], $0xF7A  }
0x23: {  	s9 =	sor.u32 $0xD0000000, s2;
	s6 =	simm.s32 $0x108;
	_ =	swait.ge @!p0 [sflag:s8], $0x0  }
0x24: {  	s3 =	sadd.s32 $0x88, s3;
	s6 =	simm.s32 @!p1 $0x1082;
	[sflag:s4] =	ssyncset.s32 $0xFFFFF086  }
0x25: {  	[simem:s6], [sflag:s4] =	dma.local [hbm:s3], $0xF7A  }
0x26: {  	[smem:$0x3F9C] =	sst s1;
	(tag) =	ssettag s2;
	_ =	strace s9  }
0x27: {  	s1 =	sld [smem:$0x3FAC]  }
0x28: {  	s2 =	sld [smem:$0x3FAD]  }
0x29: {  	s4 =	sld [smem:$0x3FAF]  }
0x2a: {  	p0 =	seq.s32 s5, $0x0;
	s5 =	sld [smem:$0x3FB0]  }
0x2b: {  	s6 =	sld [smem:$0x3FB1]  }
0x2c: {  	s7 =	sld [smem:$0x3FB2]  }
0x2d: {  	s3 =	simm.s32 $0x108;
	s8 =	sld [smem:$0x3FB3]  }
0x2e: {  	s3 =	simm.s32 @!p0 $0x1082;
	s9 =	sld [smem:$0x3FB4]  }
0x2f: {  	lr =	sadd.s32 s0, s3;
	s0 =	sld [smem:$0x3FAB]  }
0x30: {  	s3 =	sld [smem:$0x3FAE]  }
0x31: {  	[smem:$0x3FB7] =	sst s10  }
0x32: {  	s10 =	sld [smem:$0x3FB5];
	_ =	sdelay $0x3  }
0x33: {  	p0 =	seq.s32 s10, $0x1;
	s10 =	sld [smem:$0x3FB7];
	_ =	sdelay $0x3  }
0x34: {  	[smem:$0x3FB7] =	sst s10  }
0x35: {  	s10 =	sld [smem:$0x3FB6];
	_ =	sdelay $0x3  }
0x36: {  	p1 =	seq.s32 s10, $0x1;
	s10 =	sld [smem:$0x3FB7];
	_ =	sdelay $0x3  }
0x37: {  	[smem:$0x3FB7] =	sst s10  }
0x38: {  	s10 =	sld [smem:$0x3FB8]  }
0x39: {  	_ = 	snop;
	(pc) =	sbr.ind lr, $3  }
0x3a: {  	_ = 	snop  }
0x3b: {  	_ = 	snop  }
0x3c: {  	p2 =	seq.s32 s10, $0x1;
	s10 =	sld [smem:$0x3FB7]  }
0x3d: {  	_ =	shalt  }
0x3e: {  	_ =	shalt  }
0x3f: {  	_ =	shalt  }
0x40: {  	_ =	shalt  }
0x41: {  	_ =	shalt  }
0x42: {  	_ =	shalt  }
0x43: {  	_ =	shalt  }
0x44: {  	_ =	shalt  }
0x45: {  	_ =	shalt  }
0x46: {  	_ =	shalt  }
0x47: {  	_ =	shalt  }
0x48: {  	_ =	shalt  }
0x49: {  	_ =	shalt  }
0x4a: {  	_ =	shalt  }
0x4b: {  	_ =	shalt  }
0x4c: {  	_ =	shalt  }
0x4d: {  	_ =	shalt  }
0x4e: {  	_ =	shalt  }
0x4f: {  	_ =	shalt  }
0x50: {  	_ =	shalt  }
0x51: {  	_ =	shalt  }
0x52: {  	_ =	shalt  }
0x53: {  	_ =	shalt  }
0x54: {  	_ =	shalt  }
0x55: {  	_ =	shalt  }
0x56: {  	_ =	shalt  }
0x57: {  	_ =	shalt  }
0x58: {  	_ =	shalt  }
0x59: {  	_ =	shalt  }
0x5a: {  	_ =	shalt  }
0x5b: {  	_ =	shalt  }
0x5c: {  	_ =	shalt  }
0x5d: {  	_ =	shalt  }
0x5e: {  	_ =	shalt  }
0x5f: {  	_ =	shalt  }
0x60: {  	_ =	shalt  }
0x61: {  	_ =	shalt  }
0x62: {  	_ =	shalt  }
0x63: {  	_ =	shalt  }
0x64: {  	_ =	shalt  }
0x65: {  	_ =	shalt  }
0x66: {  	_ =	shalt  }
0x67: {  	_ =	shalt  }
0x68: {  	_ =	shalt  }
0x69: {  	_ =	shalt  }
0x6a: {  	_ =	shalt  }
0x6b: {  	_ =	shalt  }
0x6c: {  	_ =	shalt  }
0x6d: {  	_ =	shalt  }
0x6e: {  	_ =	shalt  }
0x6f: {  	_ =	shalt  }
0x70: {  	_ =	shalt  }
0x71: {  	_ =	shalt  }
0x72: {  	_ =	shalt  }
0x73: {  	_ =	shalt  }
0x74: {  	_ =	shalt  }
0x75: {  	_ =	shalt  }
0x76: {  	_ =	shalt  }
0x77: {  	_ =	shalt  }
0x78: {  	_ =	shalt  }
0x79: {  	_ =	shalt  }
0x7a: {  	_ =	shalt  }
0x7b: {  	_ =	shalt  }
0x7c: {  	_ =	shalt  }
0x7d: {  	_ =	shalt  }
0x7e: {  	_ =	shalt  }
0x7f: {  	_ =	shalt  }
0x80: {  	_ =	shalt  }
0x81: {  	_ =	shalt  }
0x82: {  	_ =	shalt  }
0x83: {  	_ =	shalt  }
0x84: {  	_ =	shalt  }
0x85: {  	_ =	shalt  }
0x86: {  	_ =	shalt  }
0x87: {  	_ =	shalt  }
.Lfunc_end0:
.L_simem_size_0:
called_computation_lowered:
.L_overlay_start_0:
0x88: {  	s2 =	sld [smem:$0x3FD9]  }
0x89: {  	s3 =	sld [smem:$0x3FFE];
	_ =	sdelay $0x1  }
0x8a: {  	s1 =	srdreg.scid  }
0x8b: {  	s0 =	sand.u32 $0x1, s1  }
0x8c: {  	s14 =	sshll.u32 s0, $0xA;
	s2 =	sadd.s32 s3, s2  }
0x8d: {  	s2 =	sadd.s32 s2, s14  }
0x8e: {  	[smem:$0x3FC3] =	sst s2  }
0x8f: {  	_ = 	snop  }
0x90: {  	s2 =	sld [smem:$0x3FD0];
	_ =	sdelay $0x1  }
0x91: {  	s15 =	sld [smem:$0x3FC6]  }
0x92: {  	s5 =	simm.s32 $0xA;
	s6 =	simm.s32 $0x10;
	s4 =	sld [smem:$0x3FC5]  }
0x93: {  	[smem:s6], [sflag:s5] =	dma.local [hbm:s2], $0x1  }
0x94: {  	_ =	swait.eq [sflag:s5], $0x1  }
0x95: {  	s16 =	sld [smem:$0x10];
	[sflag:s5] =	ssyncset.done $0x0  }
0x96: {  	s17 =	sld [smem:$0x11];
	[sflag:s5] =	ssyncadd.s32 $0xFFFFFFFF  }
0x97: {  	s18 =	sld [smem:$0x12];
	(tm) =	ssettm $0x1  }
0x98: {  	s7 =	sld [smem:$0x3FFB];
	_ =	sdelay $0x3  }
0x99: {  	_ =	strace s7  }
0x9a: {  	s7 =	sld [smem:$0x3FFC];
	_ =	sdelay $0x3  }
0x9b: {  	_ =	strace s7  }
0x9c: {  	s7 =	sld [smem:$0x3FFD];
	_ =	sdelay $0x3  }
0x9d: {  	_ =	strace s7  }
0x9e: {  	_ =	strace $0x8FFFFFFF  }
0x9f: {  	s19 =	sld [smem:$0x3FDB];
	_ =	sdelay $0x1  }
0xa0: {  	s8 =	simm.s32 $_scs_section_size  }
0xa1: {  	s9 =	simm.s32 $_size__tile_overlayer_lowered;
	s10 =	simm.s32 $_tile_overlayer_lowered  }
0xa2: {  	s22 =	simm.s32 $0x1BFF;
	s21 =	sshll.u32 s10, $0x1;
	s7 =	sadd.s32 s8, s19  }
0xa3: {  	s11 =	simm.s32 $0x0;
	s20 =	sshll.u32 s9, $0x1;
	s9 =	sadd.s32 s21, s7  }
0xa4: {  	[timem:s11], [sflag:s22] =	dma.local [hbm:s9], s20  }
0xa5: {  	_ =	swait.ge [sflag:s22], s20  }
0xa6: {  	s8 =	ssub.s32 $0x0, s20;
	[sflag:s22] =	ssyncset.done $0x0  }
0xa7: {  	[sflag:s22] =	ssyncadd.s32 s8;
	_ =	sdelay $0x1  }
0xa8: {  	s23 =	simm.s32 $0x1B8B  }
0xa9: {  	_ =	swait.ge [sflag:s23], $0x1  }
0xaa: {  	[sflag:s23] =	ssyncset.done $0x0  }
0xab: {  	s25 =	simm.s32 $0x1B8E;
	s24 =	sld [smem:$0x3FFE];
	[sflag:s23] =	ssyncadd.s32 $0xFFFFFFFF  }
0xac: {  	s26 =	simm.s32 $execute0_lowered;
	[smem:$0x3FD2] =	sst s25  }
0xad: {  	s9 =	sshll.u32 s26, $0x1;
	_ =	strace $0x80000046;
	[dreg:$0x1] =	wrdreg $0xFFFFFFFF  }
0xae: {  	s28 =	simm.s32 $_size_execute0_lowered;
	s7 =	sadd.s32 s7, s9;
	[dreg:$0x0] =	wrdreg $0x0  }
0xaf: {  	s9 =	sshll.u32 s28, $0x1;
	[dreg:$0x2] =	wrdreg s7  }
0xb0: {  	[dreg:$0x3] =	wrdreg s9  }
0xb1: {  	[dreg:$0x4] =	wrdreg $0xC0  }
0xb2: {  	_ =	task [dreg:s11], $0x5FFFF  }
0xb3: {  	[dreg:$0x1] =	wrdreg $0xFFFFFFFF  }
0xb4: {  	[dreg:$0x0] =	wrdreg $0x60  }
0xb5: {  	[dreg:$0x2] =	wrdreg s18  }
0xb6: {  	[dreg:$0x3] =	wrdreg s17  }
0xb7: {  	[dreg:$0x4] =	wrdreg s16  }
0xb8: {  	[dreg:$0x5] =	wrdreg s24  }
0xb9: {  	[dreg:$0x6] =	wrdreg s15  }
0xba: {  	[dreg:$0x7] =	wrdreg s4  }
0xbb: {  	[dreg:$0x8] =	wrdreg $0x9  }
0xbc: {  	_ =	task.clear_ibuf [dreg:s11], $0x9FFFF;
	_ =	strace $0x90000046  }
0xbd: {  	s29 =	simm.s32 $0x9;
	_ =	strace $0x80000048  }
0xbe: {  	_ =	swait.ge [sflag:s29], $0x1  }
0xbf: {  	[sflag:s29] =	ssyncadd.s32 $0xFFFFFFFF  }
0xc0: {  	_ =	strace $0x90000048  }
0xc1: {  	_ =	sfence  }
0xc2: {  	s30 =	sld [smem:$0x0];
	_ =	sdelay $0x2  }
0xc3: {  	s31 =	sshll.u32 s1, $0xD;
	s1 =	sshrl.u32 s1, $0x2  }
0xc4: {  	s3 =	sand.u32 $0x4000, s31;
	s1 =	sadd.s32 s1, s30  }
0xc5: {  	s0 =	sor.u32 s3, s0;
	s1 =	sshll.u32 s1, $0x11  }
0xc6: {  	s0 =	sor.u32 s1, s0  }
0xc7: {  	s0 =	sadd.s32 $0x8F2B, s0  }
0xc8: {  	[sflag:s0] =	ssyncadd.remote.s32 $0x1  }
0xc9: {  	_ =	sfence.sel $0xFFFF  }
0xca: {  	[dreg:$0x0] =	wrdreg $0xFFFFFFFF;
	(pc) =	sbr.abs _section_cstart, $3  }
0xcb: {  	[dreg:$0x1] =	wrdreg $0xFFFFFFFF  }
0xcc: {  	_ =	task.clear_ibuf [dreg:s11], $0x2FFFF;
	_ =	strace $0x9FFFFFFF  }
0xcd: {  	(tm) =	ssettm $0x7FFFFFFF  }
tec
execute0_lowered:
.L_overlay_start_1:
0x0: {  	(tag) =	ssettag $0x1  }
0x1: {  	s0 =	rddreg [dreg:$0x0]  }
0x2: {  	s3 =	rddreg [dreg:$0x1]  }
0x3: {  	s8 =	rddreg [dreg:$0x2]  }
0x4: {  	s9 =	rddreg [dreg:$0x3]  }
0x5: {  	s1 =	rddreg [dreg:$0x4]  }
0x6: {  	s2 =	rddreg [dreg:$0x5]  }
0x7: {  	s4 =	simm.s32 $0x0;
	s5 =	srdreg.scid;
	s6 =	stileid.u32  }
0x8: {  	s13 =	simm.s32 $0x3;
	s14 =	simm.s32 $0x480;
	s15 =	simm.s32 $0x880  }
0x9: {  	s16 =	simm.s32 $0xB00;
	s17 =	simm.s32 $0x400;
	s18 =	simm.s32 $0x7A1400  }
0xa: {  	s19 =	simm.s32 $0xD00;
	s28 =	simm.s32 $0x1;
	s29 =	simm.s32 $0x2  }
0xb: {  	s30 =	simm.s32 $0x2000;
	s31 =	simm.s32 $0x0;
	[smem:$0x7FF] =	sst s4  }
0xc: {  	s7 =	sand.u32 $0x1, s5;
	s5 =	sadd.s32 $0x800, s9;
	s11 =	sshll.u32 s6, $0x1  }
0xd: {  	s6 =	sadd.s32 $0x40800, s9;
	_ =	strace $0x80000047;
	s11 =	sor.u32 s7, s11  }
0xe: {  	s10 =	ssub.s32 $0x2, s7;
	s7 =	sadd.s32 $0x80800, s9;
	s22 =	sshll.u32 s11, $0x7  }
0xf: {  	s12 =	sshrl.u32 s10, $0x1;
	s24 =	sshll.u32 s11, $0x6;
	s0 =	sadd.s32 s0, s22  }
0x10: {  	v0 =	vimm.s32 $0x7FFFFFF0;
	s10 =	ssub.s32 s10, s12;
	s23 =	sadd.s32 s3, s22;
	[dreg:$0x7] =	wrdreg s0  }
0x11: {  	v1 =	vimm.s32 $0xFF;
	v2 =	vimm.s32 $0x100;
	v5 =	vlaneseq.u32;
	s25 =	sadd.s32 s8, s24;
	s22 =	simm.s32 $0x6D00;
	[dreg:$0x8] =	wrdreg s23  }
0x12: {  	v3 =	vimm.s32 $0x1FF;
	v4 =	vimm.s32 $0x200;
	v5 =	vmul.u32 $0x80, v5;
	[dreg:$0x9] =	wrdreg s25;
	s0 =	sadd.s32 s9, s24;
	s26 =	smax.u32 s10, $0x1  }
0x13: {  	v6 =	vimm.s32 $0x2FF;
	v7 =	vimm.s32 $0x300;
	v8 =	vimm.s32 $0x3FF;
	s23 =	simm.s32 $0x8D00;
	s24 =	simm.s32 $0xAD00;
	[dreg:$0xa] =	wrdreg s0  }
0x14: {  	v9 =	vor.u32 $0x800, v5;
	v10 =	vor.u32 $0x1000, v5;
	v11 =	vor.u32 $0x1800, v5;
	s25 =	simm.s32 $0xCD00;
	[dreg:$0xb] =	wrdreg s26;
	s26 =	simm.s32 $0xED00  }
.LBB2_1:
0x15: {  	s0 =	rddreg [dreg:$0x7]  }
0x16: {  	[tilespmem:s4], [sflag:$0x3] =	stream.linear.gather [hbm4b:s0+s4], $0x400, $0x38;
	[tilespmem:$0x18D00] =	vst v63  }
0x17: {  	_ =	swait.ge [sflag:s13], $0x400  }
0x18: {  	[sflag:s13] =	ssyncset.done $0x0  }
0x19: {  	s9 =	rddreg [dreg:$0x8];
	[sflag:s13] =	ssyncadd.s32 $0xFFFFFC00  }
0x1a: {  	[tilespmem:s14], [sflag:$0x3] =	stream.linear.gather [hbm4b:s9+s4], $0x400, $0x38;
	[tilespmem:$0x18D00] =	vst v63  }
0x1b: {  	_ =	swait.ge [sflag:s13], $0x400  }
0x1c: {  	[sflag:s13] =	ssyncset.done $0x0  }
0x1d: {  	s10 =	rddreg [dreg:$0x9];
	[sflag:s13] =	ssyncadd.s32 $0xFFFFFC00  }
0x1e: {  	[tilespmem:s15], [sflag:$0x3] =	stream.linear.gather [hbm4b:s10+s4], $0x200, $0x38;
	[tilespmem:$0x18D00] =	vst v63  }
0x1f: {  	_ =	swait.ge [sflag:s13], $0x200  }
0x20: {  	[sflag:s13] =	ssyncset.done $0x0  }
0x21: {  	s11 =	rddreg [dreg:$0xa];
	[sflag:s13] =	ssyncadd.s32 $0xFFFFFE00  }
0x22: {  	[tilespmem:s16], [sflag:$0x3] =	stream.linear.gather [hbm4b:s11+s4], $0x200, $0x38;
	[tilespmem:$0x18D00] =	vst v63  }
0x23: {  	_ =	swait.ge [sflag:s13], $0x200  }
0x24: {  	[sflag:s13] =	ssyncset.done $0x0  }
0x25: {  	[sflag:s13] =	ssyncadd.s32 $0xFFFFFE00  }
0x26: {  	[tilespmem:$0x400] =	vst v0  }
0x27: {  	[tilespmem:$0xA80] =	vst v0  }
0x28: {  	v12 =	vld.msk [tilespmem:s4+$0x0], $0xffff  }
0x29: {  	v13 =	vld.idx.msk [tilespmem:v1+s4+$0x0], $0xffff;
	_ =	sdelay $0x3  }
0x2a: {  	(v2sf) =	vpush v12, $0x0  }
0x2b: {  	(v2sf) =	vpush v13, $0x0;
	_ =	sdelay $0xd  }
0x2c: {  	s12 =	spop (v2sf)  }
0x2d: {  	s3 =	spop (v2sf)  }
0x2e: {  	s0 =	sshra.s32 s12, $0x7;
	s3 =	sshra.s32 s3, $0x7  }
0x2f: {  	p0 =	slt.s32 s0, s3;
	s8 =	smov.u32 s3  }
0x30: {  	s8 =	smov.u32 @p0 s0  }
0x31: {  	s8 =	sshll.u32 s8, $0x7  }
0x32: {  	s8 =	sand.u32 $0x1FFFFF80, s8  }
0x33: {  	s8 =	sadd.s32 s1, s8  }
0x34: {  	[tilespmem:s19], [sflag:$0x1] =	stream.strided.gather [hbm4b:s8+s17], $0x2000, s18, s17, $0x38;
	[tilespmem:$0x18D00] =	vst v63  }
0x35: {  	s8 =	sadd.s32 $0x1, s0  }
0x36: {  	s9 =	smov.u32 s3;
	p0 =	slt.s32 s8, s3  }
0x37: {  	s9 =	smov.u32 @p0 s8  }
0x38: {  	s8 =	sshll.u32 s9, $0x7  }
0x39: {  	s8 =	sand.u32 $0x1FFFFF80, s8  }
0x3a: {  	s20 =	simm.s32 $0x2D00;
	s8 =	sadd.s32 s1, s8  }
0x3b: {  	[tilespmem:s20], [sflag:$0x1] =	stream.strided.gather [hbm4b:s8+s17], $0x2000, s18, s17, $0x38;
	[tilespmem:$0x18D00] =	vst v63  }
0x3c: {  	s8 =	sadd.s32 $0x2, s0  }
0x3d: {  	s9 =	smov.u32 s3;
	p0 =	slt.s32 s8, s3  }
0x3e: {  	s9 =	smov.u32 @p0 s8  }
0x3f: {  	s8 =	sshll.u32 s9, $0x7  }
0x40: {  	s8 =	sand.u32 $0x1FFFFF80, s8  }
0x41: {  	s21 =	simm.s32 $0x4D00;
	s8 =	sadd.s32 s1, s8  }
0x42: {  	[tilespmem:s21], [sflag:$0x1] =	stream.strided.gather [hbm4b:s8+s17], $0x2000, s18, s17, $0x38;
	[tilespmem:$0x18D00] =	vst v63  }
0x43: {  	s8 =	sadd.s32 $0x3, s0  }
0x44: {  	s9 =	smov.u32 s3;
	p0 =	slt.s32 s8, s3  }
0x45: {  	s9 =	smov.u32 @p0 s8  }
0x46: {  	s8 =	sshll.u32 s9, $0x7  }
0x47: {  	s8 =	sand.u32 $0x1FFFFF80, s8  }
0x48: {  	s8 =	sadd.s32 s1, s8  }
0x49: {  	[tilespmem:s22], [sflag:$0x1] =	stream.strided.gather [hbm4b:s8+s17], $0x2000, s18, s17, $0x38;
	[tilespmem:$0x18D00] =	vst v63  }
0x4a: {  	s8 =	sadd.s32 $0x4, s0  }
0x4b: {  	s9 =	smov.u32 s3;
	p0 =	slt.s32 s8, s3  }
0x4c: {  	s9 =	smov.u32 @p0 s8  }
0x4d: {  	s8 =	sshll.u32 s9, $0x7  }
0x4e: {  	s8 =	sand.u32 $0x1FFFFF80, s8  }
0x4f: {  	s8 =	sadd.s32 s1, s8  }
0x50: {  	[tilespmem:s23], [sflag:$0x1] =	stream.strided.gather [hbm4b:s8+s17], $0x2000, s18, s17, $0x38;
	[tilespmem:$0x18D00] =	vst v63  }
0x51: {  	s8 =	sadd.s32 $0x5, s0  }
0x52: {  	s9 =	smov.u32 s3;
	p0 =	slt.s32 s8, s3  }
0x53: {  	s9 =	smov.u32 @p0 s8  }
0x54: {  	s8 =	sshll.u32 s9, $0x7  }
0x55: {  	s8 =	sand.u32 $0x1FFFFF80, s8  }
0x56: {  	s8 =	sadd.s32 s1, s8  }
0x57: {  	[tilespmem:s24], [sflag:$0x1] =	stream.strided.gather [hbm4b:s8+s17], $0x2000, s18, s17, $0x38;
	[tilespmem:$0x18D00] =	vst v63  }
0x58: {  	s8 =	sadd.s32 $0x6, s0  }
0x59: {  	s9 =	smov.u32 s3;
	p0 =	slt.s32 s8, s3  }
0x5a: {  	s9 =	smov.u32 @p0 s8  }
0x5b: {  	s8 =	sshll.u32 s9, $0x7  }
0x5c: {  	s8 =	sand.u32 $0x1FFFFF80, s8  }
0x5d: {  	s8 =	sadd.s32 s1, s8  }
0x5e: {  	[tilespmem:s25], [sflag:$0x1] =	stream.strided.gather [hbm4b:s8+s17], $0x2000, s18, s17, $0x38;
	[tilespmem:$0x18D00] =	vst v63  }
0x5f: {  	s8 =	sadd.s32 $0x7, s0  }
0x60: {  	s9 =	smov.u32 s3;
	p0 =	slt.s32 s8, s3  }
0x61: {  	s9 =	smov.u32 @p0 s8;
	p0 =	slt.s32 s3, s0  }
.Ltmp0:
0x62: {  	_ = 	snop;
	(pc) =	sbr.rel @!p0 .LBB2_2-.Ltmp0, $4  }
0x63: {  	s8 =	sshll.u32 s9, $0x7  }
0x64: {  	s8 =	sand.u32 $0x1FFFFF80, s8  }
0x65: {  	s8 =	sadd.s32 s1, s8  }
0x66: {  	[tilespmem:s26], [sflag:$0x1] =	stream.strided.gather [hbm4b:s8+s17], $0x2000, s18, s17, $0x38;
	[tilespmem:$0x18D00] =	vst v63  }
.LBB2_7:
.Ltmp1:
0x67: {  	(pc) =	sbr.rel .LBB2_8-.Ltmp1, $4  }
0x68: {  	_ = 	snop  }
0x69: {  	_ =	swait.ge [sflag:s28], $0x10000  }
0x6a: {  	[sflag:s28] =	ssyncset.done $0x0  }
0x6b: {  	s0 =	simm.s32 $0x0;
	s3 =	simm.s32 $0x10D00;
	[sflag:s28] =	ssyncadd.s32 $0xFFFF0000  }
.LBB2_11:
0x6c: {  	s8 =	sshll.u32 s8, $0x4  }
0x6d: {  	s8 =	sand.u32 $0x3FFF0, s8  }
0x6e: {  	s8 =	sadd.s32 s9, s8  }
0x6f: {  	[hbm4b:s8+s4] =	stream.linear.scatter [tilespmem:s3], [sflag:$0x2], $0x80, $0x38;
	[tilespmem:$0x18D00] =	vst v63  }
.LBB2_12:
0x70: {  	s0 =	sadd.s32 $0x1, s0  }
0x71: {  	p0 =	sne.s32 s0, $0x100  }
.Ltmp2:
0x72: {  	_ = 	snop;
	(pc) =	sbr.rel @!p0 .LBB2_13-.Ltmp2, $2  }
0x73: {  	_ =	sdelay $0x2  }
0x74: {  	s3 =	sadd.s32 $0x80, s3  }
.LBB2_8:
0x75: {  	v12 =	vmov s0;
	_ =	sdelay $0x4  }
0x76: {  	v12 =	vld.idx.msk [tilespmem:v12+s14+$0x0], $0xffff;
	_ =	sdelay $0x4  }
0x77: {  	(v2sf) =	vpush v12, $0x0;
	_ =	sdelay $0xe  }
0x78: {  	s8 =	spop (v2sf)  }
0x79: {  	s10 =	sshra.s32 s8, $0xE  }
0x7a: {  	p0 =	seq.s32 s10, $0x0  }
.Ltmp3:
0x7b: {  	_ = 	snop;
	(pc) =	sbr.rel @p0 .LBB2_11-.Ltmp3, $2  }
0x7c: {  	_ =	sdelay $0x2  }
0x7d: {  	s9 =	smov.u32 s5  }
0x7e: {  	p0 =	sne.s32 s10, $0x1  }
.Ltmp4:
0x7f: {  	_ = 	snop;
	(pc) =	sbr.rel @p0 .LBB2_12-.Ltmp4, $1  }
0x80: {  	_ =	sdelay $0x3  }
.Ltmp5:
0x81: {  	(pc) =	sbr.rel .LBB2_11-.Ltmp5, $2  }
0x82: {  	_ =	sdelay $0x2  }
0x83: {  	s9 =	smov.u32 s7  }
.LBB2_13:
0x84: {  	_ = 	snop  }
0x85: {  	_ =	swait.ge [sflag:s29], $0x8000  }
0x86: {  	[sflag:s29] =	ssyncset.done $0x0  }
0x87: {  	[sflag:s29] =	ssyncadd.s32 $0xFFFF8000  }
0x88: {  	v12 =	vld.idx.msk [tilespmem:v2+s4+$0x0], $0xffff  }
0x89: {  	v13 =	vld.idx.msk [tilespmem:v3+s4+$0x0], $0xffff;
	_ =	sdelay $0x3  }
0x8a: {  	(v2sf) =	vpush v12, $0x0  }
0x8b: {  	(v2sf) =	vpush v13, $0x0;
	_ =	sdelay $0xd  }
0x8c: {  	s0 =	spop (v2sf)  }
0x8d: {  	s3 =	spop (v2sf)  }
0x8e: {  	s0 =	sshra.s32 s0, $0x7;
	s3 =	sshra.s32 s3, $0x7  }
0x8f: {  	p0 =	slt.s32 s0, s3;
	s8 =	smov.u32 s3  }
0x90: {  	s8 =	smov.u32 @p0 s0  }
0x91: {  	s8 =	sshll.u32 s8, $0x7  }
0x92: {  	s8 =	sand.u32 $0x1FFFFF80, s8  }
0x93: {  	s8 =	sadd.s32 s1, s8  }
0x94: {  	[tilespmem:s19], [sflag:$0x1] =	stream.strided.gather [hbm4b:s8+s17], $0x2000, s18, s17, $0x38;
	[tilespmem:$0x18D00] =	vst v63  }
0x95: {  	s8 =	sadd.s32 $0x1, s0  }
0x96: {  	s9 =	smov.u32 s3;
	p0 =	slt.s32 s8, s3  }
0x97: {  	s9 =	smov.u32 @p0 s8  }
0x98: {  	s8 =	sshll.u32 s9, $0x7  }
0x99: {  	s8 =	sand.u32 $0x1FFFFF80, s8  }
0x9a: {  	s20 =	simm.s32 $0x2D00;
	s8 =	sadd.s32 s1, s8  }
0x9b: {  	[tilespmem:s20], [sflag:$0x1] =	stream.strided.gather [hbm4b:s8+s17], $0x2000, s18, s17, $0x38;
	[tilespmem:$0x18D00] =	vst v63  }
0x9c: {  	s8 =	sadd.s32 $0x2, s0  }
0x9d: {  	s9 =	smov.u32 s3;
	p0 =	slt.s32 s8, s3  }
0x9e: {  	s9 =	smov.u32 @p0 s8  }
0x9f: {  	s8 =	sshll.u32 s9, $0x7  }
0xa0: {  	s8 =	sand.u32 $0x1FFFFF80, s8  }
0xa1: {  	s21 =	simm.s32 $0x4D00;
	s8 =	sadd.s32 s1, s8  }
0xa2: {  	[tilespmem:s21], [sflag:$0x1] =	stream.strided.gather [hbm4b:s8+s17], $0x2000, s18, s17, $0x38;
	[tilespmem:$0x18D00] =	vst v63  }
0xa3: {  	s8 =	sadd.s32 $0x3, s0  }
0xa4: {  	s9 =	smov.u32 s3;
	p0 =	slt.s32 s8, s3  }
0xa5: {  	s9 =	smov.u32 @p0 s8  }
0xa6: {  	s8 =	sshll.u32 s9, $0x7  }
0xa7: {  	s8 =	sand.u32 $0x1FFFFF80, s8  }
0xa8: {  	s8 =	sadd.s32 s1, s8  }
0xa9: {  	[tilespmem:s22], [sflag:$0x1] =	stream.strided.gather [hbm4b:s8+s17], $0x2000, s18, s17, $0x38;
	[tilespmem:$0x18D00] =	vst v63  }
0xaa: {  	s8 =	sadd.s32 $0x4, s0  }
0xab: {  	s9 =	smov.u32 s3;
	p0 =	slt.s32 s8, s3  }
0xac: {  	s9 =	smov.u32 @p0 s8  }
0xad: {  	s8 =	sshll.u32 s9, $0x7  }
0xae: {  	s8 =	sand.u32 $0x1FFFFF80, s8  }
0xaf: {  	s8 =	sadd.s32 s1, s8  }
0xb0: {  	[tilespmem:s23], [sflag:$0x1] =	stream.strided.gather [hbm4b:s8+s17], $0x2000, s18, s17, $0x38;
	[tilespmem:$0x18D00] =	vst v63  }
0xb1: {  	s8 =	sadd.s32 $0x5, s0  }
0xb2: {  	s9 =	smov.u32 s3;
	p0 =	slt.s32 s8, s3  }
0xb3: {  	s9 =	smov.u32 @p0 s8  }
0xb4: {  	s8 =	sshll.u32 s9, $0x7  }
0xb5: {  	s8 =	sand.u32 $0x1FFFFF80, s8  }
0xb6: {  	s8 =	sadd.s32 s1, s8  }
0xb7: {  	[tilespmem:s24], [sflag:$0x1] =	stream.strided.gather [hbm4b:s8+s17], $0x2000, s18, s17, $0x38;
	[tilespmem:$0x18D00] =	vst v63  }
0xb8: {  	s8 =	sadd.s32 $0x6, s0  }
0xb9: {  	s9 =	smov.u32 s3;
	p0 =	slt.s32 s8, s3  }
0xba: {  	s9 =	smov.u32 @p0 s8  }
0xbb: {  	s8 =	sshll.u32 s9, $0x7  }
0xbc: {  	s8 =	sand.u32 $0x1FFFFF80, s8  }
0xbd: {  	s8 =	sadd.s32 s1, s8  }
0xbe: {  	[tilespmem:s25], [sflag:$0x1] =	stream.strided.gather [hbm4b:s8+s17], $0x2000, s18, s17, $0x38;
	[tilespmem:$0x18D00] =	vst v63  }
0xbf: {  	s8 =	sadd.s32 $0x7, s0  }
0xc0: {  	s9 =	smov.u32 s3;
	p0 =	slt.s32 s8, s3  }
0xc1: {  	s9 =	smov.u32 @p0 s8;
	p0 =	slt.s32 s3, s0  }
.Ltmp6:
0xc2: {  	_ = 	snop;
	(pc) =	sbr.rel @!p0 .LBB2_14-.Ltmp6, $4  }
0xc3: {  	s8 =	sshll.u32 s9, $0x7  }
0xc4: {  	s8 =	sand.u32 $0x1FFFFF80, s8  }
0xc5: {  	s8 =	sadd.s32 s1, s8  }
0xc6: {  	[tilespmem:s26], [sflag:$0x1] =	stream.strided.gather [hbm4b:s8+s17], $0x2000, s18, s17, $0x38;
	[tilespmem:$0x18D00] =	vst v63  }
.LBB2_19:
.Ltmp7:
0xc7: {  	(pc) =	sbr.rel .LBB2_20-.Ltmp7, $4  }
0xc8: {  	_ = 	snop  }
0xc9: {  	_ =	swait.ge [sflag:s28], $0x10000  }
0xca: {  	[sflag:s28] =	ssyncset.done $0x0  }
0xcb: {  	s0 =	simm.s32 $0x10D00;
	s3 =	simm.s32 $0x100;
	[sflag:s28] =	ssyncadd.s32 $0xFFFF0000  }
.LBB2_23:
0xcc: {  	s8 =	sshll.u32 s8, $0x4  }
0xcd: {  	s8 =	sand.u32 $0x3FFF0, s8  }
0xce: {  	s8 =	sadd.s32 s9, s8  }
0xcf: {  	[hbm4b:s8+s4] =	stream.linear.scatter [tilespmem:s0], [sflag:$0x2], $0x80, $0x38;
	[tilespmem:$0x18D00] =	vst v63  }
.LBB2_24:
0xd0: {  	s3 =	sadd.s32 $0x1, s3  }
0xd1: {  	p0 =	sne.s32 s3, $0x200  }
.Ltmp8:
0xd2: {  	_ = 	snop;
	(pc) =	sbr.rel @!p0 .LBB2_25-.Ltmp8, $2  }
0xd3: {  	_ =	sdelay $0x2  }
0xd4: {  	s0 =	sadd.s32 $0x80, s0  }
.LBB2_20:
0xd5: {  	v12 =	vmov s3;
	_ =	sdelay $0x4  }
0xd6: {  	v12 =	vld.idx.msk [tilespmem:v12+s14+$0x0], $0xffff;
	_ =	sdelay $0x4  }
0xd7: {  	(v2sf) =	vpush v12, $0x0;
	_ =	sdelay $0xe  }
0xd8: {  	s8 =	spop (v2sf)  }
0xd9: {  	s10 =	sshra.s32 s8, $0xE  }
0xda: {  	p0 =	seq.s32 s10, $0x0  }
.Ltmp9:
0xdb: {  	_ = 	snop;
	(pc) =	sbr.rel @p0 .LBB2_23-.Ltmp9, $2  }
0xdc: {  	_ =	sdelay $0x2  }
0xdd: {  	s9 =	smov.u32 s5  }
0xde: {  	p0 =	sne.s32 s10, $0x1  }
.Ltmp10:
0xdf: {  	_ = 	snop;
	(pc) =	sbr.rel @p0 .LBB2_24-.Ltmp10, $1  }
0xe0: {  	_ =	sdelay $0x3  }
.Ltmp11:
0xe1: {  	(pc) =	sbr.rel .LBB2_23-.Ltmp11, $2  }
0xe2: {  	_ =	sdelay $0x2  }
0xe3: {  	s9 =	smov.u32 s7  }
.LBB2_25:
0xe4: {  	_ = 	snop  }
0xe5: {  	_ =	swait.ge [sflag:s29], $0x8000  }
0xe6: {  	[sflag:s29] =	ssyncset.done $0x0  }
0xe7: {  	[sflag:s29] =	ssyncadd.s32 $0xFFFF8000  }
0xe8: {  	v12 =	vld.idx.msk [tilespmem:v4+s4+$0x0], $0xffff  }
0xe9: {  	v13 =	vld.idx.msk [tilespmem:v6+s4+$0x0], $0xffff;
	_ =	sdelay $0x3  }
0xea: {  	(v2sf) =	vpush v12, $0x0  }
0xeb: {  	(v2sf) =	vpush v13, $0x0;
	_ =	sdelay $0xd  }
0xec: {  	s0 =	spop (v2sf)  }
0xed: {  	s3 =	spop (v2sf)  }
0xee: {  	s0 =	sshra.s32 s0, $0x7;
	s3 =	sshra.s32 s3, $0x7  }
0xef: {  	p0 =	slt.s32 s0, s3;
	s8 =	smov.u32 s3  }
0xf0: {  	s8 =	smov.u32 @p0 s0  }
0xf1: {  	s8 =	sshll.u32 s8, $0x7  }
0xf2: {  	s8 =	sand.u32 $0x1FFFFF80, s8  }
0xf3: {  	s8 =	sadd.s32 s1, s8  }
0xf4: {  	[tilespmem:s19], [sflag:$0x1] =	stream.strided.gather [hbm4b:s8+s17], $0x2000, s18, s17, $0x38;
	[tilespmem:$0x18D00] =	vst v63  }
0xf5: {  	s8 =	sadd.s32 $0x1, s0  }
0xf6: {  	s9 =	smov.u32 s3;
	p0 =	slt.s32 s8, s3  }
0xf7: {  	s9 =	smov.u32 @p0 s8  }
0xf8: {  	s8 =	sshll.u32 s9, $0x7  }
0xf9: {  	s8 =	sand.u32 $0x1FFFFF80, s8  }
0xfa: {  	s20 =	simm.s32 $0x2D00;
	s8 =	sadd.s32 s1, s8  }
0xfb: {  	[tilespmem:s20], [sflag:$0x1] =	stream.strided.gather [hbm4b:s8+s17], $0x2000, s18, s17, $0x38;
	[tilespmem:$0x18D00] =	vst v63  }
0xfc: {  	s8 =	sadd.s32 $0x2, s0  }
0xfd: {  	s9 =	smov.u32 s3;
	p0 =	slt.s32 s8, s3  }
0xfe: {  	s9 =	smov.u32 @p0 s8  }
0xff: {  	s8 =	sshll.u32 s9, $0x7  }
0x100: {  	s8 =	sand.u32 $0x1FFFFF80, s8  }
0x101: {  	s21 =	simm.s32 $0x4D00;
	s8 =	sadd.s32 s1, s8  }
0x102: {  	[tilespmem:s21], [sflag:$0x1] =	stream.strided.gather [hbm4b:s8+s17], $0x2000, s18, s17, $0x38;
	[tilespmem:$0x18D00] =	vst v63  }
0x103: {  	s8 =	sadd.s32 $0x3, s0  }
0x104: {  	s9 =	smov.u32 s3;
	p0 =	slt.s32 s8, s3  }
0x105: {  	s9 =	smov.u32 @p0 s8  }
0x106: {  	s8 =	sshll.u32 s9, $0x7  }
0x107: {  	s8 =	sand.u32 $0x1FFFFF80, s8  }
0x108: {  	s8 =	sadd.s32 s1, s8  }
0x109: {  	[tilespmem:s22], [sflag:$0x1] =	stream.strided.gather [hbm4b:s8+s17], $0x2000, s18, s17, $0x38;
	[tilespmem:$0x18D00] =	vst v63  }
0x10a: {  	s8 =	sadd.s32 $0x4, s0  }
0x10b: {  	s9 =	smov.u32 s3;
	p0 =	slt.s32 s8, s3  }
0x10c: {  	s9 =	smov.u32 @p0 s8  }
0x10d: {  	s8 =	sshll.u32 s9, $0x7  }
0x10e: {  	s8 =	sand.u32 $0x1FFFFF80, s8  }
0x10f: {  	s8 =	sadd.s32 s1, s8  }
0x110: {  	[tilespmem:s23], [sflag:$0x1] =	stream.strided.gather [hbm4b:s8+s17], $0x2000, s18, s17, $0x38;
	[tilespmem:$0x18D00] =	vst v63  }
0x111: {  	s8 =	sadd.s32 $0x5, s0  }
0x112: {  	s9 =	smov.u32 s3;
	p0 =	slt.s32 s8, s3  }
0x113: {  	s9 =	smov.u32 @p0 s8  }
0x114: {  	s8 =	sshll.u32 s9, $0x7  }
0x115: {  	s8 =	sand.u32 $0x1FFFFF80, s8  }
0x116: {  	s8 =	sadd.s32 s1, s8  }
0x117: {  	[tilespmem:s24], [sflag:$0x1] =	stream.strided.gather [hbm4b:s8+s17], $0x2000, s18, s17, $0x38;
	[tilespmem:$0x18D00] =	vst v63  }
0x118: {  	s8 =	sadd.s32 $0x6, s0  }
0x119: {  	s9 =	smov.u32 s3;
	p0 =	slt.s32 s8, s3  }
0x11a: {  	s9 =	smov.u32 @p0 s8  }
0x11b: {  	s8 =	sshll.u32 s9, $0x7  }
0x11c: {  	s8 =	sand.u32 $0x1FFFFF80, s8  }
0x11d: {  	s8 =	sadd.s32 s1, s8  }
0x11e: {  	[tilespmem:s25], [sflag:$0x1] =	stream.strided.gather [hbm4b:s8+s17], $0x2000, s18, s17, $0x38;
	[tilespmem:$0x18D00] =	vst v63  }
0x11f: {  	s8 =	sadd.s32 $0x7, s0  }
0x120: {  	s9 =	smov.u32 s3;
	p0 =	slt.s32 s8, s3  }
0x121: {  	s9 =	smov.u32 @p0 s8;
	p0 =	slt.s32 s3, s0  }
.Ltmp12:
0x122: {  	_ = 	snop;
	(pc) =	sbr.rel @!p0 .LBB2_26-.Ltmp12, $4  }
0x123: {  	s8 =	sshll.u32 s9, $0x7  }
0x124: {  	s8 =	sand.u32 $0x1FFFFF80, s8  }
0x125: {  	s8 =	sadd.s32 s1, s8  }
0x126: {  	[tilespmem:s26], [sflag:$0x1] =	stream.strided.gather [hbm4b:s8+s17], $0x2000, s18, s17, $0x38;
	[tilespmem:$0x18D00] =	vst v63  }
.LBB2_31:
.Ltmp13:
0x127: {  	(pc) =	sbr.rel .LBB2_32-.Ltmp13, $4  }
0x128: {  	_ = 	snop  }
0x129: {  	_ =	swait.ge [sflag:s28], $0x10000  }
0x12a: {  	[sflag:s28] =	ssyncset.done $0x0  }
0x12b: {  	s0 =	simm.s32 $0x10D00;
	s3 =	simm.s32 $0x200;
	[sflag:s28] =	ssyncadd.s32 $0xFFFF0000  }
.LBB2_35:
0x12c: {  	s8 =	sshll.u32 s8, $0x4  }
0x12d: {  	s8 =	sand.u32 $0x3FFF0, s8  }
0x12e: {  	s8 =	sadd.s32 s9, s8  }
0x12f: {  	[hbm4b:s8+s4] =	stream.linear.scatter [tilespmem:s0], [sflag:$0x2], $0x80, $0x38;
	[tilespmem:$0x18D00] =	vst v63  }
.LBB2_36:
0x130: {  	s3 =	sadd.s32 $0x1, s3  }
0x131: {  	p0 =	sne.s32 s3, $0x300  }
.Ltmp14:
0x132: {  	_ = 	snop;
	(pc) =	sbr.rel @!p0 .LBB2_37-.Ltmp14, $2  }
0x133: {  	_ =	sdelay $0x2  }
0x134: {  	s0 =	sadd.s32 $0x80, s0  }
.LBB2_32:
0x135: {  	v12 =	vmov s3;
	_ =	sdelay $0x4  }
0x136: {  	v12 =	vld.idx.msk [tilespmem:v12+s14+$0x0], $0xffff;
	_ =	sdelay $0x4  }
0x137: {  	(v2sf) =	vpush v12, $0x0;
	_ =	sdelay $0xe  }
0x138: {  	s8 =	spop (v2sf)  }
0x139: {  	s10 =	sshra.s32 s8, $0xE  }
0x13a: {  	p0 =	seq.s32 s10, $0x0  }
.Ltmp15:
0x13b: {  	_ = 	snop;
	(pc) =	sbr.rel @p0 .LBB2_35-.Ltmp15, $2  }
0x13c: {  	_ =	sdelay $0x2  }
0x13d: {  	s9 =	smov.u32 s5  }
0x13e: {  	p0 =	sne.s32 s10, $0x1  }
.Ltmp16:
0x13f: {  	_ = 	snop;
	(pc) =	sbr.rel @p0 .LBB2_36-.Ltmp16, $1  }
0x140: {  	_ =	sdelay $0x3  }
.Ltmp17:
0x141: {  	(pc) =	sbr.rel .LBB2_35-.Ltmp17, $2  }
0x142: {  	_ =	sdelay $0x2  }
0x143: {  	s9 =	smov.u32 s7  }
.LBB2_37:
0x144: {  	_ = 	snop  }
0x145: {  	_ =	swait.ge [sflag:s29], $0x8000  }
0x146: {  	[sflag:s29] =	ssyncset.done $0x0  }
0x147: {  	[sflag:s29] =	ssyncadd.s32 $0xFFFF8000  }
0x148: {  	v12 =	vld.idx.msk [tilespmem:v7+s4+$0x0], $0xffff  }
0x149: {  	v13 =	vld.idx.msk [tilespmem:v8+s4+$0x0], $0xffff;
	_ =	sdelay $0x3  }
0x14a: {  	(v2sf) =	vpush v12, $0x0  }
0x14b: {  	(v2sf) =	vpush v13, $0x0;
	_ =	sdelay $0xd  }
0x14c: {  	s0 =	spop (v2sf)  }
0x14d: {  	s3 =	spop (v2sf)  }
0x14e: {  	s0 =	sshra.s32 s0, $0x7;
	s3 =	sshra.s32 s3, $0x7  }
0x14f: {  	p0 =	slt.s32 s0, s3;
	s8 =	smov.u32 s3  }
0x150: {  	s8 =	smov.u32 @p0 s0  }
0x151: {  	s8 =	sshll.u32 s8, $0x7  }
0x152: {  	s8 =	sand.u32 $0x1FFFFF80, s8  }
0x153: {  	s8 =	sadd.s32 s1, s8  }
0x154: {  	[tilespmem:s19], [sflag:$0x1] =	stream.strided.gather [hbm4b:s8+s17], $0x2000, s18, s17, $0x38;
	[tilespmem:$0x18D00] =	vst v63  }
0x155: {  	s8 =	sadd.s32 $0x1, s0  }
0x156: {  	s9 =	smov.u32 s3;
	p0 =	slt.s32 s8, s3  }
0x157: {  	s9 =	smov.u32 @p0 s8  }
0x158: {  	s8 =	sshll.u32 s9, $0x7  }
0x159: {  	s8 =	sand.u32 $0x1FFFFF80, s8  }
0x15a: {  	s20 =	simm.s32 $0x2D00;
	s8 =	sadd.s32 s1, s8  }
0x15b: {  	[tilespmem:s20], [sflag:$0x1] =	stream.strided.gather [hbm4b:s8+s17], $0x2000, s18, s17, $0x38;
	[tilespmem:$0x18D00] =	vst v63  }
0x15c: {  	s8 =	sadd.s32 $0x2, s0  }
0x15d: {  	s9 =	smov.u32 s3;
	p0 =	slt.s32 s8, s3  }
0x15e: {  	s9 =	smov.u32 @p0 s8  }
0x15f: {  	s8 =	sshll.u32 s9, $0x7  }
0x160: {  	s8 =	sand.u32 $0x1FFFFF80, s8  }
0x161: {  	s21 =	simm.s32 $0x4D00;
	s8 =	sadd.s32 s1, s8  }
0x162: {  	[tilespmem:s21], [sflag:$0x1] =	stream.strided.gather [hbm4b:s8+s17], $0x2000, s18, s17, $0x38;
	[tilespmem:$0x18D00] =	vst v63  }
0x163: {  	s8 =	sadd.s32 $0x3, s0  }
0x164: {  	s9 =	smov.u32 s3;
	p0 =	slt.s32 s8, s3  }
0x165: {  	s9 =	smov.u32 @p0 s8  }
0x166: {  	s8 =	sshll.u32 s9, $0x7  }
0x167: {  	s8 =	sand.u32 $0x1FFFFF80, s8  }
0x168: {  	s8 =	sadd.s32 s1, s8  }
0x169: {  	[tilespmem:s22], [sflag:$0x1] =	stream.strided.gather [hbm4b:s8+s17], $0x2000, s18, s17, $0x38;
	[tilespmem:$0x18D00] =	vst v63  }
0x16a: {  	s8 =	sadd.s32 $0x4, s0  }
0x16b: {  	s9 =	smov.u32 s3;
	p0 =	slt.s32 s8, s3  }
0x16c: {  	s9 =	smov.u32 @p0 s8  }
0x16d: {  	s8 =	sshll.u32 s9, $0x7  }
0x16e: {  	s8 =	sand.u32 $0x1FFFFF80, s8  }
0x16f: {  	s8 =	sadd.s32 s1, s8  }
0x170: {  	[tilespmem:s23], [sflag:$0x1] =	stream.strided.gather [hbm4b:s8+s17], $0x2000, s18, s17, $0x38;
	[tilespmem:$0x18D00] =	vst v63  }
0x171: {  	s8 =	sadd.s32 $0x5, s0  }
0x172: {  	s9 =	smov.u32 s3;
	p0 =	slt.s32 s8, s3  }
0x173: {  	s9 =	smov.u32 @p0 s8  }
0x174: {  	s8 =	sshll.u32 s9, $0x7  }
0x175: {  	s8 =	sand.u32 $0x1FFFFF80, s8  }
0x176: {  	s8 =	sadd.s32 s1, s8  }
0x177: {  	[tilespmem:s24], [sflag:$0x1] =	stream.strided.gather [hbm4b:s8+s17], $0x2000, s18, s17, $0x38;
	[tilespmem:$0x18D00] =	vst v63  }
0x178: {  	s8 =	sadd.s32 $0x6, s0  }
0x179: {  	s9 =	smov.u32 s3;
	p0 =	slt.s32 s8, s3  }
0x17a: {  	s9 =	smov.u32 @p0 s8  }
0x17b: {  	s8 =	sshll.u32 s9, $0x7  }
0x17c: {  	s8 =	sand.u32 $0x1FFFFF80, s8  }
0x17d: {  	s8 =	sadd.s32 s1, s8  }
0x17e: {  	[tilespmem:s25], [sflag:$0x1] =	stream.strided.gather [hbm4b:s8+s17], $0x2000, s18, s17, $0x38;
	[tilespmem:$0x18D00] =	vst v63  }
0x17f: {  	s8 =	sadd.s32 $0x7, s0  }
0x180: {  	s9 =	smov.u32 s3;
	p0 =	slt.s32 s8, s3  }
0x181: {  	s9 =	smov.u32 @p0 s8;
	p0 =	slt.s32 s3, s0  }
.Ltmp18:
0x182: {  	_ = 	snop;
	(pc) =	sbr.rel @!p0 .LBB2_38-.Ltmp18, $4  }
0x183: {  	s8 =	sshll.u32 s9, $0x7  }
0x184: {  	s8 =	sand.u32 $0x1FFFFF80, s8  }
0x185: {  	s8 =	sadd.s32 s1, s8  }
0x186: {  	[tilespmem:s26], [sflag:$0x1] =	stream.strided.gather [hbm4b:s8+s17], $0x2000, s18, s17, $0x38;
	[tilespmem:$0x18D00] =	vst v63  }
.LBB2_43:
.Ltmp19:
0x187: {  	(pc) =	sbr.rel .LBB2_44-.Ltmp19, $4  }
0x188: {  	_ = 	snop  }
0x189: {  	_ =	swait.ge [sflag:s28], $0x10000  }
0x18a: {  	[sflag:s28] =	ssyncset.done $0x0  }
0x18b: {  	s0 =	simm.s32 $0x10D00;
	s3 =	simm.s32 $0x300;
	[sflag:s28] =	ssyncadd.s32 $0xFFFF0000  }
.LBB2_47:
0x18c: {  	s8 =	sshll.u32 s8, $0x4  }
0x18d: {  	s8 =	sand.u32 $0x3FFF0, s8  }
0x18e: {  	s8 =	sadd.s32 s9, s8  }
0x18f: {  	[hbm4b:s8+s4] =	stream.linear.scatter [tilespmem:s0], [sflag:$0x2], $0x80, $0x38;
	[tilespmem:$0x18D00] =	vst v63  }
.LBB2_48:
0x190: {  	s3 =	sadd.s32 $0x1, s3  }
0x191: {  	p0 =	sne.s32 s3, $0x400  }
.Ltmp20:
0x192: {  	_ = 	snop;
	(pc) =	sbr.rel @!p0 .LBB2_49-.Ltmp20, $2  }
0x193: {  	_ =	sdelay $0x2  }
0x194: {  	s0 =	sadd.s32 $0x80, s0  }
.LBB2_44:
0x195: {  	v12 =	vmov s3;
	_ =	sdelay $0x4  }
0x196: {  	v12 =	vld.idx.msk [tilespmem:v12+s14+$0x0], $0xffff;
	_ =	sdelay $0x4  }
0x197: {  	(v2sf) =	vpush v12, $0x0;
	_ =	sdelay $0xe  }
0x198: {  	s8 =	spop (v2sf)  }
0x199: {  	s10 =	sshra.s32 s8, $0xE  }
0x19a: {  	p0 =	seq.s32 s10, $0x0  }
.Ltmp21:
0x19b: {  	_ = 	snop;
	(pc) =	sbr.rel @p0 .LBB2_47-.Ltmp21, $2  }
0x19c: {  	_ =	sdelay $0x2  }
0x19d: {  	s9 =	smov.u32 s5  }
0x19e: {  	p0 =	sne.s32 s10, $0x1  }
.Ltmp22:
0x19f: {  	_ = 	snop;
	(pc) =	sbr.rel @p0 .LBB2_48-.Ltmp22, $1  }
0x1a0: {  	_ =	sdelay $0x3  }
.Ltmp23:
0x1a1: {  	(pc) =	sbr.rel .LBB2_47-.Ltmp23, $2  }
0x1a2: {  	_ =	sdelay $0x2  }
0x1a3: {  	s9 =	smov.u32 s7  }
.LBB2_49:
0x1a4: {  	_ =	swait.ge [sflag:s29], $0x8000  }
0x1a5: {  	[sflag:s29] =	ssyncset.done $0x0  }
0x1a6: {  	[sflag:s29] =	ssyncadd.s32 $0xFFFF8000  }
0x1a7: {  	v12 =	vld.msk [tilespmem:s15+$0x0], $0xffff  }
0x1a8: {  	v13 =	vld.idx.msk [tilespmem:v1+s15+$0x0], $0xffff;
	_ =	sdelay $0x3  }
0x1a9: {  	(v2sf) =	vpush v12, $0x0  }
0x1aa: {  	(v2sf) =	vpush v13, $0x0;
	_ =	sdelay $0xd  }
0x1ab: {  	s0 =	spop (v2sf)  }
0x1ac: {  	s3 =	spop (v2sf)  }
0x1ad: {  	s0 =	sshra.s32 s0, $0x7;
	s3 =	sshra.s32 s3, $0x7  }
0x1ae: {  	p0 =	slt.s32 s0, s3;
	s8 =	smov.u32 s3  }
0x1af: {  	s8 =	smov.u32 @p0 s0  }
0x1b0: {  	s8 =	sshll.u32 s8, $0x7  }
0x1b1: {  	s8 =	sand.u32 $0x1FFFFF80, s8  }
0x1b2: {  	s8 =	sadd.s32 s2, s8  }
0x1b3: {  	[tilespmem:s19], [sflag:$0x1] =	stream.strided.gather [hbm4b:s8+s17], $0x2000, s30, s17, $0x38;
	[tilespmem:$0x18D00] =	vst v63  }
0x1b4: {  	s8 =	sadd.s32 $0x1, s0  }
0x1b5: {  	s9 =	smov.u32 s3;
	p0 =	slt.s32 s8, s3  }
0x1b6: {  	s9 =	smov.u32 @p0 s8  }
0x1b7: {  	s8 =	sshll.u32 s9, $0x7  }
0x1b8: {  	s8 =	sand.u32 $0x1FFFFF80, s8  }
0x1b9: {  	s20 =	simm.s32 $0x2D00;
	s8 =	sadd.s32 s2, s8  }
0x1ba: {  	[tilespmem:s20], [sflag:$0x1] =	stream.strided.gather [hbm4b:s8+s17], $0x2000, s30, s17, $0x38;
	[tilespmem:$0x18D00] =	vst v63  }
0x1bb: {  	s8 =	sadd.s32 $0x2, s0  }
0x1bc: {  	s9 =	smov.u32 s3;
	p0 =	slt.s32 s8, s3  }
0x1bd: {  	s9 =	smov.u32 @p0 s8  }
0x1be: {  	s8 =	sshll.u32 s9, $0x7  }
0x1bf: {  	s8 =	sand.u32 $0x1FFFFF80, s8  }
0x1c0: {  	s21 =	simm.s32 $0x4D00;
	s8 =	sadd.s32 s2, s8  }
0x1c1: {  	[tilespmem:s21], [sflag:$0x1] =	stream.strided.gather [hbm4b:s8+s17], $0x2000, s30, s17, $0x38;
	[tilespmem:$0x18D00] =	vst v63  }
0x1c2: {  	s8 =	sadd.s32 $0x3, s0  }
0x1c3: {  	s9 =	smov.u32 s3;
	p0 =	slt.s32 s8, s3  }
0x1c4: {  	s9 =	smov.u32 @p0 s8  }
0x1c5: {  	s8 =	sshll.u32 s9, $0x7  }
0x1c6: {  	s8 =	sand.u32 $0x1FFFFF80, s8  }
0x1c7: {  	s8 =	sadd.s32 s2, s8  }
0x1c8: {  	[tilespmem:s22], [sflag:$0x1] =	stream.strided.gather [hbm4b:s8+s17], $0x2000, s30, s17, $0x38;
	[tilespmem:$0x18D00] =	vst v63  }
0x1c9: {  	s8 =	sadd.s32 $0x4, s0  }
0x1ca: {  	s9 =	smov.u32 s3;
	p0 =	slt.s32 s8, s3  }
0x1cb: {  	s9 =	smov.u32 @p0 s8  }
0x1cc: {  	s8 =	sshll.u32 s9, $0x7  }
0x1cd: {  	s8 =	sand.u32 $0x1FFFFF80, s8  }
0x1ce: {  	s8 =	sadd.s32 s2, s8  }
0x1cf: {  	[tilespmem:s23], [sflag:$0x1] =	stream.strided.gather [hbm4b:s8+s17], $0x2000, s30, s17, $0x38;
	[tilespmem:$0x18D00] =	vst v63  }
0x1d0: {  	s8 =	sadd.s32 $0x5, s0  }
0x1d1: {  	s9 =	smov.u32 s3;
	p0 =	slt.s32 s8, s3  }
0x1d2: {  	s9 =	smov.u32 @p0 s8  }
0x1d3: {  	s8 =	sshll.u32 s9, $0x7  }
0x1d4: {  	s8 =	sand.u32 $0x1FFFFF80, s8  }
0x1d5: {  	s8 =	sadd.s32 s2, s8  }
0x1d6: {  	[tilespmem:s24], [sflag:$0x1] =	stream.strided.gather [hbm4b:s8+s17], $0x2000, s30, s17, $0x38;
	[tilespmem:$0x18D00] =	vst v63  }
0x1d7: {  	s8 =	sadd.s32 $0x6, s0  }
0x1d8: {  	s9 =	smov.u32 s3;
	p0 =	slt.s32 s8, s3  }
0x1d9: {  	s9 =	smov.u32 @p0 s8  }
0x1da: {  	s8 =	sshll.u32 s9, $0x7  }
0x1db: {  	s8 =	sand.u32 $0x1FFFFF80, s8  }
0x1dc: {  	s8 =	sadd.s32 s2, s8  }
0x1dd: {  	[tilespmem:s25], [sflag:$0x1] =	stream.strided.gather [hbm4b:s8+s17], $0x2000, s30, s17, $0x38;
	[tilespmem:$0x18D00] =	vst v63  }
0x1de: {  	s8 =	sadd.s32 $0x7, s0  }
0x1df: {  	s9 =	smov.u32 s3;
	p0 =	slt.s32 s8, s3  }
0x1e0: {  	s9 =	smov.u32 @p0 s8;
	p0 =	slt.s32 s3, s0  }
.Ltmp24:
0x1e1: {  	_ = 	snop;
	(pc) =	sbr.rel @!p0 .LBB2_50-.Ltmp24, $4  }
0x1e2: {  	s8 =	sshll.u32 s9, $0x7  }
0x1e3: {  	s8 =	sand.u32 $0x1FFFFF80, s8  }
0x1e4: {  	s8 =	sadd.s32 s2, s8  }
0x1e5: {  	[tilespmem:s26], [sflag:$0x1] =	stream.strided.gather [hbm4b:s8+s17], $0x2000, s30, s17, $0x38;
	[tilespmem:$0x18D00] =	vst v63  }
.LBB2_55:
0x1e6: {  	s0 =	simm.s32 $0x0  }
0x1e7: {  	v12 =	vmov s0;
	_ =	sdelay $0x1  }
0x1e8: {  	_ =	swait.ge [sflag:s28], $0x10000  }
0x1e9: {  	[sflag:s28] =	ssyncset.done $0x0  }
0x1ea: {  	[sflag:s28] =	ssyncadd.s32 $0xFFFF0000  }
0x1eb: {  	v12 =	vld.idx.msk [tilespmem:v12+s16+$0x0], $0xffff;
	_ =	sdelay $0x4  }
0x1ec: {  	(v2sf) =	vpush v12, $0x0;
	_ =	sdelay $0xd  }
0x1ed: {  	s12 =	simm.s32 $0x1  }
0x1ee: {  	v12 =	vmov s12;
	s20 =	spop (v2sf)  }
0x1ef: {  	s0 =	sshll.u32 s20, $0x4  }
0x1f0: {  	s3 =	sand.u32 $0x1FFFFFF0, s0  }
0x1f1: {  	s0 =	simm.s32 $0x10D00;
	s3 =	sadd.s32 s6, s3  }
0x1f2: {  	[hbm4b:s3+s4] =	stream.linear.scatter [tilespmem:s0], [sflag:$0x2], $0x80, $0x38;
	[tilespmem:$0x18D00] =	vst v63  }
0x1f3: {  	v12 =	vld.idx.msk [tilespmem:v12+s16+$0x0], $0xffff;
	_ =	sdelay $0x4  }
0x1f4: {  	(v2sf) =	vpush v12, $0x0;
	_ =	sdelay $0xd  }
0x1f5: {  	s21 =	simm.s32 $0x2  }
0x1f6: {  	s3 =	simm.s32 $0x3;
	v12 =	vmov s21;
	s8 =	spop (v2sf)  }
.LBB2_56:
0x1f7: {  	p0 =	sne.s32 s3, $0xFF;
	s8 =	sshll.u32 s8, $0x4  }
0x1f8: {  	s8 =	sand.u32 $0x1FFFFFF0, s8  }
0x1f9: {  	s0 =	sadd.s32 $0x80, s0;
	s8 =	sadd.s32 s6, s8  }
0x1fa: {  	[hbm4b:s8+s4] =	stream.linear.scatter [tilespmem:s0], [sflag:$0x2], $0x80, $0x38;
	[tilespmem:$0x18D00] =	vst v63  }
0x1fb: {  	v12 =	vld.idx.msk [tilespmem:v12+s16+$0x0], $0xffff;
	_ =	sdelay $0x5  }
0x1fc: {  	(v2sf) =	vpush v12, $0x0;
	_ =	sdelay $0xa  }
.Ltmp25:
0x1fd: {  	(pc) =	sbr.rel @p0 .LBB2_56-.Ltmp25, $2  }
0x1fe: {  	_ =	sdelay $0x2  }
0x1ff: {  	v12 =	vmov s3;
	s3 =	sadd.s32 $0x1, s3;
	s8 =	spop (v2sf)  }
0x200: {  	s3 =	sshll.u32 s8, $0x4  }
0x201: {  	s3 =	sand.u32 $0x1FFFFFF0, s3  }
0x202: {  	s0 =	sadd.s32 $0x80, s0;
	s3 =	sadd.s32 s6, s3  }
0x203: {  	[hbm4b:s3+s4] =	stream.linear.scatter [tilespmem:s0], [sflag:$0x2], $0x80, $0x38;
	[tilespmem:$0x18D00] =	vst v63  }
0x204: {  	v12 =	vld.idx.msk [tilespmem:v12+s16+$0x0], $0xffff;
	_ =	sdelay $0x4  }
0x205: {  	(v2sf) =	vpush v12, $0x0;
	_ =	sdelay $0xe  }
0x206: {  	s10 =	spop (v2sf)  }
0x207: {  	s3 =	sshll.u32 s10, $0x4  }
0x208: {  	s3 =	sand.u32 $0x1FFFFFF0, s3  }
0x209: {  	s0 =	sadd.s32 $0x80, s0;
	s3 =	sadd.s32 s6, s3  }
0x20a: {  	[hbm4b:s3+s4] =	stream.linear.scatter [tilespmem:s0], [sflag:$0x2], $0x80, $0x38;
	[tilespmem:$0x18D00] =	vst v63  }
0x20b: {  	_ =	swait.ge [sflag:s29], $0x8000  }
0x20c: {  	[sflag:s29] =	ssyncset.done $0x0  }
0x20d: {  	[sflag:s29] =	ssyncadd.s32 $0xFFFF8000  }
0x20e: {  	v63 =	vld.idx.msk [tilespmem:v2+s15+$0x0], $0xffff  }
0x20f: {  	v13 =	vld.idx.msk [tilespmem:v3+s15+$0x0], $0xffff;
	_ =	sdelay $0x3  }
0x210: {  	(v2sf) =	vpush v63, $0x0  }
0x211: {  	(v2sf) =	vpush v13, $0x0;
	_ =	sdelay $0xd  }
0x212: {  	s11 =	spop (v2sf)  }
0x213: {  	s12 =	spop (v2sf)  }
0x214: {  	s0 =	sshra.s32 s11, $0x7;
	s3 =	sshra.s32 s12, $0x7  }
0x215: {  	p0 =	slt.s32 s0, s3;
	s8 =	smov.u32 s3  }
0x216: {  	s8 =	smov.u32 @p0 s0  }
0x217: {  	s8 =	sshll.u32 s8, $0x7  }
0x218: {  	s8 =	sand.u32 $0x1FFFFF80, s8  }
0x219: {  	s8 =	sadd.s32 s2, s8  }
0x21a: {  	[tilespmem:s19], [sflag:$0x1] =	stream.strided.gather [hbm4b:s8+s17], $0x2000, s30, s17, $0x38;
	[tilespmem:$0x18D00] =	vst v63  }
0x21b: {  	s8 =	sadd.s32 $0x1, s0  }
0x21c: {  	s9 =	smov.u32 s3;
	p0 =	slt.s32 s8, s3  }
0x21d: {  	s9 =	smov.u32 @p0 s8  }
0x21e: {  	s8 =	sshll.u32 s9, $0x7  }
0x21f: {  	s8 =	sand.u32 $0x1FFFFF80, s8  }
0x220: {  	s20 =	simm.s32 $0x2D00;
	s8 =	sadd.s32 s2, s8  }
0x221: {  	[tilespmem:s20], [sflag:$0x1] =	stream.strided.gather [hbm4b:s8+s17], $0x2000, s30, s17, $0x38;
	[tilespmem:$0x18D00] =	vst v63  }
0x222: {  	s8 =	sadd.s32 $0x2, s0  }
0x223: {  	s9 =	smov.u32 s3;
	p0 =	slt.s32 s8, s3  }
0x224: {  	s9 =	smov.u32 @p0 s8  }
0x225: {  	s8 =	sshll.u32 s9, $0x7  }
0x226: {  	s8 =	sand.u32 $0x1FFFFF80, s8  }
0x227: {  	s21 =	simm.s32 $0x4D00;
	s8 =	sadd.s32 s2, s8  }
0x228: {  	[tilespmem:s21], [sflag:$0x1] =	stream.strided.gather [hbm4b:s8+s17], $0x2000, s30, s17, $0x38;
	[tilespmem:$0x18D00] =	vst v63  }
0x229: {  	s8 =	sadd.s32 $0x3, s0  }
0x22a: {  	s9 =	smov.u32 s3;
	p0 =	slt.s32 s8, s3  }
0x22b: {  	s9 =	smov.u32 @p0 s8  }
0x22c: {  	s8 =	sshll.u32 s9, $0x7  }
0x22d: {  	s8 =	sand.u32 $0x1FFFFF80, s8  }
0x22e: {  	s8 =	sadd.s32 s2, s8  }
0x22f: {  	[tilespmem:s22], [sflag:$0x1] =	stream.strided.gather [hbm4b:s8+s17], $0x2000, s30, s17, $0x38;
	[tilespmem:$0x18D00] =	vst v63  }
0x230: {  	s8 =	sadd.s32 $0x4, s0  }
0x231: {  	s9 =	smov.u32 s3;
	p0 =	slt.s32 s8, s3  }
0x232: {  	s9 =	smov.u32 @p0 s8  }
0x233: {  	s8 =	sshll.u32 s9, $0x7  }
0x234: {  	s8 =	sand.u32 $0x1FFFFF80, s8  }
0x235: {  	s8 =	sadd.s32 s2, s8  }
0x236: {  	[tilespmem:s23], [sflag:$0x1] =	stream.strided.gather [hbm4b:s8+s17], $0x2000, s30, s17, $0x38;
	[tilespmem:$0x18D00] =	vst v63  }
0x237: {  	s8 =	sadd.s32 $0x5, s0  }
0x238: {  	s9 =	smov.u32 s3;
	p0 =	slt.s32 s8, s3  }
0x239: {  	s9 =	smov.u32 @p0 s8  }
0x23a: {  	s8 =	sshll.u32 s9, $0x7  }
0x23b: {  	s8 =	sand.u32 $0x1FFFFF80, s8  }
0x23c: {  	s8 =	sadd.s32 s2, s8  }
0x23d: {  	[tilespmem:s24], [sflag:$0x1] =	stream.strided.gather [hbm4b:s8+s17], $0x2000, s30, s17, $0x38;
	[tilespmem:$0x18D00] =	vst v63  }
0x23e: {  	s8 =	sadd.s32 $0x6, s0  }
0x23f: {  	s9 =	smov.u32 s3;
	p0 =	slt.s32 s8, s3  }
0x240: {  	s9 =	smov.u32 @p0 s8  }
0x241: {  	s8 =	sshll.u32 s9, $0x7  }
0x242: {  	s8 =	sand.u32 $0x1FFFFF80, s8  }
0x243: {  	s8 =	sadd.s32 s2, s8  }
0x244: {  	[tilespmem:s25], [sflag:$0x1] =	stream.strided.gather [hbm4b:s8+s17], $0x2000, s30, s17, $0x38;
	[tilespmem:$0x18D00] =	vst v63  }
0x245: {  	s8 =	sadd.s32 $0x7, s0  }
0x246: {  	s9 =	smov.u32 s3;
	p0 =	slt.s32 s8, s3  }
0x247: {  	s9 =	smov.u32 @p0 s8;
	p0 =	slt.s32 s3, s0  }
.Ltmp26:
0x248: {  	_ = 	snop;
	(pc) =	sbr.rel @!p0 .LBB2_58-.Ltmp26, $4  }
0x249: {  	s8 =	sshll.u32 s9, $0x7  }
0x24a: {  	s8 =	sand.u32 $0x1FFFFF80, s8  }
0x24b: {  	s8 =	sadd.s32 s2, s8  }
0x24c: {  	[tilespmem:s26], [sflag:$0x1] =	stream.strided.gather [hbm4b:s8+s17], $0x2000, s30, s17, $0x38;
	[tilespmem:$0x18D00] =	vst v63  }
.LBB2_63:
0x24d: {  	s0 =	simm.s32 $0x100  }
0x24e: {  	v12 =	vmov s0;
	_ =	sdelay $0x1  }
0x24f: {  	_ =	swait.ge [sflag:s28], $0x10000  }
0x250: {  	[sflag:s28] =	ssyncset.done $0x0  }
0x251: {  	[sflag:s28] =	ssyncadd.s32 $0xFFFF0000  }
0x252: {  	v12 =	vld.idx.msk [tilespmem:v12+s16+$0x0], $0xffff;
	_ =	sdelay $0x4  }
0x253: {  	(v2sf) =	vpush v12, $0x0;
	_ =	sdelay $0xd  }
0x254: {  	s12 =	simm.s32 $0x101  }
0x255: {  	v12 =	vmov s12;
	s20 =	spop (v2sf)  }
0x256: {  	s0 =	sshll.u32 s20, $0x4  }
0x257: {  	s3 =	sand.u32 $0x1FFFFFF0, s0  }
0x258: {  	s0 =	simm.s32 $0x10D00;
	s3 =	sadd.s32 s6, s3  }
0x259: {  	[hbm4b:s3+s4] =	stream.linear.scatter [tilespmem:s0], [sflag:$0x2], $0x80, $0x38;
	[tilespmem:$0x18D00] =	vst v63  }
0x25a: {  	v12 =	vld.idx.msk [tilespmem:v12+s16+$0x0], $0xffff;
	_ =	sdelay $0x4  }
0x25b: {  	(v2sf) =	vpush v12, $0x0;
	_ =	sdelay $0xd  }
0x25c: {  	s21 =	simm.s32 $0x102  }
0x25d: {  	s3 =	simm.s32 $0x103;
	v12 =	vmov s21;
	s8 =	spop (v2sf)  }
.LBB2_64:
0x25e: {  	p0 =	sne.s32 s3, $0x1FF;
	s8 =	sshll.u32 s8, $0x4  }
0x25f: {  	s8 =	sand.u32 $0x1FFFFFF0, s8  }
0x260: {  	s0 =	sadd.s32 $0x80, s0;
	s8 =	sadd.s32 s6, s8  }
0x261: {  	[hbm4b:s8+s4] =	stream.linear.scatter [tilespmem:s0], [sflag:$0x2], $0x80, $0x38;
	[tilespmem:$0x18D00] =	vst v63  }
0x262: {  	v12 =	vld.idx.msk [tilespmem:v12+s16+$0x0], $0xffff;
	_ =	sdelay $0x5  }
0x263: {  	(v2sf) =	vpush v12, $0x0;
	_ =	sdelay $0xa  }
.Ltmp27:
0x264: {  	(pc) =	sbr.rel @p0 .LBB2_64-.Ltmp27, $2  }
0x265: {  	_ =	sdelay $0x2  }
0x266: {  	v12 =	vmov s3;
	s3 =	sadd.s32 $0x1, s3;
	s8 =	spop (v2sf)  }
0x267: {  	s3 =	sshll.u32 s8, $0x4  }
0x268: {  	s3 =	sand.u32 $0x1FFFFFF0, s3  }
0x269: {  	s0 =	sadd.s32 $0x80, s0;
	s3 =	sadd.s32 s6, s3  }
0x26a: {  	[hbm4b:s3+s4] =	stream.linear.scatter [tilespmem:s0], [sflag:$0x2], $0x80, $0x38;
	[tilespmem:$0x18D00] =	vst v63  }
0x26b: {  	v12 =	vld.idx.msk [tilespmem:v12+s16+$0x0], $0xffff;
	_ =	sdelay $0x4  }
0x26c: {  	(v2sf) =	vpush v12, $0x0;
	_ =	sdelay $0xe  }
0x26d: {  	s20 =	spop (v2sf)  }
0x26e: {  	s3 =	sshll.u32 s20, $0x4  }
0x26f: {  	s3 =	sand.u32 $0x1FFFFFF0, s3  }
0x270: {  	s0 =	sadd.s32 $0x80, s0;
	s3 =	sadd.s32 s6, s3  }
0x271: {  	[hbm4b:s3+s4] =	stream.linear.scatter [tilespmem:s0], [sflag:$0x2], $0x80, $0x38;
	[tilespmem:$0x18D00] =	vst v63  }
0x272: {  	_ =	swait.ge [sflag:s29], $0x8000  }
0x273: {  	s31 =	sadd.s32 $0x1, s31;
	s21 =	rddreg [dreg:$0xb]  }
0x274: {  	p0 =	sne.s32 s31, s21  }
.Ltmp28:
0x275: {  	_ = 	snop;
	(pc) =	sbr.rel @p0 .LBB2_1-.Ltmp28, $4  }
.Ltmp29:
0x276: {  	_ = 	snop;
	(pc) =	sbr.rel @!p0 .LBB2_66-.Ltmp29, $4  }
0x277: {  	_ = 	snop  }
0x278: {  	[sflag:s29] =	ssyncset.done $0x0  }
0x279: {  	[sflag:s29] =	ssyncadd.s32 $0xFFFF8000  }
0x27a: {  	_ = 	snop  }
.LBB2_2:
.Ltmp30:
0x27b: {  	(pc) =	sbr.rel .LBB2_3-.Ltmp30, $3  }
0x27c: {  	_ =	sdelay $0x1  }
0x27d: {  	s8 =	ssub.s32 s3, s0  }
0x27e: {  	s9 =	simm.s32 $0x0;
	s10 =	simm.s32 $0x0;
	s8 =	sadd.s32 $0x1, s8  }
.LBB2_6:
0x27f: {  	s12 =	sadd.s32 $0x8, s12  }
0x280: {  	s20 =	smov.u32 s3;
	s10 =	sadd.s32 $0x1, s10;
	p0 =	slt.s32 s12, s3  }
0x281: {  	s20 =	smov.u32 @p0 s12;
	p0 =	sne.s32 s10, s8  }
.Ltmp31:
0x282: {  	_ = 	snop;
	(pc) =	sbr.rel @!p0 .LBB2_7-.Ltmp31, $4  }
0x283: {  	s12 =	sshll.u32 s20, $0x7  }
0x284: {  	s12 =	sand.u32 $0x1FFFFF80, s12  }
0x285: {  	s11 =	sor.u32 $0xD00, s11;
	s12 =	sadd.s32 s1, s12  }
0x286: {  	[tilespmem:s11], [sflag:$0x1] =	stream.strided.gather [hbm4b:s12+s17], $0x2000, s18, s17, $0x38;
	[tilespmem:$0x18D00] =	vst v63  }
.LBB2_3:
0x287: {  	s11 =	sand.u32 $0x7, s10  }
0x288: {  	_ =	swait.ge [sflag:s28], $0x2000;
	s12 =	sshll.u32 s9, $0x9;
	s11 =	sshll.u32 s11, $0xD  }
0x289: {  	[sflag:s28] =	ssyncset.done $0x0;
	s20 =	sshra.s32 s12, $0x2;
	v12 =	vor.u32 s11, v5  }
0x28a: {  	s12 =	sadd.s32 s0, s10;
	[sflag:s28] =	ssyncadd.s32 $0xFFFFE000;
	v13 =	vor.u32 s11, v9;
	v14 =	vor.u32 s11, v10;
	v15 =	vor.u32 s11, v11;
	s20 =	sadd.s32 $0x10D20, s20  }
.LBB2_4:
0x28b: {  	v16 =	vmov s9;
	_ =	sdelay $0x4  }
0x28c: {  	v16 =	vld.idx.msk [tilespmem:v16+s4+$0x0], $0xffff;
	_ =	sdelay $0x4  }
0x28d: {  	(v2sf) =	vpush v16, $0x0;
	_ =	sdelay $0xe  }
0x28e: {  	s21 =	spop (v2sf)  }
0x28f: {  	p0 =	sgt.s32 s9, $0xFF;
	s21 =	sshra.s32 s21, $0x7  }
0x290: {  	p1 =	sne.s32 @!p0 s21, s12  }
0x291: {  	p0 =	por p0, p1  }
.Ltmp32:
0x292: {  	_ = 	snop;
	(pc) =	sbr.rel @p0 .LBB2_6-.Ltmp32, $1  }
0x293: {  	_ =	sdelay $0x3  }
0x294: {  	v16 =	vand.u32 $0x7F, v16  }
0x295: {  	v17 =	vor.u32 v12, v16;
	_ =	sdelay $0x4  }
0x296: {  	v17 =	vld.idx.msk [tilespmem:v17+s19+$0x0], $0xffff  }
0x297: {  	v18 =	vor.u32 v13, v16;
	_ =	sdelay $0x3  }
0x298: {  	[tilespmem:s20+$0xFFFFFFE0] =	vst v17  }
0x299: {  	v17 =	vld.idx.msk [tilespmem:v18+s19+$0x0], $0xffff  }
0x29a: {  	v63 =	vor.u32 v14, v16;
	_ =	sdelay $0x3  }
0x29b: {  	[tilespmem:s20+$0xFFFFFFF0] =	vst v17  }
0x29c: {  	v17 =	vld.idx.msk [tilespmem:v63+s19+$0x0], $0xffff  }
0x29d: {  	v16 =	vor.u32 v15, v16;
	_ =	sdelay $0x3  }
0x29e: {  	[tilespmem:s20+$0x0] =	vst v17  }
0x29f: {  	v16 =	vld.idx.msk [tilespmem:v16+s19+$0x0], $0xffff  }
.Ltmp33:
0x2a0: {  	_ = 	snop;
	(pc) =	sbr.rel .LBB2_4-.Ltmp33, $2  }
0x2a1: {  	_ =	sdelay $0x2  }
0x2a2: {  	s9 =	sadd.s32 $0x1, s9;
	[tilespmem:s20+$0x10] =	vst v16;
	s20 =	sadd.s32 $0x80, s20  }
.LBB2_14:
.Ltmp34:
0x2a3: {  	(pc) =	sbr.rel .LBB2_15-.Ltmp34, $3  }
0x2a4: {  	_ =	sdelay $0x1  }
0x2a5: {  	s8 =	ssub.s32 s3, s0  }
0x2a6: {  	s9 =	simm.s32 $0x0;
	s10 =	simm.s32 $0x100;
	s8 =	sadd.s32 $0x1, s8  }
.LBB2_18:
0x2a7: {  	s12 =	sadd.s32 $0x8, s12  }
0x2a8: {  	s20 =	smov.u32 s3;
	s9 =	sadd.s32 $0x1, s9;
	p0 =	slt.s32 s12, s3  }
0x2a9: {  	s20 =	smov.u32 @p0 s12;
	p0 =	sne.s32 s9, s8  }
.Ltmp35:
0x2aa: {  	_ = 	snop;
	(pc) =	sbr.rel @!p0 .LBB2_19-.Ltmp35, $4  }
0x2ab: {  	s12 =	sshll.u32 s20, $0x7  }
0x2ac: {  	s12 =	sand.u32 $0x1FFFFF80, s12  }
0x2ad: {  	s11 =	sor.u32 $0xD00, s11;
	s12 =	sadd.s32 s1, s12  }
0x2ae: {  	[tilespmem:s11], [sflag:$0x1] =	stream.strided.gather [hbm4b:s12+s17], $0x2000, s18, s17, $0x38;
	[tilespmem:$0x18D00] =	vst v63  }
.LBB2_15:
0x2af: {  	s11 =	sand.u32 $0x7, s9  }
0x2b0: {  	_ =	swait.ge [sflag:s28], $0x2000;
	s12 =	sshll.u32 s10, $0x9;
	s11 =	sshll.u32 s11, $0xD  }
0x2b1: {  	[sflag:s28] =	ssyncset.done $0x0;
	s20 =	sshra.s32 s12, $0x2;
	v12 =	vor.u32 s11, v5  }
0x2b2: {  	s12 =	sadd.s32 s0, s9;
	[sflag:s28] =	ssyncadd.s32 $0xFFFFE000;
	v13 =	vor.u32 s11, v9;
	v14 =	vor.u32 s11, v10;
	v15 =	vor.u32 s11, v11;
	s20 =	sadd.s32 $0x8D00, s20  }
.LBB2_16:
0x2b3: {  	v16 =	vmov s10;
	_ =	sdelay $0x4  }
0x2b4: {  	v16 =	vld.idx.msk [tilespmem:v16+s4+$0x0], $0xffff;
	_ =	sdelay $0x4  }
0x2b5: {  	(v2sf) =	vpush v16, $0x0;
	_ =	sdelay $0xe  }
0x2b6: {  	s21 =	spop (v2sf)  }
0x2b7: {  	p0 =	sgt.s32 s10, $0x1FF;
	s21 =	sshra.s32 s21, $0x7  }
0x2b8: {  	p1 =	sne.s32 @!p0 s21, s12  }
0x2b9: {  	p0 =	por p0, p1  }
.Ltmp36:
0x2ba: {  	_ = 	snop;
	(pc) =	sbr.rel @p0 .LBB2_18-.Ltmp36, $1  }
0x2bb: {  	_ =	sdelay $0x3  }
0x2bc: {  	v16 =	vand.u32 $0x7F, v16  }
0x2bd: {  	v17 =	vor.u32 v12, v16;
	_ =	sdelay $0x4  }
0x2be: {  	v17 =	vld.idx.msk [tilespmem:v17+s19+$0x0], $0xffff  }
0x2bf: {  	v18 =	vor.u32 v13, v16;
	_ =	sdelay $0x3  }
0x2c0: {  	[tilespmem:s20+$0x0] =	vst v17  }
0x2c1: {  	v17 =	vld.idx.msk [tilespmem:v18+s19+$0x0], $0xffff  }
0x2c2: {  	v63 =	vor.u32 v14, v16;
	_ =	sdelay $0x3  }
0x2c3: {  	[tilespmem:s20+$0x10] =	vst v17  }
0x2c4: {  	v17 =	vld.idx.msk [tilespmem:v63+s19+$0x0], $0xffff  }
0x2c5: {  	v16 =	vor.u32 v15, v16;
	_ =	sdelay $0x3  }
0x2c6: {  	[tilespmem:s20+$0x20] =	vst v17  }
0x2c7: {  	v16 =	vld.idx.msk [tilespmem:v16+s19+$0x0], $0xffff  }
.Ltmp37:
0x2c8: {  	_ = 	snop;
	(pc) =	sbr.rel .LBB2_16-.Ltmp37, $2  }
0x2c9: {  	_ =	sdelay $0x2  }
0x2ca: {  	s10 =	sadd.s32 $0x1, s10;
	[tilespmem:s20+$0x30] =	vst v16;
	s20 =	sadd.s32 $0x80, s20  }
.LBB2_26:
.Ltmp38:
0x2cb: {  	(pc) =	sbr.rel .LBB2_27-.Ltmp38, $3  }
0x2cc: {  	_ =	sdelay $0x1  }
0x2cd: {  	s8 =	ssub.s32 s3, s0  }
0x2ce: {  	s9 =	simm.s32 $0x0;
	s10 =	simm.s32 $0x200;
	s8 =	sadd.s32 $0x1, s8  }
.LBB2_30:
0x2cf: {  	s12 =	sadd.s32 $0x8, s12  }
0x2d0: {  	s20 =	smov.u32 s3;
	s9 =	sadd.s32 $0x1, s9;
	p0 =	slt.s32 s12, s3  }
0x2d1: {  	s20 =	smov.u32 @p0 s12;
	p0 =	sne.s32 s9, s8  }
.Ltmp39:
0x2d2: {  	_ = 	snop;
	(pc) =	sbr.rel @!p0 .LBB2_31-.Ltmp39, $4  }
0x2d3: {  	s12 =	sshll.u32 s20, $0x7  }
0x2d4: {  	s12 =	sand.u32 $0x1FFFFF80, s12  }
0x2d5: {  	s11 =	sor.u32 $0xD00, s11;
	s12 =	sadd.s32 s1, s12  }
0x2d6: {  	[tilespmem:s11], [sflag:$0x1] =	stream.strided.gather [hbm4b:s12+s17], $0x2000, s18, s17, $0x38;
	[tilespmem:$0x18D00] =	vst v63  }
.LBB2_27:
0x2d7: {  	s11 =	sand.u32 $0x7, s9  }
0x2d8: {  	_ =	swait.ge [sflag:s28], $0x2000;
	s12 =	sshll.u32 s10, $0x9;
	s11 =	sshll.u32 s11, $0xD  }
0x2d9: {  	[sflag:s28] =	ssyncset.done $0x0;
	s20 =	sshra.s32 s12, $0x2;
	v12 =	vor.u32 s11, v5  }
0x2da: {  	s12 =	sadd.s32 s0, s9;
	[sflag:s28] =	ssyncadd.s32 $0xFFFFE000;
	v13 =	vor.u32 s11, v9;
	v14 =	vor.u32 s11, v10;
	v15 =	vor.u32 s11, v11;
	s20 =	sadd.s32 $0xD00, s20  }
.LBB2_28:
0x2db: {  	v16 =	vmov s10;
	_ =	sdelay $0x4  }
0x2dc: {  	v16 =	vld.idx.msk [tilespmem:v16+s4+$0x0], $0xffff;
	_ =	sdelay $0x4  }
0x2dd: {  	(v2sf) =	vpush v16, $0x0;
	_ =	sdelay $0xe  }
0x2de: {  	s21 =	spop (v2sf)  }
0x2df: {  	p0 =	sgt.s32 s10, $0x2FF;
	s21 =	sshra.s32 s21, $0x7  }
0x2e0: {  	p1 =	sne.s32 @!p0 s21, s12  }
0x2e1: {  	p0 =	por p0, p1  }
.Ltmp40:
0x2e2: {  	_ = 	snop;
	(pc) =	sbr.rel @p0 .LBB2_30-.Ltmp40, $1  }
0x2e3: {  	_ =	sdelay $0x3  }
0x2e4: {  	v16 =	vand.u32 $0x7F, v16  }
0x2e5: {  	v17 =	vor.u32 v12, v16;
	_ =	sdelay $0x4  }
0x2e6: {  	v17 =	vld.idx.msk [tilespmem:v17+s19+$0x0], $0xffff  }
0x2e7: {  	v18 =	vor.u32 v13, v16;
	_ =	sdelay $0x3  }
0x2e8: {  	[tilespmem:s20+$0x0] =	vst v17  }
0x2e9: {  	v17 =	vld.idx.msk [tilespmem:v18+s19+$0x0], $0xffff  }
0x2ea: {  	v63 =	vor.u32 v14, v16;
	_ =	sdelay $0x3  }
0x2eb: {  	[tilespmem:s20+$0x10] =	vst v17  }
0x2ec: {  	v17 =	vld.idx.msk [tilespmem:v63+s19+$0x0], $0xffff  }
0x2ed: {  	v16 =	vor.u32 v15, v16;
	_ =	sdelay $0x3  }
0x2ee: {  	[tilespmem:s20+$0x20] =	vst v17  }
0x2ef: {  	v16 =	vld.idx.msk [tilespmem:v16+s19+$0x0], $0xffff  }
.Ltmp41:
0x2f0: {  	_ = 	snop;
	(pc) =	sbr.rel .LBB2_28-.Ltmp41, $2  }
0x2f1: {  	_ =	sdelay $0x2  }
0x2f2: {  	s10 =	sadd.s32 $0x1, s10;
	[tilespmem:s20+$0x30] =	vst v16;
	s20 =	sadd.s32 $0x80, s20  }
.LBB2_38:
.Ltmp42:
0x2f3: {  	(pc) =	sbr.rel .LBB2_39-.Ltmp42, $3  }
0x2f4: {  	_ =	sdelay $0x1  }
0x2f5: {  	s8 =	ssub.s32 s3, s0  }
0x2f6: {  	s9 =	simm.s32 $0x0;
	s10 =	simm.s32 $0x300;
	s8 =	sadd.s32 $0x1, s8  }
.LBB2_42:
0x2f7: {  	s12 =	sadd.s32 $0x8, s12  }
0x2f8: {  	s20 =	smov.u32 s3;
	s9 =	sadd.s32 $0x1, s9;
	p0 =	slt.s32 s12, s3  }
0x2f9: {  	s20 =	smov.u32 @p0 s12;
	p0 =	sne.s32 s9, s8  }
.Ltmp43:
0x2fa: {  	_ = 	snop;
	(pc) =	sbr.rel @!p0 .LBB2_43-.Ltmp43, $4  }
0x2fb: {  	s12 =	sshll.u32 s20, $0x7  }
0x2fc: {  	s12 =	sand.u32 $0x1FFFFF80, s12  }
0x2fd: {  	s11 =	sor.u32 $0xD00, s11;
	s12 =	sadd.s32 s1, s12  }
0x2fe: {  	[tilespmem:s11], [sflag:$0x1] =	stream.strided.gather [hbm4b:s12+s17], $0x2000, s18, s17, $0x38;
	[tilespmem:$0x18D00] =	vst v63  }
.LBB2_39:
0x2ff: {  	s11 =	sand.u32 $0x7, s9  }
0x300: {  	_ =	swait.ge [sflag:s28], $0x2000;
	s12 =	sshll.u32 s10, $0x9;
	s11 =	sshll.u32 s11, $0xD  }
0x301: {  	[sflag:s28] =	ssyncset.done $0x0;
	s20 =	sshra.s32 s12, $0x2;
	v12 =	vor.u32 s11, v5  }
0x302: {  	s12 =	sadd.s32 s0, s9;
	[sflag:s28] =	ssyncadd.s32 $0xFFFFE000;
	v13 =	vor.u32 s11, v9;
	v14 =	vor.u32 s11, v10;
	v15 =	vor.u32 s11, v11;
	s20 =	sadd.s32 $0xFFFF8D00, s20  }
.LBB2_40:
0x303: {  	v16 =	vmov s10;
	_ =	sdelay $0x4  }
0x304: {  	v16 =	vld.idx.msk [tilespmem:v16+s4+$0x0], $0xffff;
	_ =	sdelay $0x4  }
0x305: {  	(v2sf) =	vpush v16, $0x0;
	_ =	sdelay $0xe  }
0x306: {  	s21 =	spop (v2sf)  }
0x307: {  	p0 =	sgt.s32 s10, $0x3FF;
	s21 =	sshra.s32 s21, $0x7  }
0x308: {  	p1 =	sne.s32 @!p0 s21, s12  }
0x309: {  	p0 =	por p0, p1  }
.Ltmp44:
0x30a: {  	_ = 	snop;
	(pc) =	sbr.rel @p0 .LBB2_42-.Ltmp44, $1  }
0x30b: {  	_ =	sdelay $0x3  }
0x30c: {  	v16 =	vand.u32 $0x7F, v16  }
0x30d: {  	v17 =	vor.u32 v12, v16;
	_ =	sdelay $0x4  }
0x30e: {  	v17 =	vld.idx.msk [tilespmem:v17+s19+$0x0], $0xffff  }
0x30f: {  	v18 =	vor.u32 v13, v16;
	_ =	sdelay $0x3  }
0x310: {  	[tilespmem:s20+$0x0] =	vst v17  }
0x311: {  	v17 =	vld.idx.msk [tilespmem:v18+s19+$0x0], $0xffff  }
0x312: {  	v63 =	vor.u32 v14, v16;
	_ =	sdelay $0x3  }
0x313: {  	[tilespmem:s20+$0x10] =	vst v17  }
0x314: {  	v17 =	vld.idx.msk [tilespmem:v63+s19+$0x0], $0xffff  }
0x315: {  	v16 =	vor.u32 v15, v16;
	_ =	sdelay $0x3  }
0x316: {  	[tilespmem:s20+$0x20] =	vst v17  }
0x317: {  	v16 =	vld.idx.msk [tilespmem:v16+s19+$0x0], $0xffff  }
.Ltmp45:
0x318: {  	_ = 	snop;
	(pc) =	sbr.rel .LBB2_40-.Ltmp45, $2  }
0x319: {  	_ =	sdelay $0x2  }
0x31a: {  	s10 =	sadd.s32 $0x1, s10;
	[tilespmem:s20+$0x30] =	vst v16;
	s20 =	sadd.s32 $0x80, s20  }
.LBB2_50:
.Ltmp46:
0x31b: {  	(pc) =	sbr.rel .LBB2_51-.Ltmp46, $3  }
0x31c: {  	_ =	sdelay $0x1  }
0x31d: {  	s8 =	ssub.s32 s3, s0  }
0x31e: {  	s9 =	simm.s32 $0x0;
	s10 =	simm.s32 $0x0;
	s8 =	sadd.s32 $0x1, s8  }
.LBB2_54:
0x31f: {  	s12 =	sadd.s32 $0x8, s12  }
0x320: {  	s20 =	smov.u32 s3;
	s10 =	sadd.s32 $0x1, s10;
	p0 =	slt.s32 s12, s3  }
0x321: {  	s20 =	smov.u32 @p0 s12;
	p0 =	sne.s32 s10, s8  }
.Ltmp47:
0x322: {  	_ = 	snop;
	(pc) =	sbr.rel @!p0 .LBB2_55-.Ltmp47, $4  }
0x323: {  	s12 =	sshll.u32 s20, $0x7  }
0x324: {  	s12 =	sand.u32 $0x1FFFFF80, s12  }
0x325: {  	s11 =	sor.u32 $0xD00, s11;
	s12 =	sadd.s32 s2, s12  }
0x326: {  	[tilespmem:s11], [sflag:$0x1] =	stream.strided.gather [hbm4b:s12+s17], $0x2000, s30, s17, $0x38;
	[tilespmem:$0x18D00] =	vst v63  }
.LBB2_51:
0x327: {  	s11 =	sand.u32 $0x7, s10  }
0x328: {  	_ =	swait.ge [sflag:s28], $0x2000;
	s12 =	sshll.u32 s9, $0x9;
	s11 =	sshll.u32 s11, $0xD  }
0x329: {  	[sflag:s28] =	ssyncset.done $0x0;
	s20 =	sshra.s32 s12, $0x2;
	v12 =	vor.u32 s11, v5  }
0x32a: {  	s12 =	sadd.s32 s0, s10;
	[sflag:s28] =	ssyncadd.s32 $0xFFFFE000;
	v13 =	vor.u32 s11, v9;
	v14 =	vor.u32 s11, v10;
	v15 =	vor.u32 s11, v11;
	s20 =	sadd.s32 $0x10D20, s20  }
.LBB2_52:
0x32b: {  	v16 =	vmov s9;
	_ =	sdelay $0x4  }
0x32c: {  	v16 =	vld.idx.msk [tilespmem:v16+s15+$0x0], $0xffff;
	_ =	sdelay $0x4  }
0x32d: {  	(v2sf) =	vpush v16, $0x0;
	_ =	sdelay $0xe  }
0x32e: {  	s21 =	spop (v2sf)  }
0x32f: {  	p0 =	sgt.s32 s9, $0xFF;
	s21 =	sshra.s32 s21, $0x7  }
0x330: {  	p1 =	sne.s32 @!p0 s21, s12  }
0x331: {  	p0 =	por p0, p1  }
.Ltmp48:
0x332: {  	_ = 	snop;
	(pc) =	sbr.rel @p0 .LBB2_54-.Ltmp48, $1  }
0x333: {  	_ =	sdelay $0x3  }
0x334: {  	v16 =	vand.u32 $0x7F, v16  }
0x335: {  	v17 =	vor.u32 v12, v16;
	_ =	sdelay $0x4  }
0x336: {  	v17 =	vld.idx.msk [tilespmem:v17+s19+$0x0], $0xffff  }
0x337: {  	v18 =	vor.u32 v13, v16;
	_ =	sdelay $0x3  }
0x338: {  	[tilespmem:s20+$0xFFFFFFE0] =	vst v17  }
0x339: {  	v17 =	vld.idx.msk [tilespmem:v18+s19+$0x0], $0xffff  }
0x33a: {  	v63 =	vor.u32 v14, v16;
	_ =	sdelay $0x3  }
0x33b: {  	[tilespmem:s20+$0xFFFFFFF0] =	vst v17  }
0x33c: {  	v17 =	vld.idx.msk [tilespmem:v63+s19+$0x0], $0xffff  }
0x33d: {  	v16 =	vor.u32 v15, v16;
	_ =	sdelay $0x3  }
0x33e: {  	[tilespmem:s20+$0x0] =	vst v17  }
0x33f: {  	v16 =	vld.idx.msk [tilespmem:v16+s19+$0x0], $0xffff  }
.Ltmp49:
0x340: {  	_ = 	snop;
	(pc) =	sbr.rel .LBB2_52-.Ltmp49, $2  }
0x341: {  	_ =	sdelay $0x2  }
0x342: {  	s9 =	sadd.s32 $0x1, s9;
	[tilespmem:s20+$0x10] =	vst v16;
	s20 =	sadd.s32 $0x80, s20  }
.LBB2_58:
.Ltmp50:
0x343: {  	(pc) =	sbr.rel .LBB2_59-.Ltmp50, $3  }
0x344: {  	_ =	sdelay $0x1  }
0x345: {  	s8 =	ssub.s32 s3, s0  }
0x346: {  	s9 =	simm.s32 $0x0;
	s10 =	simm.s32 $0x100;
	s8 =	sadd.s32 $0x1, s8  }
.LBB2_62:
0x347: {  	s12 =	sadd.s32 $0x8, s12  }
0x348: {  	s20 =	smov.u32 s3;
	s9 =	sadd.s32 $0x1, s9;
	p0 =	slt.s32 s12, s3  }
0x349: {  	s20 =	smov.u32 @p0 s12;
	p0 =	sne.s32 s9, s8  }
.Ltmp51:
0x34a: {  	_ = 	snop;
	(pc) =	sbr.rel @!p0 .LBB2_63-.Ltmp51, $4  }
0x34b: {  	s12 =	sshll.u32 s20, $0x7  }
0x34c: {  	s12 =	sand.u32 $0x1FFFFF80, s12  }
0x34d: {  	s11 =	sor.u32 $0xD00, s11;
	s12 =	sadd.s32 s2, s12  }
0x34e: {  	[tilespmem:s11], [sflag:$0x1] =	stream.strided.gather [hbm4b:s12+s17], $0x2000, s30, s17, $0x38;
	[tilespmem:$0x18D00] =	vst v63  }
.LBB2_59:
0x34f: {  	s11 =	sand.u32 $0x7, s9  }
0x350: {  	_ =	swait.ge [sflag:s28], $0x2000;
	s12 =	sshll.u32 s10, $0x9;
	s11 =	sshll.u32 s11, $0xD  }
0x351: {  	[sflag:s28] =	ssyncset.done $0x0;
	s20 =	sshra.s32 s12, $0x2;
	v12 =	vor.u32 s11, v5  }
0x352: {  	s12 =	sadd.s32 s0, s9;
	[sflag:s28] =	ssyncadd.s32 $0xFFFFE000;
	v13 =	vor.u32 s11, v9;
	v14 =	vor.u32 s11, v10;
	v15 =	vor.u32 s11, v11;
	s20 =	sadd.s32 $0x8D00, s20  }
.LBB2_60:
0x353: {  	v16 =	vmov s10;
	_ =	sdelay $0x4  }
0x354: {  	v16 =	vld.idx.msk [tilespmem:v16+s15+$0x0], $0xffff;
	_ =	sdelay $0x4  }
0x355: {  	(v2sf) =	vpush v16, $0x0;
	_ =	sdelay $0xe  }
0x356: {  	s21 =	spop (v2sf)  }
0x357: {  	p0 =	sgt.s32 s10, $0x1FF;
	s21 =	sshra.s32 s21, $0x7  }
0x358: {  	p1 =	sne.s32 @!p0 s21, s12  }
0x359: {  	p0 =	por p0, p1  }
.Ltmp52:
0x35a: {  	_ = 	snop;
	(pc) =	sbr.rel @p0 .LBB2_62-.Ltmp52, $1  }
0x35b: {  	_ =	sdelay $0x3  }
0x35c: {  	v16 =	vand.u32 $0x7F, v16  }
0x35d: {  	v17 =	vor.u32 v12, v16;
	_ =	sdelay $0x4  }
0x35e: {  	v17 =	vld.idx.msk [tilespmem:v17+s19+$0x0], $0xffff  }
0x35f: {  	v18 =	vor.u32 v13, v16;
	_ =	sdelay $0x3  }
0x360: {  	[tilespmem:s20+$0x0] =	vst v17  }
0x361: {  	v17 =	vld.idx.msk [tilespmem:v18+s19+$0x0], $0xffff  }
0x362: {  	v63 =	vor.u32 v14, v16;
	_ =	sdelay $0x3  }
0x363: {  	[tilespmem:s20+$0x10] =	vst v17  }
0x364: {  	v17 =	vld.idx.msk [tilespmem:v63+s19+$0x0], $0xffff  }
0x365: {  	v16 =	vor.u32 v15, v16;
	_ =	sdelay $0x3  }
0x366: {  	[tilespmem:s20+$0x20] =	vst v17  }
0x367: {  	v16 =	vld.idx.msk [tilespmem:v16+s19+$0x0], $0xffff  }
.Ltmp53:
0x368: {  	_ = 	snop;
	(pc) =	sbr.rel .LBB2_60-.Ltmp53, $2  }
0x369: {  	_ =	sdelay $0x2  }
0x36a: {  	s10 =	sadd.s32 $0x1, s10;
	[tilespmem:s20+$0x30] =	vst v16;
	s20 =	sadd.s32 $0x80, s20  }
.LBB2_66:
0x36b: {  	_ =	sfence.sel $0x180000  }
0x36c: {  	[bflag:$0x0] =	sbarrier.arrive $0xFFFF  }
0x36d: {  	_ =	strace $0x90000047  }
0x36e: {  	s0 =	stileid.u32;
	[bflag:$0x2] =	sbarrier.arrive $0xFFFF  }
0x36f: {  	p0 =	sne.s32 s0, $0x0;
	s0 =	rddreg [dreg:$0x6]  }
0x370: {  	s0 =	sadd.s32 @!p0 $0x100000, s0  }
0x371: {  	[sflag:s0] =	ssyncadd.tile.s32 @!p0 $0x1;
	_ =	shalt  }
.Lfunc_end2:
_tile_overlayer_lowered:
.L_overlay_start_2:
0x372: {  	(tag) =	ssettag $0x2  }
0x373: {  	s0 =	rddreg [dreg:$0x0];
	s2 =	stileid.u32  }
0x374: {  	s1 =	rddreg [dreg:$0x1];
	p0 =	sne.s32 s2, $0x0  }
0x375: {  	s3 =	rddreg [dreg:$0x2];
	[bflag:$0x3] =	sbarrier.arrive $0xFFFF;
	s2 =	simm.s32 @!p0 $0x1C03  }
0x376: {  	[timem:s3], [sflag:s2] =	dma.local @!p0 [hbm:s0], s1  }
0x377: {  	s0 =	simm.s32 @!p0 $0x3  }
0x378: {  	_ =	swait.ge @!p0 [sflag:s0], s1  }
0x379: {  	s1 =	ssub.s32 @!p0 $0x0, s1;
	[sflag:s0] =	ssyncset.done @!p0 $0x0  }
0x37a: {  	[sflag:s0] =	ssyncadd.s32 @!p0 s1  }
0x37b: {  	[bflag:$0x3] =	sbarrier.arrive $0xFFFF  }
0x37c: {  	_ =	shalt  }

</sc_bundles>
